<compile_context>
chip_gen: v7x
topology: tpu7x:2x2x1
jax: 0.10.2.dev20260603
libtpu: 0.0.44.dev20260713+nightly
codegen_flags: <defaults>
</compile_context>

<pallas_src>
import jax
import jax.numpy as jnp
from jax import lax
from jax.experimental import pallas as pl
from jax.experimental.pallas import tpu as pltpu
from jax.experimental.pallas import tpu_sc as plsc

LN2 = 0.6931471805599453

NUM_FRAME = 1000
NUM_PARAM = 3
B, L = 16384, 200
N_IDS = B * L
N_OUT = N_IDS * NUM_PARAM

NC, NS = 2, 16
NW = NC * NS

LB = L // 8
CB = 1024
NCHUNK_B = B // CB
NCHUNKS = LB * NCHUNK_B
CHUNK_IDS = 8 * CB
PER_W = NCHUNKS // NW
NVEC = CHUNK_IDS // 16

TBL_RAW = NUM_FRAME * NUM_PARAM
TBL_RAW_PAD = 3072
TBL_PAD = 1024


def _sc_body(ids_hbm, vars_hbm, out_hbm,
             vars_buf, tbl0, tbl1, tbl2,
             ids_buf0, ids_buf1, ob00, ob01, ob02, ob10, ob11, ob12,
             ob20, ob21, ob22,
             in_sem0, in_sem1, out_sem0, out_sem1, out_sem2, tail_sem):
    ids_bufs = (ids_buf0, ids_buf1)
    out_bufs = ((ob00, ob01, ob02), (ob10, ob11, ob12), (ob20, ob21, ob22))
    in_sems = (in_sem0, in_sem1)
    out_sems = (out_sem0, out_sem1, out_sem2)
    wid = lax.axis_index("s") * NC + lax.axis_index("c")

    def _early_in(i, buf, sem):
        c = wid + NW * i
        l_hi = c >> 4
        cb = c & 15
        ibase = l_hi * (8 * B) + cb * CB
        descs = [
            pltpu.make_async_copy(
                ids_hbm.at[pl.ds(ibase + l_lo * B, CB)],
                buf.at[pl.ds(l_lo * CB, CB)],
                sem)
            for l_lo in range(8)
        ]
        for d in descs:
            d.start()
        return descs

    early_in0 = _early_in(0, ids_buf0, in_sem0)
    early_in1 = _early_in(1, ids_buf1, in_sem1)

    pltpu.sync_copy(vars_hbm, vars_buf.at[pl.ds(0, TBL_RAW)])
    iota = lax.iota(jnp.int32, 16)
    iota3 = iota * 3

    @plsc.parallel_loop(0, 63, unroll=4)
    def tbl_body(i):
        idx = i * 48 + iota3
        x0 = plsc.load_gather(vars_buf, [idx])
        x1 = plsc.load_gather(vars_buf, [idx + 1])
        x2 = plsc.load_gather(vars_buf, [idx + 2])
        tbl0[pl.ds(i * 16, 16)] = jnp.exp(LN2 * x0)
        tbl1[pl.ds(i * 16, 16)] = jnp.exp(LN2 * x1)
        tbl2[pl.ds(i * 16, 16)] = jnp.exp(LN2 * x2)

    def in_descs(c, buf, sem):
        l_hi = c >> 4
        cb = c & 15
        ibase = l_hi * (8 * B) + cb * CB
        return [
            pltpu.make_async_copy(
                ids_hbm.at[pl.ds(ibase + l_lo * B, CB)],
                buf.at[pl.ds(l_lo * CB, CB)],
                sem)
            for l_lo in range(8)
        ]

    def out_descs(c, bufs, sem):
        l_hi = c >> 4
        cb = c & 15
        obase = l_hi * (8 * B) + cb * (8 * CB)
        return [
            pltpu.make_async_copy(
                bufs[k],
                out_hbm.at[pl.ds(k * N_IDS + obase, CHUNK_IDS)],
                sem)
            for k in range(NUM_PARAM)
        ]

    def compute(ids_buf, obufs, cb_words, nvec):
        ob0, ob1, ob2 = obufs

        @plsc.parallel_loop(0, nvec, unroll=8)
        def vec_body(w):
            q = ((w >> 3) & 7) * cb_words + (w >> 6) * 128 + (w & 7) * 16
            p = w * 16
            v = ids_buf[pl.ds(q, 16)]
            ob0[pl.ds(p, 16)] = plsc.load_gather(tbl0, [v])
            ob1[pl.ds(p, 16)] = plsc.load_gather(tbl1, [v])
            ob2[pl.ds(p, 16)] = plsc.load_gather(tbl2, [v])

    tail_c = NW * PER_W + (wid >> 1)
    tail_h = wid & 1
    HCB = CB // 2
    t_l_hi = tail_c >> 4
    t_cb = tail_c & 15
    t_ibase = t_l_hi * (8 * B) + t_cb * CB + tail_h * HCB
    tail_in = [
        pltpu.make_async_copy(
            ids_hbm.at[pl.ds(t_ibase + l_lo * B, HCB)],
            ids_bufs[PER_W % 2].at[pl.ds(l_lo * HCB, HCB)],
            tail_sem)
        for l_lo in range(8)
    ]
    tail_set = PER_W % 3
    t_obase = t_l_hi * (8 * B) + t_cb * (8 * CB) + tail_h * (8 * HCB)
    tail_out = [
        pltpu.make_async_copy(
            out_bufs[tail_set][k].at[pl.ds(0, 8 * HCB)],
            out_hbm.at[pl.ds(k * N_IDS + t_obase, 8 * HCB)],
            tail_sem)
        for k in range(NUM_PARAM)
    ]

    def chunk_c(i):
        return wid + NW * i

    pending_in = {0: early_in0, 1: early_in1}
    pending_out = {}
    for i in range(PER_W):
        for d in pending_in.pop(i):
            d.wait()
        if i - 3 in pending_out:
            for d in pending_out.pop(i - 3):
                d.wait()
        compute(ids_bufs[i % 2], out_bufs[i % 3], CB, NVEC)
        if i + 2 < PER_W:
            pending_in[i + 2] = in_descs(
                chunk_c(i + 2), ids_bufs[(i + 2) % 2], in_sems[(i + 2) % 2])
            for d in pending_in[i + 2]:
                d.start()
        elif i + 2 == PER_W:
            for d in tail_in:
                d.start()
        pending_out[i] = out_descs(chunk_c(i), out_bufs[i % 3], out_sems[i % 3])
        for d in pending_out[i]:
            d.start()

    for d in tail_in:
        d.wait()
    if PER_W - 3 in pending_out:
        for d in pending_out.pop(PER_W - 3):
            d.wait()
    compute(ids_bufs[PER_W % 2], out_bufs[tail_set], HCB, NVEC // 2)
    for d in tail_out:
        d.start()

    for i, descs in sorted(pending_out.items()):
        for d in descs:
            d.wait()
    for d in tail_out:
        d.wait()


@jax.jit
def kernel(ids, vars_):
    ids_flat = jnp.transpose(ids, (1, 2, 0)).reshape(N_IDS)
    vars_flat = vars_.reshape(TBL_RAW)
    mesh = plsc.VectorSubcoreMesh(
        core_axis_name="c", subcore_axis_name="s", num_cores=NC, num_subcores=NS
    )
    out_flat = pl.kernel(
        _sc_body,
        out_type=jax.ShapeDtypeStruct((N_OUT,), jnp.float32),
        mesh=mesh,
        scratch_types=[
            pltpu.VMEM((TBL_RAW_PAD,), jnp.float32),
            pltpu.VMEM((TBL_PAD,), jnp.float32),
            pltpu.VMEM((TBL_PAD,), jnp.float32),
            pltpu.VMEM((TBL_PAD,), jnp.float32),
            pltpu.VMEM((CHUNK_IDS,), jnp.int32),
            pltpu.VMEM((CHUNK_IDS,), jnp.int32),
            pltpu.VMEM((CHUNK_IDS,), jnp.float32),
            pltpu.VMEM((CHUNK_IDS,), jnp.float32),
            pltpu.VMEM((CHUNK_IDS,), jnp.float32),
            pltpu.VMEM((CHUNK_IDS,), jnp.float32),
            pltpu.VMEM((CHUNK_IDS,), jnp.float32),
            pltpu.VMEM((CHUNK_IDS,), jnp.float32),
            pltpu.VMEM((CHUNK_IDS,), jnp.float32),
            pltpu.VMEM((CHUNK_IDS,), jnp.float32),
            pltpu.VMEM((CHUNK_IDS,), jnp.float32),
            pltpu.SemaphoreType.DMA,
            pltpu.SemaphoreType.DMA,
            pltpu.SemaphoreType.DMA,
            pltpu.SemaphoreType.DMA,
            pltpu.SemaphoreType.DMA,
            pltpu.SemaphoreType.DMA,
        ],
        compiler_params=pltpu.CompilerParams(needs_layout_passes=False),
    )(ids_flat, vars_flat)
    x = out_flat.reshape(NUM_PARAM, LB, B // 128, 8, 128)
    return x.transpose(2, 4, 1, 3, 0).reshape(B, L, NUM_PARAM)

# --- scband reference (transcript-rebuilt; emitter-appended) ---
"""Pipeline reference for scband-exposure-refine-10505490006658 (READ-ONLY COPY).

The authoritative reference and input builder live on the scoring server;
editing this copy changes nothing except your own understanding.
"""

import jax, jax.numpy as jnp
import numpy as np

NUM_FRAME = 1000
NUM_PARAM = 3
LN2 = 0.6931471805599453


def setup_inputs(seed: int = 0) -> dict:
    key = jax.random.key(seed)
    k1, k2 = jax.random.split(key)
    ids = jax.random.randint(k1, (16384, 200, 1), 0, NUM_FRAME, dtype=jnp.int32)
    # learned parameter: nn.Parameter(torch.zeros(num_frame, 3)); use small random values
    # so the computation is non-degenerate
    vars_ = jax.random.normal(k2, (NUM_FRAME, NUM_PARAM), dtype=jnp.float32) * 0.1
    return {"ids": ids, "vars_": vars_}


def reference(ids, vars_):
    # expos = exp(ln(2) * vars[ids]); vars[ids] has shape [B, L, 1, 3]
    expos = jnp.exp(LN2 * jnp.take(vars_, ids, axis=0))
    # squeeze(2) removes the singleton index dim -> [B, L, 3]
    return jnp.squeeze(expos, axis=2)

if __name__ == "__main__":
    import jax
    _d = setup_inputs()
    print(jax.jit(kernel)(*tuple(_d.values())))

</pallas_src>

<mosaic_0001>
#map = affine_map<(d0, d1) -> (0)>
module attributes {stable_mosaic.version = 14 : i64} {
  func.func @_sc_body(%arg0: i32, %arg1: i32, %arg2: memref<3276800xi32, #tpu.memory_space<hbm>>, %arg3: memref<3000xf32, #tpu.memory_space<hbm>>, %arg4: memref<9830400xf32, #tpu.memory_space<hbm>>, %arg5: memref<3072xf32, #tpu.memory_space<vmem>>, %arg6: memref<1024xf32, #tpu.memory_space<vmem>>, %arg7: memref<1024xf32, #tpu.memory_space<vmem>>, %arg8: memref<1024xf32, #tpu.memory_space<vmem>>, %arg9: memref<8192xi32, #tpu.memory_space<vmem>>, %arg10: memref<8192xi32, #tpu.memory_space<vmem>>, %arg11: memref<8192xf32, #tpu.memory_space<vmem>>, %arg12: memref<8192xf32, #tpu.memory_space<vmem>>, %arg13: memref<8192xf32, #tpu.memory_space<vmem>>, %arg14: memref<8192xf32, #tpu.memory_space<vmem>>, %arg15: memref<8192xf32, #tpu.memory_space<vmem>>, %arg16: memref<8192xf32, #tpu.memory_space<vmem>>, %arg17: memref<8192xf32, #tpu.memory_space<vmem>>, %arg18: memref<8192xf32, #tpu.memory_space<vmem>>, %arg19: memref<8192xf32, #tpu.memory_space<vmem>>, %arg20: memref<!tpu.dma_semaphore, #tpu.memory_space<semaphore_mem>>, %arg21: memref<!tpu.dma_semaphore, #tpu.memory_space<semaphore_mem>>, %arg22: memref<!tpu.dma_semaphore, #tpu.memory_space<semaphore_mem>>, %arg23: memref<!tpu.dma_semaphore, #tpu.memory_space<semaphore_mem>>, %arg24: memref<!tpu.dma_semaphore, #tpu.memory_space<semaphore_mem>>, %arg25: memref<!tpu.dma_semaphore, #tpu.memory_space<semaphore_mem>>) attributes {dimension_semantics = [#tpu.dimension_semantics<core_parallel>, #tpu.dimension_semantics<subcore_parallel>], iteration_bounds = array<i64: 2, 16>, scalar_prefetch = 0 : i64, scratch_operands = 21 : i64, tpu.core_type = #tpu.core_type<sc_vector_subcore>, window_params = [{transform_indices = #map}, {transform_indices = #map}, {transform_indices = #map}]} {
    %mul3A = arith.constant 2 : i32
    %mul3A_0 = arith.muli %arg1, %mul3A : i32
    %add3A = arith.addi %mul3A_0, %arg0 : i32
    %add3A_1 = arith.constant 0 : i32
    %add3A_2 = arith.addi %add3A, %add3A_1 : i32
    %shift_right_arithmetic3A = arith.constant 4 : i32
    %shift_right_arithmetic3A_3 = arith.shrsi %add3A_2, %shift_right_arithmetic3A : i32
    %and3A = arith.constant 15 : i32
    %and3A_4 = arith.andi %add3A_2, %and3A : i32
    %mul3A_5 = arith.constant 131072 : i32
    %mul3A_6 = arith.muli %shift_right_arithmetic3A_3, %mul3A_5 : i32
    %mul3A_7 = arith.constant 1024 : i32
    %mul3A_8 = arith.muli %and3A_4, %mul3A_7 : i32
    %add3A_9 = arith.addi %mul3A_6, %mul3A_8 : i32
    %add3A_10 = arith.constant 0 : i32
    %add3A_11 = arith.addi %add3A_9, %add3A_10 : i32
    %add3A_12 = arith.constant 16384 : i32
    %add3A_13 = arith.addi %add3A_9, %add3A_12 : i32
    %add3A_14 = arith.constant 32768 : i32
    %add3A_15 = arith.addi %add3A_9, %add3A_14 : i32
    %add3A_16 = arith.constant 49152 : i32
    %add3A_17 = arith.addi %add3A_9, %add3A_16 : i32
    %add3A_18 = arith.constant 65536 : i32
    %add3A_19 = arith.addi %add3A_9, %add3A_18 : i32
    %add3A_20 = arith.constant 81920 : i32
    %add3A_21 = arith.addi %add3A_9, %add3A_20 : i32
    %add3A_22 = arith.constant 98304 : i32
    %add3A_23 = arith.addi %add3A_9, %add3A_22 : i32
    %add3A_24 = arith.constant 114688 : i32
    %add3A_25 = arith.addi %add3A_9, %add3A_24 : i32
    %dma_start3A = arith.constant 0 : i32
    %dma_start3A_26 = tpu.memref_slice %arg9[%dma_start3A] : memref<8192xi32, #tpu.memory_space<vmem>> -> memref<1024xi32, #tpu.memory_space<vmem>>
    %dma_start3A_27 = tpu.memref_slice %arg2[%add3A_11] : memref<3276800xi32, #tpu.memory_space<hbm>> -> memref<1024xi32, #tpu.memory_space<hbm>>
    %dma_start3A_28 = arith.constant 0 : i32
    %dma_start3A_29 = tpu.memref_slice %arg9[%dma_start3A_28] : memref<8192xi32, #tpu.memory_space<vmem>> -> memref<1024xi32, #tpu.memory_space<vmem>>
    %dma_start3A_30 = tpu.memref_slice %arg2[%add3A_11] : memref<3276800xi32, #tpu.memory_space<hbm>> -> memref<1024xi32, #tpu.memory_space<hbm>>
    tpu.enqueue_dma source(%dma_start3A_30 : memref<1024xi32, #tpu.memory_space<hbm>>) target(%dma_start3A_29 : memref<1024xi32, #tpu.memory_space<vmem>>) target_semaphore(%arg20 : memref<!tpu.dma_semaphore, #tpu.memory_space<semaphore_mem>>)
    %dma_start3A_31 = arith.constant 1024 : i32
    %dma_start3A_32 = tpu.memref_slice %arg9[%dma_start3A_31] : memref<8192xi32, #tpu.memory_space<vmem>> -> memref<1024xi32, #tpu.memory_space<vmem>>
    %dma_start3A_33 = tpu.memref_slice %arg2[%add3A_13] : memref<3276800xi32, #tpu.memory_space<hbm>> -> memref<1024xi32, #tpu.memory_space<hbm>>
    %dma_start3A_34 = arith.constant 1024 : i32
    %dma_start3A_35 = tpu.memref_slice %arg9[%dma_start3A_34] : memref<8192xi32, #tpu.memory_space<vmem>> -> memref<1024xi32, #tpu.memory_space<vmem>>
    %dma_start3A_36 = tpu.memref_slice %arg2[%add3A_13] : memref<3276800xi32, #tpu.memory_space<hbm>> -> memref<1024xi32, #tpu.memory_space<hbm>>
    tpu.enqueue_dma source(%dma_start3A_36 : memref<1024xi32, #tpu.memory_space<hbm>>) target(%dma_start3A_35 : memref<1024xi32, #tpu.memory_space<vmem>>) target_semaphore(%arg20 : memref<!tpu.dma_semaphore, #tpu.memory_space<semaphore_mem>>)
    %dma_start3A_37 = arith.constant 2048 : i32
    %dma_start3A_38 = tpu.memref_slice %arg9[%dma_start3A_37] : memref<8192xi32, #tpu.memory_space<vmem>> -> memref<1024xi32, #tpu.memory_space<vmem>>
    %dma_start3A_39 = tpu.memref_slice %arg2[%add3A_15] : memref<3276800xi32, #tpu.memory_space<hbm>> -> memref<1024xi32, #tpu.memory_space<hbm>>
    %dma_start3A_40 = arith.constant 2048 : i32
    %dma_start3A_41 = tpu.memref_slice %arg9[%dma_start3A_40] : memref<8192xi32, #tpu.memory_space<vmem>> -> memref<1024xi32, #tpu.memory_space<vmem>>
    %dma_start3A_42 = tpu.memref_slice %arg2[%add3A_15] : memref<3276800xi32, #tpu.memory_space<hbm>> -> memref<1024xi32, #tpu.memory_space<hbm>>
    tpu.enqueue_dma source(%dma_start3A_42 : memref<1024xi32, #tpu.memory_space<hbm>>) target(%dma_start3A_41 : memref<1024xi32, #tpu.memory_space<vmem>>) target_semaphore(%arg20 : memref<!tpu.dma_semaphore, #tpu.memory_space<semaphore_mem>>)
    %dma_start3A_43 = arith.constant 3072 : i32
    %dma_start3A_44 = tpu.memref_slice %arg9[%dma_start3A_43] : memref<8192xi32, #tpu.memory_space<vmem>> -> memref<1024xi32, #tpu.memory_space<vmem>>
    %dma_start3A_45 = tpu.memref_slice %arg2[%add3A_17] : memref<3276800xi32, #tpu.memory_space<hbm>> -> memref<1024xi32, #tpu.memory_space<hbm>>
    %dma_start3A_46 = arith.constant 3072 : i32
    %dma_start3A_47 = tpu.memref_slice %arg9[%dma_start3A_46] : memref<8192xi32, #tpu.memory_space<vmem>> -> memref<1024xi32, #tpu.memory_space<vmem>>
    %dma_start3A_48 = tpu.memref_slice %arg2[%add3A_17] : memref<3276800xi32, #tpu.memory_space<hbm>> -> memref<1024xi32, #tpu.memory_space<hbm>>
    tpu.enqueue_dma source(%dma_start3A_48 : memref<1024xi32, #tpu.memory_space<hbm>>) target(%dma_start3A_47 : memref<1024xi32, #tpu.memory_space<vmem>>) target_semaphore(%arg20 : memref<!tpu.dma_semaphore, #tpu.memory_space<semaphore_mem>>)
    %dma_start3A_49 = arith.constant 4096 : i32
    %dma_start3A_50 = tpu.memref_slice %arg9[%dma_start3A_49] : memref<8192xi32, #tpu.memory_space<vmem>> -> memref<1024xi32, #tpu.memory_space<vmem>>
    %dma_start3A_51 = tpu.memref_slice %arg2[%add3A_19] : memref<3276800xi32, #tpu.memory_space<hbm>> -> memref<1024xi32, #tpu.memory_space<hbm>>
    %dma_start3A_52 = arith.constant 4096 : i32
    %dma_start3A_53 = tpu.memref_slice %arg9[%dma_start3A_52] : memref<8192xi32, #tpu.memory_space<vmem>> -> memref<1024xi32, #tpu.memory_space<vmem>>
    %dma_start3A_54 = tpu.memref_slice %arg2[%add3A_19] : memref<3276800xi32, #tpu.memory_space<hbm>> -> memref<1024xi32, #tpu.memory_space<hbm>>
    tpu.enqueue_dma source(%dma_start3A_54 : memref<1024xi32, #tpu.memory_space<hbm>>) target(%dma_start3A_53 : memref<1024xi32, #tpu.memory_space<vmem>>) target_semaphore(%arg20 : memref<!tpu.dma_semaphore, #tpu.memory_space<semaphore_mem>>)
    %dma_start3A_55 = arith.constant 5120 : i32
    %dma_start3A_56 = tpu.memref_slice %arg9[%dma_start3A_55] : memref<8192xi32, #tpu.memory_space<vmem>> -> memref<1024xi32, #tpu.memory_space<vmem>>
    %dma_start3A_57 = tpu.memref_slice %arg2[%add3A_21] : memref<3276800xi32, #tpu.memory_space<hbm>> -> memref<1024xi32, #tpu.memory_space<hbm>>
    %dma_start3A_58 = arith.constant 5120 : i32
    %dma_start3A_59 = tpu.memref_slice %arg9[%dma_start3A_58] : memref<8192xi32, #tpu.memory_space<vmem>> -> memref<1024xi32, #tpu.memory_space<vmem>>
    %dma_start3A_60 = tpu.memref_slice %arg2[%add3A_21] : memref<3276800xi32, #tpu.memory_space<hbm>> -> memref<1024xi32, #tpu.memory_space<hbm>>
    tpu.enqueue_dma source(%dma_start3A_60 : memref<1024xi32, #tpu.memory_space<hbm>>) target(%dma_start3A_59 : memref<1024xi32, #tpu.memory_space<vmem>>) target_semaphore(%arg20 : memref<!tpu.dma_semaphore, #tpu.memory_space<semaphore_mem>>)
    %dma_start3A_61 = arith.constant 6144 : i32
    %dma_start3A_62 = tpu.memref_slice %arg9[%dma_start3A_61] : memref<8192xi32, #tpu.memory_space<vmem>> -> memref<1024xi32, #tpu.memory_space<vmem>>
    %dma_start3A_63 = tpu.memref_slice %arg2[%add3A_23] : memref<3276800xi32, #tpu.memory_space<hbm>> -> memref<1024xi32, #tpu.memory_space<hbm>>
    %dma_start3A_64 = arith.constant 6144 : i32
    %dma_start3A_65 = tpu.memref_slice %arg9[%dma_start3A_64] : memref<8192xi32, #tpu.memory_space<vmem>> -> memref<1024xi32, #tpu.memory_space<vmem>>
    %dma_start3A_66 = tpu.memref_slice %arg2[%add3A_23] : memref<3276800xi32, #tpu.memory_space<hbm>> -> memref<1024xi32, #tpu.memory_space<hbm>>
    tpu.enqueue_dma source(%dma_start3A_66 : memref<1024xi32, #tpu.memory_space<hbm>>) target(%dma_start3A_65 : memref<1024xi32, #tpu.memory_space<vmem>>) target_semaphore(%arg20 : memref<!tpu.dma_semaphore, #tpu.memory_space<semaphore_mem>>)
    %dma_start3A_67 = arith.constant 7168 : i32
    %dma_start3A_68 = tpu.memref_slice %arg9[%dma_start3A_67] : memref<8192xi32, #tpu.memory_space<vmem>> -> memref<1024xi32, #tpu.memory_space<vmem>>
    %dma_start3A_69 = tpu.memref_slice %arg2[%add3A_25] : memref<3276800xi32, #tpu.memory_space<hbm>> -> memref<1024xi32, #tpu.memory_space<hbm>>
    %dma_start3A_70 = arith.constant 7168 : i32
    %dma_start3A_71 = tpu.memref_slice %arg9[%dma_start3A_70] : memref<8192xi32, #tpu.memory_space<vmem>> -> memref<1024xi32, #tpu.memory_space<vmem>>
    %dma_start3A_72 = tpu.memref_slice %arg2[%add3A_25] : memref<3276800xi32, #tpu.memory_space<hbm>> -> memref<1024xi32, #tpu.memory_space<hbm>>
    tpu.enqueue_dma source(%dma_start3A_72 : memref<1024xi32, #tpu.memory_space<hbm>>) target(%dma_start3A_71 : memref<1024xi32, #tpu.memory_space<vmem>>) target_semaphore(%arg20 : memref<!tpu.dma_semaphore, #tpu.memory_space<semaphore_mem>>)
    %add3A_73 = arith.constant 32 : i32
    %add3A_74 = arith.addi %add3A, %add3A_73 : i32
    %shift_right_arithmetic3A_75 = arith.constant 4 : i32
    %shift_right_arithmetic3A_76 = arith.shrsi %add3A_74, %shift_right_arithmetic3A_75 : i32
    %and3A_77 = arith.constant 15 : i32
    %and3A_78 = arith.andi %add3A_74, %and3A_77 : i32
    %mul3A_79 = arith.constant 131072 : i32
    %mul3A_80 = arith.muli %shift_right_arithmetic3A_76, %mul3A_79 : i32
    %mul3A_81 = arith.constant 1024 : i32
    %mul3A_82 = arith.muli %and3A_78, %mul3A_81 : i32
    %add3A_83 = arith.addi %mul3A_80, %mul3A_82 : i32
    %add3A_84 = arith.constant 0 : i32
    %add3A_85 = arith.addi %add3A_83, %add3A_84 : i32
    %add3A_86 = arith.constant 16384 : i32
    %add3A_87 = arith.addi %add3A_83, %add3A_86 : i32
    %add3A_88 = arith.constant 32768 : i32
    %add3A_89 = arith.addi %add3A_83, %add3A_88 : i32
    %add3A_90 = arith.constant 49152 : i32
    %add3A_91 = arith.addi %add3A_83, %add3A_90 : i32
    %add3A_92 = arith.constant 65536 : i32
    %add3A_93 = arith.addi %add3A_83, %add3A_92 : i32
    %add3A_94 = arith.constant 81920 : i32
    %add3A_95 = arith.addi %add3A_83, %add3A_94 : i32
    %add3A_96 = arith.constant 98304 : i32
    %add3A_97 = arith.addi %add3A_83, %add3A_96 : i32
    %add3A_98 = arith.constant 114688 : i32
    %add3A_99 = arith.addi %add3A_83, %add3A_98 : i32
    %dma_start3A_100 = arith.constant 0 : i32
    %dma_start3A_101 = tpu.memref_slice %arg10[%dma_start3A_100] : memref<8192xi32, #tpu.memory_space<vmem>> -> memref<1024xi32, #tpu.memory_space<vmem>>
    %dma_start3A_102 = tpu.memref_slice %arg2[%add3A_85] : memref<3276800xi32, #tpu.memory_space<hbm>> -> memref<1024xi32, #tpu.memory_space<hbm>>
    %dma_start3A_103 = arith.constant 0 : i32
    %dma_start3A_104 = tpu.memref_slice %arg10[%dma_start3A_103] : memref<8192xi32, #tpu.memory_space<vmem>> -> memref<1024xi32, #tpu.memory_space<vmem>>
    %dma_start3A_105 = tpu.memref_slice %arg2[%add3A_85] : memref<3276800xi32, #tpu.memory_space<hbm>> -> memref<1024xi32, #tpu.memory_space<hbm>>
    tpu.enqueue_dma source(%dma_start3A_105 : memref<1024xi32, #tpu.memory_space<hbm>>) target(%dma_start3A_104 : memref<1024xi32, #tpu.memory_space<vmem>>) target_semaphore(%arg21 : memref<!tpu.dma_semaphore, #tpu.memory_space<semaphore_mem>>)
    %dma_start3A_106 = arith.constant 1024 : i32
    %dma_start3A_107 = tpu.memref_slice %arg10[%dma_start3A_106] : memref<8192xi32, #tpu.memory_space<vmem>> -> memref<1024xi32, #tpu.memory_space<vmem>>
    %dma_start3A_108 = tpu.memref_slice %arg2[%add3A_87] : memref<3276800xi32, #tpu.memory_space<hbm>> -> memref<1024xi32, #tpu.memory_space<hbm>>
    %dma_start3A_109 = arith.constant 1024 : i32
    %dma_start3A_110 = tpu.memref_slice %arg10[%dma_start3A_109] : memref<8192xi32, #tpu.memory_space<vmem>> -> memref<1024xi32, #tpu.memory_space<vmem>>
    %dma_start3A_111 = tpu.memref_slice %arg2[%add3A_87] : memref<3276800xi32, #tpu.memory_space<hbm>> -> memref<1024xi32, #tpu.memory_space<hbm>>
    tpu.enqueue_dma source(%dma_start3A_111 : memref<1024xi32, #tpu.memory_space<hbm>>) target(%dma_start3A_110 : memref<1024xi32, #tpu.memory_space<vmem>>) target_semaphore(%arg21 : memref<!tpu.dma_semaphore, #tpu.memory_space<semaphore_mem>>)
    %dma_start3A_112 = arith.constant 2048 : i32
    %dma_start3A_113 = tpu.memref_slice %arg10[%dma_start3A_112] : memref<8192xi32, #tpu.memory_space<vmem>> -> memref<1024xi32, #tpu.memory_space<vmem>>
    %dma_start3A_114 = tpu.memref_slice %arg2[%add3A_89] : memref<3276800xi32, #tpu.memory_space<hbm>> -> memref<1024xi32, #tpu.memory_space<hbm>>
    %dma_start3A_115 = arith.constant 2048 : i32
    %dma_start3A_116 = tpu.memref_slice %arg10[%dma_start3A_115] : memref<8192xi32, #tpu.memory_space<vmem>> -> memref<1024xi32, #tpu.memory_space<vmem>>
    %dma_start3A_117 = tpu.memref_slice %arg2[%add3A_89] : memref<3276800xi32, #tpu.memory_space<hbm>> -> memref<1024xi32, #tpu.memory_space<hbm>>
    tpu.enqueue_dma source(%dma_start3A_117 : memref<1024xi32, #tpu.memory_space<hbm>>) target(%dma_start3A_116 : memref<1024xi32, #tpu.memory_space<vmem>>) target_semaphore(%arg21 : memref<!tpu.dma_semaphore, #tpu.memory_space<semaphore_mem>>)
    %dma_start3A_118 = arith.constant 3072 : i32
    %dma_start3A_119 = tpu.memref_slice %arg10[%dma_start3A_118] : memref<8192xi32, #tpu.memory_space<vmem>> -> memref<1024xi32, #tpu.memory_space<vmem>>
    %dma_start3A_120 = tpu.memref_slice %arg2[%add3A_91] : memref<3276800xi32, #tpu.memory_space<hbm>> -> memref<1024xi32, #tpu.memory_space<hbm>>
    %dma_start3A_121 = arith.constant 3072 : i32
    %dma_start3A_122 = tpu.memref_slice %arg10[%dma_start3A_121] : memref<8192xi32, #tpu.memory_space<vmem>> -> memref<1024xi32, #tpu.memory_space<vmem>>
    %dma_start3A_123 = tpu.memref_slice %arg2[%add3A_91] : memref<3276800xi32, #tpu.memory_space<hbm>> -> memref<1024xi32, #tpu.memory_space<hbm>>
    tpu.enqueue_dma source(%dma_start3A_123 : memref<1024xi32, #tpu.memory_space<hbm>>) target(%dma_start3A_122 : memref<1024xi32, #tpu.memory_space<vmem>>) target_semaphore(%arg21 : memref<!tpu.dma_semaphore, #tpu.memory_space<semaphore_mem>>)
    %dma_start3A_124 = arith.constant 4096 : i32
    %dma_start3A_125 = tpu.memref_slice %arg10[%dma_start3A_124] : memref<8192xi32, #tpu.memory_space<vmem>> -> memref<1024xi32, #tpu.memory_space<vmem>>
    %dma_start3A_126 = tpu.memref_slice %arg2[%add3A_93] : memref<3276800xi32, #tpu.memory_space<hbm>> -> memref<1024xi32, #tpu.memory_space<hbm>>
    %dma_start3A_127 = arith.constant 4096 : i32
    %dma_start3A_128 = tpu.memref_slice %arg10[%dma_start3A_127] : memref<8192xi32, #tpu.memory_space<vmem>> -> memref<1024xi32, #tpu.memory_space<vmem>>
    %dma_start3A_129 = tpu.memref_slice %arg2[%add3A_93] : memref<3276800xi32, #tpu.memory_space<hbm>> -> memref<1024xi32, #tpu.memory_space<hbm>>
    tpu.enqueue_dma source(%dma_start3A_129 : memref<1024xi32, #tpu.memory_space<hbm>>) target(%dma_start3A_128 : memref<1024xi32, #tpu.memory_space<vmem>>) target_semaphore(%arg21 : memref<!tpu.dma_semaphore, #tpu.memory_space<semaphore_mem>>)
    %dma_start3A_130 = arith.constant 5120 : i32
    %dma_start3A_131 = tpu.memref_slice %arg10[%dma_start3A_130] : memref<8192xi32, #tpu.memory_space<vmem>> -> memref<1024xi32, #tpu.memory_space<vmem>>
    %dma_start3A_132 = tpu.memref_slice %arg2[%add3A_95] : memref<3276800xi32, #tpu.memory_space<hbm>> -> memref<1024xi32, #tpu.memory_space<hbm>>
    %dma_start3A_133 = arith.constant 5120 : i32
    %dma_start3A_134 = tpu.memref_slice %arg10[%dma_start3A_133] : memref<8192xi32, #tpu.memory_space<vmem>> -> memref<1024xi32, #tpu.memory_space<vmem>>
    %dma_start3A_135 = tpu.memref_slice %arg2[%add3A_95] : memref<3276800xi32, #tpu.memory_space<hbm>> -> memref<1024xi32, #tpu.memory_space<hbm>>
    tpu.enqueue_dma source(%dma_start3A_135 : memref<1024xi32, #tpu.memory_space<hbm>>) target(%dma_start3A_134 : memref<1024xi32, #tpu.memory_space<vmem>>) target_semaphore(%arg21 : memref<!tpu.dma_semaphore, #tpu.memory_space<semaphore_mem>>)
    %dma_start3A_136 = arith.constant 6144 : i32
    %dma_start3A_137 = tpu.memref_slice %arg10[%dma_start3A_136] : memref<8192xi32, #tpu.memory_space<vmem>> -> memref<1024xi32, #tpu.memory_space<vmem>>
    %dma_start3A_138 = tpu.memref_slice %arg2[%add3A_97] : memref<3276800xi32, #tpu.memory_space<hbm>> -> memref<1024xi32, #tpu.memory_space<hbm>>
    %dma_start3A_139 = arith.constant 6144 : i32
    %dma_start3A_140 = tpu.memref_slice %arg10[%dma_start3A_139] : memref<8192xi32, #tpu.memory_space<vmem>> -> memref<1024xi32, #tpu.memory_space<vmem>>
    %dma_start3A_141 = tpu.memref_slice %arg2[%add3A_97] : memref<3276800xi32, #tpu.memory_space<hbm>> -> memref<1024xi32, #tpu.memory_space<hbm>>
    tpu.enqueue_dma source(%dma_start3A_141 : memref<1024xi32, #tpu.memory_space<hbm>>) target(%dma_start3A_140 : memref<1024xi32, #tpu.memory_space<vmem>>) target_semaphore(%arg21 : memref<!tpu.dma_semaphore, #tpu.memory_space<semaphore_mem>>)
    %dma_start3A_142 = arith.constant 7168 : i32
    %dma_start3A_143 = tpu.memref_slice %arg10[%dma_start3A_142] : memref<8192xi32, #tpu.memory_space<vmem>> -> memref<1024xi32, #tpu.memory_space<vmem>>
    %dma_start3A_144 = tpu.memref_slice %arg2[%add3A_99] : memref<3276800xi32, #tpu.memory_space<hbm>> -> memref<1024xi32, #tpu.memory_space<hbm>>
    %dma_start3A_145 = arith.constant 7168 : i32
    %dma_start3A_146 = tpu.memref_slice %arg10[%dma_start3A_145] : memref<8192xi32, #tpu.memory_space<vmem>> -> memref<1024xi32, #tpu.memory_space<vmem>>
    %dma_start3A_147 = tpu.memref_slice %arg2[%add3A_99] : memref<3276800xi32, #tpu.memory_space<hbm>> -> memref<1024xi32, #tpu.memory_space<hbm>>
    tpu.enqueue_dma source(%dma_start3A_147 : memref<1024xi32, #tpu.memory_space<hbm>>) target(%dma_start3A_146 : memref<1024xi32, #tpu.memory_space<vmem>>) target_semaphore(%arg21 : memref<!tpu.dma_semaphore, #tpu.memory_space<semaphore_mem>>)
    "tpu.region"() ({
      %run_scoped3A = tpu.sem_alloc : memref<!tpu.dma_semaphore, #tpu.memory_space<semaphore_mem>>
      %dma_start3A_2045 = arith.constant 0 : i32
      %dma_start3A_2046 = tpu.memref_slice %arg5[%dma_start3A_2045] : memref<3072xf32, #tpu.memory_space<vmem>> -> memref<3000xf32, #tpu.memory_space<vmem>>
      %dma_start3A_2047 = arith.constant 0 : i32
      %dma_start3A_2048 = tpu.memref_slice %arg5[%dma_start3A_2047] : memref<3072xf32, #tpu.memory_space<vmem>> -> memref<3000xf32, #tpu.memory_space<vmem>>
      tpu.enqueue_dma source(%arg3 : memref<3000xf32, #tpu.memory_space<hbm>>) target(%dma_start3A_2048 : memref<3000xf32, #tpu.memory_space<vmem>>) target_semaphore(%run_scoped3A : memref<!tpu.dma_semaphore, #tpu.memory_space<semaphore_mem>>)
      %dma_wait3A_2049 = arith.constant 0 : i32
      %dma_wait3A_2050 = tpu.memref_slice %arg5[%dma_wait3A_2049] : memref<3072xf32, #tpu.memory_space<vmem>> -> memref<3000xf32, #tpu.memory_space<vmem>>
      %dma_wait3A_2051 = arith.constant 0 : i32
      %dma_wait3A_2052 = tpu.memref_slice %arg5[%dma_wait3A_2051] : memref<3072xf32, #tpu.memory_space<vmem>> -> memref<3000xf32, #tpu.memory_space<vmem>>
      tpu.wait_dma2 semaphore(%run_scoped3A : memref<!tpu.dma_semaphore, #tpu.memory_space<semaphore_mem>>) src(%arg3 : memref<3000xf32, #tpu.memory_space<hbm>>) dst(%dma_wait3A_2052 : memref<3000xf32, #tpu.memory_space<vmem>>)
      tpu.yield
    }) : () -> ()
    %iota3A = tpu.iota {dimensions = array<i32: 0>} : vector<16xi32>
    %mul3A_148 = arith.constant 3 : i32
    %mul3A_149 = vector.broadcast %mul3A_148 : i32 to vector<16xi32>
    %mul3A_150 = arith.muli %iota3A, %mul3A_149 : vector<16xi32>
    %parallel_loop3A = arith.constant 0 : i32
    %parallel_loop3A_151 = arith.constant 63 : i32
    %parallel_loop3A_152 = arith.constant 1 : i32
    scf.for %parallel_loop3A_2045 = %parallel_loop3A to %parallel_loop3A_151 step %parallel_loop3A_152  : i32 {
      %parallel_loop3A_2046 = arith.constant 48 : i32
      %parallel_loop3A_2047 = arith.muli %parallel_loop3A_2045, %parallel_loop3A_2046 : i32
      %parallel_loop3A_2048 = vector.broadcast %parallel_loop3A_2047 : i32 to vector<16xi32>
      %parallel_loop3A_2049 = arith.addi %parallel_loop3A_2048, %mul3A_150 : vector<16xi32>
      %parallel_loop3A_2050 = tpu.vector_load_idx %arg5[%parallel_loop3A_2049] : memref<3072xf32, #tpu.memory_space<vmem>>[vector<16xi32>], vector<16xf32>,
      %parallel_loop3A_2051 = arith.constant 1 : i32
      %parallel_loop3A_2052 = vector.broadcast %parallel_loop3A_2051 : i32 to vector<16xi32>
      %parallel_loop3A_2053 = arith.addi %parallel_loop3A_2049, %parallel_loop3A_2052 : vector<16xi32>
      %parallel_loop3A_2054 = tpu.vector_load_idx %arg5[%parallel_loop3A_2053] : memref<3072xf32, #tpu.memory_space<vmem>>[vector<16xi32>], vector<16xf32>,
      %parallel_loop3A_2055 = arith.constant 2 : i32
      %parallel_loop3A_2056 = vector.broadcast %parallel_loop3A_2055 : i32 to vector<16xi32>
      %parallel_loop3A_2057 = arith.addi %parallel_loop3A_2049, %parallel_loop3A_2056 : vector<16xi32>
      %parallel_loop3A_2058 = tpu.vector_load_idx %arg5[%parallel_loop3A_2057] : memref<3072xf32, #tpu.memory_space<vmem>>[vector<16xi32>], vector<16xf32>,
      %parallel_loop3A_2059 = arith.constant 0.693147182 : f32
      %parallel_loop3A_2060 = vector.broadcast %parallel_loop3A_2059 : f32 to vector<16xf32>
      %parallel_loop3A_2061 = arith.mulf %parallel_loop3A_2060, %parallel_loop3A_2050 : vector<16xf32>
      %parallel_loop3A_2062 = math.exp %parallel_loop3A_2061 : vector<16xf32>
      %parallel_loop3A_2063 = arith.constant 16 : i32
      %parallel_loop3A_2064 = arith.muli %parallel_loop3A_2045, %parallel_loop3A_2063 : i32
      %parallel_loop3A_2065 = arith.index_cast %parallel_loop3A_2064 : i32 to index
      %parallel_loop3A_2066 = tpu.vector_load %arg6[%parallel_loop3A_2065] {strides = array<i32>} : memref<1024xf32, #tpu.memory_space<vmem>>, vector<16xf32>,
      tpu.vector_store %arg6[%parallel_loop3A_2065], %parallel_loop3A_2062 {strides = array<i32>} : memref<1024xf32, #tpu.memory_space<vmem>>, vector<16xf32>,
      %parallel_loop3A_2067 = arith.constant 0.693147182 : f32
      %parallel_loop3A_2068 = vector.broadcast %parallel_loop3A_2067 : f32 to vector<16xf32>
      %parallel_loop3A_2069 = arith.mulf %parallel_loop3A_2068, %parallel_loop3A_2054 : vector<16xf32>
      %parallel_loop3A_2070 = math.exp %parallel_loop3A_2069 : vector<16xf32>
      %parallel_loop3A_2071 = arith.constant 16 : i32
      %parallel_loop3A_2072 = arith.muli %parallel_loop3A_2045, %parallel_loop3A_2071 : i32
      %parallel_loop3A_2073 = arith.index_cast %parallel_loop3A_2072 : i32 to index
      %parallel_loop3A_2074 = tpu.vector_load %arg7[%parallel_loop3A_2073] {strides = array<i32>} : memref<1024xf32, #tpu.memory_space<vmem>>, vector<16xf32>,
      tpu.vector_store %arg7[%parallel_loop3A_2073], %parallel_loop3A_2070 {strides = array<i32>} : memref<1024xf32, #tpu.memory_space<vmem>>, vector<16xf32>,
      %parallel_loop3A_2075 = arith.constant 0.693147182 : f32
      %parallel_loop3A_2076 = vector.broadcast %parallel_loop3A_2075 : f32 to vector<16xf32>
      %parallel_loop3A_2077 = arith.mulf %parallel_loop3A_2076, %parallel_loop3A_2058 : vector<16xf32>
      %parallel_loop3A_2078 = math.exp %parallel_loop3A_2077 : vector<16xf32>
      %parallel_loop3A_2079 = arith.constant 16 : i32
      %parallel_loop3A_2080 = arith.muli %parallel_loop3A_2045, %parallel_loop3A_2079 : i32
      %parallel_loop3A_2081 = arith.index_cast %parallel_loop3A_2080 : i32 to index
      %parallel_loop3A_2082 = tpu.vector_load %arg8[%parallel_loop3A_2081] {strides = array<i32>} : memref<1024xf32, #tpu.memory_space<vmem>>, vector<16xf32>,
      tpu.vector_store %arg8[%parallel_loop3A_2081], %parallel_loop3A_2078 {strides = array<i32>} : memref<1024xf32, #tpu.memory_space<vmem>>, vector<16xf32>,
    } {sc.loop_unroll_factor = 4 : i64, sc.parallel_access}
    %shift_right_arithmetic3A_153 = arith.constant 1 : i32
    %shift_right_arithmetic3A_154 = arith.shrsi %add3A, %shift_right_arithmetic3A_153 : i32
    %add3A_155 = arith.constant 384 : i32
    %add3A_156 = arith.addi %add3A_155, %shift_right_arithmetic3A_154 : i32
    %and3A_157 = arith.constant 1 : i32
    %and3A_158 = arith.andi %add3A, %and3A_157 : i32
    %shift_right_arithmetic3A_159 = arith.constant 4 : i32
    %shift_right_arithmetic3A_160 = arith.shrsi %add3A_156, %shift_right_arithmetic3A_159 : i32
    %and3A_161 = arith.constant 15 : i32
    %and3A_162 = arith.andi %add3A_156, %and3A_161 : i32
    %mul3A_163 = arith.constant 131072 : i32
    %mul3A_164 = arith.muli %shift_right_arithmetic3A_160, %mul3A_163 : i32
    %mul3A_165 = arith.constant 1024 : i32
    %mul3A_166 = arith.muli %and3A_162, %mul3A_165 : i32
    %add3A_167 = arith.addi %mul3A_164, %mul3A_166 : i32
    %mul3A_168 = arith.constant 512 : i32
    %mul3A_169 = arith.muli %and3A_158, %mul3A_168 : i32
    %add3A_170 = arith.addi %add3A_167, %mul3A_169 : i32
    %add3A_171 = arith.constant 0 : i32
    %add3A_172 = arith.addi %add3A_170, %add3A_171 : i32
    %add3A_173 = arith.constant 16384 : i32
    %add3A_174 = arith.addi %add3A_170, %add3A_173 : i32
    %add3A_175 = arith.constant 32768 : i32
    %add3A_176 = arith.addi %add3A_170, %add3A_175 : i32
    %add3A_177 = arith.constant 49152 : i32
    %add3A_178 = arith.addi %add3A_170, %add3A_177 : i32
    %add3A_179 = arith.constant 65536 : i32
    %add3A_180 = arith.addi %add3A_170, %add3A_179 : i32
    %add3A_181 = arith.constant 81920 : i32
    %add3A_182 = arith.addi %add3A_170, %add3A_181 : i32
    %add3A_183 = arith.constant 98304 : i32
    %add3A_184 = arith.addi %add3A_170, %add3A_183 : i32
    %add3A_185 = arith.constant 114688 : i32
    %add3A_186 = arith.addi %add3A_170, %add3A_185 : i32
    %mul3A_187 = arith.constant 131072 : i32
    %mul3A_188 = arith.muli %shift_right_arithmetic3A_160, %mul3A_187 : i32
    %mul3A_189 = arith.constant 8192 : i32
    %mul3A_190 = arith.muli %and3A_162, %mul3A_189 : i32
    %add3A_191 = arith.addi %mul3A_188, %mul3A_190 : i32
    %mul3A_192 = arith.constant 4096 : i32
    %mul3A_193 = arith.muli %and3A_158, %mul3A_192 : i32
    %add3A_194 = arith.addi %add3A_191, %mul3A_193 : i32
    %add3A_195 = arith.constant 0 : i32
    %add3A_196 = arith.addi %add3A_195, %add3A_194 : i32
    %add3A_197 = arith.constant 3276800 : i32
    %add3A_198 = arith.addi %add3A_197, %add3A_194 : i32
    %add3A_199 = arith.constant 6553600 : i32
    %add3A_200 = arith.addi %add3A_199, %add3A_194 : i32
    %dma_wait3A = arith.constant 0 : i32
    %dma_wait3A_201 = tpu.memref_slice %arg9[%dma_wait3A] : memref<8192xi32, #tpu.memory_space<vmem>> -> memref<1024xi32, #tpu.memory_space<vmem>>
    %dma_wait3A_202 = tpu.memref_slice %arg2[%add3A_11] : memref<3276800xi32, #tpu.memory_space<hbm>> -> memref<1024xi32, #tpu.memory_space<hbm>>
    %dma_wait3A_203 = arith.constant 0 : i32
    %dma_wait3A_204 = tpu.memref_slice %arg9[%dma_wait3A_203] : memref<8192xi32, #tpu.memory_space<vmem>> -> memref<1024xi32, #tpu.memory_space<vmem>>
    %dma_wait3A_205 = tpu.memref_slice %arg2[%add3A_11] : memref<3276800xi32, #tpu.memory_space<hbm>> -> memref<1024xi32, #tpu.memory_space<hbm>>
    tpu.wait_dma2 semaphore(%arg20 : memref<!tpu.dma_semaphore, #tpu.memory_space<semaphore_mem>>) src(%dma_wait3A_205 : memref<1024xi32, #tpu.memory_space<hbm>>) dst(%dma_wait3A_204 : memref<1024xi32, #tpu.memory_space<vmem>>)
    %dma_wait3A_206 = arith.constant 1024 : i32
    %dma_wait3A_207 = tpu.memref_slice %arg9[%dma_wait3A_206] : memref<8192xi32, #tpu.memory_space<vmem>> -> memref<1024xi32, #tpu.memory_space<vmem>>
    %dma_wait3A_208 = tpu.memref_slice %arg2[%add3A_13] : memref<3276800xi32, #tpu.memory_space<hbm>> -> memref<1024xi32, #tpu.memory_space<hbm>>
    %dma_wait3A_209 = arith.constant 1024 : i32
    %dma_wait3A_210 = tpu.memref_slice %arg9[%dma_wait3A_209] : memref<8192xi32, #tpu.memory_space<vmem>> -> memref<1024xi32, #tpu.memory_space<vmem>>
    %dma_wait3A_211 = tpu.memref_slice %arg2[%add3A_13] : memref<3276800xi32, #tpu.memory_space<hbm>> -> memref<1024xi32, #tpu.memory_space<hbm>>
    tpu.wait_dma2 semaphore(%arg20 : memref<!tpu.dma_semaphore, #tpu.memory_space<semaphore_mem>>) src(%dma_wait3A_211 : memref<1024xi32, #tpu.memory_space<hbm>>) dst(%dma_wait3A_210 : memref<1024xi32, #tpu.memory_space<vmem>>)
    %dma_wait3A_212 = arith.constant 2048 : i32
    %dma_wait3A_213 = tpu.memref_slice %arg9[%dma_wait3A_212] : memref<8192xi32, #tpu.memory_space<vmem>> -> memref<1024xi32, #tpu.memory_space<vmem>>
    %dma_wait3A_214 = tpu.memref_slice %arg2[%add3A_15] : memref<3276800xi32, #tpu.memory_space<hbm>> -> memref<1024xi32, #tpu.memory_space<hbm>>
    %dma_wait3A_215 = arith.constant 2048 : i32
    %dma_wait3A_216 = tpu.memref_slice %arg9[%dma_wait3A_215] : memref<8192xi32, #tpu.memory_space<vmem>> -> memref<1024xi32, #tpu.memory_space<vmem>>
    %dma_wait3A_217 = tpu.memref_slice %arg2[%add3A_15] : memref<3276800xi32, #tpu.memory_space<hbm>> -> memref<1024xi32, #tpu.memory_space<hbm>>
    tpu.wait_dma2 semaphore(%arg20 : memref<!tpu.dma_semaphore, #tpu.memory_space<semaphore_mem>>) src(%dma_wait3A_217 : memref<1024xi32, #tpu.memory_space<hbm>>) dst(%dma_wait3A_216 : memref<1024xi32, #tpu.memory_space<vmem>>)
    %dma_wait3A_218 = arith.constant 3072 : i32
    %dma_wait3A_219 = tpu.memref_slice %arg9[%dma_wait3A_218] : memref<8192xi32, #tpu.memory_space<vmem>> -> memref<1024xi32, #tpu.memory_space<vmem>>
    %dma_wait3A_220 = tpu.memref_slice %arg2[%add3A_17] : memref<3276800xi32, #tpu.memory_space<hbm>> -> memref<1024xi32, #tpu.memory_space<hbm>>
    %dma_wait3A_221 = arith.constant 3072 : i32
    %dma_wait3A_222 = tpu.memref_slice %arg9[%dma_wait3A_221] : memref<8192xi32, #tpu.memory_space<vmem>> -> memref<1024xi32, #tpu.memory_space<vmem>>
    %dma_wait3A_223 = tpu.memref_slice %arg2[%add3A_17] : memref<3276800xi32, #tpu.memory_space<hbm>> -> memref<1024xi32, #tpu.memory_space<hbm>>
    tpu.wait_dma2 semaphore(%arg20 : memref<!tpu.dma_semaphore, #tpu.memory_space<semaphore_mem>>) src(%dma_wait3A_223 : memref<1024xi32, #tpu.memory_space<hbm>>) dst(%dma_wait3A_222 : memref<1024xi32, #tpu.memory_space<vmem>>)
    %dma_wait3A_224 = arith.constant 4096 : i32
    %dma_wait3A_225 = tpu.memref_slice %arg9[%dma_wait3A_224] : memref<8192xi32, #tpu.memory_space<vmem>> -> memref<1024xi32, #tpu.memory_space<vmem>>
    %dma_wait3A_226 = tpu.memref_slice %arg2[%add3A_19] : memref<3276800xi32, #tpu.memory_space<hbm>> -> memref<1024xi32, #tpu.memory_space<hbm>>
    %dma_wait3A_227 = arith.constant 4096 : i32
    %dma_wait3A_228 = tpu.memref_slice %arg9[%dma_wait3A_227] : memref<8192xi32, #tpu.memory_space<vmem>> -> memref<1024xi32, #tpu.memory_space<vmem>>
    %dma_wait3A_229 = tpu.memref_slice %arg2[%add3A_19] : memref<3276800xi32, #tpu.memory_space<hbm>> -> memref<1024xi32, #tpu.memory_space<hbm>>
    tpu.wait_dma2 semaphore(%arg20 : memref<!tpu.dma_semaphore, #tpu.memory_space<semaphore_mem>>) src(%dma_wait3A_229 : memref<1024xi32, #tpu.memory_space<hbm>>) dst(%dma_wait3A_228 : memref<1024xi32, #tpu.memory_space<vmem>>)
    %dma_wait3A_230 = arith.constant 5120 : i32
    %dma_wait3A_231 = tpu.memref_slice %arg9[%dma_wait3A_230] : memref<8192xi32, #tpu.memory_space<vmem>> -> memref<1024xi32, #tpu.memory_space<vmem>>
    %dma_wait3A_232 = tpu.memref_slice %arg2[%add3A_21] : memref<3276800xi32, #tpu.memory_space<hbm>> -> memref<1024xi32, #tpu.memory_space<hbm>>
    %dma_wait3A_233 = arith.constant 5120 : i32
    %dma_wait3A_234 = tpu.memref_slice %arg9[%dma_wait3A_233] : memref<8192xi32, #tpu.memory_space<vmem>> -> memref<1024xi32, #tpu.memory_space<vmem>>
    %dma_wait3A_235 = tpu.memref_slice %arg2[%add3A_21] : memref<3276800xi32, #tpu.memory_space<hbm>> -> memref<1024xi32, #tpu.memory_space<hbm>>
    tpu.wait_dma2 semaphore(%arg20 : memref<!tpu.dma_semaphore, #tpu.memory_space<semaphore_mem>>) src(%dma_wait3A_235 : memref<1024xi32, #tpu.memory_space<hbm>>) dst(%dma_wait3A_234 : memref<1024xi32, #tpu.memory_space<vmem>>)
    %dma_wait3A_236 = arith.constant 6144 : i32
    %dma_wait3A_237 = tpu.memref_slice %arg9[%dma_wait3A_236] : memref<8192xi32, #tpu.memory_space<vmem>> -> memref<1024xi32, #tpu.memory_space<vmem>>
    %dma_wait3A_238 = tpu.memref_slice %arg2[%add3A_23] : memref<3276800xi32, #tpu.memory_space<hbm>> -> memref<1024xi32, #tpu.memory_space<hbm>>
    %dma_wait3A_239 = arith.constant 6144 : i32
    %dma_wait3A_240 = tpu.memref_slice %arg9[%dma_wait3A_239] : memref<8192xi32, #tpu.memory_space<vmem>> -> memref<1024xi32, #tpu.memory_space<vmem>>
    %dma_wait3A_241 = tpu.memref_slice %arg2[%add3A_23] : memref<3276800xi32, #tpu.memory_space<hbm>> -> memref<1024xi32, #tpu.memory_space<hbm>>
    tpu.wait_dma2 semaphore(%arg20 : memref<!tpu.dma_semaphore, #tpu.memory_space<semaphore_mem>>) src(%dma_wait3A_241 : memref<1024xi32, #tpu.memory_space<hbm>>) dst(%dma_wait3A_240 : memref<1024xi32, #tpu.memory_space<vmem>>)
    %dma_wait3A_242 = arith.constant 7168 : i32
    %dma_wait3A_243 = tpu.memref_slice %arg9[%dma_wait3A_242] : memref<8192xi32, #tpu.memory_space<vmem>> -> memref<1024xi32, #tpu.memory_space<vmem>>
    %dma_wait3A_244 = tpu.memref_slice %arg2[%add3A_25] : memref<3276800xi32, #tpu.memory_space<hbm>> -> memref<1024xi32, #tpu.memory_space<hbm>>
    %dma_wait3A_245 = arith.constant 7168 : i32
    %dma_wait3A_246 = tpu.memref_slice %arg9[%dma_wait3A_245] : memref<8192xi32, #tpu.memory_space<vmem>> -> memref<1024xi32, #tpu.memory_space<vmem>>
    %dma_wait3A_247 = tpu.memref_slice %arg2[%add3A_25] : memref<3276800xi32, #tpu.memory_space<hbm>> -> memref<1024xi32, #tpu.memory_space<hbm>>
    tpu.wait_dma2 semaphore(%arg20 : memref<!tpu.dma_semaphore, #tpu.memory_space<semaphore_mem>>) src(%dma_wait3A_247 : memref<1024xi32, #tpu.memory_space<hbm>>) dst(%dma_wait3A_246 : memref<1024xi32, #tpu.memory_space<vmem>>)
    %parallel_loop3A_248 = arith.constant 0 : i32
    %parallel_loop3A_249 = arith.constant 512 : i32
    %parallel_loop3A_250 = arith.constant 1 : i32
    scf.for %parallel_loop3A_2045 = %parallel_loop3A_248 to %parallel_loop3A_249 step %parallel_loop3A_250  : i32 {
      %parallel_loop3A_2046 = arith.constant 3 : i32
      %parallel_loop3A_2047 = arith.shrsi %parallel_loop3A_2045, %parallel_loop3A_2046 : i32
      %parallel_loop3A_2048 = arith.constant 7 : i32
      %parallel_loop3A_2049 = arith.andi %parallel_loop3A_2047, %parallel_loop3A_2048 : i32
      %parallel_loop3A_2050 = arith.constant 1024 : i32
      %parallel_loop3A_2051 = arith.muli %parallel_loop3A_2049, %parallel_loop3A_2050 : i32
      %parallel_loop3A_2052 = arith.constant 6 : i32
      %parallel_loop3A_2053 = arith.shrsi %parallel_loop3A_2045, %parallel_loop3A_2052 : i32
      %parallel_loop3A_2054 = arith.constant 128 : i32
      %parallel_loop3A_2055 = arith.muli %parallel_loop3A_2053, %parallel_loop3A_2054 : i32
      %parallel_loop3A_2056 = arith.addi %parallel_loop3A_2051, %parallel_loop3A_2055 : i32
      %parallel_loop3A_2057 = arith.constant 7 : i32
      %parallel_loop3A_2058 = arith.andi %parallel_loop3A_2045, %parallel_loop3A_2057 : i32
      %parallel_loop3A_2059 = arith.constant 16 : i32
      %parallel_loop3A_2060 = arith.muli %parallel_loop3A_2058, %parallel_loop3A_2059 : i32
      %parallel_loop3A_2061 = arith.addi %parallel_loop3A_2056, %parallel_loop3A_2060 : i32
      %parallel_loop3A_2062 = arith.constant 16 : i32
      %parallel_loop3A_2063 = arith.muli %parallel_loop3A_2045, %parallel_loop3A_2062 : i32
      %parallel_loop3A_2064 = arith.index_cast %parallel_loop3A_2061 : i32 to index
      %parallel_loop3A_2065 = tpu.vector_load %arg9[%parallel_loop3A_2064] {strides = array<i32>} : memref<8192xi32, #tpu.memory_space<vmem>>, vector<16xi32>,
      %parallel_loop3A_2066 = tpu.vector_load_idx %arg6[%parallel_loop3A_2065] : memref<1024xf32, #tpu.memory_space<vmem>>[vector<16xi32>], vector<16xf32>,
      %parallel_loop3A_2067 = arith.index_cast %parallel_loop3A_2063 : i32 to index
      %parallel_loop3A_2068 = tpu.vector_load %arg11[%parallel_loop3A_2067] {strides = array<i32>} : memref<8192xf32, #tpu.memory_space<vmem>>, vector<16xf32>,
      tpu.vector_store %arg11[%parallel_loop3A_2067], %parallel_loop3A_2066 {strides = array<i32>} : memref<8192xf32, #tpu.memory_space<vmem>>, vector<16xf32>,
      %parallel_loop3A_2069 = tpu.vector_load_idx %arg7[%parallel_loop3A_2065] : memref<1024xf32, #tpu.memory_space<vmem>>[vector<16xi32>], vector<16xf32>,
      %parallel_loop3A_2070 = arith.index_cast %parallel_loop3A_2063 : i32 to index
      %parallel_loop3A_2071 = tpu.vector_load %arg12[%parallel_loop3A_2070] {strides = array<i32>} : memref<8192xf32, #tpu.memory_space<vmem>>, vector<16xf32>,
      tpu.vector_store %arg12[%parallel_loop3A_2070], %parallel_loop3A_2069 {strides = array<i32>} : memref<8192xf32, #tpu.memory_space<vmem>>, vector<16xf32>,
      %parallel_loop3A_2072 = tpu.vector_load_idx %arg8[%parallel_loop3A_2065] : memref<1024xf32, #tpu.memory_space<vmem>>[vector<16xi32>], vector<16xf32>,
      %parallel_loop3A_2073 = arith.index_cast %parallel_loop3A_2063 : i32 to index
      %parallel_loop3A_2074 = tpu.vector_load %arg13[%parallel_loop3A_2073] {strides = array<i32>} : memref<8192xf32, #tpu.memory_space<vmem>>, vector<16xf32>,
      tpu.vector_store %arg13[%parallel_loop3A_2073], %parallel_loop3A_2072 {strides = array<i32>} : memref<8192xf32, #tpu.memory_space<vmem>>, vector<16xf32>,
    } {sc.loop_unroll_factor = 8 : i64, sc.parallel_access}
    %add3A_251 = arith.constant 64 : i32
    %add3A_252 = arith.addi %add3A, %add3A_251 : i32
    %shift_right_arithmetic3A_253 = arith.constant 4 : i32
    %shift_right_arithmetic3A_254 = arith.shrsi %add3A_252, %shift_right_arithmetic3A_253 : i32
    %and3A_255 = arith.constant 15 : i32
    %and3A_256 = arith.andi %add3A_252, %and3A_255 : i32
    %mul3A_257 = arith.constant 131072 : i32
    %mul3A_258 = arith.muli %shift_right_arithmetic3A_254, %mul3A_257 : i32
    %mul3A_259 = arith.constant 1024 : i32
    %mul3A_260 = arith.muli %and3A_256, %mul3A_259 : i32
    %add3A_261 = arith.addi %mul3A_258, %mul3A_260 : i32
    %add3A_262 = arith.constant 0 : i32
    %add3A_263 = arith.addi %add3A_261, %add3A_262 : i32
    %add3A_264 = arith.constant 16384 : i32
    %add3A_265 = arith.addi %add3A_261, %add3A_264 : i32
    %add3A_266 = arith.constant 32768 : i32
    %add3A_267 = arith.addi %add3A_261, %add3A_266 : i32
    %add3A_268 = arith.constant 49152 : i32
    %add3A_269 = arith.addi %add3A_261, %add3A_268 : i32
    %add3A_270 = arith.constant 65536 : i32
    %add3A_271 = arith.addi %add3A_261, %add3A_270 : i32
    %add3A_272 = arith.constant 81920 : i32
    %add3A_273 = arith.addi %add3A_261, %add3A_272 : i32
    %add3A_274 = arith.constant 98304 : i32
    %add3A_275 = arith.addi %add3A_261, %add3A_274 : i32
    %add3A_276 = arith.constant 114688 : i32
    %add3A_277 = arith.addi %add3A_261, %add3A_276 : i32
    %dma_start3A_278 = arith.constant 0 : i32
    %dma_start3A_279 = tpu.memref_slice %arg9[%dma_start3A_278] : memref<8192xi32, #tpu.memory_space<vmem>> -> memref<1024xi32, #tpu.memory_space<vmem>>
    %dma_start3A_280 = tpu.memref_slice %arg2[%add3A_263] : memref<3276800xi32, #tpu.memory_space<hbm>> -> memref<1024xi32, #tpu.memory_space<hbm>>
    %dma_start3A_281 = arith.constant 0 : i32
    %dma_start3A_282 = tpu.memref_slice %arg9[%dma_start3A_281] : memref<8192xi32, #tpu.memory_space<vmem>> -> memref<1024xi32, #tpu.memory_space<vmem>>
    %dma_start3A_283 = tpu.memref_slice %arg2[%add3A_263] : memref<3276800xi32, #tpu.memory_space<hbm>> -> memref<1024xi32, #tpu.memory_space<hbm>>
    tpu.enqueue_dma source(%dma_start3A_283 : memref<1024xi32, #tpu.memory_space<hbm>>) target(%dma_start3A_282 : memref<1024xi32, #tpu.memory_space<vmem>>) target_semaphore(%arg20 : memref<!tpu.dma_semaphore, #tpu.memory_space<semaphore_mem>>)
    %dma_start3A_284 = arith.constant 1024 : i32
    %dma_start3A_285 = tpu.memref_slice %arg9[%dma_start3A_284] : memref<8192xi32, #tpu.memory_space<vmem>> -> memref<1024xi32, #tpu.memory_space<vmem>>
    %dma_start3A_286 = tpu.memref_slice %arg2[%add3A_265] : memref<3276800xi32, #tpu.memory_space<hbm>> -> memref<1024xi32, #tpu.memory_space<hbm>>
    %dma_start3A_287 = arith.constant 1024 : i32
    %dma_start3A_288 = tpu.memref_slice %arg9[%dma_start3A_287] : memref<8192xi32, #tpu.memory_space<vmem>> -> memref<1024xi32, #tpu.memory_space<vmem>>
    %dma_start3A_289 = tpu.memref_slice %arg2[%add3A_265] : memref<3276800xi32, #tpu.memory_space<hbm>> -> memref<1024xi32, #tpu.memory_space<hbm>>
    tpu.enqueue_dma source(%dma_start3A_289 : memref<1024xi32, #tpu.memory_space<hbm>>) target(%dma_start3A_288 : memref<1024xi32, #tpu.memory_space<vmem>>) target_semaphore(%arg20 : memref<!tpu.dma_semaphore, #tpu.memory_space<semaphore_mem>>)
    %dma_start3A_290 = arith.constant 2048 : i32
    %dma_start3A_291 = tpu.memref_slice %arg9[%dma_start3A_290] : memref<8192xi32, #tpu.memory_space<vmem>> -> memref<1024xi32, #tpu.memory_space<vmem>>
    %dma_start3A_292 = tpu.memref_slice %arg2[%add3A_267] : memref<3276800xi32, #tpu.memory_space<hbm>> -> memref<1024xi32, #tpu.memory_space<hbm>>
    %dma_start3A_293 = arith.constant 2048 : i32
    %dma_start3A_294 = tpu.memref_slice %arg9[%dma_start3A_293] : memref<8192xi32, #tpu.memory_space<vmem>> -> memref<1024xi32, #tpu.memory_space<vmem>>
    %dma_start3A_295 = tpu.memref_slice %arg2[%add3A_267] : memref<3276800xi32, #tpu.memory_space<hbm>> -> memref<1024xi32, #tpu.memory_space<hbm>>
    tpu.enqueue_dma source(%dma_start3A_295 : memref<1024xi32, #tpu.memory_space<hbm>>) target(%dma_start3A_294 : memref<1024xi32, #tpu.memory_space<vmem>>) target_semaphore(%arg20 : memref<!tpu.dma_semaphore, #tpu.memory_space<semaphore_mem>>)
    %dma_start3A_296 = arith.constant 3072 : i32
    %dma_start3A_297 = tpu.memref_slice %arg9[%dma_start3A_296] : memref<8192xi32, #tpu.memory_space<vmem>> -> memref<1024xi32, #tpu.memory_space<vmem>>
    %dma_start3A_298 = tpu.memref_slice %arg2[%add3A_269] : memref<3276800xi32, #tpu.memory_space<hbm>> -> memref<1024xi32, #tpu.memory_space<hbm>>
    %dma_start3A_299 = arith.constant 3072 : i32
    %dma_start3A_300 = tpu.memref_slice %arg9[%dma_start3A_299] : memref<8192xi32, #tpu.memory_space<vmem>> -> memref<1024xi32, #tpu.memory_space<vmem>>
    %dma_start3A_301 = tpu.memref_slice %arg2[%add3A_269] : memref<3276800xi32, #tpu.memory_space<hbm>> -> memref<1024xi32, #tpu.memory_space<hbm>>
    tpu.enqueue_dma source(%dma_start3A_301 : memref<1024xi32, #tpu.memory_space<hbm>>) target(%dma_start3A_300 : memref<1024xi32, #tpu.memory_space<vmem>>) target_semaphore(%arg20 : memref<!tpu.dma_semaphore, #tpu.memory_space<semaphore_mem>>)
    %dma_start3A_302 = arith.constant 4096 : i32
    %dma_start3A_303 = tpu.memref_slice %arg9[%dma_start3A_302] : memref<8192xi32, #tpu.memory_space<vmem>> -> memref<1024xi32, #tpu.memory_space<vmem>>
    %dma_start3A_304 = tpu.memref_slice %arg2[%add3A_271] : memref<3276800xi32, #tpu.memory_space<hbm>> -> memref<1024xi32, #tpu.memory_space<hbm>>
    %dma_start3A_305 = arith.constant 4096 : i32
    %dma_start3A_306 = tpu.memref_slice %arg9[%dma_start3A_305] : memref<8192xi32, #tpu.memory_space<vmem>> -> memref<1024xi32, #tpu.memory_space<vmem>>
    %dma_start3A_307 = tpu.memref_slice %arg2[%add3A_271] : memref<3276800xi32, #tpu.memory_space<hbm>> -> memref<1024xi32, #tpu.memory_space<hbm>>
    tpu.enqueue_dma source(%dma_start3A_307 : memref<1024xi32, #tpu.memory_space<hbm>>) target(%dma_start3A_306 : memref<1024xi32, #tpu.memory_space<vmem>>) target_semaphore(%arg20 : memref<!tpu.dma_semaphore, #tpu.memory_space<semaphore_mem>>)
    %dma_start3A_308 = arith.constant 5120 : i32
    %dma_start3A_309 = tpu.memref_slice %arg9[%dma_start3A_308] : memref<8192xi32, #tpu.memory_space<vmem>> -> memref<1024xi32, #tpu.memory_space<vmem>>
    %dma_start3A_310 = tpu.memref_slice %arg2[%add3A_273] : memref<3276800xi32, #tpu.memory_space<hbm>> -> memref<1024xi32, #tpu.memory_space<hbm>>
    %dma_start3A_311 = arith.constant 5120 : i32
    %dma_start3A_312 = tpu.memref_slice %arg9[%dma_start3A_311] : memref<8192xi32, #tpu.memory_space<vmem>> -> memref<1024xi32, #tpu.memory_space<vmem>>
    %dma_start3A_313 = tpu.memref_slice %arg2[%add3A_273] : memref<3276800xi32, #tpu.memory_space<hbm>> -> memref<1024xi32, #tpu.memory_space<hbm>>
    tpu.enqueue_dma source(%dma_start3A_313 : memref<1024xi32, #tpu.memory_space<hbm>>) target(%dma_start3A_312 : memref<1024xi32, #tpu.memory_space<vmem>>) target_semaphore(%arg20 : memref<!tpu.dma_semaphore, #tpu.memory_space<semaphore_mem>>)
    %dma_start3A_314 = arith.constant 6144 : i32
    %dma_start3A_315 = tpu.memref_slice %arg9[%dma_start3A_314] : memref<8192xi32, #tpu.memory_space<vmem>> -> memref<1024xi32, #tpu.memory_space<vmem>>
    %dma_start3A_316 = tpu.memref_slice %arg2[%add3A_275] : memref<3276800xi32, #tpu.memory_space<hbm>> -> memref<1024xi32, #tpu.memory_space<hbm>>
    %dma_start3A_317 = arith.constant 6144 : i32
    %dma_start3A_318 = tpu.memref_slice %arg9[%dma_start3A_317] : memref<8192xi32, #tpu.memory_space<vmem>> -> memref<1024xi32, #tpu.memory_space<vmem>>
    %dma_start3A_319 = tpu.memref_slice %arg2[%add3A_275] : memref<3276800xi32, #tpu.memory_space<hbm>> -> memref<1024xi32, #tpu.memory_space<hbm>>
    tpu.enqueue_dma source(%dma_start3A_319 : memref<1024xi32, #tpu.memory_space<hbm>>) target(%dma_start3A_318 : memref<1024xi32, #tpu.memory_space<vmem>>) target_semaphore(%arg20 : memref<!tpu.dma_semaphore, #tpu.memory_space<semaphore_mem>>)
    %dma_start3A_320 = arith.constant 7168 : i32
    %dma_start3A_321 = tpu.memref_slice %arg9[%dma_start3A_320] : memref<8192xi32, #tpu.memory_space<vmem>> -> memref<1024xi32, #tpu.memory_space<vmem>>
    %dma_start3A_322 = tpu.memref_slice %arg2[%add3A_277] : memref<3276800xi32, #tpu.memory_space<hbm>> -> memref<1024xi32, #tpu.memory_space<hbm>>
    %dma_start3A_323 = arith.constant 7168 : i32
    %dma_start3A_324 = tpu.memref_slice %arg9[%dma_start3A_323] : memref<8192xi32, #tpu.memory_space<vmem>> -> memref<1024xi32, #tpu.memory_space<vmem>>
    %dma_start3A_325 = tpu.memref_slice %arg2[%add3A_277] : memref<3276800xi32, #tpu.memory_space<hbm>> -> memref<1024xi32, #tpu.memory_space<hbm>>
    tpu.enqueue_dma source(%dma_start3A_325 : memref<1024xi32, #tpu.memory_space<hbm>>) target(%dma_start3A_324 : memref<1024xi32, #tpu.memory_space<vmem>>) target_semaphore(%arg20 : memref<!tpu.dma_semaphore, #tpu.memory_space<semaphore_mem>>)
    %add3A_326 = arith.constant 0 : i32
    %add3A_327 = arith.addi %add3A, %add3A_326 : i32
    %shift_right_arithmetic3A_328 = arith.constant 4 : i32
    %shift_right_arithmetic3A_329 = arith.shrsi %add3A_327, %shift_right_arithmetic3A_328 : i32
    %and3A_330 = arith.constant 15 : i32
    %and3A_331 = arith.andi %add3A_327, %and3A_330 : i32
    %mul3A_332 = arith.constant 131072 : i32
    %mul3A_333 = arith.muli %shift_right_arithmetic3A_329, %mul3A_332 : i32
    %mul3A_334 = arith.constant 8192 : i32
    %mul3A_335 = arith.muli %and3A_331, %mul3A_334 : i32
    %add3A_336 = arith.addi %mul3A_333, %mul3A_335 : i32
    %add3A_337 = arith.constant 0 : i32
    %add3A_338 = arith.addi %add3A_337, %add3A_336 : i32
    %add3A_339 = arith.constant 3276800 : i32
    %add3A_340 = arith.addi %add3A_339, %add3A_336 : i32
    %add3A_341 = arith.constant 6553600 : i32
    %add3A_342 = arith.addi %add3A_341, %add3A_336 : i32
    %dma_start3A_343 = tpu.memref_slice %arg4[%add3A_338] : memref<9830400xf32, #tpu.memory_space<hbm>> -> memref<8192xf32, #tpu.memory_space<hbm>>
    %dma_start3A_344 = tpu.memref_slice %arg4[%add3A_338] : memref<9830400xf32, #tpu.memory_space<hbm>> -> memref<8192xf32, #tpu.memory_space<hbm>>
    tpu.enqueue_dma source(%arg11 : memref<8192xf32, #tpu.memory_space<vmem>>) target(%dma_start3A_344 : memref<8192xf32, #tpu.memory_space<hbm>>) target_semaphore(%arg22 : memref<!tpu.dma_semaphore, #tpu.memory_space<semaphore_mem>>)
    %dma_start3A_345 = tpu.memref_slice %arg4[%add3A_340] : memref<9830400xf32, #tpu.memory_space<hbm>> -> memref<8192xf32, #tpu.memory_space<hbm>>
    %dma_start3A_346 = tpu.memref_slice %arg4[%add3A_340] : memref<9830400xf32, #tpu.memory_space<hbm>> -> memref<8192xf32, #tpu.memory_space<hbm>>
    tpu.enqueue_dma source(%arg12 : memref<8192xf32, #tpu.memory_space<vmem>>) target(%dma_start3A_346 : memref<8192xf32, #tpu.memory_space<hbm>>) target_semaphore(%arg22 : memref<!tpu.dma_semaphore, #tpu.memory_space<semaphore_mem>>)
    %dma_start3A_347 = tpu.memref_slice %arg4[%add3A_342] : memref<9830400xf32, #tpu.memory_space<hbm>> -> memref<8192xf32, #tpu.memory_space<hbm>>
    %dma_start3A_348 = tpu.memref_slice %arg4[%add3A_342] : memref<9830400xf32, #tpu.memory_space<hbm>> -> memref<8192xf32, #tpu.memory_space<hbm>>
    tpu.enqueue_dma source(%arg13 : memref<8192xf32, #tpu.memory_space<vmem>>) target(%dma_start3A_348 : memref<8192xf32, #tpu.memory_space<hbm>>) target_semaphore(%arg22 : memref<!tpu.dma_semaphore, #tpu.memory_space<semaphore_mem>>)
    %dma_wait3A_349 = arith.constant 0 : i32
    %dma_wait3A_350 = tpu.memref_slice %arg10[%dma_wait3A_349] : memref<8192xi32, #tpu.memory_space<vmem>> -> memref<1024xi32, #tpu.memory_space<vmem>>
    %dma_wait3A_351 = tpu.memref_slice %arg2[%add3A_85] : memref<3276800xi32, #tpu.memory_space<hbm>> -> memref<1024xi32, #tpu.memory_space<hbm>>
    %dma_wait3A_352 = arith.constant 0 : i32
    %dma_wait3A_353 = tpu.memref_slice %arg10[%dma_wait3A_352] : memref<8192xi32, #tpu.memory_space<vmem>> -> memref<1024xi32, #tpu.memory_space<vmem>>
    %dma_wait3A_354 = tpu.memref_slice %arg2[%add3A_85] : memref<3276800xi32, #tpu.memory_space<hbm>> -> memref<1024xi32, #tpu.memory_space<hbm>>
    tpu.wait_dma2 semaphore(%arg21 : memref<!tpu.dma_semaphore, #tpu.memory_space<semaphore_mem>>) src(%dma_wait3A_354 : memref<1024xi32, #tpu.memory_space<hbm>>) dst(%dma_wait3A_353 : memref<1024xi32, #tpu.memory_space<vmem>>)
    %dma_wait3A_355 = arith.constant 1024 : i32
    %dma_wait3A_356 = tpu.memref_slice %arg10[%dma_wait3A_355] : memref<8192xi32, #tpu.memory_space<vmem>> -> memref<1024xi32, #tpu.memory_space<vmem>>
    %dma_wait3A_357 = tpu.memref_slice %arg2[%add3A_87] : memref<3276800xi32, #tpu.memory_space<hbm>> -> memref<1024xi32, #tpu.memory_space<hbm>>
    %dma_wait3A_358 = arith.constant 1024 : i32
    %dma_wait3A_359 = tpu.memref_slice %arg10[%dma_wait3A_358] : memref<8192xi32, #tpu.memory_space<vmem>> -> memref<1024xi32, #tpu.memory_space<vmem>>
    %dma_wait3A_360 = tpu.memref_slice %arg2[%add3A_87] : memref<3276800xi32, #tpu.memory_space<hbm>> -> memref<1024xi32, #tpu.memory_space<hbm>>
    tpu.wait_dma2 semaphore(%arg21 : memref<!tpu.dma_semaphore, #tpu.memory_space<semaphore_mem>>) src(%dma_wait3A_360 : memref<1024xi32, #tpu.memory_space<hbm>>) dst(%dma_wait3A_359 : memref<1024xi32, #tpu.memory_space<vmem>>)
    %dma_wait3A_361 = arith.constant 2048 : i32
    %dma_wait3A_362 = tpu.memref_slice %arg10[%dma_wait3A_361] : memref<8192xi32, #tpu.memory_space<vmem>> -> memref<1024xi32, #tpu.memory_space<vmem>>
    %dma_wait3A_363 = tpu.memref_slice %arg2[%add3A_89] : memref<3276800xi32, #tpu.memory_space<hbm>> -> memref<1024xi32, #tpu.memory_space<hbm>>
    %dma_wait3A_364 = arith.constant 2048 : i32
    %dma_wait3A_365 = tpu.memref_slice %arg10[%dma_wait3A_364] : memref<8192xi32, #tpu.memory_space<vmem>> -> memref<1024xi32, #tpu.memory_space<vmem>>
    %dma_wait3A_366 = tpu.memref_slice %arg2[%add3A_89] : memref<3276800xi32, #tpu.memory_space<hbm>> -> memref<1024xi32, #tpu.memory_space<hbm>>
    tpu.wait_dma2 semaphore(%arg21 : memref<!tpu.dma_semaphore, #tpu.memory_space<semaphore_mem>>) src(%dma_wait3A_366 : memref<1024xi32, #tpu.memory_space<hbm>>) dst(%dma_wait3A_365 : memref<1024xi32, #tpu.memory_space<vmem>>)
    %dma_wait3A_367 = arith.constant 3072 : i32
    %dma_wait3A_368 = tpu.memref_slice %arg10[%dma_wait3A_367] : memref<8192xi32, #tpu.memory_space<vmem>> -> memref<1024xi32, #tpu.memory_space<vmem>>
    %dma_wait3A_369 = tpu.memref_slice %arg2[%add3A_91] : memref<3276800xi32, #tpu.memory_space<hbm>> -> memref<1024xi32, #tpu.memory_space<hbm>>
    %dma_wait3A_370 = arith.constant 3072 : i32
    %dma_wait3A_371 = tpu.memref_slice %arg10[%dma_wait3A_370] : memref<8192xi32, #tpu.memory_space<vmem>> -> memref<1024xi32, #tpu.memory_space<vmem>>
    %dma_wait3A_372 = tpu.memref_slice %arg2[%add3A_91] : memref<3276800xi32, #tpu.memory_space<hbm>> -> memref<1024xi32, #tpu.memory_space<hbm>>
    tpu.wait_dma2 semaphore(%arg21 : memref<!tpu.dma_semaphore, #tpu.memory_space<semaphore_mem>>) src(%dma_wait3A_372 : memref<1024xi32, #tpu.memory_space<hbm>>) dst(%dma_wait3A_371 : memref<1024xi32, #tpu.memory_space<vmem>>)
    %dma_wait3A_373 = arith.constant 4096 : i32
    %dma_wait3A_374 = tpu.memref_slice %arg10[%dma_wait3A_373] : memref<8192xi32, #tpu.memory_space<vmem>> -> memref<1024xi32, #tpu.memory_space<vmem>>
    %dma_wait3A_375 = tpu.memref_slice %arg2[%add3A_93] : memref<3276800xi32, #tpu.memory_space<hbm>> -> memref<1024xi32, #tpu.memory_space<hbm>>
    %dma_wait3A_376 = arith.constant 4096 : i32
    %dma_wait3A_377 = tpu.memref_slice %arg10[%dma_wait3A_376] : memref<8192xi32, #tpu.memory_space<vmem>> -> memref<1024xi32, #tpu.memory_space<vmem>>
    %dma_wait3A_378 = tpu.memref_slice %arg2[%add3A_93] : memref<3276800xi32, #tpu.memory_space<hbm>> -> memref<1024xi32, #tpu.memory_space<hbm>>
    tpu.wait_dma2 semaphore(%arg21 : memref<!tpu.dma_semaphore, #tpu.memory_space<semaphore_mem>>) src(%dma_wait3A_378 : memref<1024xi32, #tpu.memory_space<hbm>>) dst(%dma_wait3A_377 : memref<1024xi32, #tpu.memory_space<vmem>>)
    %dma_wait3A_379 = arith.constant 5120 : i32
    %dma_wait3A_380 = tpu.memref_slice %arg10[%dma_wait3A_379] : memref<8192xi32, #tpu.memory_space<vmem>> -> memref<1024xi32, #tpu.memory_space<vmem>>
    %dma_wait3A_381 = tpu.memref_slice %arg2[%add3A_95] : memref<3276800xi32, #tpu.memory_space<hbm>> -> memref<1024xi32, #tpu.memory_space<hbm>>
    %dma_wait3A_382 = arith.constant 5120 : i32
    %dma_wait3A_383 = tpu.memref_slice %arg10[%dma_wait3A_382] : memref<8192xi32, #tpu.memory_space<vmem>> -> memref<1024xi32, #tpu.memory_space<vmem>>
    %dma_wait3A_384 = tpu.memref_slice %arg2[%add3A_95] : memref<3276800xi32, #tpu.memory_space<hbm>> -> memref<1024xi32, #tpu.memory_space<hbm>>
    tpu.wait_dma2 semaphore(%arg21 : memref<!tpu.dma_semaphore, #tpu.memory_space<semaphore_mem>>) src(%dma_wait3A_384 : memref<1024xi32, #tpu.memory_space<hbm>>) dst(%dma_wait3A_383 : memref<1024xi32, #tpu.memory_space<vmem>>)
    %dma_wait3A_385 = arith.constant 6144 : i32
    %dma_wait3A_386 = tpu.memref_slice %arg10[%dma_wait3A_385] : memref<8192xi32, #tpu.memory_space<vmem>> -> memref<1024xi32, #tpu.memory_space<vmem>>
    %dma_wait3A_387 = tpu.memref_slice %arg2[%add3A_97] : memref<3276800xi32, #tpu.memory_space<hbm>> -> memref<1024xi32, #tpu.memory_space<hbm>>
    %dma_wait3A_388 = arith.constant 6144 : i32
    %dma_wait3A_389 = tpu.memref_slice %arg10[%dma_wait3A_388] : memref<8192xi32, #tpu.memory_space<vmem>> -> memref<1024xi32, #tpu.memory_space<vmem>>
    %dma_wait3A_390 = tpu.memref_slice %arg2[%add3A_97] : memref<3276800xi32, #tpu.memory_space<hbm>> -> memref<1024xi32, #tpu.memory_space<hbm>>
    tpu.wait_dma2 semaphore(%arg21 : memref<!tpu.dma_semaphore, #tpu.memory_space<semaphore_mem>>) src(%dma_wait3A_390 : memref<1024xi32, #tpu.memory_space<hbm>>) dst(%dma_wait3A_389 : memref<1024xi32, #tpu.memory_space<vmem>>)
    %dma_wait3A_391 = arith.constant 7168 : i32
    %dma_wait3A_392 = tpu.memref_slice %arg10[%dma_wait3A_391] : memref<8192xi32, #tpu.memory_space<vmem>> -> memref<1024xi32, #tpu.memory_space<vmem>>
    %dma_wait3A_393 = tpu.memref_slice %arg2[%add3A_99] : memref<3276800xi32, #tpu.memory_space<hbm>> -> memref<1024xi32, #tpu.memory_space<hbm>>
    %dma_wait3A_394 = arith.constant 7168 : i32
    %dma_wait3A_395 = tpu.memref_slice %arg10[%dma_wait3A_394] : memref<8192xi32, #tpu.memory_space<vmem>> -> memref<1024xi32, #tpu.memory_space<vmem>>
    %dma_wait3A_396 = tpu.memref_slice %arg2[%add3A_99] : memref<3276800xi32, #tpu.memory_space<hbm>> -> memref<1024xi32, #tpu.memory_space<hbm>>
    tpu.wait_dma2 semaphore(%arg21 : memref<!tpu.dma_semaphore, #tpu.memory_space<semaphore_mem>>) src(%dma_wait3A_396 : memref<1024xi32, #tpu.memory_space<hbm>>) dst(%dma_wait3A_395 : memref<1024xi32, #tpu.memory_space<vmem>>)
    %parallel_loop3A_397 = arith.constant 0 : i32
    %parallel_loop3A_398 = arith.constant 512 : i32
    %parallel_loop3A_399 = arith.constant 1 : i32
    scf.for %parallel_loop3A_2045 = %parallel_loop3A_397 to %parallel_loop3A_398 step %parallel_loop3A_399  : i32 {
      %parallel_loop3A_2046 = arith.constant 3 : i32
      %parallel_loop3A_2047 = arith.shrsi %parallel_loop3A_2045, %parallel_loop3A_2046 : i32
      %parallel_loop3A_2048 = arith.constant 7 : i32
      %parallel_loop3A_2049 = arith.andi %parallel_loop3A_2047, %parallel_loop3A_2048 : i32
      %parallel_loop3A_2050 = arith.constant 1024 : i32
      %parallel_loop3A_2051 = arith.muli %parallel_loop3A_2049, %parallel_loop3A_2050 : i32
      %parallel_loop3A_2052 = arith.constant 6 : i32
      %parallel_loop3A_2053 = arith.shrsi %parallel_loop3A_2045, %parallel_loop3A_2052 : i32
      %parallel_loop3A_2054 = arith.constant 128 : i32
      %parallel_loop3A_2055 = arith.muli %parallel_loop3A_2053, %parallel_loop3A_2054 : i32
      %parallel_loop3A_2056 = arith.addi %parallel_loop3A_2051, %parallel_loop3A_2055 : i32
      %parallel_loop3A_2057 = arith.constant 7 : i32
      %parallel_loop3A_2058 = arith.andi %parallel_loop3A_2045, %parallel_loop3A_2057 : i32
      %parallel_loop3A_2059 = arith.constant 16 : i32
      %parallel_loop3A_2060 = arith.muli %parallel_loop3A_2058, %parallel_loop3A_2059 : i32
      %parallel_loop3A_2061 = arith.addi %parallel_loop3A_2056, %parallel_loop3A_2060 : i32
      %parallel_loop3A_2062 = arith.constant 16 : i32
      %parallel_loop3A_2063 = arith.muli %parallel_loop3A_2045, %parallel_loop3A_2062 : i32
      %parallel_loop3A_2064 = arith.index_cast %parallel_loop3A_2061 : i32 to index
      %parallel_loop3A_2065 = tpu.vector_load %arg10[%parallel_loop3A_2064] {strides = array<i32>} : memref<8192xi32, #tpu.memory_space<vmem>>, vector<16xi32>,
      %parallel_loop3A_2066 = tpu.vector_load_idx %arg6[%parallel_loop3A_2065] : memref<1024xf32, #tpu.memory_space<vmem>>[vector<16xi32>], vector<16xf32>,
      %parallel_loop3A_2067 = arith.index_cast %parallel_loop3A_2063 : i32 to index
      %parallel_loop3A_2068 = tpu.vector_load %arg14[%parallel_loop3A_2067] {strides = array<i32>} : memref<8192xf32, #tpu.memory_space<vmem>>, vector<16xf32>,
      tpu.vector_store %arg14[%parallel_loop3A_2067], %parallel_loop3A_2066 {strides = array<i32>} : memref<8192xf32, #tpu.memory_space<vmem>>, vector<16xf32>,
      %parallel_loop3A_2069 = tpu.vector_load_idx %arg7[%parallel_loop3A_2065] : memref<1024xf32, #tpu.memory_space<vmem>>[vector<16xi32>], vector<16xf32>,
      %parallel_loop3A_2070 = arith.index_cast %parallel_loop3A_2063 : i32 to index
      %parallel_loop3A_2071 = tpu.vector_load %arg15[%parallel_loop3A_2070] {strides = array<i32>} : memref<8192xf32, #tpu.memory_space<vmem>>, vector<16xf32>,
      tpu.vector_store %arg15[%parallel_loop3A_2070], %parallel_loop3A_2069 {strides = array<i32>} : memref<8192xf32, #tpu.memory_space<vmem>>, vector<16xf32>,
      %parallel_loop3A_2072 = tpu.vector_load_idx %arg8[%parallel_loop3A_2065] : memref<1024xf32, #tpu.memory_space<vmem>>[vector<16xi32>], vector<16xf32>,
      %parallel_loop3A_2073 = arith.index_cast %parallel_loop3A_2063 : i32 to index
      %parallel_loop3A_2074 = tpu.vector_load %arg16[%parallel_loop3A_2073] {strides = array<i32>} : memref<8192xf32, #tpu.memory_space<vmem>>, vector<16xf32>,
      tpu.vector_store %arg16[%parallel_loop3A_2073], %parallel_loop3A_2072 {strides = array<i32>} : memref<8192xf32, #tpu.memory_space<vmem>>, vector<16xf32>,
    } {sc.loop_unroll_factor = 8 : i64, sc.parallel_access}
    %add3A_400 = arith.constant 96 : i32
    %add3A_401 = arith.addi %add3A, %add3A_400 : i32
    %shift_right_arithmetic3A_402 = arith.constant 4 : i32
    %shift_right_arithmetic3A_403 = arith.shrsi %add3A_401, %shift_right_arithmetic3A_402 : i32
    %and3A_404 = arith.constant 15 : i32
    %and3A_405 = arith.andi %add3A_401, %and3A_404 : i32
    %mul3A_406 = arith.constant 131072 : i32
    %mul3A_407 = arith.muli %shift_right_arithmetic3A_403, %mul3A_406 : i32
    %mul3A_408 = arith.constant 1024 : i32
    %mul3A_409 = arith.muli %and3A_405, %mul3A_408 : i32
    %add3A_410 = arith.addi %mul3A_407, %mul3A_409 : i32
    %add3A_411 = arith.constant 0 : i32
    %add3A_412 = arith.addi %add3A_410, %add3A_411 : i32
    %add3A_413 = arith.constant 16384 : i32
    %add3A_414 = arith.addi %add3A_410, %add3A_413 : i32
    %add3A_415 = arith.constant 32768 : i32
    %add3A_416 = arith.addi %add3A_410, %add3A_415 : i32
    %add3A_417 = arith.constant 49152 : i32
    %add3A_418 = arith.addi %add3A_410, %add3A_417 : i32
    %add3A_419 = arith.constant 65536 : i32
    %add3A_420 = arith.addi %add3A_410, %add3A_419 : i32
    %add3A_421 = arith.constant 81920 : i32
    %add3A_422 = arith.addi %add3A_410, %add3A_421 : i32
    %add3A_423 = arith.constant 98304 : i32
    %add3A_424 = arith.addi %add3A_410, %add3A_423 : i32
    %add3A_425 = arith.constant 114688 : i32
    %add3A_426 = arith.addi %add3A_410, %add3A_425 : i32
    %dma_start3A_427 = arith.constant 0 : i32
    %dma_start3A_428 = tpu.memref_slice %arg10[%dma_start3A_427] : memref<8192xi32, #tpu.memory_space<vmem>> -> memref<1024xi32, #tpu.memory_space<vmem>>
    %dma_start3A_429 = tpu.memref_slice %arg2[%add3A_412] : memref<3276800xi32, #tpu.memory_space<hbm>> -> memref<1024xi32, #tpu.memory_space<hbm>>
    %dma_start3A_430 = arith.constant 0 : i32
    %dma_start3A_431 = tpu.memref_slice %arg10[%dma_start3A_430] : memref<8192xi32, #tpu.memory_space<vmem>> -> memref<1024xi32, #tpu.memory_space<vmem>>
    %dma_start3A_432 = tpu.memref_slice %arg2[%add3A_412] : memref<3276800xi32, #tpu.memory_space<hbm>> -> memref<1024xi32, #tpu.memory_space<hbm>>
    tpu.enqueue_dma source(%dma_start3A_432 : memref<1024xi32, #tpu.memory_space<hbm>>) target(%dma_start3A_431 : memref<1024xi32, #tpu.memory_space<vmem>>) target_semaphore(%arg21 : memref<!tpu.dma_semaphore, #tpu.memory_space<semaphore_mem>>)
    %dma_start3A_433 = arith.constant 1024 : i32
    %dma_start3A_434 = tpu.memref_slice %arg10[%dma_start3A_433] : memref<8192xi32, #tpu.memory_space<vmem>> -> memref<1024xi32, #tpu.memory_space<vmem>>
    %dma_start3A_435 = tpu.memref_slice %arg2[%add3A_414] : memref<3276800xi32, #tpu.memory_space<hbm>> -> memref<1024xi32, #tpu.memory_space<hbm>>
    %dma_start3A_436 = arith.constant 1024 : i32
    %dma_start3A_437 = tpu.memref_slice %arg10[%dma_start3A_436] : memref<8192xi32, #tpu.memory_space<vmem>> -> memref<1024xi32, #tpu.memory_space<vmem>>
    %dma_start3A_438 = tpu.memref_slice %arg2[%add3A_414] : memref<3276800xi32, #tpu.memory_space<hbm>> -> memref<1024xi32, #tpu.memory_space<hbm>>
    tpu.enqueue_dma source(%dma_start3A_438 : memref<1024xi32, #tpu.memory_space<hbm>>) target(%dma_start3A_437 : memref<1024xi32, #tpu.memory_space<vmem>>) target_semaphore(%arg21 : memref<!tpu.dma_semaphore, #tpu.memory_space<semaphore_mem>>)
    %dma_start3A_439 = arith.constant 2048 : i32
    %dma_start3A_440 = tpu.memref_slice %arg10[%dma_start3A_439] : memref<8192xi32, #tpu.memory_space<vmem>> -> memref<1024xi32, #tpu.memory_space<vmem>>
    %dma_start3A_441 = tpu.memref_slice %arg2[%add3A_416] : memref<3276800xi32, #tpu.memory_space<hbm>> -> memref<1024xi32, #tpu.memory_space<hbm>>
    %dma_start3A_442 = arith.constant 2048 : i32
    %dma_start3A_443 = tpu.memref_slice %arg10[%dma_start3A_442] : memref<8192xi32, #tpu.memory_space<vmem>> -> memref<1024xi32, #tpu.memory_space<vmem>>
    %dma_start3A_444 = tpu.memref_slice %arg2[%add3A_416] : memref<3276800xi32, #tpu.memory_space<hbm>> -> memref<1024xi32, #tpu.memory_space<hbm>>
    tpu.enqueue_dma source(%dma_start3A_444 : memref<1024xi32, #tpu.memory_space<hbm>>) target(%dma_start3A_443 : memref<1024xi32, #tpu.memory_space<vmem>>) target_semaphore(%arg21 : memref<!tpu.dma_semaphore, #tpu.memory_space<semaphore_mem>>)
    %dma_start3A_445 = arith.constant 3072 : i32
    %dma_start3A_446 = tpu.memref_slice %arg10[%dma_start3A_445] : memref<8192xi32, #tpu.memory_space<vmem>> -> memref<1024xi32, #tpu.memory_space<vmem>>
    %dma_start3A_447 = tpu.memref_slice %arg2[%add3A_418] : memref<3276800xi32, #tpu.memory_space<hbm>> -> memref<1024xi32, #tpu.memory_space<hbm>>
    %dma_start3A_448 = arith.constant 3072 : i32
    %dma_start3A_449 = tpu.memref_slice %arg10[%dma_start3A_448] : memref<8192xi32, #tpu.memory_space<vmem>> -> memref<1024xi32, #tpu.memory_space<vmem>>
    %dma_start3A_450 = tpu.memref_slice %arg2[%add3A_418] : memref<3276800xi32, #tpu.memory_space<hbm>> -> memref<1024xi32, #tpu.memory_space<hbm>>
    tpu.enqueue_dma source(%dma_start3A_450 : memref<1024xi32, #tpu.memory_space<hbm>>) target(%dma_start3A_449 : memref<1024xi32, #tpu.memory_space<vmem>>) target_semaphore(%arg21 : memref<!tpu.dma_semaphore, #tpu.memory_space<semaphore_mem>>)
    %dma_start3A_451 = arith.constant 4096 : i32
    %dma_start3A_452 = tpu.memref_slice %arg10[%dma_start3A_451] : memref<8192xi32, #tpu.memory_space<vmem>> -> memref<1024xi32, #tpu.memory_space<vmem>>
    %dma_start3A_453 = tpu.memref_slice %arg2[%add3A_420] : memref<3276800xi32, #tpu.memory_space<hbm>> -> memref<1024xi32, #tpu.memory_space<hbm>>
    %dma_start3A_454 = arith.constant 4096 : i32
    %dma_start3A_455 = tpu.memref_slice %arg10[%dma_start3A_454] : memref<8192xi32, #tpu.memory_space<vmem>> -> memref<1024xi32, #tpu.memory_space<vmem>>
    %dma_start3A_456 = tpu.memref_slice %arg2[%add3A_420] : memref<3276800xi32, #tpu.memory_space<hbm>> -> memref<1024xi32, #tpu.memory_space<hbm>>
    tpu.enqueue_dma source(%dma_start3A_456 : memref<1024xi32, #tpu.memory_space<hbm>>) target(%dma_start3A_455 : memref<1024xi32, #tpu.memory_space<vmem>>) target_semaphore(%arg21 : memref<!tpu.dma_semaphore, #tpu.memory_space<semaphore_mem>>)
    %dma_start3A_457 = arith.constant 5120 : i32
    %dma_start3A_458 = tpu.memref_slice %arg10[%dma_start3A_457] : memref<8192xi32, #tpu.memory_space<vmem>> -> memref<1024xi32, #tpu.memory_space<vmem>>
    %dma_start3A_459 = tpu.memref_slice %arg2[%add3A_422] : memref<3276800xi32, #tpu.memory_space<hbm>> -> memref<1024xi32, #tpu.memory_space<hbm>>
    %dma_start3A_460 = arith.constant 5120 : i32
    %dma_start3A_461 = tpu.memref_slice %arg10[%dma_start3A_460] : memref<8192xi32, #tpu.memory_space<vmem>> -> memref<1024xi32, #tpu.memory_space<vmem>>
    %dma_start3A_462 = tpu.memref_slice %arg2[%add3A_422] : memref<3276800xi32, #tpu.memory_space<hbm>> -> memref<1024xi32, #tpu.memory_space<hbm>>
    tpu.enqueue_dma source(%dma_start3A_462 : memref<1024xi32, #tpu.memory_space<hbm>>) target(%dma_start3A_461 : memref<1024xi32, #tpu.memory_space<vmem>>) target_semaphore(%arg21 : memref<!tpu.dma_semaphore, #tpu.memory_space<semaphore_mem>>)
    %dma_start3A_463 = arith.constant 6144 : i32
    %dma_start3A_464 = tpu.memref_slice %arg10[%dma_start3A_463] : memref<8192xi32, #tpu.memory_space<vmem>> -> memref<1024xi32, #tpu.memory_space<vmem>>
    %dma_start3A_465 = tpu.memref_slice %arg2[%add3A_424] : memref<3276800xi32, #tpu.memory_space<hbm>> -> memref<1024xi32, #tpu.memory_space<hbm>>
    %dma_start3A_466 = arith.constant 6144 : i32
    %dma_start3A_467 = tpu.memref_slice %arg10[%dma_start3A_466] : memref<8192xi32, #tpu.memory_space<vmem>> -> memref<1024xi32, #tpu.memory_space<vmem>>
    %dma_start3A_468 = tpu.memref_slice %arg2[%add3A_424] : memref<3276800xi32, #tpu.memory_space<hbm>> -> memref<1024xi32, #tpu.memory_space<hbm>>
    tpu.enqueue_dma source(%dma_start3A_468 : memref<1024xi32, #tpu.memory_space<hbm>>) target(%dma_start3A_467 : memref<1024xi32, #tpu.memory_space<vmem>>) target_semaphore(%arg21 : memref<!tpu.dma_semaphore, #tpu.memory_space<semaphore_mem>>)
    %dma_start3A_469 = arith.constant 7168 : i32
    %dma_start3A_470 = tpu.memref_slice %arg10[%dma_start3A_469] : memref<8192xi32, #tpu.memory_space<vmem>> -> memref<1024xi32, #tpu.memory_space<vmem>>
    %dma_start3A_471 = tpu.memref_slice %arg2[%add3A_426] : memref<3276800xi32, #tpu.memory_space<hbm>> -> memref<1024xi32, #tpu.memory_space<hbm>>
    %dma_start3A_472 = arith.constant 7168 : i32
    %dma_start3A_473 = tpu.memref_slice %arg10[%dma_start3A_472] : memref<8192xi32, #tpu.memory_space<vmem>> -> memref<1024xi32, #tpu.memory_space<vmem>>
    %dma_start3A_474 = tpu.memref_slice %arg2[%add3A_426] : memref<3276800xi32, #tpu.memory_space<hbm>> -> memref<1024xi32, #tpu.memory_space<hbm>>
    tpu.enqueue_dma source(%dma_start3A_474 : memref<1024xi32, #tpu.memory_space<hbm>>) target(%dma_start3A_473 : memref<1024xi32, #tpu.memory_space<vmem>>) target_semaphore(%arg21 : memref<!tpu.dma_semaphore, #tpu.memory_space<semaphore_mem>>)
    %add3A_475 = arith.constant 32 : i32
    %add3A_476 = arith.addi %add3A, %add3A_475 : i32
    %shift_right_arithmetic3A_477 = arith.constant 4 : i32
    %shift_right_arithmetic3A_478 = arith.shrsi %add3A_476, %shift_right_arithmetic3A_477 : i32
    %and3A_479 = arith.constant 15 : i32
    %and3A_480 = arith.andi %add3A_476, %and3A_479 : i32
    %mul3A_481 = arith.constant 131072 : i32
    %mul3A_482 = arith.muli %shift_right_arithmetic3A_478, %mul3A_481 : i32
    %mul3A_483 = arith.constant 8192 : i32
    %mul3A_484 = arith.muli %and3A_480, %mul3A_483 : i32
    %add3A_485 = arith.addi %mul3A_482, %mul3A_484 : i32
    %add3A_486 = arith.constant 0 : i32
    %add3A_487 = arith.addi %add3A_486, %add3A_485 : i32
    %add3A_488 = arith.constant 3276800 : i32
    %add3A_489 = arith.addi %add3A_488, %add3A_485 : i32
    %add3A_490 = arith.constant 6553600 : i32
    %add3A_491 = arith.addi %add3A_490, %add3A_485 : i32
    %dma_start3A_492 = tpu.memref_slice %arg4[%add3A_487] : memref<9830400xf32, #tpu.memory_space<hbm>> -> memref<8192xf32, #tpu.memory_space<hbm>>
    %dma_start3A_493 = tpu.memref_slice %arg4[%add3A_487] : memref<9830400xf32, #tpu.memory_space<hbm>> -> memref<8192xf32, #tpu.memory_space<hbm>>
    tpu.enqueue_dma source(%arg14 : memref<8192xf32, #tpu.memory_space<vmem>>) target(%dma_start3A_493 : memref<8192xf32, #tpu.memory_space<hbm>>) target_semaphore(%arg23 : memref<!tpu.dma_semaphore, #tpu.memory_space<semaphore_mem>>)
    %dma_start3A_494 = tpu.memref_slice %arg4[%add3A_489] : memref<9830400xf32, #tpu.memory_space<hbm>> -> memref<8192xf32, #tpu.memory_space<hbm>>
    %dma_start3A_495 = tpu.memref_slice %arg4[%add3A_489] : memref<9830400xf32, #tpu.memory_space<hbm>> -> memref<8192xf32, #tpu.memory_space<hbm>>
    tpu.enqueue_dma source(%arg15 : memref<8192xf32, #tpu.memory_space<vmem>>) target(%dma_start3A_495 : memref<8192xf32, #tpu.memory_space<hbm>>) target_semaphore(%arg23 : memref<!tpu.dma_semaphore, #tpu.memory_space<semaphore_mem>>)
    %dma_start3A_496 = tpu.memref_slice %arg4[%add3A_491] : memref<9830400xf32, #tpu.memory_space<hbm>> -> memref<8192xf32, #tpu.memory_space<hbm>>
    %dma_start3A_497 = tpu.memref_slice %arg4[%add3A_491] : memref<9830400xf32, #tpu.memory_space<hbm>> -> memref<8192xf32, #tpu.memory_space<hbm>>
    tpu.enqueue_dma source(%arg16 : memref<8192xf32, #tpu.memory_space<vmem>>) target(%dma_start3A_497 : memref<8192xf32, #tpu.memory_space<hbm>>) target_semaphore(%arg23 : memref<!tpu.dma_semaphore, #tpu.memory_space<semaphore_mem>>)
    %dma_wait3A_498 = arith.constant 0 : i32
    %dma_wait3A_499 = tpu.memref_slice %arg9[%dma_wait3A_498] : memref<8192xi32, #tpu.memory_space<vmem>> -> memref<1024xi32, #tpu.memory_space<vmem>>
    %dma_wait3A_500 = tpu.memref_slice %arg2[%add3A_263] : memref<3276800xi32, #tpu.memory_space<hbm>> -> memref<1024xi32, #tpu.memory_space<hbm>>
    %dma_wait3A_501 = arith.constant 0 : i32
    %dma_wait3A_502 = tpu.memref_slice %arg9[%dma_wait3A_501] : memref<8192xi32, #tpu.memory_space<vmem>> -> memref<1024xi32, #tpu.memory_space<vmem>>
    %dma_wait3A_503 = tpu.memref_slice %arg2[%add3A_263] : memref<3276800xi32, #tpu.memory_space<hbm>> -> memref<1024xi32, #tpu.memory_space<hbm>>
    tpu.wait_dma2 semaphore(%arg20 : memref<!tpu.dma_semaphore, #tpu.memory_space<semaphore_mem>>) src(%dma_wait3A_503 : memref<1024xi32, #tpu.memory_space<hbm>>) dst(%dma_wait3A_502 : memref<1024xi32, #tpu.memory_space<vmem>>)
    %dma_wait3A_504 = arith.constant 1024 : i32
    %dma_wait3A_505 = tpu.memref_slice %arg9[%dma_wait3A_504] : memref<8192xi32, #tpu.memory_space<vmem>> -> memref<1024xi32, #tpu.memory_space<vmem>>
    %dma_wait3A_506 = tpu.memref_slice %arg2[%add3A_265] : memref<3276800xi32, #tpu.memory_space<hbm>> -> memref<1024xi32, #tpu.memory_space<hbm>>
    %dma_wait3A_507 = arith.constant 1024 : i32
    %dma_wait3A_508 = tpu.memref_slice %arg9[%dma_wait3A_507] : memref<8192xi32, #tpu.memory_space<vmem>> -> memref<1024xi32, #tpu.memory_space<vmem>>
    %dma_wait3A_509 = tpu.memref_slice %arg2[%add3A_265] : memref<3276800xi32, #tpu.memory_space<hbm>> -> memref<1024xi32, #tpu.memory_space<hbm>>
    tpu.wait_dma2 semaphore(%arg20 : memref<!tpu.dma_semaphore, #tpu.memory_space<semaphore_mem>>) src(%dma_wait3A_509 : memref<1024xi32, #tpu.memory_space<hbm>>) dst(%dma_wait3A_508 : memref<1024xi32, #tpu.memory_space<vmem>>)
    %dma_wait3A_510 = arith.constant 2048 : i32
    %dma_wait3A_511 = tpu.memref_slice %arg9[%dma_wait3A_510] : memref<8192xi32, #tpu.memory_space<vmem>> -> memref<1024xi32, #tpu.memory_space<vmem>>
    %dma_wait3A_512 = tpu.memref_slice %arg2[%add3A_267] : memref<3276800xi32, #tpu.memory_space<hbm>> -> memref<1024xi32, #tpu.memory_space<hbm>>
    %dma_wait3A_513 = arith.constant 2048 : i32
    %dma_wait3A_514 = tpu.memref_slice %arg9[%dma_wait3A_513] : memref<8192xi32, #tpu.memory_space<vmem>> -> memref<1024xi32, #tpu.memory_space<vmem>>
    %dma_wait3A_515 = tpu.memref_slice %arg2[%add3A_267] : memref<3276800xi32, #tpu.memory_space<hbm>> -> memref<1024xi32, #tpu.memory_space<hbm>>
    tpu.wait_dma2 semaphore(%arg20 : memref<!tpu.dma_semaphore, #tpu.memory_space<semaphore_mem>>) src(%dma_wait3A_515 : memref<1024xi32, #tpu.memory_space<hbm>>) dst(%dma_wait3A_514 : memref<1024xi32, #tpu.memory_space<vmem>>)
    %dma_wait3A_516 = arith.constant 3072 : i32
    %dma_wait3A_517 = tpu.memref_slice %arg9[%dma_wait3A_516] : memref<8192xi32, #tpu.memory_space<vmem>> -> memref<1024xi32, #tpu.memory_space<vmem>>
    %dma_wait3A_518 = tpu.memref_slice %arg2[%add3A_269] : memref<3276800xi32, #tpu.memory_space<hbm>> -> memref<1024xi32, #tpu.memory_space<hbm>>
    %dma_wait3A_519 = arith.constant 3072 : i32
    %dma_wait3A_520 = tpu.memref_slice %arg9[%dma_wait3A_519] : memref<8192xi32, #tpu.memory_space<vmem>> -> memref<1024xi32, #tpu.memory_space<vmem>>
    %dma_wait3A_521 = tpu.memref_slice %arg2[%add3A_269] : memref<3276800xi32, #tpu.memory_space<hbm>> -> memref<1024xi32, #tpu.memory_space<hbm>>
    tpu.wait_dma2 semaphore(%arg20 : memref<!tpu.dma_semaphore, #tpu.memory_space<semaphore_mem>>) src(%dma_wait3A_521 : memref<1024xi32, #tpu.memory_space<hbm>>) dst(%dma_wait3A_520 : memref<1024xi32, #tpu.memory_space<vmem>>)
    %dma_wait3A_522 = arith.constant 4096 : i32
    %dma_wait3A_523 = tpu.memref_slice %arg9[%dma_wait3A_522] : memref<8192xi32, #tpu.memory_space<vmem>> -> memref<1024xi32, #tpu.memory_space<vmem>>
    %dma_wait3A_524 = tpu.memref_slice %arg2[%add3A_271] : memref<3276800xi32, #tpu.memory_space<hbm>> -> memref<1024xi32, #tpu.memory_space<hbm>>
    %dma_wait3A_525 = arith.constant 4096 : i32
    %dma_wait3A_526 = tpu.memref_slice %arg9[%dma_wait3A_525] : memref<8192xi32, #tpu.memory_space<vmem>> -> memref<1024xi32, #tpu.memory_space<vmem>>
    %dma_wait3A_527 = tpu.memref_slice %arg2[%add3A_271] : memref<3276800xi32, #tpu.memory_space<hbm>> -> memref<1024xi32, #tpu.memory_space<hbm>>
    tpu.wait_dma2 semaphore(%arg20 : memref<!tpu.dma_semaphore, #tpu.memory_space<semaphore_mem>>) src(%dma_wait3A_527 : memref<1024xi32, #tpu.memory_space<hbm>>) dst(%dma_wait3A_526 : memref<1024xi32, #tpu.memory_space<vmem>>)
    %dma_wait3A_528 = arith.constant 5120 : i32
    %dma_wait3A_529 = tpu.memref_slice %arg9[%dma_wait3A_528] : memref<8192xi32, #tpu.memory_space<vmem>> -> memref<1024xi32, #tpu.memory_space<vmem>>
    %dma_wait3A_530 = tpu.memref_slice %arg2[%add3A_273] : memref<3276800xi32, #tpu.memory_space<hbm>> -> memref<1024xi32, #tpu.memory_space<hbm>>
    %dma_wait3A_531 = arith.constant 5120 : i32
    %dma_wait3A_532 = tpu.memref_slice %arg9[%dma_wait3A_531] : memref<8192xi32, #tpu.memory_space<vmem>> -> memref<1024xi32, #tpu.memory_space<vmem>>
    %dma_wait3A_533 = tpu.memref_slice %arg2[%add3A_273] : memref<3276800xi32, #tpu.memory_space<hbm>> -> memref<1024xi32, #tpu.memory_space<hbm>>
    tpu.wait_dma2 semaphore(%arg20 : memref<!tpu.dma_semaphore, #tpu.memory_space<semaphore_mem>>) src(%dma_wait3A_533 : memref<1024xi32, #tpu.memory_space<hbm>>) dst(%dma_wait3A_532 : memref<1024xi32, #tpu.memory_space<vmem>>)
    %dma_wait3A_534 = arith.constant 6144 : i32
    %dma_wait3A_535 = tpu.memref_slice %arg9[%dma_wait3A_534] : memref<8192xi32, #tpu.memory_space<vmem>> -> memref<1024xi32, #tpu.memory_space<vmem>>
    %dma_wait3A_536 = tpu.memref_slice %arg2[%add3A_275] : memref<3276800xi32, #tpu.memory_space<hbm>> -> memref<1024xi32, #tpu.memory_space<hbm>>
    %dma_wait3A_537 = arith.constant 6144 : i32
    %dma_wait3A_538 = tpu.memref_slice %arg9[%dma_wait3A_537] : memref<8192xi32, #tpu.memory_space<vmem>> -> memref<1024xi32, #tpu.memory_space<vmem>>
    %dma_wait3A_539 = tpu.memref_slice %arg2[%add3A_275] : memref<3276800xi32, #tpu.memory_space<hbm>> -> memref<1024xi32, #tpu.memory_space<hbm>>
    tpu.wait_dma2 semaphore(%arg20 : memref<!tpu.dma_semaphore, #tpu.memory_space<semaphore_mem>>) src(%dma_wait3A_539 : memref<1024xi32, #tpu.memory_space<hbm>>) dst(%dma_wait3A_538 : memref<1024xi32, #tpu.memory_space<vmem>>)
    %dma_wait3A_540 = arith.constant 7168 : i32
    %dma_wait3A_541 = tpu.memref_slice %arg9[%dma_wait3A_540] : memref<8192xi32, #tpu.memory_space<vmem>> -> memref<1024xi32, #tpu.memory_space<vmem>>
    %dma_wait3A_542 = tpu.memref_slice %arg2[%add3A_277] : memref<3276800xi32, #tpu.memory_space<hbm>> -> memref<1024xi32, #tpu.memory_space<hbm>>
    %dma_wait3A_543 = arith.constant 7168 : i32
    %dma_wait3A_544 = tpu.memref_slice %arg9[%dma_wait3A_543] : memref<8192xi32, #tpu.memory_space<vmem>> -> memref<1024xi32, #tpu.memory_space<vmem>>
    %dma_wait3A_545 = tpu.memref_slice %arg2[%add3A_277] : memref<3276800xi32, #tpu.memory_space<hbm>> -> memref<1024xi32, #tpu.memory_space<hbm>>
    tpu.wait_dma2 semaphore(%arg20 : memref<!tpu.dma_semaphore, #tpu.memory_space<semaphore_mem>>) src(%dma_wait3A_545 : memref<1024xi32, #tpu.memory_space<hbm>>) dst(%dma_wait3A_544 : memref<1024xi32, #tpu.memory_space<vmem>>)
    %parallel_loop3A_546 = arith.constant 0 : i32
    %parallel_loop3A_547 = arith.constant 512 : i32
    %parallel_loop3A_548 = arith.constant 1 : i32
    scf.for %parallel_loop3A_2045 = %parallel_loop3A_546 to %parallel_loop3A_547 step %parallel_loop3A_548  : i32 {
      %parallel_loop3A_2046 = arith.constant 3 : i32
      %parallel_loop3A_2047 = arith.shrsi %parallel_loop3A_2045, %parallel_loop3A_2046 : i32
      %parallel_loop3A_2048 = arith.constant 7 : i32
      %parallel_loop3A_2049 = arith.andi %parallel_loop3A_2047, %parallel_loop3A_2048 : i32
      %parallel_loop3A_2050 = arith.constant 1024 : i32
      %parallel_loop3A_2051 = arith.muli %parallel_loop3A_2049, %parallel_loop3A_2050 : i32
      %parallel_loop3A_2052 = arith.constant 6 : i32
      %parallel_loop3A_2053 = arith.shrsi %parallel_loop3A_2045, %parallel_loop3A_2052 : i32
      %parallel_loop3A_2054 = arith.constant 128 : i32
      %parallel_loop3A_2055 = arith.muli %parallel_loop3A_2053, %parallel_loop3A_2054 : i32
      %parallel_loop3A_2056 = arith.addi %parallel_loop3A_2051, %parallel_loop3A_2055 : i32
      %parallel_loop3A_2057 = arith.constant 7 : i32
      %parallel_loop3A_2058 = arith.andi %parallel_loop3A_2045, %parallel_loop3A_2057 : i32
      %parallel_loop3A_2059 = arith.constant 16 : i32
      %parallel_loop3A_2060 = arith.muli %parallel_loop3A_2058, %parallel_loop3A_2059 : i32
      %parallel_loop3A_2061 = arith.addi %parallel_loop3A_2056, %parallel_loop3A_2060 : i32
      %parallel_loop3A_2062 = arith.constant 16 : i32
      %parallel_loop3A_2063 = arith.muli %parallel_loop3A_2045, %parallel_loop3A_2062 : i32
      %parallel_loop3A_2064 = arith.index_cast %parallel_loop3A_2061 : i32 to index
      %parallel_loop3A_2065 = tpu.vector_load %arg9[%parallel_loop3A_2064] {strides = array<i32>} : memref<8192xi32, #tpu.memory_space<vmem>>, vector<16xi32>,
      %parallel_loop3A_2066 = tpu.vector_load_idx %arg6[%parallel_loop3A_2065] : memref<1024xf32, #tpu.memory_space<vmem>>[vector<16xi32>], vector<16xf32>,
      %parallel_loop3A_2067 = arith.index_cast %parallel_loop3A_2063 : i32 to index
      %parallel_loop3A_2068 = tpu.vector_load %arg17[%parallel_loop3A_2067] {strides = array<i32>} : memref<8192xf32, #tpu.memory_space<vmem>>, vector<16xf32>,
      tpu.vector_store %arg17[%parallel_loop3A_2067], %parallel_loop3A_2066 {strides = array<i32>} : memref<8192xf32, #tpu.memory_space<vmem>>, vector<16xf32>,
      %parallel_loop3A_2069 = tpu.vector_load_idx %arg7[%parallel_loop3A_2065] : memref<1024xf32, #tpu.memory_space<vmem>>[vector<16xi32>], vector<16xf32>,
      %parallel_loop3A_2070 = arith.index_cast %parallel_loop3A_2063 : i32 to index
      %parallel_loop3A_2071 = tpu.vector_load %arg18[%parallel_loop3A_2070] {strides = array<i32>} : memref<8192xf32, #tpu.memory_space<vmem>>, vector<16xf32>,
      tpu.vector_store %arg18[%parallel_loop3A_2070], %parallel_loop3A_2069 {strides = array<i32>} : memref<8192xf32, #tpu.memory_space<vmem>>, vector<16xf32>,
      %parallel_loop3A_2072 = tpu.vector_load_idx %arg8[%parallel_loop3A_2065] : memref<1024xf32, #tpu.memory_space<vmem>>[vector<16xi32>], vector<16xf32>,
      %parallel_loop3A_2073 = arith.index_cast %parallel_loop3A_2063 : i32 to index
      %parallel_loop3A_2074 = tpu.vector_load %arg19[%parallel_loop3A_2073] {strides = array<i32>} : memref<8192xf32, #tpu.memory_space<vmem>>, vector<16xf32>,
      tpu.vector_store %arg19[%parallel_loop3A_2073], %parallel_loop3A_2072 {strides = array<i32>} : memref<8192xf32, #tpu.memory_space<vmem>>, vector<16xf32>,
    } {sc.loop_unroll_factor = 8 : i64, sc.parallel_access}
    %add3A_549 = arith.constant 128 : i32
    %add3A_550 = arith.addi %add3A, %add3A_549 : i32
    %shift_right_arithmetic3A_551 = arith.constant 4 : i32
    %shift_right_arithmetic3A_552 = arith.shrsi %add3A_550, %shift_right_arithmetic3A_551 : i32
    %and3A_553 = arith.constant 15 : i32
    %and3A_554 = arith.andi %add3A_550, %and3A_553 : i32
    %mul3A_555 = arith.constant 131072 : i32
    %mul3A_556 = arith.muli %shift_right_arithmetic3A_552, %mul3A_555 : i32
    %mul3A_557 = arith.constant 1024 : i32
    %mul3A_558 = arith.muli %and3A_554, %mul3A_557 : i32
    %add3A_559 = arith.addi %mul3A_556, %mul3A_558 : i32
    %add3A_560 = arith.constant 0 : i32
    %add3A_561 = arith.addi %add3A_559, %add3A_560 : i32
    %add3A_562 = arith.constant 16384 : i32
    %add3A_563 = arith.addi %add3A_559, %add3A_562 : i32
    %add3A_564 = arith.constant 32768 : i32
    %add3A_565 = arith.addi %add3A_559, %add3A_564 : i32
    %add3A_566 = arith.constant 49152 : i32
    %add3A_567 = arith.addi %add3A_559, %add3A_566 : i32
    %add3A_568 = arith.constant 65536 : i32
    %add3A_569 = arith.addi %add3A_559, %add3A_568 : i32
    %add3A_570 = arith.constant 81920 : i32
    %add3A_571 = arith.addi %add3A_559, %add3A_570 : i32
    %add3A_572 = arith.constant 98304 : i32
    %add3A_573 = arith.addi %add3A_559, %add3A_572 : i32
    %add3A_574 = arith.constant 114688 : i32
    %add3A_575 = arith.addi %add3A_559, %add3A_574 : i32
    %dma_start3A_576 = arith.constant 0 : i32
    %dma_start3A_577 = tpu.memref_slice %arg9[%dma_start3A_576] : memref<8192xi32, #tpu.memory_space<vmem>> -> memref<1024xi32, #tpu.memory_space<vmem>>
    %dma_start3A_578 = tpu.memref_slice %arg2[%add3A_561] : memref<3276800xi32, #tpu.memory_space<hbm>> -> memref<1024xi32, #tpu.memory_space<hbm>>
    %dma_start3A_579 = arith.constant 0 : i32
    %dma_start3A_580 = tpu.memref_slice %arg9[%dma_start3A_579] : memref<8192xi32, #tpu.memory_space<vmem>> -> memref<1024xi32, #tpu.memory_space<vmem>>
    %dma_start3A_581 = tpu.memref_slice %arg2[%add3A_561] : memref<3276800xi32, #tpu.memory_space<hbm>> -> memref<1024xi32, #tpu.memory_space<hbm>>
    tpu.enqueue_dma source(%dma_start3A_581 : memref<1024xi32, #tpu.memory_space<hbm>>) target(%dma_start3A_580 : memref<1024xi32, #tpu.memory_space<vmem>>) target_semaphore(%arg20 : memref<!tpu.dma_semaphore, #tpu.memory_space<semaphore_mem>>)
    %dma_start3A_582 = arith.constant 1024 : i32
    %dma_start3A_583 = tpu.memref_slice %arg9[%dma_start3A_582] : memref<8192xi32, #tpu.memory_space<vmem>> -> memref<1024xi32, #tpu.memory_space<vmem>>
    %dma_start3A_584 = tpu.memref_slice %arg2[%add3A_563] : memref<3276800xi32, #tpu.memory_space<hbm>> -> memref<1024xi32, #tpu.memory_space<hbm>>
    %dma_start3A_585 = arith.constant 1024 : i32
    %dma_start3A_586 = tpu.memref_slice %arg9[%dma_start3A_585] : memref<8192xi32, #tpu.memory_space<vmem>> -> memref<1024xi32, #tpu.memory_space<vmem>>
    %dma_start3A_587 = tpu.memref_slice %arg2[%add3A_563] : memref<3276800xi32, #tpu.memory_space<hbm>> -> memref<1024xi32, #tpu.memory_space<hbm>>
    tpu.enqueue_dma source(%dma_start3A_587 : memref<1024xi32, #tpu.memory_space<hbm>>) target(%dma_start3A_586 : memref<1024xi32, #tpu.memory_space<vmem>>) target_semaphore(%arg20 : memref<!tpu.dma_semaphore, #tpu.memory_space<semaphore_mem>>)
    %dma_start3A_588 = arith.constant 2048 : i32
    %dma_start3A_589 = tpu.memref_slice %arg9[%dma_start3A_588] : memref<8192xi32, #tpu.memory_space<vmem>> -> memref<1024xi32, #tpu.memory_space<vmem>>
    %dma_start3A_590 = tpu.memref_slice %arg2[%add3A_565] : memref<3276800xi32, #tpu.memory_space<hbm>> -> memref<1024xi32, #tpu.memory_space<hbm>>
    %dma_start3A_591 = arith.constant 2048 : i32
    %dma_start3A_592 = tpu.memref_slice %arg9[%dma_start3A_591] : memref<8192xi32, #tpu.memory_space<vmem>> -> memref<1024xi32, #tpu.memory_space<vmem>>
    %dma_start3A_593 = tpu.memref_slice %arg2[%add3A_565] : memref<3276800xi32, #tpu.memory_space<hbm>> -> memref<1024xi32, #tpu.memory_space<hbm>>
    tpu.enqueue_dma source(%dma_start3A_593 : memref<1024xi32, #tpu.memory_space<hbm>>) target(%dma_start3A_592 : memref<1024xi32, #tpu.memory_space<vmem>>) target_semaphore(%arg20 : memref<!tpu.dma_semaphore, #tpu.memory_space<semaphore_mem>>)
    %dma_start3A_594 = arith.constant 3072 : i32
    %dma_start3A_595 = tpu.memref_slice %arg9[%dma_start3A_594] : memref<8192xi32, #tpu.memory_space<vmem>> -> memref<1024xi32, #tpu.memory_space<vmem>>
    %dma_start3A_596 = tpu.memref_slice %arg2[%add3A_567] : memref<3276800xi32, #tpu.memory_space<hbm>> -> memref<1024xi32, #tpu.memory_space<hbm>>
    %dma_start3A_597 = arith.constant 3072 : i32
    %dma_start3A_598 = tpu.memref_slice %arg9[%dma_start3A_597] : memref<8192xi32, #tpu.memory_space<vmem>> -> memref<1024xi32, #tpu.memory_space<vmem>>
    %dma_start3A_599 = tpu.memref_slice %arg2[%add3A_567] : memref<3276800xi32, #tpu.memory_space<hbm>> -> memref<1024xi32, #tpu.memory_space<hbm>>
    tpu.enqueue_dma source(%dma_start3A_599 : memref<1024xi32, #tpu.memory_space<hbm>>) target(%dma_start3A_598 : memref<1024xi32, #tpu.memory_space<vmem>>) target_semaphore(%arg20 : memref<!tpu.dma_semaphore, #tpu.memory_space<semaphore_mem>>)
    %dma_start3A_600 = arith.constant 4096 : i32
    %dma_start3A_601 = tpu.memref_slice %arg9[%dma_start3A_600] : memref<8192xi32, #tpu.memory_space<vmem>> -> memref<1024xi32, #tpu.memory_space<vmem>>
    %dma_start3A_602 = tpu.memref_slice %arg2[%add3A_569] : memref<3276800xi32, #tpu.memory_space<hbm>> -> memref<1024xi32, #tpu.memory_space<hbm>>
    %dma_start3A_603 = arith.constant 4096 : i32
    %dma_start3A_604 = tpu.memref_slice %arg9[%dma_start3A_603] : memref<8192xi32, #tpu.memory_space<vmem>> -> memref<1024xi32, #tpu.memory_space<vmem>>
    %dma_start3A_605 = tpu.memref_slice %arg2[%add3A_569] : memref<3276800xi32, #tpu.memory_space<hbm>> -> memref<1024xi32, #tpu.memory_space<hbm>>
    tpu.enqueue_dma source(%dma_start3A_605 : memref<1024xi32, #tpu.memory_space<hbm>>) target(%dma_start3A_604 : memref<1024xi32, #tpu.memory_space<vmem>>) target_semaphore(%arg20 : memref<!tpu.dma_semaphore, #tpu.memory_space<semaphore_mem>>)
    %dma_start3A_606 = arith.constant 5120 : i32
    %dma_start3A_607 = tpu.memref_slice %arg9[%dma_start3A_606] : memref<8192xi32, #tpu.memory_space<vmem>> -> memref<1024xi32, #tpu.memory_space<vmem>>
    %dma_start3A_608 = tpu.memref_slice %arg2[%add3A_571] : memref<3276800xi32, #tpu.memory_space<hbm>> -> memref<1024xi32, #tpu.memory_space<hbm>>
    %dma_start3A_609 = arith.constant 5120 : i32
    %dma_start3A_610 = tpu.memref_slice %arg9[%dma_start3A_609] : memref<8192xi32, #tpu.memory_space<vmem>> -> memref<1024xi32, #tpu.memory_space<vmem>>
    %dma_start3A_611 = tpu.memref_slice %arg2[%add3A_571] : memref<3276800xi32, #tpu.memory_space<hbm>> -> memref<1024xi32, #tpu.memory_space<hbm>>
    tpu.enqueue_dma source(%dma_start3A_611 : memref<1024xi32, #tpu.memory_space<hbm>>) target(%dma_start3A_610 : memref<1024xi32, #tpu.memory_space<vmem>>) target_semaphore(%arg20 : memref<!tpu.dma_semaphore, #tpu.memory_space<semaphore_mem>>)
    %dma_start3A_612 = arith.constant 6144 : i32
    %dma_start3A_613 = tpu.memref_slice %arg9[%dma_start3A_612] : memref<8192xi32, #tpu.memory_space<vmem>> -> memref<1024xi32, #tpu.memory_space<vmem>>
    %dma_start3A_614 = tpu.memref_slice %arg2[%add3A_573] : memref<3276800xi32, #tpu.memory_space<hbm>> -> memref<1024xi32, #tpu.memory_space<hbm>>
    %dma_start3A_615 = arith.constant 6144 : i32
    %dma_start3A_616 = tpu.memref_slice %arg9[%dma_start3A_615] : memref<8192xi32, #tpu.memory_space<vmem>> -> memref<1024xi32, #tpu.memory_space<vmem>>
    %dma_start3A_617 = tpu.memref_slice %arg2[%add3A_573] : memref<3276800xi32, #tpu.memory_space<hbm>> -> memref<1024xi32, #tpu.memory_space<hbm>>
    tpu.enqueue_dma source(%dma_start3A_617 : memref<1024xi32, #tpu.memory_space<hbm>>) target(%dma_start3A_616 : memref<1024xi32, #tpu.memory_space<vmem>>) target_semaphore(%arg20 : memref<!tpu.dma_semaphore, #tpu.memory_space<semaphore_mem>>)
    %dma_start3A_618 = arith.constant 7168 : i32
    %dma_start3A_619 = tpu.memref_slice %arg9[%dma_start3A_618] : memref<8192xi32, #tpu.memory_space<vmem>> -> memref<1024xi32, #tpu.memory_space<vmem>>
    %dma_start3A_620 = tpu.memref_slice %arg2[%add3A_575] : memref<3276800xi32, #tpu.memory_space<hbm>> -> memref<1024xi32, #tpu.memory_space<hbm>>
    %dma_start3A_621 = arith.constant 7168 : i32
    %dma_start3A_622 = tpu.memref_slice %arg9[%dma_start3A_621] : memref<8192xi32, #tpu.memory_space<vmem>> -> memref<1024xi32, #tpu.memory_space<vmem>>
    %dma_start3A_623 = tpu.memref_slice %arg2[%add3A_575] : memref<3276800xi32, #tpu.memory_space<hbm>> -> memref<1024xi32, #tpu.memory_space<hbm>>
    tpu.enqueue_dma source(%dma_start3A_623 : memref<1024xi32, #tpu.memory_space<hbm>>) target(%dma_start3A_622 : memref<1024xi32, #tpu.memory_space<vmem>>) target_semaphore(%arg20 : memref<!tpu.dma_semaphore, #tpu.memory_space<semaphore_mem>>)
    %add3A_624 = arith.constant 64 : i32
    %add3A_625 = arith.addi %add3A, %add3A_624 : i32
    %shift_right_arithmetic3A_626 = arith.constant 4 : i32
    %shift_right_arithmetic3A_627 = arith.shrsi %add3A_625, %shift_right_arithmetic3A_626 : i32
    %and3A_628 = arith.constant 15 : i32
    %and3A_629 = arith.andi %add3A_625, %and3A_628 : i32
    %mul3A_630 = arith.constant 131072 : i32
    %mul3A_631 = arith.muli %shift_right_arithmetic3A_627, %mul3A_630 : i32
    %mul3A_632 = arith.constant 8192 : i32
    %mul3A_633 = arith.muli %and3A_629, %mul3A_632 : i32
    %add3A_634 = arith.addi %mul3A_631, %mul3A_633 : i32
    %add3A_635 = arith.constant 0 : i32
    %add3A_636 = arith.addi %add3A_635, %add3A_634 : i32
    %add3A_637 = arith.constant 3276800 : i32
    %add3A_638 = arith.addi %add3A_637, %add3A_634 : i32
    %add3A_639 = arith.constant 6553600 : i32
    %add3A_640 = arith.addi %add3A_639, %add3A_634 : i32
    %dma_start3A_641 = tpu.memref_slice %arg4[%add3A_636] : memref<9830400xf32, #tpu.memory_space<hbm>> -> memref<8192xf32, #tpu.memory_space<hbm>>
    %dma_start3A_642 = tpu.memref_slice %arg4[%add3A_636] : memref<9830400xf32, #tpu.memory_space<hbm>> -> memref<8192xf32, #tpu.memory_space<hbm>>
    tpu.enqueue_dma source(%arg17 : memref<8192xf32, #tpu.memory_space<vmem>>) target(%dma_start3A_642 : memref<8192xf32, #tpu.memory_space<hbm>>) target_semaphore(%arg24 : memref<!tpu.dma_semaphore, #tpu.memory_space<semaphore_mem>>)
    %dma_start3A_643 = tpu.memref_slice %arg4[%add3A_638] : memref<9830400xf32, #tpu.memory_space<hbm>> -> memref<8192xf32, #tpu.memory_space<hbm>>
    %dma_start3A_644 = tpu.memref_slice %arg4[%add3A_638] : memref<9830400xf32, #tpu.memory_space<hbm>> -> memref<8192xf32, #tpu.memory_space<hbm>>
    tpu.enqueue_dma source(%arg18 : memref<8192xf32, #tpu.memory_space<vmem>>) target(%dma_start3A_644 : memref<8192xf32, #tpu.memory_space<hbm>>) target_semaphore(%arg24 : memref<!tpu.dma_semaphore, #tpu.memory_space<semaphore_mem>>)
    %dma_start3A_645 = tpu.memref_slice %arg4[%add3A_640] : memref<9830400xf32, #tpu.memory_space<hbm>> -> memref<8192xf32, #tpu.memory_space<hbm>>
    %dma_start3A_646 = tpu.memref_slice %arg4[%add3A_640] : memref<9830400xf32, #tpu.memory_space<hbm>> -> memref<8192xf32, #tpu.memory_space<hbm>>
    tpu.enqueue_dma source(%arg19 : memref<8192xf32, #tpu.memory_space<vmem>>) target(%dma_start3A_646 : memref<8192xf32, #tpu.memory_space<hbm>>) target_semaphore(%arg24 : memref<!tpu.dma_semaphore, #tpu.memory_space<semaphore_mem>>)
    %dma_wait3A_647 = arith.constant 0 : i32
    %dma_wait3A_648 = tpu.memref_slice %arg10[%dma_wait3A_647] : memref<8192xi32, #tpu.memory_space<vmem>> -> memref<1024xi32, #tpu.memory_space<vmem>>
    %dma_wait3A_649 = tpu.memref_slice %arg2[%add3A_412] : memref<3276800xi32, #tpu.memory_space<hbm>> -> memref<1024xi32, #tpu.memory_space<hbm>>
    %dma_wait3A_650 = arith.constant 0 : i32
    %dma_wait3A_651 = tpu.memref_slice %arg10[%dma_wait3A_650] : memref<8192xi32, #tpu.memory_space<vmem>> -> memref<1024xi32, #tpu.memory_space<vmem>>
    %dma_wait3A_652 = tpu.memref_slice %arg2[%add3A_412] : memref<3276800xi32, #tpu.memory_space<hbm>> -> memref<1024xi32, #tpu.memory_space<hbm>>
    tpu.wait_dma2 semaphore(%arg21 : memref<!tpu.dma_semaphore, #tpu.memory_space<semaphore_mem>>) src(%dma_wait3A_652 : memref<1024xi32, #tpu.memory_space<hbm>>) dst(%dma_wait3A_651 : memref<1024xi32, #tpu.memory_space<vmem>>)
    %dma_wait3A_653 = arith.constant 1024 : i32
    %dma_wait3A_654 = tpu.memref_slice %arg10[%dma_wait3A_653] : memref<8192xi32, #tpu.memory_space<vmem>> -> memref<1024xi32, #tpu.memory_space<vmem>>
    %dma_wait3A_655 = tpu.memref_slice %arg2[%add3A_414] : memref<3276800xi32, #tpu.memory_space<hbm>> -> memref<1024xi32, #tpu.memory_space<hbm>>
    %dma_wait3A_656 = arith.constant 1024 : i32
    %dma_wait3A_657 = tpu.memref_slice %arg10[%dma_wait3A_656] : memref<8192xi32, #tpu.memory_space<vmem>> -> memref<1024xi32, #tpu.memory_space<vmem>>
    %dma_wait3A_658 = tpu.memref_slice %arg2[%add3A_414] : memref<3276800xi32, #tpu.memory_space<hbm>> -> memref<1024xi32, #tpu.memory_space<hbm>>
    tpu.wait_dma2 semaphore(%arg21 : memref<!tpu.dma_semaphore, #tpu.memory_space<semaphore_mem>>) src(%dma_wait3A_658 : memref<1024xi32, #tpu.memory_space<hbm>>) dst(%dma_wait3A_657 : memref<1024xi32, #tpu.memory_space<vmem>>)
    %dma_wait3A_659 = arith.constant 2048 : i32
    %dma_wait3A_660 = tpu.memref_slice %arg10[%dma_wait3A_659] : memref<8192xi32, #tpu.memory_space<vmem>> -> memref<1024xi32, #tpu.memory_space<vmem>>
    %dma_wait3A_661 = tpu.memref_slice %arg2[%add3A_416] : memref<3276800xi32, #tpu.memory_space<hbm>> -> memref<1024xi32, #tpu.memory_space<hbm>>
    %dma_wait3A_662 = arith.constant 2048 : i32
    %dma_wait3A_663 = tpu.memref_slice %arg10[%dma_wait3A_662] : memref<8192xi32, #tpu.memory_space<vmem>> -> memref<1024xi32, #tpu.memory_space<vmem>>
    %dma_wait3A_664 = tpu.memref_slice %arg2[%add3A_416] : memref<3276800xi32, #tpu.memory_space<hbm>> -> memref<1024xi32, #tpu.memory_space<hbm>>
    tpu.wait_dma2 semaphore(%arg21 : memref<!tpu.dma_semaphore, #tpu.memory_space<semaphore_mem>>) src(%dma_wait3A_664 : memref<1024xi32, #tpu.memory_space<hbm>>) dst(%dma_wait3A_663 : memref<1024xi32, #tpu.memory_space<vmem>>)
    %dma_wait3A_665 = arith.constant 3072 : i32
    %dma_wait3A_666 = tpu.memref_slice %arg10[%dma_wait3A_665] : memref<8192xi32, #tpu.memory_space<vmem>> -> memref<1024xi32, #tpu.memory_space<vmem>>
    %dma_wait3A_667 = tpu.memref_slice %arg2[%add3A_418] : memref<3276800xi32, #tpu.memory_space<hbm>> -> memref<1024xi32, #tpu.memory_space<hbm>>
    %dma_wait3A_668 = arith.constant 3072 : i32
    %dma_wait3A_669 = tpu.memref_slice %arg10[%dma_wait3A_668] : memref<8192xi32, #tpu.memory_space<vmem>> -> memref<1024xi32, #tpu.memory_space<vmem>>
    %dma_wait3A_670 = tpu.memref_slice %arg2[%add3A_418] : memref<3276800xi32, #tpu.memory_space<hbm>> -> memref<1024xi32, #tpu.memory_space<hbm>>
    tpu.wait_dma2 semaphore(%arg21 : memref<!tpu.dma_semaphore, #tpu.memory_space<semaphore_mem>>) src(%dma_wait3A_670 : memref<1024xi32, #tpu.memory_space<hbm>>) dst(%dma_wait3A_669 : memref<1024xi32, #tpu.memory_space<vmem>>)
    %dma_wait3A_671 = arith.constant 4096 : i32
    %dma_wait3A_672 = tpu.memref_slice %arg10[%dma_wait3A_671] : memref<8192xi32, #tpu.memory_space<vmem>> -> memref<1024xi32, #tpu.memory_space<vmem>>
    %dma_wait3A_673 = tpu.memref_slice %arg2[%add3A_420] : memref<3276800xi32, #tpu.memory_space<hbm>> -> memref<1024xi32, #tpu.memory_space<hbm>>
    %dma_wait3A_674 = arith.constant 4096 : i32
    %dma_wait3A_675 = tpu.memref_slice %arg10[%dma_wait3A_674] : memref<8192xi32, #tpu.memory_space<vmem>> -> memref<1024xi32, #tpu.memory_space<vmem>>
    %dma_wait3A_676 = tpu.memref_slice %arg2[%add3A_420] : memref<3276800xi32, #tpu.memory_space<hbm>> -> memref<1024xi32, #tpu.memory_space<hbm>>
    tpu.wait_dma2 semaphore(%arg21 : memref<!tpu.dma_semaphore, #tpu.memory_space<semaphore_mem>>) src(%dma_wait3A_676 : memref<1024xi32, #tpu.memory_space<hbm>>) dst(%dma_wait3A_675 : memref<1024xi32, #tpu.memory_space<vmem>>)
    %dma_wait3A_677 = arith.constant 5120 : i32
    %dma_wait3A_678 = tpu.memref_slice %arg10[%dma_wait3A_677] : memref<8192xi32, #tpu.memory_space<vmem>> -> memref<1024xi32, #tpu.memory_space<vmem>>
    %dma_wait3A_679 = tpu.memref_slice %arg2[%add3A_422] : memref<3276800xi32, #tpu.memory_space<hbm>> -> memref<1024xi32, #tpu.memory_space<hbm>>
    %dma_wait3A_680 = arith.constant 5120 : i32
    %dma_wait3A_681 = tpu.memref_slice %arg10[%dma_wait3A_680] : memref<8192xi32, #tpu.memory_space<vmem>> -> memref<1024xi32, #tpu.memory_space<vmem>>
    %dma_wait3A_682 = tpu.memref_slice %arg2[%add3A_422] : memref<3276800xi32, #tpu.memory_space<hbm>> -> memref<1024xi32, #tpu.memory_space<hbm>>
    tpu.wait_dma2 semaphore(%arg21 : memref<!tpu.dma_semaphore, #tpu.memory_space<semaphore_mem>>) src(%dma_wait3A_682 : memref<1024xi32, #tpu.memory_space<hbm>>) dst(%dma_wait3A_681 : memref<1024xi32, #tpu.memory_space<vmem>>)
    %dma_wait3A_683 = arith.constant 6144 : i32
    %dma_wait3A_684 = tpu.memref_slice %arg10[%dma_wait3A_683] : memref<8192xi32, #tpu.memory_space<vmem>> -> memref<1024xi32, #tpu.memory_space<vmem>>
    %dma_wait3A_685 = tpu.memref_slice %arg2[%add3A_424] : memref<3276800xi32, #tpu.memory_space<hbm>> -> memref<1024xi32, #tpu.memory_space<hbm>>
    %dma_wait3A_686 = arith.constant 6144 : i32
    %dma_wait3A_687 = tpu.memref_slice %arg10[%dma_wait3A_686] : memref<8192xi32, #tpu.memory_space<vmem>> -> memref<1024xi32, #tpu.memory_space<vmem>>
    %dma_wait3A_688 = tpu.memref_slice %arg2[%add3A_424] : memref<3276800xi32, #tpu.memory_space<hbm>> -> memref<1024xi32, #tpu.memory_space<hbm>>
    tpu.wait_dma2 semaphore(%arg21 : memref<!tpu.dma_semaphore, #tpu.memory_space<semaphore_mem>>) src(%dma_wait3A_688 : memref<1024xi32, #tpu.memory_space<hbm>>) dst(%dma_wait3A_687 : memref<1024xi32, #tpu.memory_space<vmem>>)
    %dma_wait3A_689 = arith.constant 7168 : i32
    %dma_wait3A_690 = tpu.memref_slice %arg10[%dma_wait3A_689] : memref<8192xi32, #tpu.memory_space<vmem>> -> memref<1024xi32, #tpu.memory_space<vmem>>
    %dma_wait3A_691 = tpu.memref_slice %arg2[%add3A_426] : memref<3276800xi32, #tpu.memory_space<hbm>> -> memref<1024xi32, #tpu.memory_space<hbm>>
    %dma_wait3A_692 = arith.constant 7168 : i32
    %dma_wait3A_693 = tpu.memref_slice %arg10[%dma_wait3A_692] : memref<8192xi32, #tpu.memory_space<vmem>> -> memref<1024xi32, #tpu.memory_space<vmem>>
    %dma_wait3A_694 = tpu.memref_slice %arg2[%add3A_426] : memref<3276800xi32, #tpu.memory_space<hbm>> -> memref<1024xi32, #tpu.memory_space<hbm>>
    tpu.wait_dma2 semaphore(%arg21 : memref<!tpu.dma_semaphore, #tpu.memory_space<semaphore_mem>>) src(%dma_wait3A_694 : memref<1024xi32, #tpu.memory_space<hbm>>) dst(%dma_wait3A_693 : memref<1024xi32, #tpu.memory_space<vmem>>)
    %dma_wait3A_695 = tpu.memref_slice %arg4[%add3A_338] : memref<9830400xf32, #tpu.memory_space<hbm>> -> memref<8192xf32, #tpu.memory_space<hbm>>
    %dma_wait3A_696 = tpu.memref_slice %arg4[%add3A_338] : memref<9830400xf32, #tpu.memory_space<hbm>> -> memref<8192xf32, #tpu.memory_space<hbm>>
    tpu.wait_dma2 semaphore(%arg22 : memref<!tpu.dma_semaphore, #tpu.memory_space<semaphore_mem>>) src(%arg11 : memref<8192xf32, #tpu.memory_space<vmem>>) dst(%dma_wait3A_696 : memref<8192xf32, #tpu.memory_space<hbm>>)
    %dma_wait3A_697 = tpu.memref_slice %arg4[%add3A_340] : memref<9830400xf32, #tpu.memory_space<hbm>> -> memref<8192xf32, #tpu.memory_space<hbm>>
    %dma_wait3A_698 = tpu.memref_slice %arg4[%add3A_340] : memref<9830400xf32, #tpu.memory_space<hbm>> -> memref<8192xf32, #tpu.memory_space<hbm>>
    tpu.wait_dma2 semaphore(%arg22 : memref<!tpu.dma_semaphore, #tpu.memory_space<semaphore_mem>>) src(%arg12 : memref<8192xf32, #tpu.memory_space<vmem>>) dst(%dma_wait3A_698 : memref<8192xf32, #tpu.memory_space<hbm>>)
    %dma_wait3A_699 = tpu.memref_slice %arg4[%add3A_342] : memref<9830400xf32, #tpu.memory_space<hbm>> -> memref<8192xf32, #tpu.memory_space<hbm>>
    %dma_wait3A_700 = tpu.memref_slice %arg4[%add3A_342] : memref<9830400xf32, #tpu.memory_space<hbm>> -> memref<8192xf32, #tpu.memory_space<hbm>>
    tpu.wait_dma2 semaphore(%arg22 : memref<!tpu.dma_semaphore, #tpu.memory_space<semaphore_mem>>) src(%arg13 : memref<8192xf32, #tpu.memory_space<vmem>>) dst(%dma_wait3A_700 : memref<8192xf32, #tpu.memory_space<hbm>>)
    %parallel_loop3A_701 = arith.constant 0 : i32
    %parallel_loop3A_702 = arith.constant 512 : i32
    %parallel_loop3A_703 = arith.constant 1 : i32
    scf.for %parallel_loop3A_2045 = %parallel_loop3A_701 to %parallel_loop3A_702 step %parallel_loop3A_703  : i32 {
      %parallel_loop3A_2046 = arith.constant 3 : i32
      %parallel_loop3A_2047 = arith.shrsi %parallel_loop3A_2045, %parallel_loop3A_2046 : i32
      %parallel_loop3A_2048 = arith.constant 7 : i32
      %parallel_loop3A_2049 = arith.andi %parallel_loop3A_2047, %parallel_loop3A_2048 : i32
      %parallel_loop3A_2050 = arith.constant 1024 : i32
      %parallel_loop3A_2051 = arith.muli %parallel_loop3A_2049, %parallel_loop3A_2050 : i32
      %parallel_loop3A_2052 = arith.constant 6 : i32
      %parallel_loop3A_2053 = arith.shrsi %parallel_loop3A_2045, %parallel_loop3A_2052 : i32
      %parallel_loop3A_2054 = arith.constant 128 : i32
      %parallel_loop3A_2055 = arith.muli %parallel_loop3A_2053, %parallel_loop3A_2054 : i32
      %parallel_loop3A_2056 = arith.addi %parallel_loop3A_2051, %parallel_loop3A_2055 : i32
      %parallel_loop3A_2057 = arith.constant 7 : i32
      %parallel_loop3A_2058 = arith.andi %parallel_loop3A_2045, %parallel_loop3A_2057 : i32
      %parallel_loop3A_2059 = arith.constant 16 : i32
      %parallel_loop3A_2060 = arith.muli %parallel_loop3A_2058, %parallel_loop3A_2059 : i32
      %parallel_loop3A_2061 = arith.addi %parallel_loop3A_2056, %parallel_loop3A_2060 : i32
      %parallel_loop3A_2062 = arith.constant 16 : i32
      %parallel_loop3A_2063 = arith.muli %parallel_loop3A_2045, %parallel_loop3A_2062 : i32
      %parallel_loop3A_2064 = arith.index_cast %parallel_loop3A_2061 : i32 to index
      %parallel_loop3A_2065 = tpu.vector_load %arg10[%parallel_loop3A_2064] {strides = array<i32>} : memref<8192xi32, #tpu.memory_space<vmem>>, vector<16xi32>,
      %parallel_loop3A_2066 = tpu.vector_load_idx %arg6[%parallel_loop3A_2065] : memref<1024xf32, #tpu.memory_space<vmem>>[vector<16xi32>], vector<16xf32>,
      %parallel_loop3A_2067 = arith.index_cast %parallel_loop3A_2063 : i32 to index
      %parallel_loop3A_2068 = tpu.vector_load %arg11[%parallel_loop3A_2067] {strides = array<i32>} : memref<8192xf32, #tpu.memory_space<vmem>>, vector<16xf32>,
      tpu.vector_store %arg11[%parallel_loop3A_2067], %parallel_loop3A_2066 {strides = array<i32>} : memref<8192xf32, #tpu.memory_space<vmem>>, vector<16xf32>,
      %parallel_loop3A_2069 = tpu.vector_load_idx %arg7[%parallel_loop3A_2065] : memref<1024xf32, #tpu.memory_space<vmem>>[vector<16xi32>], vector<16xf32>,
      %parallel_loop3A_2070 = arith.index_cast %parallel_loop3A_2063 : i32 to index
      %parallel_loop3A_2071 = tpu.vector_load %arg12[%parallel_loop3A_2070] {strides = array<i32>} : memref<8192xf32, #tpu.memory_space<vmem>>, vector<16xf32>,
      tpu.vector_store %arg12[%parallel_loop3A_2070], %parallel_loop3A_2069 {strides = array<i32>} : memref<8192xf32, #tpu.memory_space<vmem>>, vector<16xf32>,
      %parallel_loop3A_2072 = tpu.vector_load_idx %arg8[%parallel_loop3A_2065] : memref<1024xf32, #tpu.memory_space<vmem>>[vector<16xi32>], vector<16xf32>,
      %parallel_loop3A_2073 = arith.index_cast %parallel_loop3A_2063 : i32 to index
      %parallel_loop3A_2074 = tpu.vector_load %arg13[%parallel_loop3A_2073] {strides = array<i32>} : memref<8192xf32, #tpu.memory_space<vmem>>, vector<16xf32>,
      tpu.vector_store %arg13[%parallel_loop3A_2073], %parallel_loop3A_2072 {strides = array<i32>} : memref<8192xf32, #tpu.memory_space<vmem>>, vector<16xf32>,
    } {sc.loop_unroll_factor = 8 : i64, sc.parallel_access}
    %add3A_704 = arith.constant 160 : i32
    %add3A_705 = arith.addi %add3A, %add3A_704 : i32
    %shift_right_arithmetic3A_706 = arith.constant 4 : i32
    %shift_right_arithmetic3A_707 = arith.shrsi %add3A_705, %shift_right_arithmetic3A_706 : i32
    %and3A_708 = arith.constant 15 : i32
    %and3A_709 = arith.andi %add3A_705, %and3A_708 : i32
    %mul3A_710 = arith.constant 131072 : i32
    %mul3A_711 = arith.muli %shift_right_arithmetic3A_707, %mul3A_710 : i32
    %mul3A_712 = arith.constant 1024 : i32
    %mul3A_713 = arith.muli %and3A_709, %mul3A_712 : i32
    %add3A_714 = arith.addi %mul3A_711, %mul3A_713 : i32
    %add3A_715 = arith.constant 0 : i32
    %add3A_716 = arith.addi %add3A_714, %add3A_715 : i32
    %add3A_717 = arith.constant 16384 : i32
    %add3A_718 = arith.addi %add3A_714, %add3A_717 : i32
    %add3A_719 = arith.constant 32768 : i32
    %add3A_720 = arith.addi %add3A_714, %add3A_719 : i32
    %add3A_721 = arith.constant 49152 : i32
    %add3A_722 = arith.addi %add3A_714, %add3A_721 : i32
    %add3A_723 = arith.constant 65536 : i32
    %add3A_724 = arith.addi %add3A_714, %add3A_723 : i32
    %add3A_725 = arith.constant 81920 : i32
    %add3A_726 = arith.addi %add3A_714, %add3A_725 : i32
    %add3A_727 = arith.constant 98304 : i32
    %add3A_728 = arith.addi %add3A_714, %add3A_727 : i32
    %add3A_729 = arith.constant 114688 : i32
    %add3A_730 = arith.addi %add3A_714, %add3A_729 : i32
    %dma_start3A_731 = arith.constant 0 : i32
    %dma_start3A_732 = tpu.memref_slice %arg10[%dma_start3A_731] : memref<8192xi32, #tpu.memory_space<vmem>> -> memref<1024xi32, #tpu.memory_space<vmem>>
    %dma_start3A_733 = tpu.memref_slice %arg2[%add3A_716] : memref<3276800xi32, #tpu.memory_space<hbm>> -> memref<1024xi32, #tpu.memory_space<hbm>>
    %dma_start3A_734 = arith.constant 0 : i32
    %dma_start3A_735 = tpu.memref_slice %arg10[%dma_start3A_734] : memref<8192xi32, #tpu.memory_space<vmem>> -> memref<1024xi32, #tpu.memory_space<vmem>>
    %dma_start3A_736 = tpu.memref_slice %arg2[%add3A_716] : memref<3276800xi32, #tpu.memory_space<hbm>> -> memref<1024xi32, #tpu.memory_space<hbm>>
    tpu.enqueue_dma source(%dma_start3A_736 : memref<1024xi32, #tpu.memory_space<hbm>>) target(%dma_start3A_735 : memref<1024xi32, #tpu.memory_space<vmem>>) target_semaphore(%arg21 : memref<!tpu.dma_semaphore, #tpu.memory_space<semaphore_mem>>)
    %dma_start3A_737 = arith.constant 1024 : i32
    %dma_start3A_738 = tpu.memref_slice %arg10[%dma_start3A_737] : memref<8192xi32, #tpu.memory_space<vmem>> -> memref<1024xi32, #tpu.memory_space<vmem>>
    %dma_start3A_739 = tpu.memref_slice %arg2[%add3A_718] : memref<3276800xi32, #tpu.memory_space<hbm>> -> memref<1024xi32, #tpu.memory_space<hbm>>
    %dma_start3A_740 = arith.constant 1024 : i32
    %dma_start3A_741 = tpu.memref_slice %arg10[%dma_start3A_740] : memref<8192xi32, #tpu.memory_space<vmem>> -> memref<1024xi32, #tpu.memory_space<vmem>>
    %dma_start3A_742 = tpu.memref_slice %arg2[%add3A_718] : memref<3276800xi32, #tpu.memory_space<hbm>> -> memref<1024xi32, #tpu.memory_space<hbm>>
    tpu.enqueue_dma source(%dma_start3A_742 : memref<1024xi32, #tpu.memory_space<hbm>>) target(%dma_start3A_741 : memref<1024xi32, #tpu.memory_space<vmem>>) target_semaphore(%arg21 : memref<!tpu.dma_semaphore, #tpu.memory_space<semaphore_mem>>)
    %dma_start3A_743 = arith.constant 2048 : i32
    %dma_start3A_744 = tpu.memref_slice %arg10[%dma_start3A_743] : memref<8192xi32, #tpu.memory_space<vmem>> -> memref<1024xi32, #tpu.memory_space<vmem>>
    %dma_start3A_745 = tpu.memref_slice %arg2[%add3A_720] : memref<3276800xi32, #tpu.memory_space<hbm>> -> memref<1024xi32, #tpu.memory_space<hbm>>
    %dma_start3A_746 = arith.constant 2048 : i32
    %dma_start3A_747 = tpu.memref_slice %arg10[%dma_start3A_746] : memref<8192xi32, #tpu.memory_space<vmem>> -> memref<1024xi32, #tpu.memory_space<vmem>>
    %dma_start3A_748 = tpu.memref_slice %arg2[%add3A_720] : memref<3276800xi32, #tpu.memory_space<hbm>> -> memref<1024xi32, #tpu.memory_space<hbm>>
    tpu.enqueue_dma source(%dma_start3A_748 : memref<1024xi32, #tpu.memory_space<hbm>>) target(%dma_start3A_747 : memref<1024xi32, #tpu.memory_space<vmem>>) target_semaphore(%arg21 : memref<!tpu.dma_semaphore, #tpu.memory_space<semaphore_mem>>)
    %dma_start3A_749 = arith.constant 3072 : i32
    %dma_start3A_750 = tpu.memref_slice %arg10[%dma_start3A_749] : memref<8192xi32, #tpu.memory_space<vmem>> -> memref<1024xi32, #tpu.memory_space<vmem>>
    %dma_start3A_751 = tpu.memref_slice %arg2[%add3A_722] : memref<3276800xi32, #tpu.memory_space<hbm>> -> memref<1024xi32, #tpu.memory_space<hbm>>
    %dma_start3A_752 = arith.constant 3072 : i32
    %dma_start3A_753 = tpu.memref_slice %arg10[%dma_start3A_752] : memref<8192xi32, #tpu.memory_space<vmem>> -> memref<1024xi32, #tpu.memory_space<vmem>>
    %dma_start3A_754 = tpu.memref_slice %arg2[%add3A_722] : memref<3276800xi32, #tpu.memory_space<hbm>> -> memref<1024xi32, #tpu.memory_space<hbm>>
    tpu.enqueue_dma source(%dma_start3A_754 : memref<1024xi32, #tpu.memory_space<hbm>>) target(%dma_start3A_753 : memref<1024xi32, #tpu.memory_space<vmem>>) target_semaphore(%arg21 : memref<!tpu.dma_semaphore, #tpu.memory_space<semaphore_mem>>)
    %dma_start3A_755 = arith.constant 4096 : i32
    %dma_start3A_756 = tpu.memref_slice %arg10[%dma_start3A_755] : memref<8192xi32, #tpu.memory_space<vmem>> -> memref<1024xi32, #tpu.memory_space<vmem>>
    %dma_start3A_757 = tpu.memref_slice %arg2[%add3A_724] : memref<3276800xi32, #tpu.memory_space<hbm>> -> memref<1024xi32, #tpu.memory_space<hbm>>
    %dma_start3A_758 = arith.constant 4096 : i32
    %dma_start3A_759 = tpu.memref_slice %arg10[%dma_start3A_758] : memref<8192xi32, #tpu.memory_space<vmem>> -> memref<1024xi32, #tpu.memory_space<vmem>>
    %dma_start3A_760 = tpu.memref_slice %arg2[%add3A_724] : memref<3276800xi32, #tpu.memory_space<hbm>> -> memref<1024xi32, #tpu.memory_space<hbm>>
    tpu.enqueue_dma source(%dma_start3A_760 : memref<1024xi32, #tpu.memory_space<hbm>>) target(%dma_start3A_759 : memref<1024xi32, #tpu.memory_space<vmem>>) target_semaphore(%arg21 : memref<!tpu.dma_semaphore, #tpu.memory_space<semaphore_mem>>)
    %dma_start3A_761 = arith.constant 5120 : i32
    %dma_start3A_762 = tpu.memref_slice %arg10[%dma_start3A_761] : memref<8192xi32, #tpu.memory_space<vmem>> -> memref<1024xi32, #tpu.memory_space<vmem>>
    %dma_start3A_763 = tpu.memref_slice %arg2[%add3A_726] : memref<3276800xi32, #tpu.memory_space<hbm>> -> memref<1024xi32, #tpu.memory_space<hbm>>
    %dma_start3A_764 = arith.constant 5120 : i32
    %dma_start3A_765 = tpu.memref_slice %arg10[%dma_start3A_764] : memref<8192xi32, #tpu.memory_space<vmem>> -> memref<1024xi32, #tpu.memory_space<vmem>>
    %dma_start3A_766 = tpu.memref_slice %arg2[%add3A_726] : memref<3276800xi32, #tpu.memory_space<hbm>> -> memref<1024xi32, #tpu.memory_space<hbm>>
    tpu.enqueue_dma source(%dma_start3A_766 : memref<1024xi32, #tpu.memory_space<hbm>>) target(%dma_start3A_765 : memref<1024xi32, #tpu.memory_space<vmem>>) target_semaphore(%arg21 : memref<!tpu.dma_semaphore, #tpu.memory_space<semaphore_mem>>)
    %dma_start3A_767 = arith.constant 6144 : i32
    %dma_start3A_768 = tpu.memref_slice %arg10[%dma_start3A_767] : memref<8192xi32, #tpu.memory_space<vmem>> -> memref<1024xi32, #tpu.memory_space<vmem>>
    %dma_start3A_769 = tpu.memref_slice %arg2[%add3A_728] : memref<3276800xi32, #tpu.memory_space<hbm>> -> memref<1024xi32, #tpu.memory_space<hbm>>
    %dma_start3A_770 = arith.constant 6144 : i32
    %dma_start3A_771 = tpu.memref_slice %arg10[%dma_start3A_770] : memref<8192xi32, #tpu.memory_space<vmem>> -> memref<1024xi32, #tpu.memory_space<vmem>>
    %dma_start3A_772 = tpu.memref_slice %arg2[%add3A_728] : memref<3276800xi32, #tpu.memory_space<hbm>> -> memref<1024xi32, #tpu.memory_space<hbm>>
    tpu.enqueue_dma source(%dma_start3A_772 : memref<1024xi32, #tpu.memory_space<hbm>>) target(%dma_start3A_771 : memref<1024xi32, #tpu.memory_space<vmem>>) target_semaphore(%arg21 : memref<!tpu.dma_semaphore, #tpu.memory_space<semaphore_mem>>)
    %dma_start3A_773 = arith.constant 7168 : i32
    %dma_start3A_774 = tpu.memref_slice %arg10[%dma_start3A_773] : memref<8192xi32, #tpu.memory_space<vmem>> -> memref<1024xi32, #tpu.memory_space<vmem>>
    %dma_start3A_775 = tpu.memref_slice %arg2[%add3A_730] : memref<3276800xi32, #tpu.memory_space<hbm>> -> memref<1024xi32, #tpu.memory_space<hbm>>
    %dma_start3A_776 = arith.constant 7168 : i32
    %dma_start3A_777 = tpu.memref_slice %arg10[%dma_start3A_776] : memref<8192xi32, #tpu.memory_space<vmem>> -> memref<1024xi32, #tpu.memory_space<vmem>>
    %dma_start3A_778 = tpu.memref_slice %arg2[%add3A_730] : memref<3276800xi32, #tpu.memory_space<hbm>> -> memref<1024xi32, #tpu.memory_space<hbm>>
    tpu.enqueue_dma source(%dma_start3A_778 : memref<1024xi32, #tpu.memory_space<hbm>>) target(%dma_start3A_777 : memref<1024xi32, #tpu.memory_space<vmem>>) target_semaphore(%arg21 : memref<!tpu.dma_semaphore, #tpu.memory_space<semaphore_mem>>)
    %add3A_779 = arith.constant 96 : i32
    %add3A_780 = arith.addi %add3A, %add3A_779 : i32
    %shift_right_arithmetic3A_781 = arith.constant 4 : i32
    %shift_right_arithmetic3A_782 = arith.shrsi %add3A_780, %shift_right_arithmetic3A_781 : i32
    %and3A_783 = arith.constant 15 : i32
    %and3A_784 = arith.andi %add3A_780, %and3A_783 : i32
    %mul3A_785 = arith.constant 131072 : i32
    %mul3A_786 = arith.muli %shift_right_arithmetic3A_782, %mul3A_785 : i32
    %mul3A_787 = arith.constant 8192 : i32
    %mul3A_788 = arith.muli %and3A_784, %mul3A_787 : i32
    %add3A_789 = arith.addi %mul3A_786, %mul3A_788 : i32
    %add3A_790 = arith.constant 0 : i32
    %add3A_791 = arith.addi %add3A_790, %add3A_789 : i32
    %add3A_792 = arith.constant 3276800 : i32
    %add3A_793 = arith.addi %add3A_792, %add3A_789 : i32
    %add3A_794 = arith.constant 6553600 : i32
    %add3A_795 = arith.addi %add3A_794, %add3A_789 : i32
    %dma_start3A_796 = tpu.memref_slice %arg4[%add3A_791] : memref<9830400xf32, #tpu.memory_space<hbm>> -> memref<8192xf32, #tpu.memory_space<hbm>>
    %dma_start3A_797 = tpu.memref_slice %arg4[%add3A_791] : memref<9830400xf32, #tpu.memory_space<hbm>> -> memref<8192xf32, #tpu.memory_space<hbm>>
    tpu.enqueue_dma source(%arg11 : memref<8192xf32, #tpu.memory_space<vmem>>) target(%dma_start3A_797 : memref<8192xf32, #tpu.memory_space<hbm>>) target_semaphore(%arg22 : memref<!tpu.dma_semaphore, #tpu.memory_space<semaphore_mem>>)
    %dma_start3A_798 = tpu.memref_slice %arg4[%add3A_793] : memref<9830400xf32, #tpu.memory_space<hbm>> -> memref<8192xf32, #tpu.memory_space<hbm>>
    %dma_start3A_799 = tpu.memref_slice %arg4[%add3A_793] : memref<9830400xf32, #tpu.memory_space<hbm>> -> memref<8192xf32, #tpu.memory_space<hbm>>
    tpu.enqueue_dma source(%arg12 : memref<8192xf32, #tpu.memory_space<vmem>>) target(%dma_start3A_799 : memref<8192xf32, #tpu.memory_space<hbm>>) target_semaphore(%arg22 : memref<!tpu.dma_semaphore, #tpu.memory_space<semaphore_mem>>)
    %dma_start3A_800 = tpu.memref_slice %arg4[%add3A_795] : memref<9830400xf32, #tpu.memory_space<hbm>> -> memref<8192xf32, #tpu.memory_space<hbm>>
    %dma_start3A_801 = tpu.memref_slice %arg4[%add3A_795] : memref<9830400xf32, #tpu.memory_space<hbm>> -> memref<8192xf32, #tpu.memory_space<hbm>>
    tpu.enqueue_dma source(%arg13 : memref<8192xf32, #tpu.memory_space<vmem>>) target(%dma_start3A_801 : memref<8192xf32, #tpu.memory_space<hbm>>) target_semaphore(%arg22 : memref<!tpu.dma_semaphore, #tpu.memory_space<semaphore_mem>>)
    %dma_wait3A_802 = arith.constant 0 : i32
    %dma_wait3A_803 = tpu.memref_slice %arg9[%dma_wait3A_802] : memref<8192xi32, #tpu.memory_space<vmem>> -> memref<1024xi32, #tpu.memory_space<vmem>>
    %dma_wait3A_804 = tpu.memref_slice %arg2[%add3A_561] : memref<3276800xi32, #tpu.memory_space<hbm>> -> memref<1024xi32, #tpu.memory_space<hbm>>
    %dma_wait3A_805 = arith.constant 0 : i32
    %dma_wait3A_806 = tpu.memref_slice %arg9[%dma_wait3A_805] : memref<8192xi32, #tpu.memory_space<vmem>> -> memref<1024xi32, #tpu.memory_space<vmem>>
    %dma_wait3A_807 = tpu.memref_slice %arg2[%add3A_561] : memref<3276800xi32, #tpu.memory_space<hbm>> -> memref<1024xi32, #tpu.memory_space<hbm>>
    tpu.wait_dma2 semaphore(%arg20 : memref<!tpu.dma_semaphore, #tpu.memory_space<semaphore_mem>>) src(%dma_wait3A_807 : memref<1024xi32, #tpu.memory_space<hbm>>) dst(%dma_wait3A_806 : memref<1024xi32, #tpu.memory_space<vmem>>)
    %dma_wait3A_808 = arith.constant 1024 : i32
    %dma_wait3A_809 = tpu.memref_slice %arg9[%dma_wait3A_808] : memref<8192xi32, #tpu.memory_space<vmem>> -> memref<1024xi32, #tpu.memory_space<vmem>>
    %dma_wait3A_810 = tpu.memref_slice %arg2[%add3A_563] : memref<3276800xi32, #tpu.memory_space<hbm>> -> memref<1024xi32, #tpu.memory_space<hbm>>
    %dma_wait3A_811 = arith.constant 1024 : i32
    %dma_wait3A_812 = tpu.memref_slice %arg9[%dma_wait3A_811] : memref<8192xi32, #tpu.memory_space<vmem>> -> memref<1024xi32, #tpu.memory_space<vmem>>
    %dma_wait3A_813 = tpu.memref_slice %arg2[%add3A_563] : memref<3276800xi32, #tpu.memory_space<hbm>> -> memref<1024xi32, #tpu.memory_space<hbm>>
    tpu.wait_dma2 semaphore(%arg20 : memref<!tpu.dma_semaphore, #tpu.memory_space<semaphore_mem>>) src(%dma_wait3A_813 : memref<1024xi32, #tpu.memory_space<hbm>>) dst(%dma_wait3A_812 : memref<1024xi32, #tpu.memory_space<vmem>>)
    %dma_wait3A_814 = arith.constant 2048 : i32
    %dma_wait3A_815 = tpu.memref_slice %arg9[%dma_wait3A_814] : memref<8192xi32, #tpu.memory_space<vmem>> -> memref<1024xi32, #tpu.memory_space<vmem>>
    %dma_wait3A_816 = tpu.memref_slice %arg2[%add3A_565] : memref<3276800xi32, #tpu.memory_space<hbm>> -> memref<1024xi32, #tpu.memory_space<hbm>>
    %dma_wait3A_817 = arith.constant 2048 : i32
    %dma_wait3A_818 = tpu.memref_slice %arg9[%dma_wait3A_817] : memref<8192xi32, #tpu.memory_space<vmem>> -> memref<1024xi32, #tpu.memory_space<vmem>>
    %dma_wait3A_819 = tpu.memref_slice %arg2[%add3A_565] : memref<3276800xi32, #tpu.memory_space<hbm>> -> memref<1024xi32, #tpu.memory_space<hbm>>
    tpu.wait_dma2 semaphore(%arg20 : memref<!tpu.dma_semaphore, #tpu.memory_space<semaphore_mem>>) src(%dma_wait3A_819 : memref<1024xi32, #tpu.memory_space<hbm>>) dst(%dma_wait3A_818 : memref<1024xi32, #tpu.memory_space<vmem>>)
    %dma_wait3A_820 = arith.constant 3072 : i32
    %dma_wait3A_821 = tpu.memref_slice %arg9[%dma_wait3A_820] : memref<8192xi32, #tpu.memory_space<vmem>> -> memref<1024xi32, #tpu.memory_space<vmem>>
    %dma_wait3A_822 = tpu.memref_slice %arg2[%add3A_567] : memref<3276800xi32, #tpu.memory_space<hbm>> -> memref<1024xi32, #tpu.memory_space<hbm>>
    %dma_wait3A_823 = arith.constant 3072 : i32
    %dma_wait3A_824 = tpu.memref_slice %arg9[%dma_wait3A_823] : memref<8192xi32, #tpu.memory_space<vmem>> -> memref<1024xi32, #tpu.memory_space<vmem>>
    %dma_wait3A_825 = tpu.memref_slice %arg2[%add3A_567] : memref<3276800xi32, #tpu.memory_space<hbm>> -> memref<1024xi32, #tpu.memory_space<hbm>>
    tpu.wait_dma2 semaphore(%arg20 : memref<!tpu.dma_semaphore, #tpu.memory_space<semaphore_mem>>) src(%dma_wait3A_825 : memref<1024xi32, #tpu.memory_space<hbm>>) dst(%dma_wait3A_824 : memref<1024xi32, #tpu.memory_space<vmem>>)
    %dma_wait3A_826 = arith.constant 4096 : i32
    %dma_wait3A_827 = tpu.memref_slice %arg9[%dma_wait3A_826] : memref<8192xi32, #tpu.memory_space<vmem>> -> memref<1024xi32, #tpu.memory_space<vmem>>
    %dma_wait3A_828 = tpu.memref_slice %arg2[%add3A_569] : memref<3276800xi32, #tpu.memory_space<hbm>> -> memref<1024xi32, #tpu.memory_space<hbm>>
    %dma_wait3A_829 = arith.constant 4096 : i32
    %dma_wait3A_830 = tpu.memref_slice %arg9[%dma_wait3A_829] : memref<8192xi32, #tpu.memory_space<vmem>> -> memref<1024xi32, #tpu.memory_space<vmem>>
    %dma_wait3A_831 = tpu.memref_slice %arg2[%add3A_569] : memref<3276800xi32, #tpu.memory_space<hbm>> -> memref<1024xi32, #tpu.memory_space<hbm>>
    tpu.wait_dma2 semaphore(%arg20 : memref<!tpu.dma_semaphore, #tpu.memory_space<semaphore_mem>>) src(%dma_wait3A_831 : memref<1024xi32, #tpu.memory_space<hbm>>) dst(%dma_wait3A_830 : memref<1024xi32, #tpu.memory_space<vmem>>)
    %dma_wait3A_832 = arith.constant 5120 : i32
    %dma_wait3A_833 = tpu.memref_slice %arg9[%dma_wait3A_832] : memref<8192xi32, #tpu.memory_space<vmem>> -> memref<1024xi32, #tpu.memory_space<vmem>>
    %dma_wait3A_834 = tpu.memref_slice %arg2[%add3A_571] : memref<3276800xi32, #tpu.memory_space<hbm>> -> memref<1024xi32, #tpu.memory_space<hbm>>
    %dma_wait3A_835 = arith.constant 5120 : i32
    %dma_wait3A_836 = tpu.memref_slice %arg9[%dma_wait3A_835] : memref<8192xi32, #tpu.memory_space<vmem>> -> memref<1024xi32, #tpu.memory_space<vmem>>
    %dma_wait3A_837 = tpu.memref_slice %arg2[%add3A_571] : memref<3276800xi32, #tpu.memory_space<hbm>> -> memref<1024xi32, #tpu.memory_space<hbm>>
    tpu.wait_dma2 semaphore(%arg20 : memref<!tpu.dma_semaphore, #tpu.memory_space<semaphore_mem>>) src(%dma_wait3A_837 : memref<1024xi32, #tpu.memory_space<hbm>>) dst(%dma_wait3A_836 : memref<1024xi32, #tpu.memory_space<vmem>>)
    %dma_wait3A_838 = arith.constant 6144 : i32
    %dma_wait3A_839 = tpu.memref_slice %arg9[%dma_wait3A_838] : memref<8192xi32, #tpu.memory_space<vmem>> -> memref<1024xi32, #tpu.memory_space<vmem>>
    %dma_wait3A_840 = tpu.memref_slice %arg2[%add3A_573] : memref<3276800xi32, #tpu.memory_space<hbm>> -> memref<1024xi32, #tpu.memory_space<hbm>>
    %dma_wait3A_841 = arith.constant 6144 : i32
    %dma_wait3A_842 = tpu.memref_slice %arg9[%dma_wait3A_841] : memref<8192xi32, #tpu.memory_space<vmem>> -> memref<1024xi32, #tpu.memory_space<vmem>>
    %dma_wait3A_843 = tpu.memref_slice %arg2[%add3A_573] : memref<3276800xi32, #tpu.memory_space<hbm>> -> memref<1024xi32, #tpu.memory_space<hbm>>
    tpu.wait_dma2 semaphore(%arg20 : memref<!tpu.dma_semaphore, #tpu.memory_space<semaphore_mem>>) src(%dma_wait3A_843 : memref<1024xi32, #tpu.memory_space<hbm>>) dst(%dma_wait3A_842 : memref<1024xi32, #tpu.memory_space<vmem>>)
    %dma_wait3A_844 = arith.constant 7168 : i32
    %dma_wait3A_845 = tpu.memref_slice %arg9[%dma_wait3A_844] : memref<8192xi32, #tpu.memory_space<vmem>> -> memref<1024xi32, #tpu.memory_space<vmem>>
    %dma_wait3A_846 = tpu.memref_slice %arg2[%add3A_575] : memref<3276800xi32, #tpu.memory_space<hbm>> -> memref<1024xi32, #tpu.memory_space<hbm>>
    %dma_wait3A_847 = arith.constant 7168 : i32
    %dma_wait3A_848 = tpu.memref_slice %arg9[%dma_wait3A_847] : memref<8192xi32, #tpu.memory_space<vmem>> -> memref<1024xi32, #tpu.memory_space<vmem>>
    %dma_wait3A_849 = tpu.memref_slice %arg2[%add3A_575] : memref<3276800xi32, #tpu.memory_space<hbm>> -> memref<1024xi32, #tpu.memory_space<hbm>>
    tpu.wait_dma2 semaphore(%arg20 : memref<!tpu.dma_semaphore, #tpu.memory_space<semaphore_mem>>) src(%dma_wait3A_849 : memref<1024xi32, #tpu.memory_space<hbm>>) dst(%dma_wait3A_848 : memref<1024xi32, #tpu.memory_space<vmem>>)
    %dma_wait3A_850 = tpu.memref_slice %arg4[%add3A_487] : memref<9830400xf32, #tpu.memory_space<hbm>> -> memref<8192xf32, #tpu.memory_space<hbm>>
    %dma_wait3A_851 = tpu.memref_slice %arg4[%add3A_487] : memref<9830400xf32, #tpu.memory_space<hbm>> -> memref<8192xf32, #tpu.memory_space<hbm>>
    tpu.wait_dma2 semaphore(%arg23 : memref<!tpu.dma_semaphore, #tpu.memory_space<semaphore_mem>>) src(%arg14 : memref<8192xf32, #tpu.memory_space<vmem>>) dst(%dma_wait3A_851 : memref<8192xf32, #tpu.memory_space<hbm>>)
    %dma_wait3A_852 = tpu.memref_slice %arg4[%add3A_489] : memref<9830400xf32, #tpu.memory_space<hbm>> -> memref<8192xf32, #tpu.memory_space<hbm>>
    %dma_wait3A_853 = tpu.memref_slice %arg4[%add3A_489] : memref<9830400xf32, #tpu.memory_space<hbm>> -> memref<8192xf32, #tpu.memory_space<hbm>>
    tpu.wait_dma2 semaphore(%arg23 : memref<!tpu.dma_semaphore, #tpu.memory_space<semaphore_mem>>) src(%arg15 : memref<8192xf32, #tpu.memory_space<vmem>>) dst(%dma_wait3A_853 : memref<8192xf32, #tpu.memory_space<hbm>>)
    %dma_wait3A_854 = tpu.memref_slice %arg4[%add3A_491] : memref<9830400xf32, #tpu.memory_space<hbm>> -> memref<8192xf32, #tpu.memory_space<hbm>>
    %dma_wait3A_855 = tpu.memref_slice %arg4[%add3A_491] : memref<9830400xf32, #tpu.memory_space<hbm>> -> memref<8192xf32, #tpu.memory_space<hbm>>
    tpu.wait_dma2 semaphore(%arg23 : memref<!tpu.dma_semaphore, #tpu.memory_space<semaphore_mem>>) src(%arg16 : memref<8192xf32, #tpu.memory_space<vmem>>) dst(%dma_wait3A_855 : memref<8192xf32, #tpu.memory_space<hbm>>)
    %parallel_loop3A_856 = arith.constant 0 : i32
    %parallel_loop3A_857 = arith.constant 512 : i32
    %parallel_loop3A_858 = arith.constant 1 : i32
    scf.for %parallel_loop3A_2045 = %parallel_loop3A_856 to %parallel_loop3A_857 step %parallel_loop3A_858  : i32 {
      %parallel_loop3A_2046 = arith.constant 3 : i32
      %parallel_loop3A_2047 = arith.shrsi %parallel_loop3A_2045, %parallel_loop3A_2046 : i32
      %parallel_loop3A_2048 = arith.constant 7 : i32
      %parallel_loop3A_2049 = arith.andi %parallel_loop3A_2047, %parallel_loop3A_2048 : i32
      %parallel_loop3A_2050 = arith.constant 1024 : i32
      %parallel_loop3A_2051 = arith.muli %parallel_loop3A_2049, %parallel_loop3A_2050 : i32
      %parallel_loop3A_2052 = arith.constant 6 : i32
      %parallel_loop3A_2053 = arith.shrsi %parallel_loop3A_2045, %parallel_loop3A_2052 : i32
      %parallel_loop3A_2054 = arith.constant 128 : i32
      %parallel_loop3A_2055 = arith.muli %parallel_loop3A_2053, %parallel_loop3A_2054 : i32
      %parallel_loop3A_2056 = arith.addi %parallel_loop3A_2051, %parallel_loop3A_2055 : i32
      %parallel_loop3A_2057 = arith.constant 7 : i32
      %parallel_loop3A_2058 = arith.andi %parallel_loop3A_2045, %parallel_loop3A_2057 : i32
      %parallel_loop3A_2059 = arith.constant 16 : i32
      %parallel_loop3A_2060 = arith.muli %parallel_loop3A_2058, %parallel_loop3A_2059 : i32
      %parallel_loop3A_2061 = arith.addi %parallel_loop3A_2056, %parallel_loop3A_2060 : i32
      %parallel_loop3A_2062 = arith.constant 16 : i32
      %parallel_loop3A_2063 = arith.muli %parallel_loop3A_2045, %parallel_loop3A_2062 : i32
      %parallel_loop3A_2064 = arith.index_cast %parallel_loop3A_2061 : i32 to index
      %parallel_loop3A_2065 = tpu.vector_load %arg9[%parallel_loop3A_2064] {strides = array<i32>} : memref<8192xi32, #tpu.memory_space<vmem>>, vector<16xi32>,
      %parallel_loop3A_2066 = tpu.vector_load_idx %arg6[%parallel_loop3A_2065] : memref<1024xf32, #tpu.memory_space<vmem>>[vector<16xi32>], vector<16xf32>,
      %parallel_loop3A_2067 = arith.index_cast %parallel_loop3A_2063 : i32 to index
      %parallel_loop3A_2068 = tpu.vector_load %arg14[%parallel_loop3A_2067] {strides = array<i32>} : memref<8192xf32, #tpu.memory_space<vmem>>, vector<16xf32>,
      tpu.vector_store %arg14[%parallel_loop3A_2067], %parallel_loop3A_2066 {strides = array<i32>} : memref<8192xf32, #tpu.memory_space<vmem>>, vector<16xf32>,
      %parallel_loop3A_2069 = tpu.vector_load_idx %arg7[%parallel_loop3A_2065] : memref<1024xf32, #tpu.memory_space<vmem>>[vector<16xi32>], vector<16xf32>,
      %parallel_loop3A_2070 = arith.index_cast %parallel_loop3A_2063 : i32 to index
      %parallel_loop3A_2071 = tpu.vector_load %arg15[%parallel_loop3A_2070] {strides = array<i32>} : memref<8192xf32, #tpu.memory_space<vmem>>, vector<16xf32>,
      tpu.vector_store %arg15[%parallel_loop3A_2070], %parallel_loop3A_2069 {strides = array<i32>} : memref<8192xf32, #tpu.memory_space<vmem>>, vector<16xf32>,
      %parallel_loop3A_2072 = tpu.vector_load_idx %arg8[%parallel_loop3A_2065] : memref<1024xf32, #tpu.memory_space<vmem>>[vector<16xi32>], vector<16xf32>,
      %parallel_loop3A_2073 = arith.index_cast %parallel_loop3A_2063 : i32 to index
      %parallel_loop3A_2074 = tpu.vector_load %arg16[%parallel_loop3A_2073] {strides = array<i32>} : memref<8192xf32, #tpu.memory_space<vmem>>, vector<16xf32>,
      tpu.vector_store %arg16[%parallel_loop3A_2073], %parallel_loop3A_2072 {strides = array<i32>} : memref<8192xf32, #tpu.memory_space<vmem>>, vector<16xf32>,
    } {sc.loop_unroll_factor = 8 : i64, sc.parallel_access}
    %add3A_859 = arith.constant 192 : i32
    %add3A_860 = arith.addi %add3A, %add3A_859 : i32
    %shift_right_arithmetic3A_861 = arith.constant 4 : i32
    %shift_right_arithmetic3A_862 = arith.shrsi %add3A_860, %shift_right_arithmetic3A_861 : i32
    %and3A_863 = arith.constant 15 : i32
    %and3A_864 = arith.andi %add3A_860, %and3A_863 : i32
    %mul3A_865 = arith.constant 131072 : i32
    %mul3A_866 = arith.muli %shift_right_arithmetic3A_862, %mul3A_865 : i32
    %mul3A_867 = arith.constant 1024 : i32
    %mul3A_868 = arith.muli %and3A_864, %mul3A_867 : i32
    %add3A_869 = arith.addi %mul3A_866, %mul3A_868 : i32
    %add3A_870 = arith.constant 0 : i32
    %add3A_871 = arith.addi %add3A_869, %add3A_870 : i32
    %add3A_872 = arith.constant 16384 : i32
    %add3A_873 = arith.addi %add3A_869, %add3A_872 : i32
    %add3A_874 = arith.constant 32768 : i32
    %add3A_875 = arith.addi %add3A_869, %add3A_874 : i32
    %add3A_876 = arith.constant 49152 : i32
    %add3A_877 = arith.addi %add3A_869, %add3A_876 : i32
    %add3A_878 = arith.constant 65536 : i32
    %add3A_879 = arith.addi %add3A_869, %add3A_878 : i32
    %add3A_880 = arith.constant 81920 : i32
    %add3A_881 = arith.addi %add3A_869, %add3A_880 : i32
    %add3A_882 = arith.constant 98304 : i32
    %add3A_883 = arith.addi %add3A_869, %add3A_882 : i32
    %add3A_884 = arith.constant 114688 : i32
    %add3A_885 = arith.addi %add3A_869, %add3A_884 : i32
    %dma_start3A_886 = arith.constant 0 : i32
    %dma_start3A_887 = tpu.memref_slice %arg9[%dma_start3A_886] : memref<8192xi32, #tpu.memory_space<vmem>> -> memref<1024xi32, #tpu.memory_space<vmem>>
    %dma_start3A_888 = tpu.memref_slice %arg2[%add3A_871] : memref<3276800xi32, #tpu.memory_space<hbm>> -> memref<1024xi32, #tpu.memory_space<hbm>>
    %dma_start3A_889 = arith.constant 0 : i32
    %dma_start3A_890 = tpu.memref_slice %arg9[%dma_start3A_889] : memref<8192xi32, #tpu.memory_space<vmem>> -> memref<1024xi32, #tpu.memory_space<vmem>>
    %dma_start3A_891 = tpu.memref_slice %arg2[%add3A_871] : memref<3276800xi32, #tpu.memory_space<hbm>> -> memref<1024xi32, #tpu.memory_space<hbm>>
    tpu.enqueue_dma source(%dma_start3A_891 : memref<1024xi32, #tpu.memory_space<hbm>>) target(%dma_start3A_890 : memref<1024xi32, #tpu.memory_space<vmem>>) target_semaphore(%arg20 : memref<!tpu.dma_semaphore, #tpu.memory_space<semaphore_mem>>)
    %dma_start3A_892 = arith.constant 1024 : i32
    %dma_start3A_893 = tpu.memref_slice %arg9[%dma_start3A_892] : memref<8192xi32, #tpu.memory_space<vmem>> -> memref<1024xi32, #tpu.memory_space<vmem>>
    %dma_start3A_894 = tpu.memref_slice %arg2[%add3A_873] : memref<3276800xi32, #tpu.memory_space<hbm>> -> memref<1024xi32, #tpu.memory_space<hbm>>
    %dma_start3A_895 = arith.constant 1024 : i32
    %dma_start3A_896 = tpu.memref_slice %arg9[%dma_start3A_895] : memref<8192xi32, #tpu.memory_space<vmem>> -> memref<1024xi32, #tpu.memory_space<vmem>>
    %dma_start3A_897 = tpu.memref_slice %arg2[%add3A_873] : memref<3276800xi32, #tpu.memory_space<hbm>> -> memref<1024xi32, #tpu.memory_space<hbm>>
    tpu.enqueue_dma source(%dma_start3A_897 : memref<1024xi32, #tpu.memory_space<hbm>>) target(%dma_start3A_896 : memref<1024xi32, #tpu.memory_space<vmem>>) target_semaphore(%arg20 : memref<!tpu.dma_semaphore, #tpu.memory_space<semaphore_mem>>)
    %dma_start3A_898 = arith.constant 2048 : i32
    %dma_start3A_899 = tpu.memref_slice %arg9[%dma_start3A_898] : memref<8192xi32, #tpu.memory_space<vmem>> -> memref<1024xi32, #tpu.memory_space<vmem>>
    %dma_start3A_900 = tpu.memref_slice %arg2[%add3A_875] : memref<3276800xi32, #tpu.memory_space<hbm>> -> memref<1024xi32, #tpu.memory_space<hbm>>
    %dma_start3A_901 = arith.constant 2048 : i32
    %dma_start3A_902 = tpu.memref_slice %arg9[%dma_start3A_901] : memref<8192xi32, #tpu.memory_space<vmem>> -> memref<1024xi32, #tpu.memory_space<vmem>>
    %dma_start3A_903 = tpu.memref_slice %arg2[%add3A_875] : memref<3276800xi32, #tpu.memory_space<hbm>> -> memref<1024xi32, #tpu.memory_space<hbm>>
    tpu.enqueue_dma source(%dma_start3A_903 : memref<1024xi32, #tpu.memory_space<hbm>>) target(%dma_start3A_902 : memref<1024xi32, #tpu.memory_space<vmem>>) target_semaphore(%arg20 : memref<!tpu.dma_semaphore, #tpu.memory_space<semaphore_mem>>)
    %dma_start3A_904 = arith.constant 3072 : i32
    %dma_start3A_905 = tpu.memref_slice %arg9[%dma_start3A_904] : memref<8192xi32, #tpu.memory_space<vmem>> -> memref<1024xi32, #tpu.memory_space<vmem>>
    %dma_start3A_906 = tpu.memref_slice %arg2[%add3A_877] : memref<3276800xi32, #tpu.memory_space<hbm>> -> memref<1024xi32, #tpu.memory_space<hbm>>
    %dma_start3A_907 = arith.constant 3072 : i32
    %dma_start3A_908 = tpu.memref_slice %arg9[%dma_start3A_907] : memref<8192xi32, #tpu.memory_space<vmem>> -> memref<1024xi32, #tpu.memory_space<vmem>>
    %dma_start3A_909 = tpu.memref_slice %arg2[%add3A_877] : memref<3276800xi32, #tpu.memory_space<hbm>> -> memref<1024xi32, #tpu.memory_space<hbm>>
    tpu.enqueue_dma source(%dma_start3A_909 : memref<1024xi32, #tpu.memory_space<hbm>>) target(%dma_start3A_908 : memref<1024xi32, #tpu.memory_space<vmem>>) target_semaphore(%arg20 : memref<!tpu.dma_semaphore, #tpu.memory_space<semaphore_mem>>)
    %dma_start3A_910 = arith.constant 4096 : i32
    %dma_start3A_911 = tpu.memref_slice %arg9[%dma_start3A_910] : memref<8192xi32, #tpu.memory_space<vmem>> -> memref<1024xi32, #tpu.memory_space<vmem>>
    %dma_start3A_912 = tpu.memref_slice %arg2[%add3A_879] : memref<3276800xi32, #tpu.memory_space<hbm>> -> memref<1024xi32, #tpu.memory_space<hbm>>
    %dma_start3A_913 = arith.constant 4096 : i32
    %dma_start3A_914 = tpu.memref_slice %arg9[%dma_start3A_913] : memref<8192xi32, #tpu.memory_space<vmem>> -> memref<1024xi32, #tpu.memory_space<vmem>>
    %dma_start3A_915 = tpu.memref_slice %arg2[%add3A_879] : memref<3276800xi32, #tpu.memory_space<hbm>> -> memref<1024xi32, #tpu.memory_space<hbm>>
    tpu.enqueue_dma source(%dma_start3A_915 : memref<1024xi32, #tpu.memory_space<hbm>>) target(%dma_start3A_914 : memref<1024xi32, #tpu.memory_space<vmem>>) target_semaphore(%arg20 : memref<!tpu.dma_semaphore, #tpu.memory_space<semaphore_mem>>)
    %dma_start3A_916 = arith.constant 5120 : i32
    %dma_start3A_917 = tpu.memref_slice %arg9[%dma_start3A_916] : memref<8192xi32, #tpu.memory_space<vmem>> -> memref<1024xi32, #tpu.memory_space<vmem>>
    %dma_start3A_918 = tpu.memref_slice %arg2[%add3A_881] : memref<3276800xi32, #tpu.memory_space<hbm>> -> memref<1024xi32, #tpu.memory_space<hbm>>
    %dma_start3A_919 = arith.constant 5120 : i32
    %dma_start3A_920 = tpu.memref_slice %arg9[%dma_start3A_919] : memref<8192xi32, #tpu.memory_space<vmem>> -> memref<1024xi32, #tpu.memory_space<vmem>>
    %dma_start3A_921 = tpu.memref_slice %arg2[%add3A_881] : memref<3276800xi32, #tpu.memory_space<hbm>> -> memref<1024xi32, #tpu.memory_space<hbm>>
    tpu.enqueue_dma source(%dma_start3A_921 : memref<1024xi32, #tpu.memory_space<hbm>>) target(%dma_start3A_920 : memref<1024xi32, #tpu.memory_space<vmem>>) target_semaphore(%arg20 : memref<!tpu.dma_semaphore, #tpu.memory_space<semaphore_mem>>)
    %dma_start3A_922 = arith.constant 6144 : i32
    %dma_start3A_923 = tpu.memref_slice %arg9[%dma_start3A_922] : memref<8192xi32, #tpu.memory_space<vmem>> -> memref<1024xi32, #tpu.memory_space<vmem>>
    %dma_start3A_924 = tpu.memref_slice %arg2[%add3A_883] : memref<3276800xi32, #tpu.memory_space<hbm>> -> memref<1024xi32, #tpu.memory_space<hbm>>
    %dma_start3A_925 = arith.constant 6144 : i32
    %dma_start3A_926 = tpu.memref_slice %arg9[%dma_start3A_925] : memref<8192xi32, #tpu.memory_space<vmem>> -> memref<1024xi32, #tpu.memory_space<vmem>>
    %dma_start3A_927 = tpu.memref_slice %arg2[%add3A_883] : memref<3276800xi32, #tpu.memory_space<hbm>> -> memref<1024xi32, #tpu.memory_space<hbm>>
    tpu.enqueue_dma source(%dma_start3A_927 : memref<1024xi32, #tpu.memory_space<hbm>>) target(%dma_start3A_926 : memref<1024xi32, #tpu.memory_space<vmem>>) target_semaphore(%arg20 : memref<!tpu.dma_semaphore, #tpu.memory_space<semaphore_mem>>)
    %dma_start3A_928 = arith.constant 7168 : i32
    %dma_start3A_929 = tpu.memref_slice %arg9[%dma_start3A_928] : memref<8192xi32, #tpu.memory_space<vmem>> -> memref<1024xi32, #tpu.memory_space<vmem>>
    %dma_start3A_930 = tpu.memref_slice %arg2[%add3A_885] : memref<3276800xi32, #tpu.memory_space<hbm>> -> memref<1024xi32, #tpu.memory_space<hbm>>
    %dma_start3A_931 = arith.constant 7168 : i32
    %dma_start3A_932 = tpu.memref_slice %arg9[%dma_start3A_931] : memref<8192xi32, #tpu.memory_space<vmem>> -> memref<1024xi32, #tpu.memory_space<vmem>>
    %dma_start3A_933 = tpu.memref_slice %arg2[%add3A_885] : memref<3276800xi32, #tpu.memory_space<hbm>> -> memref<1024xi32, #tpu.memory_space<hbm>>
    tpu.enqueue_dma source(%dma_start3A_933 : memref<1024xi32, #tpu.memory_space<hbm>>) target(%dma_start3A_932 : memref<1024xi32, #tpu.memory_space<vmem>>) target_semaphore(%arg20 : memref<!tpu.dma_semaphore, #tpu.memory_space<semaphore_mem>>)
    %add3A_934 = arith.constant 128 : i32
    %add3A_935 = arith.addi %add3A, %add3A_934 : i32
    %shift_right_arithmetic3A_936 = arith.constant 4 : i32
    %shift_right_arithmetic3A_937 = arith.shrsi %add3A_935, %shift_right_arithmetic3A_936 : i32
    %and3A_938 = arith.constant 15 : i32
    %and3A_939 = arith.andi %add3A_935, %and3A_938 : i32
    %mul3A_940 = arith.constant 131072 : i32
    %mul3A_941 = arith.muli %shift_right_arithmetic3A_937, %mul3A_940 : i32
    %mul3A_942 = arith.constant 8192 : i32
    %mul3A_943 = arith.muli %and3A_939, %mul3A_942 : i32
    %add3A_944 = arith.addi %mul3A_941, %mul3A_943 : i32
    %add3A_945 = arith.constant 0 : i32
    %add3A_946 = arith.addi %add3A_945, %add3A_944 : i32
    %add3A_947 = arith.constant 3276800 : i32
    %add3A_948 = arith.addi %add3A_947, %add3A_944 : i32
    %add3A_949 = arith.constant 6553600 : i32
    %add3A_950 = arith.addi %add3A_949, %add3A_944 : i32
    %dma_start3A_951 = tpu.memref_slice %arg4[%add3A_946] : memref<9830400xf32, #tpu.memory_space<hbm>> -> memref<8192xf32, #tpu.memory_space<hbm>>
    %dma_start3A_952 = tpu.memref_slice %arg4[%add3A_946] : memref<9830400xf32, #tpu.memory_space<hbm>> -> memref<8192xf32, #tpu.memory_space<hbm>>
    tpu.enqueue_dma source(%arg14 : memref<8192xf32, #tpu.memory_space<vmem>>) target(%dma_start3A_952 : memref<8192xf32, #tpu.memory_space<hbm>>) target_semaphore(%arg23 : memref<!tpu.dma_semaphore, #tpu.memory_space<semaphore_mem>>)
    %dma_start3A_953 = tpu.memref_slice %arg4[%add3A_948] : memref<9830400xf32, #tpu.memory_space<hbm>> -> memref<8192xf32, #tpu.memory_space<hbm>>
    %dma_start3A_954 = tpu.memref_slice %arg4[%add3A_948] : memref<9830400xf32, #tpu.memory_space<hbm>> -> memref<8192xf32, #tpu.memory_space<hbm>>
    tpu.enqueue_dma source(%arg15 : memref<8192xf32, #tpu.memory_space<vmem>>) target(%dma_start3A_954 : memref<8192xf32, #tpu.memory_space<hbm>>) target_semaphore(%arg23 : memref<!tpu.dma_semaphore, #tpu.memory_space<semaphore_mem>>)
    %dma_start3A_955 = tpu.memref_slice %arg4[%add3A_950] : memref<9830400xf32, #tpu.memory_space<hbm>> -> memref<8192xf32, #tpu.memory_space<hbm>>
    %dma_start3A_956 = tpu.memref_slice %arg4[%add3A_950] : memref<9830400xf32, #tpu.memory_space<hbm>> -> memref<8192xf32, #tpu.memory_space<hbm>>
    tpu.enqueue_dma source(%arg16 : memref<8192xf32, #tpu.memory_space<vmem>>) target(%dma_start3A_956 : memref<8192xf32, #tpu.memory_space<hbm>>) target_semaphore(%arg23 : memref<!tpu.dma_semaphore, #tpu.memory_space<semaphore_mem>>)
    %dma_wait3A_957 = arith.constant 0 : i32
    %dma_wait3A_958 = tpu.memref_slice %arg10[%dma_wait3A_957] : memref<8192xi32, #tpu.memory_space<vmem>> -> memref<1024xi32, #tpu.memory_space<vmem>>
    %dma_wait3A_959 = tpu.memref_slice %arg2[%add3A_716] : memref<3276800xi32, #tpu.memory_space<hbm>> -> memref<1024xi32, #tpu.memory_space<hbm>>
    %dma_wait3A_960 = arith.constant 0 : i32
    %dma_wait3A_961 = tpu.memref_slice %arg10[%dma_wait3A_960] : memref<8192xi32, #tpu.memory_space<vmem>> -> memref<1024xi32, #tpu.memory_space<vmem>>
    %dma_wait3A_962 = tpu.memref_slice %arg2[%add3A_716] : memref<3276800xi32, #tpu.memory_space<hbm>> -> memref<1024xi32, #tpu.memory_space<hbm>>
    tpu.wait_dma2 semaphore(%arg21 : memref<!tpu.dma_semaphore, #tpu.memory_space<semaphore_mem>>) src(%dma_wait3A_962 : memref<1024xi32, #tpu.memory_space<hbm>>) dst(%dma_wait3A_961 : memref<1024xi32, #tpu.memory_space<vmem>>)
    %dma_wait3A_963 = arith.constant 1024 : i32
    %dma_wait3A_964 = tpu.memref_slice %arg10[%dma_wait3A_963] : memref<8192xi32, #tpu.memory_space<vmem>> -> memref<1024xi32, #tpu.memory_space<vmem>>
    %dma_wait3A_965 = tpu.memref_slice %arg2[%add3A_718] : memref<3276800xi32, #tpu.memory_space<hbm>> -> memref<1024xi32, #tpu.memory_space<hbm>>
    %dma_wait3A_966 = arith.constant 1024 : i32
    %dma_wait3A_967 = tpu.memref_slice %arg10[%dma_wait3A_966] : memref<8192xi32, #tpu.memory_space<vmem>> -> memref<1024xi32, #tpu.memory_space<vmem>>
    %dma_wait3A_968 = tpu.memref_slice %arg2[%add3A_718] : memref<3276800xi32, #tpu.memory_space<hbm>> -> memref<1024xi32, #tpu.memory_space<hbm>>
    tpu.wait_dma2 semaphore(%arg21 : memref<!tpu.dma_semaphore, #tpu.memory_space<semaphore_mem>>) src(%dma_wait3A_968 : memref<1024xi32, #tpu.memory_space<hbm>>) dst(%dma_wait3A_967 : memref<1024xi32, #tpu.memory_space<vmem>>)
    %dma_wait3A_969 = arith.constant 2048 : i32
    %dma_wait3A_970 = tpu.memref_slice %arg10[%dma_wait3A_969] : memref<8192xi32, #tpu.memory_space<vmem>> -> memref<1024xi32, #tpu.memory_space<vmem>>
    %dma_wait3A_971 = tpu.memref_slice %arg2[%add3A_720] : memref<3276800xi32, #tpu.memory_space<hbm>> -> memref<1024xi32, #tpu.memory_space<hbm>>
    %dma_wait3A_972 = arith.constant 2048 : i32
    %dma_wait3A_973 = tpu.memref_slice %arg10[%dma_wait3A_972] : memref<8192xi32, #tpu.memory_space<vmem>> -> memref<1024xi32, #tpu.memory_space<vmem>>
    %dma_wait3A_974 = tpu.memref_slice %arg2[%add3A_720] : memref<3276800xi32, #tpu.memory_space<hbm>> -> memref<1024xi32, #tpu.memory_space<hbm>>
    tpu.wait_dma2 semaphore(%arg21 : memref<!tpu.dma_semaphore, #tpu.memory_space<semaphore_mem>>) src(%dma_wait3A_974 : memref<1024xi32, #tpu.memory_space<hbm>>) dst(%dma_wait3A_973 : memref<1024xi32, #tpu.memory_space<vmem>>)
    %dma_wait3A_975 = arith.constant 3072 : i32
    %dma_wait3A_976 = tpu.memref_slice %arg10[%dma_wait3A_975] : memref<8192xi32, #tpu.memory_space<vmem>> -> memref<1024xi32, #tpu.memory_space<vmem>>
    %dma_wait3A_977 = tpu.memref_slice %arg2[%add3A_722] : memref<3276800xi32, #tpu.memory_space<hbm>> -> memref<1024xi32, #tpu.memory_space<hbm>>
    %dma_wait3A_978 = arith.constant 3072 : i32
    %dma_wait3A_979 = tpu.memref_slice %arg10[%dma_wait3A_978] : memref<8192xi32, #tpu.memory_space<vmem>> -> memref<1024xi32, #tpu.memory_space<vmem>>
    %dma_wait3A_980 = tpu.memref_slice %arg2[%add3A_722] : memref<3276800xi32, #tpu.memory_space<hbm>> -> memref<1024xi32, #tpu.memory_space<hbm>>
    tpu.wait_dma2 semaphore(%arg21 : memref<!tpu.dma_semaphore, #tpu.memory_space<semaphore_mem>>) src(%dma_wait3A_980 : memref<1024xi32, #tpu.memory_space<hbm>>) dst(%dma_wait3A_979 : memref<1024xi32, #tpu.memory_space<vmem>>)
    %dma_wait3A_981 = arith.constant 4096 : i32
    %dma_wait3A_982 = tpu.memref_slice %arg10[%dma_wait3A_981] : memref<8192xi32, #tpu.memory_space<vmem>> -> memref<1024xi32, #tpu.memory_space<vmem>>
    %dma_wait3A_983 = tpu.memref_slice %arg2[%add3A_724] : memref<3276800xi32, #tpu.memory_space<hbm>> -> memref<1024xi32, #tpu.memory_space<hbm>>
    %dma_wait3A_984 = arith.constant 4096 : i32
    %dma_wait3A_985 = tpu.memref_slice %arg10[%dma_wait3A_984] : memref<8192xi32, #tpu.memory_space<vmem>> -> memref<1024xi32, #tpu.memory_space<vmem>>
    %dma_wait3A_986 = tpu.memref_slice %arg2[%add3A_724] : memref<3276800xi32, #tpu.memory_space<hbm>> -> memref<1024xi32, #tpu.memory_space<hbm>>
    tpu.wait_dma2 semaphore(%arg21 : memref<!tpu.dma_semaphore, #tpu.memory_space<semaphore_mem>>) src(%dma_wait3A_986 : memref<1024xi32, #tpu.memory_space<hbm>>) dst(%dma_wait3A_985 : memref<1024xi32, #tpu.memory_space<vmem>>)
    %dma_wait3A_987 = arith.constant 5120 : i32
    %dma_wait3A_988 = tpu.memref_slice %arg10[%dma_wait3A_987] : memref<8192xi32, #tpu.memory_space<vmem>> -> memref<1024xi32, #tpu.memory_space<vmem>>
    %dma_wait3A_989 = tpu.memref_slice %arg2[%add3A_726] : memref<3276800xi32, #tpu.memory_space<hbm>> -> memref<1024xi32, #tpu.memory_space<hbm>>
    %dma_wait3A_990 = arith.constant 5120 : i32
    %dma_wait3A_991 = tpu.memref_slice %arg10[%dma_wait3A_990] : memref<8192xi32, #tpu.memory_space<vmem>> -> memref<1024xi32, #tpu.memory_space<vmem>>
    %dma_wait3A_992 = tpu.memref_slice %arg2[%add3A_726] : memref<3276800xi32, #tpu.memory_space<hbm>> -> memref<1024xi32, #tpu.memory_space<hbm>>
    tpu.wait_dma2 semaphore(%arg21 : memref<!tpu.dma_semaphore, #tpu.memory_space<semaphore_mem>>) src(%dma_wait3A_992 : memref<1024xi32, #tpu.memory_space<hbm>>) dst(%dma_wait3A_991 : memref<1024xi32, #tpu.memory_space<vmem>>)
    %dma_wait3A_993 = arith.constant 6144 : i32
    %dma_wait3A_994 = tpu.memref_slice %arg10[%dma_wait3A_993] : memref<8192xi32, #tpu.memory_space<vmem>> -> memref<1024xi32, #tpu.memory_space<vmem>>
    %dma_wait3A_995 = tpu.memref_slice %arg2[%add3A_728] : memref<3276800xi32, #tpu.memory_space<hbm>> -> memref<1024xi32, #tpu.memory_space<hbm>>
    %dma_wait3A_996 = arith.constant 6144 : i32
    %dma_wait3A_997 = tpu.memref_slice %arg10[%dma_wait3A_996] : memref<8192xi32, #tpu.memory_space<vmem>> -> memref<1024xi32, #tpu.memory_space<vmem>>
    %dma_wait3A_998 = tpu.memref_slice %arg2[%add3A_728] : memref<3276800xi32, #tpu.memory_space<hbm>> -> memref<1024xi32, #tpu.memory_space<hbm>>
    tpu.wait_dma2 semaphore(%arg21 : memref<!tpu.dma_semaphore, #tpu.memory_space<semaphore_mem>>) src(%dma_wait3A_998 : memref<1024xi32, #tpu.memory_space<hbm>>) dst(%dma_wait3A_997 : memref<1024xi32, #tpu.memory_space<vmem>>)
    %dma_wait3A_999 = arith.constant 7168 : i32
    %dma_wait3A_1000 = tpu.memref_slice %arg10[%dma_wait3A_999] : memref<8192xi32, #tpu.memory_space<vmem>> -> memref<1024xi32, #tpu.memory_space<vmem>>
    %dma_wait3A_1001 = tpu.memref_slice %arg2[%add3A_730] : memref<3276800xi32, #tpu.memory_space<hbm>> -> memref<1024xi32, #tpu.memory_space<hbm>>
    %dma_wait3A_1002 = arith.constant 7168 : i32
    %dma_wait3A_1003 = tpu.memref_slice %arg10[%dma_wait3A_1002] : memref<8192xi32, #tpu.memory_space<vmem>> -> memref<1024xi32, #tpu.memory_space<vmem>>
    %dma_wait3A_1004 = tpu.memref_slice %arg2[%add3A_730] : memref<3276800xi32, #tpu.memory_space<hbm>> -> memref<1024xi32, #tpu.memory_space<hbm>>
    tpu.wait_dma2 semaphore(%arg21 : memref<!tpu.dma_semaphore, #tpu.memory_space<semaphore_mem>>) src(%dma_wait3A_1004 : memref<1024xi32, #tpu.memory_space<hbm>>) dst(%dma_wait3A_1003 : memref<1024xi32, #tpu.memory_space<vmem>>)
    %dma_wait3A_1005 = tpu.memref_slice %arg4[%add3A_636] : memref<9830400xf32, #tpu.memory_space<hbm>> -> memref<8192xf32, #tpu.memory_space<hbm>>
    %dma_wait3A_1006 = tpu.memref_slice %arg4[%add3A_636] : memref<9830400xf32, #tpu.memory_space<hbm>> -> memref<8192xf32, #tpu.memory_space<hbm>>
    tpu.wait_dma2 semaphore(%arg24 : memref<!tpu.dma_semaphore, #tpu.memory_space<semaphore_mem>>) src(%arg17 : memref<8192xf32, #tpu.memory_space<vmem>>) dst(%dma_wait3A_1006 : memref<8192xf32, #tpu.memory_space<hbm>>)
    %dma_wait3A_1007 = tpu.memref_slice %arg4[%add3A_638] : memref<9830400xf32, #tpu.memory_space<hbm>> -> memref<8192xf32, #tpu.memory_space<hbm>>
    %dma_wait3A_1008 = tpu.memref_slice %arg4[%add3A_638] : memref<9830400xf32, #tpu.memory_space<hbm>> -> memref<8192xf32, #tpu.memory_space<hbm>>
    tpu.wait_dma2 semaphore(%arg24 : memref<!tpu.dma_semaphore, #tpu.memory_space<semaphore_mem>>) src(%arg18 : memref<8192xf32, #tpu.memory_space<vmem>>) dst(%dma_wait3A_1008 : memref<8192xf32, #tpu.memory_space<hbm>>)
    %dma_wait3A_1009 = tpu.memref_slice %arg4[%add3A_640] : memref<9830400xf32, #tpu.memory_space<hbm>> -> memref<8192xf32, #tpu.memory_space<hbm>>
    %dma_wait3A_1010 = tpu.memref_slice %arg4[%add3A_640] : memref<9830400xf32, #tpu.memory_space<hbm>> -> memref<8192xf32, #tpu.memory_space<hbm>>
    tpu.wait_dma2 semaphore(%arg24 : memref<!tpu.dma_semaphore, #tpu.memory_space<semaphore_mem>>) src(%arg19 : memref<8192xf32, #tpu.memory_space<vmem>>) dst(%dma_wait3A_1010 : memref<8192xf32, #tpu.memory_space<hbm>>)
    %parallel_loop3A_1011 = arith.constant 0 : i32
    %parallel_loop3A_1012 = arith.constant 512 : i32
    %parallel_loop3A_1013 = arith.constant 1 : i32
    scf.for %parallel_loop3A_2045 = %parallel_loop3A_1011 to %parallel_loop3A_1012 step %parallel_loop3A_1013  : i32 {
      %parallel_loop3A_2046 = arith.constant 3 : i32
      %parallel_loop3A_2047 = arith.shrsi %parallel_loop3A_2045, %parallel_loop3A_2046 : i32
      %parallel_loop3A_2048 = arith.constant 7 : i32
      %parallel_loop3A_2049 = arith.andi %parallel_loop3A_2047, %parallel_loop3A_2048 : i32
      %parallel_loop3A_2050 = arith.constant 1024 : i32
      %parallel_loop3A_2051 = arith.muli %parallel_loop3A_2049, %parallel_loop3A_2050 : i32
      %parallel_loop3A_2052 = arith.constant 6 : i32
      %parallel_loop3A_2053 = arith.shrsi %parallel_loop3A_2045, %parallel_loop3A_2052 : i32
      %parallel_loop3A_2054 = arith.constant 128 : i32
      %parallel_loop3A_2055 = arith.muli %parallel_loop3A_2053, %parallel_loop3A_2054 : i32
      %parallel_loop3A_2056 = arith.addi %parallel_loop3A_2051, %parallel_loop3A_2055 : i32
      %parallel_loop3A_2057 = arith.constant 7 : i32
      %parallel_loop3A_2058 = arith.andi %parallel_loop3A_2045, %parallel_loop3A_2057 : i32
      %parallel_loop3A_2059 = arith.constant 16 : i32
      %parallel_loop3A_2060 = arith.muli %parallel_loop3A_2058, %parallel_loop3A_2059 : i32
      %parallel_loop3A_2061 = arith.addi %parallel_loop3A_2056, %parallel_loop3A_2060 : i32
      %parallel_loop3A_2062 = arith.constant 16 : i32
      %parallel_loop3A_2063 = arith.muli %parallel_loop3A_2045, %parallel_loop3A_2062 : i32
      %parallel_loop3A_2064 = arith.index_cast %parallel_loop3A_2061 : i32 to index
      %parallel_loop3A_2065 = tpu.vector_load %arg10[%parallel_loop3A_2064] {strides = array<i32>} : memref<8192xi32, #tpu.memory_space<vmem>>, vector<16xi32>,
      %parallel_loop3A_2066 = tpu.vector_load_idx %arg6[%parallel_loop3A_2065] : memref<1024xf32, #tpu.memory_space<vmem>>[vector<16xi32>], vector<16xf32>,
      %parallel_loop3A_2067 = arith.index_cast %parallel_loop3A_2063 : i32 to index
      %parallel_loop3A_2068 = tpu.vector_load %arg17[%parallel_loop3A_2067] {strides = array<i32>} : memref<8192xf32, #tpu.memory_space<vmem>>, vector<16xf32>,
      tpu.vector_store %arg17[%parallel_loop3A_2067], %parallel_loop3A_2066 {strides = array<i32>} : memref<8192xf32, #tpu.memory_space<vmem>>, vector<16xf32>,
      %parallel_loop3A_2069 = tpu.vector_load_idx %arg7[%parallel_loop3A_2065] : memref<1024xf32, #tpu.memory_space<vmem>>[vector<16xi32>], vector<16xf32>,
      %parallel_loop3A_2070 = arith.index_cast %parallel_loop3A_2063 : i32 to index
      %parallel_loop3A_2071 = tpu.vector_load %arg18[%parallel_loop3A_2070] {strides = array<i32>} : memref<8192xf32, #tpu.memory_space<vmem>>, vector<16xf32>,
      tpu.vector_store %arg18[%parallel_loop3A_2070], %parallel_loop3A_2069 {strides = array<i32>} : memref<8192xf32, #tpu.memory_space<vmem>>, vector<16xf32>,
      %parallel_loop3A_2072 = tpu.vector_load_idx %arg8[%parallel_loop3A_2065] : memref<1024xf32, #tpu.memory_space<vmem>>[vector<16xi32>], vector<16xf32>,
      %parallel_loop3A_2073 = arith.index_cast %parallel_loop3A_2063 : i32 to index
      %parallel_loop3A_2074 = tpu.vector_load %arg19[%parallel_loop3A_2073] {strides = array<i32>} : memref<8192xf32, #tpu.memory_space<vmem>>, vector<16xf32>,
      tpu.vector_store %arg19[%parallel_loop3A_2073], %parallel_loop3A_2072 {strides = array<i32>} : memref<8192xf32, #tpu.memory_space<vmem>>, vector<16xf32>,
    } {sc.loop_unroll_factor = 8 : i64, sc.parallel_access}
    %add3A_1014 = arith.constant 224 : i32
    %add3A_1015 = arith.addi %add3A, %add3A_1014 : i32
    %shift_right_arithmetic3A_1016 = arith.constant 4 : i32
    %shift_right_arithmetic3A_1017 = arith.shrsi %add3A_1015, %shift_right_arithmetic3A_1016 : i32
    %and3A_1018 = arith.constant 15 : i32
    %and3A_1019 = arith.andi %add3A_1015, %and3A_1018 : i32
    %mul3A_1020 = arith.constant 131072 : i32
    %mul3A_1021 = arith.muli %shift_right_arithmetic3A_1017, %mul3A_1020 : i32
    %mul3A_1022 = arith.constant 1024 : i32
    %mul3A_1023 = arith.muli %and3A_1019, %mul3A_1022 : i32
    %add3A_1024 = arith.addi %mul3A_1021, %mul3A_1023 : i32
    %add3A_1025 = arith.constant 0 : i32
    %add3A_1026 = arith.addi %add3A_1024, %add3A_1025 : i32
    %add3A_1027 = arith.constant 16384 : i32
    %add3A_1028 = arith.addi %add3A_1024, %add3A_1027 : i32
    %add3A_1029 = arith.constant 32768 : i32
    %add3A_1030 = arith.addi %add3A_1024, %add3A_1029 : i32
    %add3A_1031 = arith.constant 49152 : i32
    %add3A_1032 = arith.addi %add3A_1024, %add3A_1031 : i32
    %add3A_1033 = arith.constant 65536 : i32
    %add3A_1034 = arith.addi %add3A_1024, %add3A_1033 : i32
    %add3A_1035 = arith.constant 81920 : i32
    %add3A_1036 = arith.addi %add3A_1024, %add3A_1035 : i32
    %add3A_1037 = arith.constant 98304 : i32
    %add3A_1038 = arith.addi %add3A_1024, %add3A_1037 : i32
    %add3A_1039 = arith.constant 114688 : i32
    %add3A_1040 = arith.addi %add3A_1024, %add3A_1039 : i32
    %dma_start3A_1041 = arith.constant 0 : i32
    %dma_start3A_1042 = tpu.memref_slice %arg10[%dma_start3A_1041] : memref<8192xi32, #tpu.memory_space<vmem>> -> memref<1024xi32, #tpu.memory_space<vmem>>
    %dma_start3A_1043 = tpu.memref_slice %arg2[%add3A_1026] : memref<3276800xi32, #tpu.memory_space<hbm>> -> memref<1024xi32, #tpu.memory_space<hbm>>
    %dma_start3A_1044 = arith.constant 0 : i32
    %dma_start3A_1045 = tpu.memref_slice %arg10[%dma_start3A_1044] : memref<8192xi32, #tpu.memory_space<vmem>> -> memref<1024xi32, #tpu.memory_space<vmem>>
    %dma_start3A_1046 = tpu.memref_slice %arg2[%add3A_1026] : memref<3276800xi32, #tpu.memory_space<hbm>> -> memref<1024xi32, #tpu.memory_space<hbm>>
    tpu.enqueue_dma source(%dma_start3A_1046 : memref<1024xi32, #tpu.memory_space<hbm>>) target(%dma_start3A_1045 : memref<1024xi32, #tpu.memory_space<vmem>>) target_semaphore(%arg21 : memref<!tpu.dma_semaphore, #tpu.memory_space<semaphore_mem>>)
    %dma_start3A_1047 = arith.constant 1024 : i32
    %dma_start3A_1048 = tpu.memref_slice %arg10[%dma_start3A_1047] : memref<8192xi32, #tpu.memory_space<vmem>> -> memref<1024xi32, #tpu.memory_space<vmem>>
    %dma_start3A_1049 = tpu.memref_slice %arg2[%add3A_1028] : memref<3276800xi32, #tpu.memory_space<hbm>> -> memref<1024xi32, #tpu.memory_space<hbm>>
    %dma_start3A_1050 = arith.constant 1024 : i32
    %dma_start3A_1051 = tpu.memref_slice %arg10[%dma_start3A_1050] : memref<8192xi32, #tpu.memory_space<vmem>> -> memref<1024xi32, #tpu.memory_space<vmem>>
    %dma_start3A_1052 = tpu.memref_slice %arg2[%add3A_1028] : memref<3276800xi32, #tpu.memory_space<hbm>> -> memref<1024xi32, #tpu.memory_space<hbm>>
    tpu.enqueue_dma source(%dma_start3A_1052 : memref<1024xi32, #tpu.memory_space<hbm>>) target(%dma_start3A_1051 : memref<1024xi32, #tpu.memory_space<vmem>>) target_semaphore(%arg21 : memref<!tpu.dma_semaphore, #tpu.memory_space<semaphore_mem>>)
    %dma_start3A_1053 = arith.constant 2048 : i32
    %dma_start3A_1054 = tpu.memref_slice %arg10[%dma_start3A_1053] : memref<8192xi32, #tpu.memory_space<vmem>> -> memref<1024xi32, #tpu.memory_space<vmem>>
    %dma_start3A_1055 = tpu.memref_slice %arg2[%add3A_1030] : memref<3276800xi32, #tpu.memory_space<hbm>> -> memref<1024xi32, #tpu.memory_space<hbm>>
    %dma_start3A_1056 = arith.constant 2048 : i32
    %dma_start3A_1057 = tpu.memref_slice %arg10[%dma_start3A_1056] : memref<8192xi32, #tpu.memory_space<vmem>> -> memref<1024xi32, #tpu.memory_space<vmem>>
    %dma_start3A_1058 = tpu.memref_slice %arg2[%add3A_1030] : memref<3276800xi32, #tpu.memory_space<hbm>> -> memref<1024xi32, #tpu.memory_space<hbm>>
    tpu.enqueue_dma source(%dma_start3A_1058 : memref<1024xi32, #tpu.memory_space<hbm>>) target(%dma_start3A_1057 : memref<1024xi32, #tpu.memory_space<vmem>>) target_semaphore(%arg21 : memref<!tpu.dma_semaphore, #tpu.memory_space<semaphore_mem>>)
    %dma_start3A_1059 = arith.constant 3072 : i32
    %dma_start3A_1060 = tpu.memref_slice %arg10[%dma_start3A_1059] : memref<8192xi32, #tpu.memory_space<vmem>> -> memref<1024xi32, #tpu.memory_space<vmem>>
    %dma_start3A_1061 = tpu.memref_slice %arg2[%add3A_1032] : memref<3276800xi32, #tpu.memory_space<hbm>> -> memref<1024xi32, #tpu.memory_space<hbm>>
    %dma_start3A_1062 = arith.constant 3072 : i32
    %dma_start3A_1063 = tpu.memref_slice %arg10[%dma_start3A_1062] : memref<8192xi32, #tpu.memory_space<vmem>> -> memref<1024xi32, #tpu.memory_space<vmem>>
    %dma_start3A_1064 = tpu.memref_slice %arg2[%add3A_1032] : memref<3276800xi32, #tpu.memory_space<hbm>> -> memref<1024xi32, #tpu.memory_space<hbm>>
    tpu.enqueue_dma source(%dma_start3A_1064 : memref<1024xi32, #tpu.memory_space<hbm>>) target(%dma_start3A_1063 : memref<1024xi32, #tpu.memory_space<vmem>>) target_semaphore(%arg21 : memref<!tpu.dma_semaphore, #tpu.memory_space<semaphore_mem>>)
    %dma_start3A_1065 = arith.constant 4096 : i32
    %dma_start3A_1066 = tpu.memref_slice %arg10[%dma_start3A_1065] : memref<8192xi32, #tpu.memory_space<vmem>> -> memref<1024xi32, #tpu.memory_space<vmem>>
    %dma_start3A_1067 = tpu.memref_slice %arg2[%add3A_1034] : memref<3276800xi32, #tpu.memory_space<hbm>> -> memref<1024xi32, #tpu.memory_space<hbm>>
    %dma_start3A_1068 = arith.constant 4096 : i32
    %dma_start3A_1069 = tpu.memref_slice %arg10[%dma_start3A_1068] : memref<8192xi32, #tpu.memory_space<vmem>> -> memref<1024xi32, #tpu.memory_space<vmem>>
    %dma_start3A_1070 = tpu.memref_slice %arg2[%add3A_1034] : memref<3276800xi32, #tpu.memory_space<hbm>> -> memref<1024xi32, #tpu.memory_space<hbm>>
    tpu.enqueue_dma source(%dma_start3A_1070 : memref<1024xi32, #tpu.memory_space<hbm>>) target(%dma_start3A_1069 : memref<1024xi32, #tpu.memory_space<vmem>>) target_semaphore(%arg21 : memref<!tpu.dma_semaphore, #tpu.memory_space<semaphore_mem>>)
    %dma_start3A_1071 = arith.constant 5120 : i32
    %dma_start3A_1072 = tpu.memref_slice %arg10[%dma_start3A_1071] : memref<8192xi32, #tpu.memory_space<vmem>> -> memref<1024xi32, #tpu.memory_space<vmem>>
    %dma_start3A_1073 = tpu.memref_slice %arg2[%add3A_1036] : memref<3276800xi32, #tpu.memory_space<hbm>> -> memref<1024xi32, #tpu.memory_space<hbm>>
    %dma_start3A_1074 = arith.constant 5120 : i32
    %dma_start3A_1075 = tpu.memref_slice %arg10[%dma_start3A_1074] : memref<8192xi32, #tpu.memory_space<vmem>> -> memref<1024xi32, #tpu.memory_space<vmem>>
    %dma_start3A_1076 = tpu.memref_slice %arg2[%add3A_1036] : memref<3276800xi32, #tpu.memory_space<hbm>> -> memref<1024xi32, #tpu.memory_space<hbm>>
    tpu.enqueue_dma source(%dma_start3A_1076 : memref<1024xi32, #tpu.memory_space<hbm>>) target(%dma_start3A_1075 : memref<1024xi32, #tpu.memory_space<vmem>>) target_semaphore(%arg21 : memref<!tpu.dma_semaphore, #tpu.memory_space<semaphore_mem>>)
    %dma_start3A_1077 = arith.constant 6144 : i32
    %dma_start3A_1078 = tpu.memref_slice %arg10[%dma_start3A_1077] : memref<8192xi32, #tpu.memory_space<vmem>> -> memref<1024xi32, #tpu.memory_space<vmem>>
    %dma_start3A_1079 = tpu.memref_slice %arg2[%add3A_1038] : memref<3276800xi32, #tpu.memory_space<hbm>> -> memref<1024xi32, #tpu.memory_space<hbm>>
    %dma_start3A_1080 = arith.constant 6144 : i32
    %dma_start3A_1081 = tpu.memref_slice %arg10[%dma_start3A_1080] : memref<8192xi32, #tpu.memory_space<vmem>> -> memref<1024xi32, #tpu.memory_space<vmem>>
    %dma_start3A_1082 = tpu.memref_slice %arg2[%add3A_1038] : memref<3276800xi32, #tpu.memory_space<hbm>> -> memref<1024xi32, #tpu.memory_space<hbm>>
    tpu.enqueue_dma source(%dma_start3A_1082 : memref<1024xi32, #tpu.memory_space<hbm>>) target(%dma_start3A_1081 : memref<1024xi32, #tpu.memory_space<vmem>>) target_semaphore(%arg21 : memref<!tpu.dma_semaphore, #tpu.memory_space<semaphore_mem>>)
    %dma_start3A_1083 = arith.constant 7168 : i32
    %dma_start3A_1084 = tpu.memref_slice %arg10[%dma_start3A_1083] : memref<8192xi32, #tpu.memory_space<vmem>> -> memref<1024xi32, #tpu.memory_space<vmem>>
    %dma_start3A_1085 = tpu.memref_slice %arg2[%add3A_1040] : memref<3276800xi32, #tpu.memory_space<hbm>> -> memref<1024xi32, #tpu.memory_space<hbm>>
    %dma_start3A_1086 = arith.constant 7168 : i32
    %dma_start3A_1087 = tpu.memref_slice %arg10[%dma_start3A_1086] : memref<8192xi32, #tpu.memory_space<vmem>> -> memref<1024xi32, #tpu.memory_space<vmem>>
    %dma_start3A_1088 = tpu.memref_slice %arg2[%add3A_1040] : memref<3276800xi32, #tpu.memory_space<hbm>> -> memref<1024xi32, #tpu.memory_space<hbm>>
    tpu.enqueue_dma source(%dma_start3A_1088 : memref<1024xi32, #tpu.memory_space<hbm>>) target(%dma_start3A_1087 : memref<1024xi32, #tpu.memory_space<vmem>>) target_semaphore(%arg21 : memref<!tpu.dma_semaphore, #tpu.memory_space<semaphore_mem>>)
    %add3A_1089 = arith.constant 160 : i32
    %add3A_1090 = arith.addi %add3A, %add3A_1089 : i32
    %shift_right_arithmetic3A_1091 = arith.constant 4 : i32
    %shift_right_arithmetic3A_1092 = arith.shrsi %add3A_1090, %shift_right_arithmetic3A_1091 : i32
    %and3A_1093 = arith.constant 15 : i32
    %and3A_1094 = arith.andi %add3A_1090, %and3A_1093 : i32
    %mul3A_1095 = arith.constant 131072 : i32
    %mul3A_1096 = arith.muli %shift_right_arithmetic3A_1092, %mul3A_1095 : i32
    %mul3A_1097 = arith.constant 8192 : i32
    %mul3A_1098 = arith.muli %and3A_1094, %mul3A_1097 : i32
    %add3A_1099 = arith.addi %mul3A_1096, %mul3A_1098 : i32
    %add3A_1100 = arith.constant 0 : i32
    %add3A_1101 = arith.addi %add3A_1100, %add3A_1099 : i32
    %add3A_1102 = arith.constant 3276800 : i32
    %add3A_1103 = arith.addi %add3A_1102, %add3A_1099 : i32
    %add3A_1104 = arith.constant 6553600 : i32
    %add3A_1105 = arith.addi %add3A_1104, %add3A_1099 : i32
    %dma_start3A_1106 = tpu.memref_slice %arg4[%add3A_1101] : memref<9830400xf32, #tpu.memory_space<hbm>> -> memref<8192xf32, #tpu.memory_space<hbm>>
    %dma_start3A_1107 = tpu.memref_slice %arg4[%add3A_1101] : memref<9830400xf32, #tpu.memory_space<hbm>> -> memref<8192xf32, #tpu.memory_space<hbm>>
    tpu.enqueue_dma source(%arg17 : memref<8192xf32, #tpu.memory_space<vmem>>) target(%dma_start3A_1107 : memref<8192xf32, #tpu.memory_space<hbm>>) target_semaphore(%arg24 : memref<!tpu.dma_semaphore, #tpu.memory_space<semaphore_mem>>)
    %dma_start3A_1108 = tpu.memref_slice %arg4[%add3A_1103] : memref<9830400xf32, #tpu.memory_space<hbm>> -> memref<8192xf32, #tpu.memory_space<hbm>>
    %dma_start3A_1109 = tpu.memref_slice %arg4[%add3A_1103] : memref<9830400xf32, #tpu.memory_space<hbm>> -> memref<8192xf32, #tpu.memory_space<hbm>>
    tpu.enqueue_dma source(%arg18 : memref<8192xf32, #tpu.memory_space<vmem>>) target(%dma_start3A_1109 : memref<8192xf32, #tpu.memory_space<hbm>>) target_semaphore(%arg24 : memref<!tpu.dma_semaphore, #tpu.memory_space<semaphore_mem>>)
    %dma_start3A_1110 = tpu.memref_slice %arg4[%add3A_1105] : memref<9830400xf32, #tpu.memory_space<hbm>> -> memref<8192xf32, #tpu.memory_space<hbm>>
    %dma_start3A_1111 = tpu.memref_slice %arg4[%add3A_1105] : memref<9830400xf32, #tpu.memory_space<hbm>> -> memref<8192xf32, #tpu.memory_space<hbm>>
    tpu.enqueue_dma source(%arg19 : memref<8192xf32, #tpu.memory_space<vmem>>) target(%dma_start3A_1111 : memref<8192xf32, #tpu.memory_space<hbm>>) target_semaphore(%arg24 : memref<!tpu.dma_semaphore, #tpu.memory_space<semaphore_mem>>)
    %dma_wait3A_1112 = arith.constant 0 : i32
    %dma_wait3A_1113 = tpu.memref_slice %arg9[%dma_wait3A_1112] : memref<8192xi32, #tpu.memory_space<vmem>> -> memref<1024xi32, #tpu.memory_space<vmem>>
    %dma_wait3A_1114 = tpu.memref_slice %arg2[%add3A_871] : memref<3276800xi32, #tpu.memory_space<hbm>> -> memref<1024xi32, #tpu.memory_space<hbm>>
    %dma_wait3A_1115 = arith.constant 0 : i32
    %dma_wait3A_1116 = tpu.memref_slice %arg9[%dma_wait3A_1115] : memref<8192xi32, #tpu.memory_space<vmem>> -> memref<1024xi32, #tpu.memory_space<vmem>>
    %dma_wait3A_1117 = tpu.memref_slice %arg2[%add3A_871] : memref<3276800xi32, #tpu.memory_space<hbm>> -> memref<1024xi32, #tpu.memory_space<hbm>>
    tpu.wait_dma2 semaphore(%arg20 : memref<!tpu.dma_semaphore, #tpu.memory_space<semaphore_mem>>) src(%dma_wait3A_1117 : memref<1024xi32, #tpu.memory_space<hbm>>) dst(%dma_wait3A_1116 : memref<1024xi32, #tpu.memory_space<vmem>>)
    %dma_wait3A_1118 = arith.constant 1024 : i32
    %dma_wait3A_1119 = tpu.memref_slice %arg9[%dma_wait3A_1118] : memref<8192xi32, #tpu.memory_space<vmem>> -> memref<1024xi32, #tpu.memory_space<vmem>>
    %dma_wait3A_1120 = tpu.memref_slice %arg2[%add3A_873] : memref<3276800xi32, #tpu.memory_space<hbm>> -> memref<1024xi32, #tpu.memory_space<hbm>>
    %dma_wait3A_1121 = arith.constant 1024 : i32
    %dma_wait3A_1122 = tpu.memref_slice %arg9[%dma_wait3A_1121] : memref<8192xi32, #tpu.memory_space<vmem>> -> memref<1024xi32, #tpu.memory_space<vmem>>
    %dma_wait3A_1123 = tpu.memref_slice %arg2[%add3A_873] : memref<3276800xi32, #tpu.memory_space<hbm>> -> memref<1024xi32, #tpu.memory_space<hbm>>
    tpu.wait_dma2 semaphore(%arg20 : memref<!tpu.dma_semaphore, #tpu.memory_space<semaphore_mem>>) src(%dma_wait3A_1123 : memref<1024xi32, #tpu.memory_space<hbm>>) dst(%dma_wait3A_1122 : memref<1024xi32, #tpu.memory_space<vmem>>)
    %dma_wait3A_1124 = arith.constant 2048 : i32
    %dma_wait3A_1125 = tpu.memref_slice %arg9[%dma_wait3A_1124] : memref<8192xi32, #tpu.memory_space<vmem>> -> memref<1024xi32, #tpu.memory_space<vmem>>
    %dma_wait3A_1126 = tpu.memref_slice %arg2[%add3A_875] : memref<3276800xi32, #tpu.memory_space<hbm>> -> memref<1024xi32, #tpu.memory_space<hbm>>
    %dma_wait3A_1127 = arith.constant 2048 : i32
    %dma_wait3A_1128 = tpu.memref_slice %arg9[%dma_wait3A_1127] : memref<8192xi32, #tpu.memory_space<vmem>> -> memref<1024xi32, #tpu.memory_space<vmem>>
    %dma_wait3A_1129 = tpu.memref_slice %arg2[%add3A_875] : memref<3276800xi32, #tpu.memory_space<hbm>> -> memref<1024xi32, #tpu.memory_space<hbm>>
    tpu.wait_dma2 semaphore(%arg20 : memref<!tpu.dma_semaphore, #tpu.memory_space<semaphore_mem>>) src(%dma_wait3A_1129 : memref<1024xi32, #tpu.memory_space<hbm>>) dst(%dma_wait3A_1128 : memref<1024xi32, #tpu.memory_space<vmem>>)
    %dma_wait3A_1130 = arith.constant 3072 : i32
    %dma_wait3A_1131 = tpu.memref_slice %arg9[%dma_wait3A_1130] : memref<8192xi32, #tpu.memory_space<vmem>> -> memref<1024xi32, #tpu.memory_space<vmem>>
    %dma_wait3A_1132 = tpu.memref_slice %arg2[%add3A_877] : memref<3276800xi32, #tpu.memory_space<hbm>> -> memref<1024xi32, #tpu.memory_space<hbm>>
    %dma_wait3A_1133 = arith.constant 3072 : i32
    %dma_wait3A_1134 = tpu.memref_slice %arg9[%dma_wait3A_1133] : memref<8192xi32, #tpu.memory_space<vmem>> -> memref<1024xi32, #tpu.memory_space<vmem>>
    %dma_wait3A_1135 = tpu.memref_slice %arg2[%add3A_877] : memref<3276800xi32, #tpu.memory_space<hbm>> -> memref<1024xi32, #tpu.memory_space<hbm>>
    tpu.wait_dma2 semaphore(%arg20 : memref<!tpu.dma_semaphore, #tpu.memory_space<semaphore_mem>>) src(%dma_wait3A_1135 : memref<1024xi32, #tpu.memory_space<hbm>>) dst(%dma_wait3A_1134 : memref<1024xi32, #tpu.memory_space<vmem>>)
    %dma_wait3A_1136 = arith.constant 4096 : i32
    %dma_wait3A_1137 = tpu.memref_slice %arg9[%dma_wait3A_1136] : memref<8192xi32, #tpu.memory_space<vmem>> -> memref<1024xi32, #tpu.memory_space<vmem>>
    %dma_wait3A_1138 = tpu.memref_slice %arg2[%add3A_879] : memref<3276800xi32, #tpu.memory_space<hbm>> -> memref<1024xi32, #tpu.memory_space<hbm>>
    %dma_wait3A_1139 = arith.constant 4096 : i32
    %dma_wait3A_1140 = tpu.memref_slice %arg9[%dma_wait3A_1139] : memref<8192xi32, #tpu.memory_space<vmem>> -> memref<1024xi32, #tpu.memory_space<vmem>>
    %dma_wait3A_1141 = tpu.memref_slice %arg2[%add3A_879] : memref<3276800xi32, #tpu.memory_space<hbm>> -> memref<1024xi32, #tpu.memory_space<hbm>>
    tpu.wait_dma2 semaphore(%arg20 : memref<!tpu.dma_semaphore, #tpu.memory_space<semaphore_mem>>) src(%dma_wait3A_1141 : memref<1024xi32, #tpu.memory_space<hbm>>) dst(%dma_wait3A_1140 : memref<1024xi32, #tpu.memory_space<vmem>>)
    %dma_wait3A_1142 = arith.constant 5120 : i32
    %dma_wait3A_1143 = tpu.memref_slice %arg9[%dma_wait3A_1142] : memref<8192xi32, #tpu.memory_space<vmem>> -> memref<1024xi32, #tpu.memory_space<vmem>>
    %dma_wait3A_1144 = tpu.memref_slice %arg2[%add3A_881] : memref<3276800xi32, #tpu.memory_space<hbm>> -> memref<1024xi32, #tpu.memory_space<hbm>>
    %dma_wait3A_1145 = arith.constant 5120 : i32
    %dma_wait3A_1146 = tpu.memref_slice %arg9[%dma_wait3A_1145] : memref<8192xi32, #tpu.memory_space<vmem>> -> memref<1024xi32, #tpu.memory_space<vmem>>
    %dma_wait3A_1147 = tpu.memref_slice %arg2[%add3A_881] : memref<3276800xi32, #tpu.memory_space<hbm>> -> memref<1024xi32, #tpu.memory_space<hbm>>
    tpu.wait_dma2 semaphore(%arg20 : memref<!tpu.dma_semaphore, #tpu.memory_space<semaphore_mem>>) src(%dma_wait3A_1147 : memref<1024xi32, #tpu.memory_space<hbm>>) dst(%dma_wait3A_1146 : memref<1024xi32, #tpu.memory_space<vmem>>)
    %dma_wait3A_1148 = arith.constant 6144 : i32
    %dma_wait3A_1149 = tpu.memref_slice %arg9[%dma_wait3A_1148] : memref<8192xi32, #tpu.memory_space<vmem>> -> memref<1024xi32, #tpu.memory_space<vmem>>
    %dma_wait3A_1150 = tpu.memref_slice %arg2[%add3A_883] : memref<3276800xi32, #tpu.memory_space<hbm>> -> memref<1024xi32, #tpu.memory_space<hbm>>
    %dma_wait3A_1151 = arith.constant 6144 : i32
    %dma_wait3A_1152 = tpu.memref_slice %arg9[%dma_wait3A_1151] : memref<8192xi32, #tpu.memory_space<vmem>> -> memref<1024xi32, #tpu.memory_space<vmem>>
    %dma_wait3A_1153 = tpu.memref_slice %arg2[%add3A_883] : memref<3276800xi32, #tpu.memory_space<hbm>> -> memref<1024xi32, #tpu.memory_space<hbm>>
    tpu.wait_dma2 semaphore(%arg20 : memref<!tpu.dma_semaphore, #tpu.memory_space<semaphore_mem>>) src(%dma_wait3A_1153 : memref<1024xi32, #tpu.memory_space<hbm>>) dst(%dma_wait3A_1152 : memref<1024xi32, #tpu.memory_space<vmem>>)
    %dma_wait3A_1154 = arith.constant 7168 : i32
    %dma_wait3A_1155 = tpu.memref_slice %arg9[%dma_wait3A_1154] : memref<8192xi32, #tpu.memory_space<vmem>> -> memref<1024xi32, #tpu.memory_space<vmem>>
    %dma_wait3A_1156 = tpu.memref_slice %arg2[%add3A_885] : memref<3276800xi32, #tpu.memory_space<hbm>> -> memref<1024xi32, #tpu.memory_space<hbm>>
    %dma_wait3A_1157 = arith.constant 7168 : i32
    %dma_wait3A_1158 = tpu.memref_slice %arg9[%dma_wait3A_1157] : memref<8192xi32, #tpu.memory_space<vmem>> -> memref<1024xi32, #tpu.memory_space<vmem>>
    %dma_wait3A_1159 = tpu.memref_slice %arg2[%add3A_885] : memref<3276800xi32, #tpu.memory_space<hbm>> -> memref<1024xi32, #tpu.memory_space<hbm>>
    tpu.wait_dma2 semaphore(%arg20 : memref<!tpu.dma_semaphore, #tpu.memory_space<semaphore_mem>>) src(%dma_wait3A_1159 : memref<1024xi32, #tpu.memory_space<hbm>>) dst(%dma_wait3A_1158 : memref<1024xi32, #tpu.memory_space<vmem>>)
    %dma_wait3A_1160 = tpu.memref_slice %arg4[%add3A_791] : memref<9830400xf32, #tpu.memory_space<hbm>> -> memref<8192xf32, #tpu.memory_space<hbm>>
    %dma_wait3A_1161 = tpu.memref_slice %arg4[%add3A_791] : memref<9830400xf32, #tpu.memory_space<hbm>> -> memref<8192xf32, #tpu.memory_space<hbm>>
    tpu.wait_dma2 semaphore(%arg22 : memref<!tpu.dma_semaphore, #tpu.memory_space<semaphore_mem>>) src(%arg11 : memref<8192xf32, #tpu.memory_space<vmem>>) dst(%dma_wait3A_1161 : memref<8192xf32, #tpu.memory_space<hbm>>)
    %dma_wait3A_1162 = tpu.memref_slice %arg4[%add3A_793] : memref<9830400xf32, #tpu.memory_space<hbm>> -> memref<8192xf32, #tpu.memory_space<hbm>>
    %dma_wait3A_1163 = tpu.memref_slice %arg4[%add3A_793] : memref<9830400xf32, #tpu.memory_space<hbm>> -> memref<8192xf32, #tpu.memory_space<hbm>>
    tpu.wait_dma2 semaphore(%arg22 : memref<!tpu.dma_semaphore, #tpu.memory_space<semaphore_mem>>) src(%arg12 : memref<8192xf32, #tpu.memory_space<vmem>>) dst(%dma_wait3A_1163 : memref<8192xf32, #tpu.memory_space<hbm>>)
    %dma_wait3A_1164 = tpu.memref_slice %arg4[%add3A_795] : memref<9830400xf32, #tpu.memory_space<hbm>> -> memref<8192xf32, #tpu.memory_space<hbm>>
    %dma_wait3A_1165 = tpu.memref_slice %arg4[%add3A_795] : memref<9830400xf32, #tpu.memory_space<hbm>> -> memref<8192xf32, #tpu.memory_space<hbm>>
    tpu.wait_dma2 semaphore(%arg22 : memref<!tpu.dma_semaphore, #tpu.memory_space<semaphore_mem>>) src(%arg13 : memref<8192xf32, #tpu.memory_space<vmem>>) dst(%dma_wait3A_1165 : memref<8192xf32, #tpu.memory_space<hbm>>)
    %parallel_loop3A_1166 = arith.constant 0 : i32
    %parallel_loop3A_1167 = arith.constant 512 : i32
    %parallel_loop3A_1168 = arith.constant 1 : i32
    scf.for %parallel_loop3A_2045 = %parallel_loop3A_1166 to %parallel_loop3A_1167 step %parallel_loop3A_1168  : i32 {
      %parallel_loop3A_2046 = arith.constant 3 : i32
      %parallel_loop3A_2047 = arith.shrsi %parallel_loop3A_2045, %parallel_loop3A_2046 : i32
      %parallel_loop3A_2048 = arith.constant 7 : i32
      %parallel_loop3A_2049 = arith.andi %parallel_loop3A_2047, %parallel_loop3A_2048 : i32
      %parallel_loop3A_2050 = arith.constant 1024 : i32
      %parallel_loop3A_2051 = arith.muli %parallel_loop3A_2049, %parallel_loop3A_2050 : i32
      %parallel_loop3A_2052 = arith.constant 6 : i32
      %parallel_loop3A_2053 = arith.shrsi %parallel_loop3A_2045, %parallel_loop3A_2052 : i32
      %parallel_loop3A_2054 = arith.constant 128 : i32
      %parallel_loop3A_2055 = arith.muli %parallel_loop3A_2053, %parallel_loop3A_2054 : i32
      %parallel_loop3A_2056 = arith.addi %parallel_loop3A_2051, %parallel_loop3A_2055 : i32
      %parallel_loop3A_2057 = arith.constant 7 : i32
      %parallel_loop3A_2058 = arith.andi %parallel_loop3A_2045, %parallel_loop3A_2057 : i32
      %parallel_loop3A_2059 = arith.constant 16 : i32
      %parallel_loop3A_2060 = arith.muli %parallel_loop3A_2058, %parallel_loop3A_2059 : i32
      %parallel_loop3A_2061 = arith.addi %parallel_loop3A_2056, %parallel_loop3A_2060 : i32
      %parallel_loop3A_2062 = arith.constant 16 : i32
      %parallel_loop3A_2063 = arith.muli %parallel_loop3A_2045, %parallel_loop3A_2062 : i32
      %parallel_loop3A_2064 = arith.index_cast %parallel_loop3A_2061 : i32 to index
      %parallel_loop3A_2065 = tpu.vector_load %arg9[%parallel_loop3A_2064] {strides = array<i32>} : memref<8192xi32, #tpu.memory_space<vmem>>, vector<16xi32>,
      %parallel_loop3A_2066 = tpu.vector_load_idx %arg6[%parallel_loop3A_2065] : memref<1024xf32, #tpu.memory_space<vmem>>[vector<16xi32>], vector<16xf32>,
      %parallel_loop3A_2067 = arith.index_cast %parallel_loop3A_2063 : i32 to index
      %parallel_loop3A_2068 = tpu.vector_load %arg11[%parallel_loop3A_2067] {strides = array<i32>} : memref<8192xf32, #tpu.memory_space<vmem>>, vector<16xf32>,
      tpu.vector_store %arg11[%parallel_loop3A_2067], %parallel_loop3A_2066 {strides = array<i32>} : memref<8192xf32, #tpu.memory_space<vmem>>, vector<16xf32>,
      %parallel_loop3A_2069 = tpu.vector_load_idx %arg7[%parallel_loop3A_2065] : memref<1024xf32, #tpu.memory_space<vmem>>[vector<16xi32>], vector<16xf32>,
      %parallel_loop3A_2070 = arith.index_cast %parallel_loop3A_2063 : i32 to index
      %parallel_loop3A_2071 = tpu.vector_load %arg12[%parallel_loop3A_2070] {strides = array<i32>} : memref<8192xf32, #tpu.memory_space<vmem>>, vector<16xf32>,
      tpu.vector_store %arg12[%parallel_loop3A_2070], %parallel_loop3A_2069 {strides = array<i32>} : memref<8192xf32, #tpu.memory_space<vmem>>, vector<16xf32>,
      %parallel_loop3A_2072 = tpu.vector_load_idx %arg8[%parallel_loop3A_2065] : memref<1024xf32, #tpu.memory_space<vmem>>[vector<16xi32>], vector<16xf32>,
      %parallel_loop3A_2073 = arith.index_cast %parallel_loop3A_2063 : i32 to index
      %parallel_loop3A_2074 = tpu.vector_load %arg13[%parallel_loop3A_2073] {strides = array<i32>} : memref<8192xf32, #tpu.memory_space<vmem>>, vector<16xf32>,
      tpu.vector_store %arg13[%parallel_loop3A_2073], %parallel_loop3A_2072 {strides = array<i32>} : memref<8192xf32, #tpu.memory_space<vmem>>, vector<16xf32>,
    } {sc.loop_unroll_factor = 8 : i64, sc.parallel_access}
    %add3A_1169 = arith.constant 256 : i32
    %add3A_1170 = arith.addi %add3A, %add3A_1169 : i32
    %shift_right_arithmetic3A_1171 = arith.constant 4 : i32
    %shift_right_arithmetic3A_1172 = arith.shrsi %add3A_1170, %shift_right_arithmetic3A_1171 : i32
    %and3A_1173 = arith.constant 15 : i32
    %and3A_1174 = arith.andi %add3A_1170, %and3A_1173 : i32
    %mul3A_1175 = arith.constant 131072 : i32
    %mul3A_1176 = arith.muli %shift_right_arithmetic3A_1172, %mul3A_1175 : i32
    %mul3A_1177 = arith.constant 1024 : i32
    %mul3A_1178 = arith.muli %and3A_1174, %mul3A_1177 : i32
    %add3A_1179 = arith.addi %mul3A_1176, %mul3A_1178 : i32
    %add3A_1180 = arith.constant 0 : i32
    %add3A_1181 = arith.addi %add3A_1179, %add3A_1180 : i32
    %add3A_1182 = arith.constant 16384 : i32
    %add3A_1183 = arith.addi %add3A_1179, %add3A_1182 : i32
    %add3A_1184 = arith.constant 32768 : i32
    %add3A_1185 = arith.addi %add3A_1179, %add3A_1184 : i32
    %add3A_1186 = arith.constant 49152 : i32
    %add3A_1187 = arith.addi %add3A_1179, %add3A_1186 : i32
    %add3A_1188 = arith.constant 65536 : i32
    %add3A_1189 = arith.addi %add3A_1179, %add3A_1188 : i32
    %add3A_1190 = arith.constant 81920 : i32
    %add3A_1191 = arith.addi %add3A_1179, %add3A_1190 : i32
    %add3A_1192 = arith.constant 98304 : i32
    %add3A_1193 = arith.addi %add3A_1179, %add3A_1192 : i32
    %add3A_1194 = arith.constant 114688 : i32
    %add3A_1195 = arith.addi %add3A_1179, %add3A_1194 : i32
    %dma_start3A_1196 = arith.constant 0 : i32
    %dma_start3A_1197 = tpu.memref_slice %arg9[%dma_start3A_1196] : memref<8192xi32, #tpu.memory_space<vmem>> -> memref<1024xi32, #tpu.memory_space<vmem>>
    %dma_start3A_1198 = tpu.memref_slice %arg2[%add3A_1181] : memref<3276800xi32, #tpu.memory_space<hbm>> -> memref<1024xi32, #tpu.memory_space<hbm>>
    %dma_start3A_1199 = arith.constant 0 : i32
    %dma_start3A_1200 = tpu.memref_slice %arg9[%dma_start3A_1199] : memref<8192xi32, #tpu.memory_space<vmem>> -> memref<1024xi32, #tpu.memory_space<vmem>>
    %dma_start3A_1201 = tpu.memref_slice %arg2[%add3A_1181] : memref<3276800xi32, #tpu.memory_space<hbm>> -> memref<1024xi32, #tpu.memory_space<hbm>>
    tpu.enqueue_dma source(%dma_start3A_1201 : memref<1024xi32, #tpu.memory_space<hbm>>) target(%dma_start3A_1200 : memref<1024xi32, #tpu.memory_space<vmem>>) target_semaphore(%arg20 : memref<!tpu.dma_semaphore, #tpu.memory_space<semaphore_mem>>)
    %dma_start3A_1202 = arith.constant 1024 : i32
    %dma_start3A_1203 = tpu.memref_slice %arg9[%dma_start3A_1202] : memref<8192xi32, #tpu.memory_space<vmem>> -> memref<1024xi32, #tpu.memory_space<vmem>>
    %dma_start3A_1204 = tpu.memref_slice %arg2[%add3A_1183] : memref<3276800xi32, #tpu.memory_space<hbm>> -> memref<1024xi32, #tpu.memory_space<hbm>>
    %dma_start3A_1205 = arith.constant 1024 : i32
    %dma_start3A_1206 = tpu.memref_slice %arg9[%dma_start3A_1205] : memref<8192xi32, #tpu.memory_space<vmem>> -> memref<1024xi32, #tpu.memory_space<vmem>>
    %dma_start3A_1207 = tpu.memref_slice %arg2[%add3A_1183] : memref<3276800xi32, #tpu.memory_space<hbm>> -> memref<1024xi32, #tpu.memory_space<hbm>>
    tpu.enqueue_dma source(%dma_start3A_1207 : memref<1024xi32, #tpu.memory_space<hbm>>) target(%dma_start3A_1206 : memref<1024xi32, #tpu.memory_space<vmem>>) target_semaphore(%arg20 : memref<!tpu.dma_semaphore, #tpu.memory_space<semaphore_mem>>)
    %dma_start3A_1208 = arith.constant 2048 : i32
    %dma_start3A_1209 = tpu.memref_slice %arg9[%dma_start3A_1208] : memref<8192xi32, #tpu.memory_space<vmem>> -> memref<1024xi32, #tpu.memory_space<vmem>>
    %dma_start3A_1210 = tpu.memref_slice %arg2[%add3A_1185] : memref<3276800xi32, #tpu.memory_space<hbm>> -> memref<1024xi32, #tpu.memory_space<hbm>>
    %dma_start3A_1211 = arith.constant 2048 : i32
    %dma_start3A_1212 = tpu.memref_slice %arg9[%dma_start3A_1211] : memref<8192xi32, #tpu.memory_space<vmem>> -> memref<1024xi32, #tpu.memory_space<vmem>>
    %dma_start3A_1213 = tpu.memref_slice %arg2[%add3A_1185] : memref<3276800xi32, #tpu.memory_space<hbm>> -> memref<1024xi32, #tpu.memory_space<hbm>>
    tpu.enqueue_dma source(%dma_start3A_1213 : memref<1024xi32, #tpu.memory_space<hbm>>) target(%dma_start3A_1212 : memref<1024xi32, #tpu.memory_space<vmem>>) target_semaphore(%arg20 : memref<!tpu.dma_semaphore, #tpu.memory_space<semaphore_mem>>)
    %dma_start3A_1214 = arith.constant 3072 : i32
    %dma_start3A_1215 = tpu.memref_slice %arg9[%dma_start3A_1214] : memref<8192xi32, #tpu.memory_space<vmem>> -> memref<1024xi32, #tpu.memory_space<vmem>>
    %dma_start3A_1216 = tpu.memref_slice %arg2[%add3A_1187] : memref<3276800xi32, #tpu.memory_space<hbm>> -> memref<1024xi32, #tpu.memory_space<hbm>>
    %dma_start3A_1217 = arith.constant 3072 : i32
    %dma_start3A_1218 = tpu.memref_slice %arg9[%dma_start3A_1217] : memref<8192xi32, #tpu.memory_space<vmem>> -> memref<1024xi32, #tpu.memory_space<vmem>>
    %dma_start3A_1219 = tpu.memref_slice %arg2[%add3A_1187] : memref<3276800xi32, #tpu.memory_space<hbm>> -> memref<1024xi32, #tpu.memory_space<hbm>>
    tpu.enqueue_dma source(%dma_start3A_1219 : memref<1024xi32, #tpu.memory_space<hbm>>) target(%dma_start3A_1218 : memref<1024xi32, #tpu.memory_space<vmem>>) target_semaphore(%arg20 : memref<!tpu.dma_semaphore, #tpu.memory_space<semaphore_mem>>)
    %dma_start3A_1220 = arith.constant 4096 : i32
    %dma_start3A_1221 = tpu.memref_slice %arg9[%dma_start3A_1220] : memref<8192xi32, #tpu.memory_space<vmem>> -> memref<1024xi32, #tpu.memory_space<vmem>>
    %dma_start3A_1222 = tpu.memref_slice %arg2[%add3A_1189] : memref<3276800xi32, #tpu.memory_space<hbm>> -> memref<1024xi32, #tpu.memory_space<hbm>>
    %dma_start3A_1223 = arith.constant 4096 : i32
    %dma_start3A_1224 = tpu.memref_slice %arg9[%dma_start3A_1223] : memref<8192xi32, #tpu.memory_space<vmem>> -> memref<1024xi32, #tpu.memory_space<vmem>>
    %dma_start3A_1225 = tpu.memref_slice %arg2[%add3A_1189] : memref<3276800xi32, #tpu.memory_space<hbm>> -> memref<1024xi32, #tpu.memory_space<hbm>>
    tpu.enqueue_dma source(%dma_start3A_1225 : memref<1024xi32, #tpu.memory_space<hbm>>) target(%dma_start3A_1224 : memref<1024xi32, #tpu.memory_space<vmem>>) target_semaphore(%arg20 : memref<!tpu.dma_semaphore, #tpu.memory_space<semaphore_mem>>)
    %dma_start3A_1226 = arith.constant 5120 : i32
    %dma_start3A_1227 = tpu.memref_slice %arg9[%dma_start3A_1226] : memref<8192xi32, #tpu.memory_space<vmem>> -> memref<1024xi32, #tpu.memory_space<vmem>>
    %dma_start3A_1228 = tpu.memref_slice %arg2[%add3A_1191] : memref<3276800xi32, #tpu.memory_space<hbm>> -> memref<1024xi32, #tpu.memory_space<hbm>>
    %dma_start3A_1229 = arith.constant 5120 : i32
    %dma_start3A_1230 = tpu.memref_slice %arg9[%dma_start3A_1229] : memref<8192xi32, #tpu.memory_space<vmem>> -> memref<1024xi32, #tpu.memory_space<vmem>>
    %dma_start3A_1231 = tpu.memref_slice %arg2[%add3A_1191] : memref<3276800xi32, #tpu.memory_space<hbm>> -> memref<1024xi32, #tpu.memory_space<hbm>>
    tpu.enqueue_dma source(%dma_start3A_1231 : memref<1024xi32, #tpu.memory_space<hbm>>) target(%dma_start3A_1230 : memref<1024xi32, #tpu.memory_space<vmem>>) target_semaphore(%arg20 : memref<!tpu.dma_semaphore, #tpu.memory_space<semaphore_mem>>)
    %dma_start3A_1232 = arith.constant 6144 : i32
    %dma_start3A_1233 = tpu.memref_slice %arg9[%dma_start3A_1232] : memref<8192xi32, #tpu.memory_space<vmem>> -> memref<1024xi32, #tpu.memory_space<vmem>>
    %dma_start3A_1234 = tpu.memref_slice %arg2[%add3A_1193] : memref<3276800xi32, #tpu.memory_space<hbm>> -> memref<1024xi32, #tpu.memory_space<hbm>>
    %dma_start3A_1235 = arith.constant 6144 : i32
    %dma_start3A_1236 = tpu.memref_slice %arg9[%dma_start3A_1235] : memref<8192xi32, #tpu.memory_space<vmem>> -> memref<1024xi32, #tpu.memory_space<vmem>>
    %dma_start3A_1237 = tpu.memref_slice %arg2[%add3A_1193] : memref<3276800xi32, #tpu.memory_space<hbm>> -> memref<1024xi32, #tpu.memory_space<hbm>>
    tpu.enqueue_dma source(%dma_start3A_1237 : memref<1024xi32, #tpu.memory_space<hbm>>) target(%dma_start3A_1236 : memref<1024xi32, #tpu.memory_space<vmem>>) target_semaphore(%arg20 : memref<!tpu.dma_semaphore, #tpu.memory_space<semaphore_mem>>)
    %dma_start3A_1238 = arith.constant 7168 : i32
    %dma_start3A_1239 = tpu.memref_slice %arg9[%dma_start3A_1238] : memref<8192xi32, #tpu.memory_space<vmem>> -> memref<1024xi32, #tpu.memory_space<vmem>>
    %dma_start3A_1240 = tpu.memref_slice %arg2[%add3A_1195] : memref<3276800xi32, #tpu.memory_space<hbm>> -> memref<1024xi32, #tpu.memory_space<hbm>>
    %dma_start3A_1241 = arith.constant 7168 : i32
    %dma_start3A_1242 = tpu.memref_slice %arg9[%dma_start3A_1241] : memref<8192xi32, #tpu.memory_space<vmem>> -> memref<1024xi32, #tpu.memory_space<vmem>>
    %dma_start3A_1243 = tpu.memref_slice %arg2[%add3A_1195] : memref<3276800xi32, #tpu.memory_space<hbm>> -> memref<1024xi32, #tpu.memory_space<hbm>>
    tpu.enqueue_dma source(%dma_start3A_1243 : memref<1024xi32, #tpu.memory_space<hbm>>) target(%dma_start3A_1242 : memref<1024xi32, #tpu.memory_space<vmem>>) target_semaphore(%arg20 : memref<!tpu.dma_semaphore, #tpu.memory_space<semaphore_mem>>)
    %add3A_1244 = arith.constant 192 : i32
    %add3A_1245 = arith.addi %add3A, %add3A_1244 : i32
    %shift_right_arithmetic3A_1246 = arith.constant 4 : i32
    %shift_right_arithmetic3A_1247 = arith.shrsi %add3A_1245, %shift_right_arithmetic3A_1246 : i32
    %and3A_1248 = arith.constant 15 : i32
    %and3A_1249 = arith.andi %add3A_1245, %and3A_1248 : i32
    %mul3A_1250 = arith.constant 131072 : i32
    %mul3A_1251 = arith.muli %shift_right_arithmetic3A_1247, %mul3A_1250 : i32
    %mul3A_1252 = arith.constant 8192 : i32
    %mul3A_1253 = arith.muli %and3A_1249, %mul3A_1252 : i32
    %add3A_1254 = arith.addi %mul3A_1251, %mul3A_1253 : i32
    %add3A_1255 = arith.constant 0 : i32
    %add3A_1256 = arith.addi %add3A_1255, %add3A_1254 : i32
    %add3A_1257 = arith.constant 3276800 : i32
    %add3A_1258 = arith.addi %add3A_1257, %add3A_1254 : i32
    %add3A_1259 = arith.constant 6553600 : i32
    %add3A_1260 = arith.addi %add3A_1259, %add3A_1254 : i32
    %dma_start3A_1261 = tpu.memref_slice %arg4[%add3A_1256] : memref<9830400xf32, #tpu.memory_space<hbm>> -> memref<8192xf32, #tpu.memory_space<hbm>>
    %dma_start3A_1262 = tpu.memref_slice %arg4[%add3A_1256] : memref<9830400xf32, #tpu.memory_space<hbm>> -> memref<8192xf32, #tpu.memory_space<hbm>>
    tpu.enqueue_dma source(%arg11 : memref<8192xf32, #tpu.memory_space<vmem>>) target(%dma_start3A_1262 : memref<8192xf32, #tpu.memory_space<hbm>>) target_semaphore(%arg22 : memref<!tpu.dma_semaphore, #tpu.memory_space<semaphore_mem>>)
    %dma_start3A_1263 = tpu.memref_slice %arg4[%add3A_1258] : memref<9830400xf32, #tpu.memory_space<hbm>> -> memref<8192xf32, #tpu.memory_space<hbm>>
    %dma_start3A_1264 = tpu.memref_slice %arg4[%add3A_1258] : memref<9830400xf32, #tpu.memory_space<hbm>> -> memref<8192xf32, #tpu.memory_space<hbm>>
    tpu.enqueue_dma source(%arg12 : memref<8192xf32, #tpu.memory_space<vmem>>) target(%dma_start3A_1264 : memref<8192xf32, #tpu.memory_space<hbm>>) target_semaphore(%arg22 : memref<!tpu.dma_semaphore, #tpu.memory_space<semaphore_mem>>)
    %dma_start3A_1265 = tpu.memref_slice %arg4[%add3A_1260] : memref<9830400xf32, #tpu.memory_space<hbm>> -> memref<8192xf32, #tpu.memory_space<hbm>>
    %dma_start3A_1266 = tpu.memref_slice %arg4[%add3A_1260] : memref<9830400xf32, #tpu.memory_space<hbm>> -> memref<8192xf32, #tpu.memory_space<hbm>>
    tpu.enqueue_dma source(%arg13 : memref<8192xf32, #tpu.memory_space<vmem>>) target(%dma_start3A_1266 : memref<8192xf32, #tpu.memory_space<hbm>>) target_semaphore(%arg22 : memref<!tpu.dma_semaphore, #tpu.memory_space<semaphore_mem>>)
    %dma_wait3A_1267 = arith.constant 0 : i32
    %dma_wait3A_1268 = tpu.memref_slice %arg10[%dma_wait3A_1267] : memref<8192xi32, #tpu.memory_space<vmem>> -> memref<1024xi32, #tpu.memory_space<vmem>>
    %dma_wait3A_1269 = tpu.memref_slice %arg2[%add3A_1026] : memref<3276800xi32, #tpu.memory_space<hbm>> -> memref<1024xi32, #tpu.memory_space<hbm>>
    %dma_wait3A_1270 = arith.constant 0 : i32
    %dma_wait3A_1271 = tpu.memref_slice %arg10[%dma_wait3A_1270] : memref<8192xi32, #tpu.memory_space<vmem>> -> memref<1024xi32, #tpu.memory_space<vmem>>
    %dma_wait3A_1272 = tpu.memref_slice %arg2[%add3A_1026] : memref<3276800xi32, #tpu.memory_space<hbm>> -> memref<1024xi32, #tpu.memory_space<hbm>>
    tpu.wait_dma2 semaphore(%arg21 : memref<!tpu.dma_semaphore, #tpu.memory_space<semaphore_mem>>) src(%dma_wait3A_1272 : memref<1024xi32, #tpu.memory_space<hbm>>) dst(%dma_wait3A_1271 : memref<1024xi32, #tpu.memory_space<vmem>>)
    %dma_wait3A_1273 = arith.constant 1024 : i32
    %dma_wait3A_1274 = tpu.memref_slice %arg10[%dma_wait3A_1273] : memref<8192xi32, #tpu.memory_space<vmem>> -> memref<1024xi32, #tpu.memory_space<vmem>>
    %dma_wait3A_1275 = tpu.memref_slice %arg2[%add3A_1028] : memref<3276800xi32, #tpu.memory_space<hbm>> -> memref<1024xi32, #tpu.memory_space<hbm>>
    %dma_wait3A_1276 = arith.constant 1024 : i32
    %dma_wait3A_1277 = tpu.memref_slice %arg10[%dma_wait3A_1276] : memref<8192xi32, #tpu.memory_space<vmem>> -> memref<1024xi32, #tpu.memory_space<vmem>>
    %dma_wait3A_1278 = tpu.memref_slice %arg2[%add3A_1028] : memref<3276800xi32, #tpu.memory_space<hbm>> -> memref<1024xi32, #tpu.memory_space<hbm>>
    tpu.wait_dma2 semaphore(%arg21 : memref<!tpu.dma_semaphore, #tpu.memory_space<semaphore_mem>>) src(%dma_wait3A_1278 : memref<1024xi32, #tpu.memory_space<hbm>>) dst(%dma_wait3A_1277 : memref<1024xi32, #tpu.memory_space<vmem>>)
    %dma_wait3A_1279 = arith.constant 2048 : i32
    %dma_wait3A_1280 = tpu.memref_slice %arg10[%dma_wait3A_1279] : memref<8192xi32, #tpu.memory_space<vmem>> -> memref<1024xi32, #tpu.memory_space<vmem>>
    %dma_wait3A_1281 = tpu.memref_slice %arg2[%add3A_1030] : memref<3276800xi32, #tpu.memory_space<hbm>> -> memref<1024xi32, #tpu.memory_space<hbm>>
    %dma_wait3A_1282 = arith.constant 2048 : i32
    %dma_wait3A_1283 = tpu.memref_slice %arg10[%dma_wait3A_1282] : memref<8192xi32, #tpu.memory_space<vmem>> -> memref<1024xi32, #tpu.memory_space<vmem>>
    %dma_wait3A_1284 = tpu.memref_slice %arg2[%add3A_1030] : memref<3276800xi32, #tpu.memory_space<hbm>> -> memref<1024xi32, #tpu.memory_space<hbm>>
    tpu.wait_dma2 semaphore(%arg21 : memref<!tpu.dma_semaphore, #tpu.memory_space<semaphore_mem>>) src(%dma_wait3A_1284 : memref<1024xi32, #tpu.memory_space<hbm>>) dst(%dma_wait3A_1283 : memref<1024xi32, #tpu.memory_space<vmem>>)
    %dma_wait3A_1285 = arith.constant 3072 : i32
    %dma_wait3A_1286 = tpu.memref_slice %arg10[%dma_wait3A_1285] : memref<8192xi32, #tpu.memory_space<vmem>> -> memref<1024xi32, #tpu.memory_space<vmem>>
    %dma_wait3A_1287 = tpu.memref_slice %arg2[%add3A_1032] : memref<3276800xi32, #tpu.memory_space<hbm>> -> memref<1024xi32, #tpu.memory_space<hbm>>
    %dma_wait3A_1288 = arith.constant 3072 : i32
    %dma_wait3A_1289 = tpu.memref_slice %arg10[%dma_wait3A_1288] : memref<8192xi32, #tpu.memory_space<vmem>> -> memref<1024xi32, #tpu.memory_space<vmem>>
    %dma_wait3A_1290 = tpu.memref_slice %arg2[%add3A_1032] : memref<3276800xi32, #tpu.memory_space<hbm>> -> memref<1024xi32, #tpu.memory_space<hbm>>
    tpu.wait_dma2 semaphore(%arg21 : memref<!tpu.dma_semaphore, #tpu.memory_space<semaphore_mem>>) src(%dma_wait3A_1290 : memref<1024xi32, #tpu.memory_space<hbm>>) dst(%dma_wait3A_1289 : memref<1024xi32, #tpu.memory_space<vmem>>)
    %dma_wait3A_1291 = arith.constant 4096 : i32
    %dma_wait3A_1292 = tpu.memref_slice %arg10[%dma_wait3A_1291] : memref<8192xi32, #tpu.memory_space<vmem>> -> memref<1024xi32, #tpu.memory_space<vmem>>
    %dma_wait3A_1293 = tpu.memref_slice %arg2[%add3A_1034] : memref<3276800xi32, #tpu.memory_space<hbm>> -> memref<1024xi32, #tpu.memory_space<hbm>>
    %dma_wait3A_1294 = arith.constant 4096 : i32
    %dma_wait3A_1295 = tpu.memref_slice %arg10[%dma_wait3A_1294] : memref<8192xi32, #tpu.memory_space<vmem>> -> memref<1024xi32, #tpu.memory_space<vmem>>
    %dma_wait3A_1296 = tpu.memref_slice %arg2[%add3A_1034] : memref<3276800xi32, #tpu.memory_space<hbm>> -> memref<1024xi32, #tpu.memory_space<hbm>>
    tpu.wait_dma2 semaphore(%arg21 : memref<!tpu.dma_semaphore, #tpu.memory_space<semaphore_mem>>) src(%dma_wait3A_1296 : memref<1024xi32, #tpu.memory_space<hbm>>) dst(%dma_wait3A_1295 : memref<1024xi32, #tpu.memory_space<vmem>>)
    %dma_wait3A_1297 = arith.constant 5120 : i32
    %dma_wait3A_1298 = tpu.memref_slice %arg10[%dma_wait3A_1297] : memref<8192xi32, #tpu.memory_space<vmem>> -> memref<1024xi32, #tpu.memory_space<vmem>>
    %dma_wait3A_1299 = tpu.memref_slice %arg2[%add3A_1036] : memref<3276800xi32, #tpu.memory_space<hbm>> -> memref<1024xi32, #tpu.memory_space<hbm>>
    %dma_wait3A_1300 = arith.constant 5120 : i32
    %dma_wait3A_1301 = tpu.memref_slice %arg10[%dma_wait3A_1300] : memref<8192xi32, #tpu.memory_space<vmem>> -> memref<1024xi32, #tpu.memory_space<vmem>>
    %dma_wait3A_1302 = tpu.memref_slice %arg2[%add3A_1036] : memref<3276800xi32, #tpu.memory_space<hbm>> -> memref<1024xi32, #tpu.memory_space<hbm>>
    tpu.wait_dma2 semaphore(%arg21 : memref<!tpu.dma_semaphore, #tpu.memory_space<semaphore_mem>>) src(%dma_wait3A_1302 : memref<1024xi32, #tpu.memory_space<hbm>>) dst(%dma_wait3A_1301 : memref<1024xi32, #tpu.memory_space<vmem>>)
    %dma_wait3A_1303 = arith.constant 6144 : i32
    %dma_wait3A_1304 = tpu.memref_slice %arg10[%dma_wait3A_1303] : memref<8192xi32, #tpu.memory_space<vmem>> -> memref<1024xi32, #tpu.memory_space<vmem>>
    %dma_wait3A_1305 = tpu.memref_slice %arg2[%add3A_1038] : memref<3276800xi32, #tpu.memory_space<hbm>> -> memref<1024xi32, #tpu.memory_space<hbm>>
    %dma_wait3A_1306 = arith.constant 6144 : i32
    %dma_wait3A_1307 = tpu.memref_slice %arg10[%dma_wait3A_1306] : memref<8192xi32, #tpu.memory_space<vmem>> -> memref<1024xi32, #tpu.memory_space<vmem>>
    %dma_wait3A_1308 = tpu.memref_slice %arg2[%add3A_1038] : memref<3276800xi32, #tpu.memory_space<hbm>> -> memref<1024xi32, #tpu.memory_space<hbm>>
    tpu.wait_dma2 semaphore(%arg21 : memref<!tpu.dma_semaphore, #tpu.memory_space<semaphore_mem>>) src(%dma_wait3A_1308 : memref<1024xi32, #tpu.memory_space<hbm>>) dst(%dma_wait3A_1307 : memref<1024xi32, #tpu.memory_space<vmem>>)
    %dma_wait3A_1309 = arith.constant 7168 : i32
    %dma_wait3A_1310 = tpu.memref_slice %arg10[%dma_wait3A_1309] : memref<8192xi32, #tpu.memory_space<vmem>> -> memref<1024xi32, #tpu.memory_space<vmem>>
    %dma_wait3A_1311 = tpu.memref_slice %arg2[%add3A_1040] : memref<3276800xi32, #tpu.memory_space<hbm>> -> memref<1024xi32, #tpu.memory_space<hbm>>
    %dma_wait3A_1312 = arith.constant 7168 : i32
    %dma_wait3A_1313 = tpu.memref_slice %arg10[%dma_wait3A_1312] : memref<8192xi32, #tpu.memory_space<vmem>> -> memref<1024xi32, #tpu.memory_space<vmem>>
    %dma_wait3A_1314 = tpu.memref_slice %arg2[%add3A_1040] : memref<3276800xi32, #tpu.memory_space<hbm>> -> memref<1024xi32, #tpu.memory_space<hbm>>
    tpu.wait_dma2 semaphore(%arg21 : memref<!tpu.dma_semaphore, #tpu.memory_space<semaphore_mem>>) src(%dma_wait3A_1314 : memref<1024xi32, #tpu.memory_space<hbm>>) dst(%dma_wait3A_1313 : memref<1024xi32, #tpu.memory_space<vmem>>)
    %dma_wait3A_1315 = tpu.memref_slice %arg4[%add3A_946] : memref<9830400xf32, #tpu.memory_space<hbm>> -> memref<8192xf32, #tpu.memory_space<hbm>>
    %dma_wait3A_1316 = tpu.memref_slice %arg4[%add3A_946] : memref<9830400xf32, #tpu.memory_space<hbm>> -> memref<8192xf32, #tpu.memory_space<hbm>>
    tpu.wait_dma2 semaphore(%arg23 : memref<!tpu.dma_semaphore, #tpu.memory_space<semaphore_mem>>) src(%arg14 : memref<8192xf32, #tpu.memory_space<vmem>>) dst(%dma_wait3A_1316 : memref<8192xf32, #tpu.memory_space<hbm>>)
    %dma_wait3A_1317 = tpu.memref_slice %arg4[%add3A_948] : memref<9830400xf32, #tpu.memory_space<hbm>> -> memref<8192xf32, #tpu.memory_space<hbm>>
    %dma_wait3A_1318 = tpu.memref_slice %arg4[%add3A_948] : memref<9830400xf32, #tpu.memory_space<hbm>> -> memref<8192xf32, #tpu.memory_space<hbm>>
    tpu.wait_dma2 semaphore(%arg23 : memref<!tpu.dma_semaphore, #tpu.memory_space<semaphore_mem>>) src(%arg15 : memref<8192xf32, #tpu.memory_space<vmem>>) dst(%dma_wait3A_1318 : memref<8192xf32, #tpu.memory_space<hbm>>)
    %dma_wait3A_1319 = tpu.memref_slice %arg4[%add3A_950] : memref<9830400xf32, #tpu.memory_space<hbm>> -> memref<8192xf32, #tpu.memory_space<hbm>>
    %dma_wait3A_1320 = tpu.memref_slice %arg4[%add3A_950] : memref<9830400xf32, #tpu.memory_space<hbm>> -> memref<8192xf32, #tpu.memory_space<hbm>>
    tpu.wait_dma2 semaphore(%arg23 : memref<!tpu.dma_semaphore, #tpu.memory_space<semaphore_mem>>) src(%arg16 : memref<8192xf32, #tpu.memory_space<vmem>>) dst(%dma_wait3A_1320 : memref<8192xf32, #tpu.memory_space<hbm>>)
    %parallel_loop3A_1321 = arith.constant 0 : i32
    %parallel_loop3A_1322 = arith.constant 512 : i32
    %parallel_loop3A_1323 = arith.constant 1 : i32
    scf.for %parallel_loop3A_2045 = %parallel_loop3A_1321 to %parallel_loop3A_1322 step %parallel_loop3A_1323  : i32 {
      %parallel_loop3A_2046 = arith.constant 3 : i32
      %parallel_loop3A_2047 = arith.shrsi %parallel_loop3A_2045, %parallel_loop3A_2046 : i32
      %parallel_loop3A_2048 = arith.constant 7 : i32
      %parallel_loop3A_2049 = arith.andi %parallel_loop3A_2047, %parallel_loop3A_2048 : i32
      %parallel_loop3A_2050 = arith.constant 1024 : i32
      %parallel_loop3A_2051 = arith.muli %parallel_loop3A_2049, %parallel_loop3A_2050 : i32
      %parallel_loop3A_2052 = arith.constant 6 : i32
      %parallel_loop3A_2053 = arith.shrsi %parallel_loop3A_2045, %parallel_loop3A_2052 : i32
      %parallel_loop3A_2054 = arith.constant 128 : i32
      %parallel_loop3A_2055 = arith.muli %parallel_loop3A_2053, %parallel_loop3A_2054 : i32
      %parallel_loop3A_2056 = arith.addi %parallel_loop3A_2051, %parallel_loop3A_2055 : i32
      %parallel_loop3A_2057 = arith.constant 7 : i32
      %parallel_loop3A_2058 = arith.andi %parallel_loop3A_2045, %parallel_loop3A_2057 : i32
      %parallel_loop3A_2059 = arith.constant 16 : i32
      %parallel_loop3A_2060 = arith.muli %parallel_loop3A_2058, %parallel_loop3A_2059 : i32
      %parallel_loop3A_2061 = arith.addi %parallel_loop3A_2056, %parallel_loop3A_2060 : i32
      %parallel_loop3A_2062 = arith.constant 16 : i32
      %parallel_loop3A_2063 = arith.muli %parallel_loop3A_2045, %parallel_loop3A_2062 : i32
      %parallel_loop3A_2064 = arith.index_cast %parallel_loop3A_2061 : i32 to index
      %parallel_loop3A_2065 = tpu.vector_load %arg10[%parallel_loop3A_2064] {strides = array<i32>} : memref<8192xi32, #tpu.memory_space<vmem>>, vector<16xi32>,
      %parallel_loop3A_2066 = tpu.vector_load_idx %arg6[%parallel_loop3A_2065] : memref<1024xf32, #tpu.memory_space<vmem>>[vector<16xi32>], vector<16xf32>,
      %parallel_loop3A_2067 = arith.index_cast %parallel_loop3A_2063 : i32 to index
      %parallel_loop3A_2068 = tpu.vector_load %arg14[%parallel_loop3A_2067] {strides = array<i32>} : memref<8192xf32, #tpu.memory_space<vmem>>, vector<16xf32>,
      tpu.vector_store %arg14[%parallel_loop3A_2067], %parallel_loop3A_2066 {strides = array<i32>} : memref<8192xf32, #tpu.memory_space<vmem>>, vector<16xf32>,
      %parallel_loop3A_2069 = tpu.vector_load_idx %arg7[%parallel_loop3A_2065] : memref<1024xf32, #tpu.memory_space<vmem>>[vector<16xi32>], vector<16xf32>,
      %parallel_loop3A_2070 = arith.index_cast %parallel_loop3A_2063 : i32 to index
      %parallel_loop3A_2071 = tpu.vector_load %arg15[%parallel_loop3A_2070] {strides = array<i32>} : memref<8192xf32, #tpu.memory_space<vmem>>, vector<16xf32>,
      tpu.vector_store %arg15[%parallel_loop3A_2070], %parallel_loop3A_2069 {strides = array<i32>} : memref<8192xf32, #tpu.memory_space<vmem>>, vector<16xf32>,
      %parallel_loop3A_2072 = tpu.vector_load_idx %arg8[%parallel_loop3A_2065] : memref<1024xf32, #tpu.memory_space<vmem>>[vector<16xi32>], vector<16xf32>,
      %parallel_loop3A_2073 = arith.index_cast %parallel_loop3A_2063 : i32 to index
      %parallel_loop3A_2074 = tpu.vector_load %arg16[%parallel_loop3A_2073] {strides = array<i32>} : memref<8192xf32, #tpu.memory_space<vmem>>, vector<16xf32>,
      tpu.vector_store %arg16[%parallel_loop3A_2073], %parallel_loop3A_2072 {strides = array<i32>} : memref<8192xf32, #tpu.memory_space<vmem>>, vector<16xf32>,
    } {sc.loop_unroll_factor = 8 : i64, sc.parallel_access}
    %add3A_1324 = arith.constant 288 : i32
    %add3A_1325 = arith.addi %add3A, %add3A_1324 : i32
    %shift_right_arithmetic3A_1326 = arith.constant 4 : i32
    %shift_right_arithmetic3A_1327 = arith.shrsi %add3A_1325, %shift_right_arithmetic3A_1326 : i32
    %and3A_1328 = arith.constant 15 : i32
    %and3A_1329 = arith.andi %add3A_1325, %and3A_1328 : i32
    %mul3A_1330 = arith.constant 131072 : i32
    %mul3A_1331 = arith.muli %shift_right_arithmetic3A_1327, %mul3A_1330 : i32
    %mul3A_1332 = arith.constant 1024 : i32
    %mul3A_1333 = arith.muli %and3A_1329, %mul3A_1332 : i32
    %add3A_1334 = arith.addi %mul3A_1331, %mul3A_1333 : i32
    %add3A_1335 = arith.constant 0 : i32
    %add3A_1336 = arith.addi %add3A_1334, %add3A_1335 : i32
    %add3A_1337 = arith.constant 16384 : i32
    %add3A_1338 = arith.addi %add3A_1334, %add3A_1337 : i32
    %add3A_1339 = arith.constant 32768 : i32
    %add3A_1340 = arith.addi %add3A_1334, %add3A_1339 : i32
    %add3A_1341 = arith.constant 49152 : i32
    %add3A_1342 = arith.addi %add3A_1334, %add3A_1341 : i32
    %add3A_1343 = arith.constant 65536 : i32
    %add3A_1344 = arith.addi %add3A_1334, %add3A_1343 : i32
    %add3A_1345 = arith.constant 81920 : i32
    %add3A_1346 = arith.addi %add3A_1334, %add3A_1345 : i32
    %add3A_1347 = arith.constant 98304 : i32
    %add3A_1348 = arith.addi %add3A_1334, %add3A_1347 : i32
    %add3A_1349 = arith.constant 114688 : i32
    %add3A_1350 = arith.addi %add3A_1334, %add3A_1349 : i32
    %dma_start3A_1351 = arith.constant 0 : i32
    %dma_start3A_1352 = tpu.memref_slice %arg10[%dma_start3A_1351] : memref<8192xi32, #tpu.memory_space<vmem>> -> memref<1024xi32, #tpu.memory_space<vmem>>
    %dma_start3A_1353 = tpu.memref_slice %arg2[%add3A_1336] : memref<3276800xi32, #tpu.memory_space<hbm>> -> memref<1024xi32, #tpu.memory_space<hbm>>
    %dma_start3A_1354 = arith.constant 0 : i32
    %dma_start3A_1355 = tpu.memref_slice %arg10[%dma_start3A_1354] : memref<8192xi32, #tpu.memory_space<vmem>> -> memref<1024xi32, #tpu.memory_space<vmem>>
    %dma_start3A_1356 = tpu.memref_slice %arg2[%add3A_1336] : memref<3276800xi32, #tpu.memory_space<hbm>> -> memref<1024xi32, #tpu.memory_space<hbm>>
    tpu.enqueue_dma source(%dma_start3A_1356 : memref<1024xi32, #tpu.memory_space<hbm>>) target(%dma_start3A_1355 : memref<1024xi32, #tpu.memory_space<vmem>>) target_semaphore(%arg21 : memref<!tpu.dma_semaphore, #tpu.memory_space<semaphore_mem>>)
    %dma_start3A_1357 = arith.constant 1024 : i32
    %dma_start3A_1358 = tpu.memref_slice %arg10[%dma_start3A_1357] : memref<8192xi32, #tpu.memory_space<vmem>> -> memref<1024xi32, #tpu.memory_space<vmem>>
    %dma_start3A_1359 = tpu.memref_slice %arg2[%add3A_1338] : memref<3276800xi32, #tpu.memory_space<hbm>> -> memref<1024xi32, #tpu.memory_space<hbm>>
    %dma_start3A_1360 = arith.constant 1024 : i32
    %dma_start3A_1361 = tpu.memref_slice %arg10[%dma_start3A_1360] : memref<8192xi32, #tpu.memory_space<vmem>> -> memref<1024xi32, #tpu.memory_space<vmem>>
    %dma_start3A_1362 = tpu.memref_slice %arg2[%add3A_1338] : memref<3276800xi32, #tpu.memory_space<hbm>> -> memref<1024xi32, #tpu.memory_space<hbm>>
    tpu.enqueue_dma source(%dma_start3A_1362 : memref<1024xi32, #tpu.memory_space<hbm>>) target(%dma_start3A_1361 : memref<1024xi32, #tpu.memory_space<vmem>>) target_semaphore(%arg21 : memref<!tpu.dma_semaphore, #tpu.memory_space<semaphore_mem>>)
    %dma_start3A_1363 = arith.constant 2048 : i32
    %dma_start3A_1364 = tpu.memref_slice %arg10[%dma_start3A_1363] : memref<8192xi32, #tpu.memory_space<vmem>> -> memref<1024xi32, #tpu.memory_space<vmem>>
    %dma_start3A_1365 = tpu.memref_slice %arg2[%add3A_1340] : memref<3276800xi32, #tpu.memory_space<hbm>> -> memref<1024xi32, #tpu.memory_space<hbm>>
    %dma_start3A_1366 = arith.constant 2048 : i32
    %dma_start3A_1367 = tpu.memref_slice %arg10[%dma_start3A_1366] : memref<8192xi32, #tpu.memory_space<vmem>> -> memref<1024xi32, #tpu.memory_space<vmem>>
    %dma_start3A_1368 = tpu.memref_slice %arg2[%add3A_1340] : memref<3276800xi32, #tpu.memory_space<hbm>> -> memref<1024xi32, #tpu.memory_space<hbm>>
    tpu.enqueue_dma source(%dma_start3A_1368 : memref<1024xi32, #tpu.memory_space<hbm>>) target(%dma_start3A_1367 : memref<1024xi32, #tpu.memory_space<vmem>>) target_semaphore(%arg21 : memref<!tpu.dma_semaphore, #tpu.memory_space<semaphore_mem>>)
    %dma_start3A_1369 = arith.constant 3072 : i32
    %dma_start3A_1370 = tpu.memref_slice %arg10[%dma_start3A_1369] : memref<8192xi32, #tpu.memory_space<vmem>> -> memref<1024xi32, #tpu.memory_space<vmem>>
    %dma_start3A_1371 = tpu.memref_slice %arg2[%add3A_1342] : memref<3276800xi32, #tpu.memory_space<hbm>> -> memref<1024xi32, #tpu.memory_space<hbm>>
    %dma_start3A_1372 = arith.constant 3072 : i32
    %dma_start3A_1373 = tpu.memref_slice %arg10[%dma_start3A_1372] : memref<8192xi32, #tpu.memory_space<vmem>> -> memref<1024xi32, #tpu.memory_space<vmem>>
    %dma_start3A_1374 = tpu.memref_slice %arg2[%add3A_1342] : memref<3276800xi32, #tpu.memory_space<hbm>> -> memref<1024xi32, #tpu.memory_space<hbm>>
    tpu.enqueue_dma source(%dma_start3A_1374 : memref<1024xi32, #tpu.memory_space<hbm>>) target(%dma_start3A_1373 : memref<1024xi32, #tpu.memory_space<vmem>>) target_semaphore(%arg21 : memref<!tpu.dma_semaphore, #tpu.memory_space<semaphore_mem>>)
    %dma_start3A_1375 = arith.constant 4096 : i32
    %dma_start3A_1376 = tpu.memref_slice %arg10[%dma_start3A_1375] : memref<8192xi32, #tpu.memory_space<vmem>> -> memref<1024xi32, #tpu.memory_space<vmem>>
    %dma_start3A_1377 = tpu.memref_slice %arg2[%add3A_1344] : memref<3276800xi32, #tpu.memory_space<hbm>> -> memref<1024xi32, #tpu.memory_space<hbm>>
    %dma_start3A_1378 = arith.constant 4096 : i32
    %dma_start3A_1379 = tpu.memref_slice %arg10[%dma_start3A_1378] : memref<8192xi32, #tpu.memory_space<vmem>> -> memref<1024xi32, #tpu.memory_space<vmem>>
    %dma_start3A_1380 = tpu.memref_slice %arg2[%add3A_1344] : memref<3276800xi32, #tpu.memory_space<hbm>> -> memref<1024xi32, #tpu.memory_space<hbm>>
    tpu.enqueue_dma source(%dma_start3A_1380 : memref<1024xi32, #tpu.memory_space<hbm>>) target(%dma_start3A_1379 : memref<1024xi32, #tpu.memory_space<vmem>>) target_semaphore(%arg21 : memref<!tpu.dma_semaphore, #tpu.memory_space<semaphore_mem>>)
    %dma_start3A_1381 = arith.constant 5120 : i32
    %dma_start3A_1382 = tpu.memref_slice %arg10[%dma_start3A_1381] : memref<8192xi32, #tpu.memory_space<vmem>> -> memref<1024xi32, #tpu.memory_space<vmem>>
    %dma_start3A_1383 = tpu.memref_slice %arg2[%add3A_1346] : memref<3276800xi32, #tpu.memory_space<hbm>> -> memref<1024xi32, #tpu.memory_space<hbm>>
    %dma_start3A_1384 = arith.constant 5120 : i32
    %dma_start3A_1385 = tpu.memref_slice %arg10[%dma_start3A_1384] : memref<8192xi32, #tpu.memory_space<vmem>> -> memref<1024xi32, #tpu.memory_space<vmem>>
    %dma_start3A_1386 = tpu.memref_slice %arg2[%add3A_1346] : memref<3276800xi32, #tpu.memory_space<hbm>> -> memref<1024xi32, #tpu.memory_space<hbm>>
    tpu.enqueue_dma source(%dma_start3A_1386 : memref<1024xi32, #tpu.memory_space<hbm>>) target(%dma_start3A_1385 : memref<1024xi32, #tpu.memory_space<vmem>>) target_semaphore(%arg21 : memref<!tpu.dma_semaphore, #tpu.memory_space<semaphore_mem>>)
    %dma_start3A_1387 = arith.constant 6144 : i32
    %dma_start3A_1388 = tpu.memref_slice %arg10[%dma_start3A_1387] : memref<8192xi32, #tpu.memory_space<vmem>> -> memref<1024xi32, #tpu.memory_space<vmem>>
    %dma_start3A_1389 = tpu.memref_slice %arg2[%add3A_1348] : memref<3276800xi32, #tpu.memory_space<hbm>> -> memref<1024xi32, #tpu.memory_space<hbm>>
    %dma_start3A_1390 = arith.constant 6144 : i32
    %dma_start3A_1391 = tpu.memref_slice %arg10[%dma_start3A_1390] : memref<8192xi32, #tpu.memory_space<vmem>> -> memref<1024xi32, #tpu.memory_space<vmem>>
    %dma_start3A_1392 = tpu.memref_slice %arg2[%add3A_1348] : memref<3276800xi32, #tpu.memory_space<hbm>> -> memref<1024xi32, #tpu.memory_space<hbm>>
    tpu.enqueue_dma source(%dma_start3A_1392 : memref<1024xi32, #tpu.memory_space<hbm>>) target(%dma_start3A_1391 : memref<1024xi32, #tpu.memory_space<vmem>>) target_semaphore(%arg21 : memref<!tpu.dma_semaphore, #tpu.memory_space<semaphore_mem>>)
    %dma_start3A_1393 = arith.constant 7168 : i32
    %dma_start3A_1394 = tpu.memref_slice %arg10[%dma_start3A_1393] : memref<8192xi32, #tpu.memory_space<vmem>> -> memref<1024xi32, #tpu.memory_space<vmem>>
    %dma_start3A_1395 = tpu.memref_slice %arg2[%add3A_1350] : memref<3276800xi32, #tpu.memory_space<hbm>> -> memref<1024xi32, #tpu.memory_space<hbm>>
    %dma_start3A_1396 = arith.constant 7168 : i32
    %dma_start3A_1397 = tpu.memref_slice %arg10[%dma_start3A_1396] : memref<8192xi32, #tpu.memory_space<vmem>> -> memref<1024xi32, #tpu.memory_space<vmem>>
    %dma_start3A_1398 = tpu.memref_slice %arg2[%add3A_1350] : memref<3276800xi32, #tpu.memory_space<hbm>> -> memref<1024xi32, #tpu.memory_space<hbm>>
    tpu.enqueue_dma source(%dma_start3A_1398 : memref<1024xi32, #tpu.memory_space<hbm>>) target(%dma_start3A_1397 : memref<1024xi32, #tpu.memory_space<vmem>>) target_semaphore(%arg21 : memref<!tpu.dma_semaphore, #tpu.memory_space<semaphore_mem>>)
    %add3A_1399 = arith.constant 224 : i32
    %add3A_1400 = arith.addi %add3A, %add3A_1399 : i32
    %shift_right_arithmetic3A_1401 = arith.constant 4 : i32
    %shift_right_arithmetic3A_1402 = arith.shrsi %add3A_1400, %shift_right_arithmetic3A_1401 : i32
    %and3A_1403 = arith.constant 15 : i32
    %and3A_1404 = arith.andi %add3A_1400, %and3A_1403 : i32
    %mul3A_1405 = arith.constant 131072 : i32
    %mul3A_1406 = arith.muli %shift_right_arithmetic3A_1402, %mul3A_1405 : i32
    %mul3A_1407 = arith.constant 8192 : i32
    %mul3A_1408 = arith.muli %and3A_1404, %mul3A_1407 : i32
    %add3A_1409 = arith.addi %mul3A_1406, %mul3A_1408 : i32
    %add3A_1410 = arith.constant 0 : i32
    %add3A_1411 = arith.addi %add3A_1410, %add3A_1409 : i32
    %add3A_1412 = arith.constant 3276800 : i32
    %add3A_1413 = arith.addi %add3A_1412, %add3A_1409 : i32
    %add3A_1414 = arith.constant 6553600 : i32
    %add3A_1415 = arith.addi %add3A_1414, %add3A_1409 : i32
    %dma_start3A_1416 = tpu.memref_slice %arg4[%add3A_1411] : memref<9830400xf32, #tpu.memory_space<hbm>> -> memref<8192xf32, #tpu.memory_space<hbm>>
    %dma_start3A_1417 = tpu.memref_slice %arg4[%add3A_1411] : memref<9830400xf32, #tpu.memory_space<hbm>> -> memref<8192xf32, #tpu.memory_space<hbm>>
    tpu.enqueue_dma source(%arg14 : memref<8192xf32, #tpu.memory_space<vmem>>) target(%dma_start3A_1417 : memref<8192xf32, #tpu.memory_space<hbm>>) target_semaphore(%arg23 : memref<!tpu.dma_semaphore, #tpu.memory_space<semaphore_mem>>)
    %dma_start3A_1418 = tpu.memref_slice %arg4[%add3A_1413] : memref<9830400xf32, #tpu.memory_space<hbm>> -> memref<8192xf32, #tpu.memory_space<hbm>>
    %dma_start3A_1419 = tpu.memref_slice %arg4[%add3A_1413] : memref<9830400xf32, #tpu.memory_space<hbm>> -> memref<8192xf32, #tpu.memory_space<hbm>>
    tpu.enqueue_dma source(%arg15 : memref<8192xf32, #tpu.memory_space<vmem>>) target(%dma_start3A_1419 : memref<8192xf32, #tpu.memory_space<hbm>>) target_semaphore(%arg23 : memref<!tpu.dma_semaphore, #tpu.memory_space<semaphore_mem>>)
    %dma_start3A_1420 = tpu.memref_slice %arg4[%add3A_1415] : memref<9830400xf32, #tpu.memory_space<hbm>> -> memref<8192xf32, #tpu.memory_space<hbm>>
    %dma_start3A_1421 = tpu.memref_slice %arg4[%add3A_1415] : memref<9830400xf32, #tpu.memory_space<hbm>> -> memref<8192xf32, #tpu.memory_space<hbm>>
    tpu.enqueue_dma source(%arg16 : memref<8192xf32, #tpu.memory_space<vmem>>) target(%dma_start3A_1421 : memref<8192xf32, #tpu.memory_space<hbm>>) target_semaphore(%arg23 : memref<!tpu.dma_semaphore, #tpu.memory_space<semaphore_mem>>)
    %dma_wait3A_1422 = arith.constant 0 : i32
    %dma_wait3A_1423 = tpu.memref_slice %arg9[%dma_wait3A_1422] : memref<8192xi32, #tpu.memory_space<vmem>> -> memref<1024xi32, #tpu.memory_space<vmem>>
    %dma_wait3A_1424 = tpu.memref_slice %arg2[%add3A_1181] : memref<3276800xi32, #tpu.memory_space<hbm>> -> memref<1024xi32, #tpu.memory_space<hbm>>
    %dma_wait3A_1425 = arith.constant 0 : i32
    %dma_wait3A_1426 = tpu.memref_slice %arg9[%dma_wait3A_1425] : memref<8192xi32, #tpu.memory_space<vmem>> -> memref<1024xi32, #tpu.memory_space<vmem>>
    %dma_wait3A_1427 = tpu.memref_slice %arg2[%add3A_1181] : memref<3276800xi32, #tpu.memory_space<hbm>> -> memref<1024xi32, #tpu.memory_space<hbm>>
    tpu.wait_dma2 semaphore(%arg20 : memref<!tpu.dma_semaphore, #tpu.memory_space<semaphore_mem>>) src(%dma_wait3A_1427 : memref<1024xi32, #tpu.memory_space<hbm>>) dst(%dma_wait3A_1426 : memref<1024xi32, #tpu.memory_space<vmem>>)
    %dma_wait3A_1428 = arith.constant 1024 : i32
    %dma_wait3A_1429 = tpu.memref_slice %arg9[%dma_wait3A_1428] : memref<8192xi32, #tpu.memory_space<vmem>> -> memref<1024xi32, #tpu.memory_space<vmem>>
    %dma_wait3A_1430 = tpu.memref_slice %arg2[%add3A_1183] : memref<3276800xi32, #tpu.memory_space<hbm>> -> memref<1024xi32, #tpu.memory_space<hbm>>
    %dma_wait3A_1431 = arith.constant 1024 : i32
    %dma_wait3A_1432 = tpu.memref_slice %arg9[%dma_wait3A_1431] : memref<8192xi32, #tpu.memory_space<vmem>> -> memref<1024xi32, #tpu.memory_space<vmem>>
    %dma_wait3A_1433 = tpu.memref_slice %arg2[%add3A_1183] : memref<3276800xi32, #tpu.memory_space<hbm>> -> memref<1024xi32, #tpu.memory_space<hbm>>
    tpu.wait_dma2 semaphore(%arg20 : memref<!tpu.dma_semaphore, #tpu.memory_space<semaphore_mem>>) src(%dma_wait3A_1433 : memref<1024xi32, #tpu.memory_space<hbm>>) dst(%dma_wait3A_1432 : memref<1024xi32, #tpu.memory_space<vmem>>)
    %dma_wait3A_1434 = arith.constant 2048 : i32
    %dma_wait3A_1435 = tpu.memref_slice %arg9[%dma_wait3A_1434] : memref<8192xi32, #tpu.memory_space<vmem>> -> memref<1024xi32, #tpu.memory_space<vmem>>
    %dma_wait3A_1436 = tpu.memref_slice %arg2[%add3A_1185] : memref<3276800xi32, #tpu.memory_space<hbm>> -> memref<1024xi32, #tpu.memory_space<hbm>>
    %dma_wait3A_1437 = arith.constant 2048 : i32
    %dma_wait3A_1438 = tpu.memref_slice %arg9[%dma_wait3A_1437] : memref<8192xi32, #tpu.memory_space<vmem>> -> memref<1024xi32, #tpu.memory_space<vmem>>
    %dma_wait3A_1439 = tpu.memref_slice %arg2[%add3A_1185] : memref<3276800xi32, #tpu.memory_space<hbm>> -> memref<1024xi32, #tpu.memory_space<hbm>>
    tpu.wait_dma2 semaphore(%arg20 : memref<!tpu.dma_semaphore, #tpu.memory_space<semaphore_mem>>) src(%dma_wait3A_1439 : memref<1024xi32, #tpu.memory_space<hbm>>) dst(%dma_wait3A_1438 : memref<1024xi32, #tpu.memory_space<vmem>>)
    %dma_wait3A_1440 = arith.constant 3072 : i32
    %dma_wait3A_1441 = tpu.memref_slice %arg9[%dma_wait3A_1440] : memref<8192xi32, #tpu.memory_space<vmem>> -> memref<1024xi32, #tpu.memory_space<vmem>>
    %dma_wait3A_1442 = tpu.memref_slice %arg2[%add3A_1187] : memref<3276800xi32, #tpu.memory_space<hbm>> -> memref<1024xi32, #tpu.memory_space<hbm>>
    %dma_wait3A_1443 = arith.constant 3072 : i32
    %dma_wait3A_1444 = tpu.memref_slice %arg9[%dma_wait3A_1443] : memref<8192xi32, #tpu.memory_space<vmem>> -> memref<1024xi32, #tpu.memory_space<vmem>>
    %dma_wait3A_1445 = tpu.memref_slice %arg2[%add3A_1187] : memref<3276800xi32, #tpu.memory_space<hbm>> -> memref<1024xi32, #tpu.memory_space<hbm>>
    tpu.wait_dma2 semaphore(%arg20 : memref<!tpu.dma_semaphore, #tpu.memory_space<semaphore_mem>>) src(%dma_wait3A_1445 : memref<1024xi32, #tpu.memory_space<hbm>>) dst(%dma_wait3A_1444 : memref<1024xi32, #tpu.memory_space<vmem>>)
    %dma_wait3A_1446 = arith.constant 4096 : i32
    %dma_wait3A_1447 = tpu.memref_slice %arg9[%dma_wait3A_1446] : memref<8192xi32, #tpu.memory_space<vmem>> -> memref<1024xi32, #tpu.memory_space<vmem>>
    %dma_wait3A_1448 = tpu.memref_slice %arg2[%add3A_1189] : memref<3276800xi32, #tpu.memory_space<hbm>> -> memref<1024xi32, #tpu.memory_space<hbm>>
    %dma_wait3A_1449 = arith.constant 4096 : i32
    %dma_wait3A_1450 = tpu.memref_slice %arg9[%dma_wait3A_1449] : memref<8192xi32, #tpu.memory_space<vmem>> -> memref<1024xi32, #tpu.memory_space<vmem>>
    %dma_wait3A_1451 = tpu.memref_slice %arg2[%add3A_1189] : memref<3276800xi32, #tpu.memory_space<hbm>> -> memref<1024xi32, #tpu.memory_space<hbm>>
    tpu.wait_dma2 semaphore(%arg20 : memref<!tpu.dma_semaphore, #tpu.memory_space<semaphore_mem>>) src(%dma_wait3A_1451 : memref<1024xi32, #tpu.memory_space<hbm>>) dst(%dma_wait3A_1450 : memref<1024xi32, #tpu.memory_space<vmem>>)
    %dma_wait3A_1452 = arith.constant 5120 : i32
    %dma_wait3A_1453 = tpu.memref_slice %arg9[%dma_wait3A_1452] : memref<8192xi32, #tpu.memory_space<vmem>> -> memref<1024xi32, #tpu.memory_space<vmem>>
    %dma_wait3A_1454 = tpu.memref_slice %arg2[%add3A_1191] : memref<3276800xi32, #tpu.memory_space<hbm>> -> memref<1024xi32, #tpu.memory_space<hbm>>
    %dma_wait3A_1455 = arith.constant 5120 : i32
    %dma_wait3A_1456 = tpu.memref_slice %arg9[%dma_wait3A_1455] : memref<8192xi32, #tpu.memory_space<vmem>> -> memref<1024xi32, #tpu.memory_space<vmem>>
    %dma_wait3A_1457 = tpu.memref_slice %arg2[%add3A_1191] : memref<3276800xi32, #tpu.memory_space<hbm>> -> memref<1024xi32, #tpu.memory_space<hbm>>
    tpu.wait_dma2 semaphore(%arg20 : memref<!tpu.dma_semaphore, #tpu.memory_space<semaphore_mem>>) src(%dma_wait3A_1457 : memref<1024xi32, #tpu.memory_space<hbm>>) dst(%dma_wait3A_1456 : memref<1024xi32, #tpu.memory_space<vmem>>)
    %dma_wait3A_1458 = arith.constant 6144 : i32
    %dma_wait3A_1459 = tpu.memref_slice %arg9[%dma_wait3A_1458] : memref<8192xi32, #tpu.memory_space<vmem>> -> memref<1024xi32, #tpu.memory_space<vmem>>
    %dma_wait3A_1460 = tpu.memref_slice %arg2[%add3A_1193] : memref<3276800xi32, #tpu.memory_space<hbm>> -> memref<1024xi32, #tpu.memory_space<hbm>>
    %dma_wait3A_1461 = arith.constant 6144 : i32
    %dma_wait3A_1462 = tpu.memref_slice %arg9[%dma_wait3A_1461] : memref<8192xi32, #tpu.memory_space<vmem>> -> memref<1024xi32, #tpu.memory_space<vmem>>
    %dma_wait3A_1463 = tpu.memref_slice %arg2[%add3A_1193] : memref<3276800xi32, #tpu.memory_space<hbm>> -> memref<1024xi32, #tpu.memory_space<hbm>>
    tpu.wait_dma2 semaphore(%arg20 : memref<!tpu.dma_semaphore, #tpu.memory_space<semaphore_mem>>) src(%dma_wait3A_1463 : memref<1024xi32, #tpu.memory_space<hbm>>) dst(%dma_wait3A_1462 : memref<1024xi32, #tpu.memory_space<vmem>>)
    %dma_wait3A_1464 = arith.constant 7168 : i32
    %dma_wait3A_1465 = tpu.memref_slice %arg9[%dma_wait3A_1464] : memref<8192xi32, #tpu.memory_space<vmem>> -> memref<1024xi32, #tpu.memory_space<vmem>>
    %dma_wait3A_1466 = tpu.memref_slice %arg2[%add3A_1195] : memref<3276800xi32, #tpu.memory_space<hbm>> -> memref<1024xi32, #tpu.memory_space<hbm>>
    %dma_wait3A_1467 = arith.constant 7168 : i32
    %dma_wait3A_1468 = tpu.memref_slice %arg9[%dma_wait3A_1467] : memref<8192xi32, #tpu.memory_space<vmem>> -> memref<1024xi32, #tpu.memory_space<vmem>>
    %dma_wait3A_1469 = tpu.memref_slice %arg2[%add3A_1195] : memref<3276800xi32, #tpu.memory_space<hbm>> -> memref<1024xi32, #tpu.memory_space<hbm>>
    tpu.wait_dma2 semaphore(%arg20 : memref<!tpu.dma_semaphore, #tpu.memory_space<semaphore_mem>>) src(%dma_wait3A_1469 : memref<1024xi32, #tpu.memory_space<hbm>>) dst(%dma_wait3A_1468 : memref<1024xi32, #tpu.memory_space<vmem>>)
    %dma_wait3A_1470 = tpu.memref_slice %arg4[%add3A_1101] : memref<9830400xf32, #tpu.memory_space<hbm>> -> memref<8192xf32, #tpu.memory_space<hbm>>
    %dma_wait3A_1471 = tpu.memref_slice %arg4[%add3A_1101] : memref<9830400xf32, #tpu.memory_space<hbm>> -> memref<8192xf32, #tpu.memory_space<hbm>>
    tpu.wait_dma2 semaphore(%arg24 : memref<!tpu.dma_semaphore, #tpu.memory_space<semaphore_mem>>) src(%arg17 : memref<8192xf32, #tpu.memory_space<vmem>>) dst(%dma_wait3A_1471 : memref<8192xf32, #tpu.memory_space<hbm>>)
    %dma_wait3A_1472 = tpu.memref_slice %arg4[%add3A_1103] : memref<9830400xf32, #tpu.memory_space<hbm>> -> memref<8192xf32, #tpu.memory_space<hbm>>
    %dma_wait3A_1473 = tpu.memref_slice %arg4[%add3A_1103] : memref<9830400xf32, #tpu.memory_space<hbm>> -> memref<8192xf32, #tpu.memory_space<hbm>>
    tpu.wait_dma2 semaphore(%arg24 : memref<!tpu.dma_semaphore, #tpu.memory_space<semaphore_mem>>) src(%arg18 : memref<8192xf32, #tpu.memory_space<vmem>>) dst(%dma_wait3A_1473 : memref<8192xf32, #tpu.memory_space<hbm>>)
    %dma_wait3A_1474 = tpu.memref_slice %arg4[%add3A_1105] : memref<9830400xf32, #tpu.memory_space<hbm>> -> memref<8192xf32, #tpu.memory_space<hbm>>
    %dma_wait3A_1475 = tpu.memref_slice %arg4[%add3A_1105] : memref<9830400xf32, #tpu.memory_space<hbm>> -> memref<8192xf32, #tpu.memory_space<hbm>>
    tpu.wait_dma2 semaphore(%arg24 : memref<!tpu.dma_semaphore, #tpu.memory_space<semaphore_mem>>) src(%arg19 : memref<8192xf32, #tpu.memory_space<vmem>>) dst(%dma_wait3A_1475 : memref<8192xf32, #tpu.memory_space<hbm>>)
    %parallel_loop3A_1476 = arith.constant 0 : i32
    %parallel_loop3A_1477 = arith.constant 512 : i32
    %parallel_loop3A_1478 = arith.constant 1 : i32
    scf.for %parallel_loop3A_2045 = %parallel_loop3A_1476 to %parallel_loop3A_1477 step %parallel_loop3A_1478  : i32 {
      %parallel_loop3A_2046 = arith.constant 3 : i32
      %parallel_loop3A_2047 = arith.shrsi %parallel_loop3A_2045, %parallel_loop3A_2046 : i32
      %parallel_loop3A_2048 = arith.constant 7 : i32
      %parallel_loop3A_2049 = arith.andi %parallel_loop3A_2047, %parallel_loop3A_2048 : i32
      %parallel_loop3A_2050 = arith.constant 1024 : i32
      %parallel_loop3A_2051 = arith.muli %parallel_loop3A_2049, %parallel_loop3A_2050 : i32
      %parallel_loop3A_2052 = arith.constant 6 : i32
      %parallel_loop3A_2053 = arith.shrsi %parallel_loop3A_2045, %parallel_loop3A_2052 : i32
      %parallel_loop3A_2054 = arith.constant 128 : i32
      %parallel_loop3A_2055 = arith.muli %parallel_loop3A_2053, %parallel_loop3A_2054 : i32
      %parallel_loop3A_2056 = arith.addi %parallel_loop3A_2051, %parallel_loop3A_2055 : i32
      %parallel_loop3A_2057 = arith.constant 7 : i32
      %parallel_loop3A_2058 = arith.andi %parallel_loop3A_2045, %parallel_loop3A_2057 : i32
      %parallel_loop3A_2059 = arith.constant 16 : i32
      %parallel_loop3A_2060 = arith.muli %parallel_loop3A_2058, %parallel_loop3A_2059 : i32
      %parallel_loop3A_2061 = arith.addi %parallel_loop3A_2056, %parallel_loop3A_2060 : i32
      %parallel_loop3A_2062 = arith.constant 16 : i32
      %parallel_loop3A_2063 = arith.muli %parallel_loop3A_2045, %parallel_loop3A_2062 : i32
      %parallel_loop3A_2064 = arith.index_cast %parallel_loop3A_2061 : i32 to index
      %parallel_loop3A_2065 = tpu.vector_load %arg9[%parallel_loop3A_2064] {strides = array<i32>} : memref<8192xi32, #tpu.memory_space<vmem>>, vector<16xi32>,
      %parallel_loop3A_2066 = tpu.vector_load_idx %arg6[%parallel_loop3A_2065] : memref<1024xf32, #tpu.memory_space<vmem>>[vector<16xi32>], vector<16xf32>,
      %parallel_loop3A_2067 = arith.index_cast %parallel_loop3A_2063 : i32 to index
      %parallel_loop3A_2068 = tpu.vector_load %arg17[%parallel_loop3A_2067] {strides = array<i32>} : memref<8192xf32, #tpu.memory_space<vmem>>, vector<16xf32>,
      tpu.vector_store %arg17[%parallel_loop3A_2067], %parallel_loop3A_2066 {strides = array<i32>} : memref<8192xf32, #tpu.memory_space<vmem>>, vector<16xf32>,
      %parallel_loop3A_2069 = tpu.vector_load_idx %arg7[%parallel_loop3A_2065] : memref<1024xf32, #tpu.memory_space<vmem>>[vector<16xi32>], vector<16xf32>,
      %parallel_loop3A_2070 = arith.index_cast %parallel_loop3A_2063 : i32 to index
      %parallel_loop3A_2071 = tpu.vector_load %arg18[%parallel_loop3A_2070] {strides = array<i32>} : memref<8192xf32, #tpu.memory_space<vmem>>, vector<16xf32>,
      tpu.vector_store %arg18[%parallel_loop3A_2070], %parallel_loop3A_2069 {strides = array<i32>} : memref<8192xf32, #tpu.memory_space<vmem>>, vector<16xf32>,
      %parallel_loop3A_2072 = tpu.vector_load_idx %arg8[%parallel_loop3A_2065] : memref<1024xf32, #tpu.memory_space<vmem>>[vector<16xi32>], vector<16xf32>,
      %parallel_loop3A_2073 = arith.index_cast %parallel_loop3A_2063 : i32 to index
      %parallel_loop3A_2074 = tpu.vector_load %arg19[%parallel_loop3A_2073] {strides = array<i32>} : memref<8192xf32, #tpu.memory_space<vmem>>, vector<16xf32>,
      tpu.vector_store %arg19[%parallel_loop3A_2073], %parallel_loop3A_2072 {strides = array<i32>} : memref<8192xf32, #tpu.memory_space<vmem>>, vector<16xf32>,
    } {sc.loop_unroll_factor = 8 : i64, sc.parallel_access}
    %add3A_1479 = arith.constant 320 : i32
    %add3A_1480 = arith.addi %add3A, %add3A_1479 : i32
    %shift_right_arithmetic3A_1481 = arith.constant 4 : i32
    %shift_right_arithmetic3A_1482 = arith.shrsi %add3A_1480, %shift_right_arithmetic3A_1481 : i32
    %and3A_1483 = arith.constant 15 : i32
    %and3A_1484 = arith.andi %add3A_1480, %and3A_1483 : i32
    %mul3A_1485 = arith.constant 131072 : i32
    %mul3A_1486 = arith.muli %shift_right_arithmetic3A_1482, %mul3A_1485 : i32
    %mul3A_1487 = arith.constant 1024 : i32
    %mul3A_1488 = arith.muli %and3A_1484, %mul3A_1487 : i32
    %add3A_1489 = arith.addi %mul3A_1486, %mul3A_1488 : i32
    %add3A_1490 = arith.constant 0 : i32
    %add3A_1491 = arith.addi %add3A_1489, %add3A_1490 : i32
    %add3A_1492 = arith.constant 16384 : i32
    %add3A_1493 = arith.addi %add3A_1489, %add3A_1492 : i32
    %add3A_1494 = arith.constant 32768 : i32
    %add3A_1495 = arith.addi %add3A_1489, %add3A_1494 : i32
    %add3A_1496 = arith.constant 49152 : i32
    %add3A_1497 = arith.addi %add3A_1489, %add3A_1496 : i32
    %add3A_1498 = arith.constant 65536 : i32
    %add3A_1499 = arith.addi %add3A_1489, %add3A_1498 : i32
    %add3A_1500 = arith.constant 81920 : i32
    %add3A_1501 = arith.addi %add3A_1489, %add3A_1500 : i32
    %add3A_1502 = arith.constant 98304 : i32
    %add3A_1503 = arith.addi %add3A_1489, %add3A_1502 : i32
    %add3A_1504 = arith.constant 114688 : i32
    %add3A_1505 = arith.addi %add3A_1489, %add3A_1504 : i32
    %dma_start3A_1506 = arith.constant 0 : i32
    %dma_start3A_1507 = tpu.memref_slice %arg9[%dma_start3A_1506] : memref<8192xi32, #tpu.memory_space<vmem>> -> memref<1024xi32, #tpu.memory_space<vmem>>
    %dma_start3A_1508 = tpu.memref_slice %arg2[%add3A_1491] : memref<3276800xi32, #tpu.memory_space<hbm>> -> memref<1024xi32, #tpu.memory_space<hbm>>
    %dma_start3A_1509 = arith.constant 0 : i32
    %dma_start3A_1510 = tpu.memref_slice %arg9[%dma_start3A_1509] : memref<8192xi32, #tpu.memory_space<vmem>> -> memref<1024xi32, #tpu.memory_space<vmem>>
    %dma_start3A_1511 = tpu.memref_slice %arg2[%add3A_1491] : memref<3276800xi32, #tpu.memory_space<hbm>> -> memref<1024xi32, #tpu.memory_space<hbm>>
    tpu.enqueue_dma source(%dma_start3A_1511 : memref<1024xi32, #tpu.memory_space<hbm>>) target(%dma_start3A_1510 : memref<1024xi32, #tpu.memory_space<vmem>>) target_semaphore(%arg20 : memref<!tpu.dma_semaphore, #tpu.memory_space<semaphore_mem>>)
    %dma_start3A_1512 = arith.constant 1024 : i32
    %dma_start3A_1513 = tpu.memref_slice %arg9[%dma_start3A_1512] : memref<8192xi32, #tpu.memory_space<vmem>> -> memref<1024xi32, #tpu.memory_space<vmem>>
    %dma_start3A_1514 = tpu.memref_slice %arg2[%add3A_1493] : memref<3276800xi32, #tpu.memory_space<hbm>> -> memref<1024xi32, #tpu.memory_space<hbm>>
    %dma_start3A_1515 = arith.constant 1024 : i32
    %dma_start3A_1516 = tpu.memref_slice %arg9[%dma_start3A_1515] : memref<8192xi32, #tpu.memory_space<vmem>> -> memref<1024xi32, #tpu.memory_space<vmem>>
    %dma_start3A_1517 = tpu.memref_slice %arg2[%add3A_1493] : memref<3276800xi32, #tpu.memory_space<hbm>> -> memref<1024xi32, #tpu.memory_space<hbm>>
    tpu.enqueue_dma source(%dma_start3A_1517 : memref<1024xi32, #tpu.memory_space<hbm>>) target(%dma_start3A_1516 : memref<1024xi32, #tpu.memory_space<vmem>>) target_semaphore(%arg20 : memref<!tpu.dma_semaphore, #tpu.memory_space<semaphore_mem>>)
    %dma_start3A_1518 = arith.constant 2048 : i32
    %dma_start3A_1519 = tpu.memref_slice %arg9[%dma_start3A_1518] : memref<8192xi32, #tpu.memory_space<vmem>> -> memref<1024xi32, #tpu.memory_space<vmem>>
    %dma_start3A_1520 = tpu.memref_slice %arg2[%add3A_1495] : memref<3276800xi32, #tpu.memory_space<hbm>> -> memref<1024xi32, #tpu.memory_space<hbm>>
    %dma_start3A_1521 = arith.constant 2048 : i32
    %dma_start3A_1522 = tpu.memref_slice %arg9[%dma_start3A_1521] : memref<8192xi32, #tpu.memory_space<vmem>> -> memref<1024xi32, #tpu.memory_space<vmem>>
    %dma_start3A_1523 = tpu.memref_slice %arg2[%add3A_1495] : memref<3276800xi32, #tpu.memory_space<hbm>> -> memref<1024xi32, #tpu.memory_space<hbm>>
    tpu.enqueue_dma source(%dma_start3A_1523 : memref<1024xi32, #tpu.memory_space<hbm>>) target(%dma_start3A_1522 : memref<1024xi32, #tpu.memory_space<vmem>>) target_semaphore(%arg20 : memref<!tpu.dma_semaphore, #tpu.memory_space<semaphore_mem>>)
    %dma_start3A_1524 = arith.constant 3072 : i32
    %dma_start3A_1525 = tpu.memref_slice %arg9[%dma_start3A_1524] : memref<8192xi32, #tpu.memory_space<vmem>> -> memref<1024xi32, #tpu.memory_space<vmem>>
    %dma_start3A_1526 = tpu.memref_slice %arg2[%add3A_1497] : memref<3276800xi32, #tpu.memory_space<hbm>> -> memref<1024xi32, #tpu.memory_space<hbm>>
    %dma_start3A_1527 = arith.constant 3072 : i32
    %dma_start3A_1528 = tpu.memref_slice %arg9[%dma_start3A_1527] : memref<8192xi32, #tpu.memory_space<vmem>> -> memref<1024xi32, #tpu.memory_space<vmem>>
    %dma_start3A_1529 = tpu.memref_slice %arg2[%add3A_1497] : memref<3276800xi32, #tpu.memory_space<hbm>> -> memref<1024xi32, #tpu.memory_space<hbm>>
    tpu.enqueue_dma source(%dma_start3A_1529 : memref<1024xi32, #tpu.memory_space<hbm>>) target(%dma_start3A_1528 : memref<1024xi32, #tpu.memory_space<vmem>>) target_semaphore(%arg20 : memref<!tpu.dma_semaphore, #tpu.memory_space<semaphore_mem>>)
    %dma_start3A_1530 = arith.constant 4096 : i32
    %dma_start3A_1531 = tpu.memref_slice %arg9[%dma_start3A_1530] : memref<8192xi32, #tpu.memory_space<vmem>> -> memref<1024xi32, #tpu.memory_space<vmem>>
    %dma_start3A_1532 = tpu.memref_slice %arg2[%add3A_1499] : memref<3276800xi32, #tpu.memory_space<hbm>> -> memref<1024xi32, #tpu.memory_space<hbm>>
    %dma_start3A_1533 = arith.constant 4096 : i32
    %dma_start3A_1534 = tpu.memref_slice %arg9[%dma_start3A_1533] : memref<8192xi32, #tpu.memory_space<vmem>> -> memref<1024xi32, #tpu.memory_space<vmem>>
    %dma_start3A_1535 = tpu.memref_slice %arg2[%add3A_1499] : memref<3276800xi32, #tpu.memory_space<hbm>> -> memref<1024xi32, #tpu.memory_space<hbm>>
    tpu.enqueue_dma source(%dma_start3A_1535 : memref<1024xi32, #tpu.memory_space<hbm>>) target(%dma_start3A_1534 : memref<1024xi32, #tpu.memory_space<vmem>>) target_semaphore(%arg20 : memref<!tpu.dma_semaphore, #tpu.memory_space<semaphore_mem>>)
    %dma_start3A_1536 = arith.constant 5120 : i32
    %dma_start3A_1537 = tpu.memref_slice %arg9[%dma_start3A_1536] : memref<8192xi32, #tpu.memory_space<vmem>> -> memref<1024xi32, #tpu.memory_space<vmem>>
    %dma_start3A_1538 = tpu.memref_slice %arg2[%add3A_1501] : memref<3276800xi32, #tpu.memory_space<hbm>> -> memref<1024xi32, #tpu.memory_space<hbm>>
    %dma_start3A_1539 = arith.constant 5120 : i32
    %dma_start3A_1540 = tpu.memref_slice %arg9[%dma_start3A_1539] : memref<8192xi32, #tpu.memory_space<vmem>> -> memref<1024xi32, #tpu.memory_space<vmem>>
    %dma_start3A_1541 = tpu.memref_slice %arg2[%add3A_1501] : memref<3276800xi32, #tpu.memory_space<hbm>> -> memref<1024xi32, #tpu.memory_space<hbm>>
    tpu.enqueue_dma source(%dma_start3A_1541 : memref<1024xi32, #tpu.memory_space<hbm>>) target(%dma_start3A_1540 : memref<1024xi32, #tpu.memory_space<vmem>>) target_semaphore(%arg20 : memref<!tpu.dma_semaphore, #tpu.memory_space<semaphore_mem>>)
    %dma_start3A_1542 = arith.constant 6144 : i32
    %dma_start3A_1543 = tpu.memref_slice %arg9[%dma_start3A_1542] : memref<8192xi32, #tpu.memory_space<vmem>> -> memref<1024xi32, #tpu.memory_space<vmem>>
    %dma_start3A_1544 = tpu.memref_slice %arg2[%add3A_1503] : memref<3276800xi32, #tpu.memory_space<hbm>> -> memref<1024xi32, #tpu.memory_space<hbm>>
    %dma_start3A_1545 = arith.constant 6144 : i32
    %dma_start3A_1546 = tpu.memref_slice %arg9[%dma_start3A_1545] : memref<8192xi32, #tpu.memory_space<vmem>> -> memref<1024xi32, #tpu.memory_space<vmem>>
    %dma_start3A_1547 = tpu.memref_slice %arg2[%add3A_1503] : memref<3276800xi32, #tpu.memory_space<hbm>> -> memref<1024xi32, #tpu.memory_space<hbm>>
    tpu.enqueue_dma source(%dma_start3A_1547 : memref<1024xi32, #tpu.memory_space<hbm>>) target(%dma_start3A_1546 : memref<1024xi32, #tpu.memory_space<vmem>>) target_semaphore(%arg20 : memref<!tpu.dma_semaphore, #tpu.memory_space<semaphore_mem>>)
    %dma_start3A_1548 = arith.constant 7168 : i32
    %dma_start3A_1549 = tpu.memref_slice %arg9[%dma_start3A_1548] : memref<8192xi32, #tpu.memory_space<vmem>> -> memref<1024xi32, #tpu.memory_space<vmem>>
    %dma_start3A_1550 = tpu.memref_slice %arg2[%add3A_1505] : memref<3276800xi32, #tpu.memory_space<hbm>> -> memref<1024xi32, #tpu.memory_space<hbm>>
    %dma_start3A_1551 = arith.constant 7168 : i32
    %dma_start3A_1552 = tpu.memref_slice %arg9[%dma_start3A_1551] : memref<8192xi32, #tpu.memory_space<vmem>> -> memref<1024xi32, #tpu.memory_space<vmem>>
    %dma_start3A_1553 = tpu.memref_slice %arg2[%add3A_1505] : memref<3276800xi32, #tpu.memory_space<hbm>> -> memref<1024xi32, #tpu.memory_space<hbm>>
    tpu.enqueue_dma source(%dma_start3A_1553 : memref<1024xi32, #tpu.memory_space<hbm>>) target(%dma_start3A_1552 : memref<1024xi32, #tpu.memory_space<vmem>>) target_semaphore(%arg20 : memref<!tpu.dma_semaphore, #tpu.memory_space<semaphore_mem>>)
    %add3A_1554 = arith.constant 256 : i32
    %add3A_1555 = arith.addi %add3A, %add3A_1554 : i32
    %shift_right_arithmetic3A_1556 = arith.constant 4 : i32
    %shift_right_arithmetic3A_1557 = arith.shrsi %add3A_1555, %shift_right_arithmetic3A_1556 : i32
    %and3A_1558 = arith.constant 15 : i32
    %and3A_1559 = arith.andi %add3A_1555, %and3A_1558 : i32
    %mul3A_1560 = arith.constant 131072 : i32
    %mul3A_1561 = arith.muli %shift_right_arithmetic3A_1557, %mul3A_1560 : i32
    %mul3A_1562 = arith.constant 8192 : i32
    %mul3A_1563 = arith.muli %and3A_1559, %mul3A_1562 : i32
    %add3A_1564 = arith.addi %mul3A_1561, %mul3A_1563 : i32
    %add3A_1565 = arith.constant 0 : i32
    %add3A_1566 = arith.addi %add3A_1565, %add3A_1564 : i32
    %add3A_1567 = arith.constant 3276800 : i32
    %add3A_1568 = arith.addi %add3A_1567, %add3A_1564 : i32
    %add3A_1569 = arith.constant 6553600 : i32
    %add3A_1570 = arith.addi %add3A_1569, %add3A_1564 : i32
    %dma_start3A_1571 = tpu.memref_slice %arg4[%add3A_1566] : memref<9830400xf32, #tpu.memory_space<hbm>> -> memref<8192xf32, #tpu.memory_space<hbm>>
    %dma_start3A_1572 = tpu.memref_slice %arg4[%add3A_1566] : memref<9830400xf32, #tpu.memory_space<hbm>> -> memref<8192xf32, #tpu.memory_space<hbm>>
    tpu.enqueue_dma source(%arg17 : memref<8192xf32, #tpu.memory_space<vmem>>) target(%dma_start3A_1572 : memref<8192xf32, #tpu.memory_space<hbm>>) target_semaphore(%arg24 : memref<!tpu.dma_semaphore, #tpu.memory_space<semaphore_mem>>)
    %dma_start3A_1573 = tpu.memref_slice %arg4[%add3A_1568] : memref<9830400xf32, #tpu.memory_space<hbm>> -> memref<8192xf32, #tpu.memory_space<hbm>>
    %dma_start3A_1574 = tpu.memref_slice %arg4[%add3A_1568] : memref<9830400xf32, #tpu.memory_space<hbm>> -> memref<8192xf32, #tpu.memory_space<hbm>>
    tpu.enqueue_dma source(%arg18 : memref<8192xf32, #tpu.memory_space<vmem>>) target(%dma_start3A_1574 : memref<8192xf32, #tpu.memory_space<hbm>>) target_semaphore(%arg24 : memref<!tpu.dma_semaphore, #tpu.memory_space<semaphore_mem>>)
    %dma_start3A_1575 = tpu.memref_slice %arg4[%add3A_1570] : memref<9830400xf32, #tpu.memory_space<hbm>> -> memref<8192xf32, #tpu.memory_space<hbm>>
    %dma_start3A_1576 = tpu.memref_slice %arg4[%add3A_1570] : memref<9830400xf32, #tpu.memory_space<hbm>> -> memref<8192xf32, #tpu.memory_space<hbm>>
    tpu.enqueue_dma source(%arg19 : memref<8192xf32, #tpu.memory_space<vmem>>) target(%dma_start3A_1576 : memref<8192xf32, #tpu.memory_space<hbm>>) target_semaphore(%arg24 : memref<!tpu.dma_semaphore, #tpu.memory_space<semaphore_mem>>)
    %dma_wait3A_1577 = arith.constant 0 : i32
    %dma_wait3A_1578 = tpu.memref_slice %arg10[%dma_wait3A_1577] : memref<8192xi32, #tpu.memory_space<vmem>> -> memref<1024xi32, #tpu.memory_space<vmem>>
    %dma_wait3A_1579 = tpu.memref_slice %arg2[%add3A_1336] : memref<3276800xi32, #tpu.memory_space<hbm>> -> memref<1024xi32, #tpu.memory_space<hbm>>
    %dma_wait3A_1580 = arith.constant 0 : i32
    %dma_wait3A_1581 = tpu.memref_slice %arg10[%dma_wait3A_1580] : memref<8192xi32, #tpu.memory_space<vmem>> -> memref<1024xi32, #tpu.memory_space<vmem>>
    %dma_wait3A_1582 = tpu.memref_slice %arg2[%add3A_1336] : memref<3276800xi32, #tpu.memory_space<hbm>> -> memref<1024xi32, #tpu.memory_space<hbm>>
    tpu.wait_dma2 semaphore(%arg21 : memref<!tpu.dma_semaphore, #tpu.memory_space<semaphore_mem>>) src(%dma_wait3A_1582 : memref<1024xi32, #tpu.memory_space<hbm>>) dst(%dma_wait3A_1581 : memref<1024xi32, #tpu.memory_space<vmem>>)
    %dma_wait3A_1583 = arith.constant 1024 : i32
    %dma_wait3A_1584 = tpu.memref_slice %arg10[%dma_wait3A_1583] : memref<8192xi32, #tpu.memory_space<vmem>> -> memref<1024xi32, #tpu.memory_space<vmem>>
    %dma_wait3A_1585 = tpu.memref_slice %arg2[%add3A_1338] : memref<3276800xi32, #tpu.memory_space<hbm>> -> memref<1024xi32, #tpu.memory_space<hbm>>
    %dma_wait3A_1586 = arith.constant 1024 : i32
    %dma_wait3A_1587 = tpu.memref_slice %arg10[%dma_wait3A_1586] : memref<8192xi32, #tpu.memory_space<vmem>> -> memref<1024xi32, #tpu.memory_space<vmem>>
    %dma_wait3A_1588 = tpu.memref_slice %arg2[%add3A_1338] : memref<3276800xi32, #tpu.memory_space<hbm>> -> memref<1024xi32, #tpu.memory_space<hbm>>
    tpu.wait_dma2 semaphore(%arg21 : memref<!tpu.dma_semaphore, #tpu.memory_space<semaphore_mem>>) src(%dma_wait3A_1588 : memref<1024xi32, #tpu.memory_space<hbm>>) dst(%dma_wait3A_1587 : memref<1024xi32, #tpu.memory_space<vmem>>)
    %dma_wait3A_1589 = arith.constant 2048 : i32
    %dma_wait3A_1590 = tpu.memref_slice %arg10[%dma_wait3A_1589] : memref<8192xi32, #tpu.memory_space<vmem>> -> memref<1024xi32, #tpu.memory_space<vmem>>
    %dma_wait3A_1591 = tpu.memref_slice %arg2[%add3A_1340] : memref<3276800xi32, #tpu.memory_space<hbm>> -> memref<1024xi32, #tpu.memory_space<hbm>>
    %dma_wait3A_1592 = arith.constant 2048 : i32
    %dma_wait3A_1593 = tpu.memref_slice %arg10[%dma_wait3A_1592] : memref<8192xi32, #tpu.memory_space<vmem>> -> memref<1024xi32, #tpu.memory_space<vmem>>
    %dma_wait3A_1594 = tpu.memref_slice %arg2[%add3A_1340] : memref<3276800xi32, #tpu.memory_space<hbm>> -> memref<1024xi32, #tpu.memory_space<hbm>>
    tpu.wait_dma2 semaphore(%arg21 : memref<!tpu.dma_semaphore, #tpu.memory_space<semaphore_mem>>) src(%dma_wait3A_1594 : memref<1024xi32, #tpu.memory_space<hbm>>) dst(%dma_wait3A_1593 : memref<1024xi32, #tpu.memory_space<vmem>>)
    %dma_wait3A_1595 = arith.constant 3072 : i32
    %dma_wait3A_1596 = tpu.memref_slice %arg10[%dma_wait3A_1595] : memref<8192xi32, #tpu.memory_space<vmem>> -> memref<1024xi32, #tpu.memory_space<vmem>>
    %dma_wait3A_1597 = tpu.memref_slice %arg2[%add3A_1342] : memref<3276800xi32, #tpu.memory_space<hbm>> -> memref<1024xi32, #tpu.memory_space<hbm>>
    %dma_wait3A_1598 = arith.constant 3072 : i32
    %dma_wait3A_1599 = tpu.memref_slice %arg10[%dma_wait3A_1598] : memref<8192xi32, #tpu.memory_space<vmem>> -> memref<1024xi32, #tpu.memory_space<vmem>>
    %dma_wait3A_1600 = tpu.memref_slice %arg2[%add3A_1342] : memref<3276800xi32, #tpu.memory_space<hbm>> -> memref<1024xi32, #tpu.memory_space<hbm>>
    tpu.wait_dma2 semaphore(%arg21 : memref<!tpu.dma_semaphore, #tpu.memory_space<semaphore_mem>>) src(%dma_wait3A_1600 : memref<1024xi32, #tpu.memory_space<hbm>>) dst(%dma_wait3A_1599 : memref<1024xi32, #tpu.memory_space<vmem>>)
    %dma_wait3A_1601 = arith.constant 4096 : i32
    %dma_wait3A_1602 = tpu.memref_slice %arg10[%dma_wait3A_1601] : memref<8192xi32, #tpu.memory_space<vmem>> -> memref<1024xi32, #tpu.memory_space<vmem>>
    %dma_wait3A_1603 = tpu.memref_slice %arg2[%add3A_1344] : memref<3276800xi32, #tpu.memory_space<hbm>> -> memref<1024xi32, #tpu.memory_space<hbm>>
    %dma_wait3A_1604 = arith.constant 4096 : i32
    %dma_wait3A_1605 = tpu.memref_slice %arg10[%dma_wait3A_1604] : memref<8192xi32, #tpu.memory_space<vmem>> -> memref<1024xi32, #tpu.memory_space<vmem>>
    %dma_wait3A_1606 = tpu.memref_slice %arg2[%add3A_1344] : memref<3276800xi32, #tpu.memory_space<hbm>> -> memref<1024xi32, #tpu.memory_space<hbm>>
    tpu.wait_dma2 semaphore(%arg21 : memref<!tpu.dma_semaphore, #tpu.memory_space<semaphore_mem>>) src(%dma_wait3A_1606 : memref<1024xi32, #tpu.memory_space<hbm>>) dst(%dma_wait3A_1605 : memref<1024xi32, #tpu.memory_space<vmem>>)
    %dma_wait3A_1607 = arith.constant 5120 : i32
    %dma_wait3A_1608 = tpu.memref_slice %arg10[%dma_wait3A_1607] : memref<8192xi32, #tpu.memory_space<vmem>> -> memref<1024xi32, #tpu.memory_space<vmem>>
    %dma_wait3A_1609 = tpu.memref_slice %arg2[%add3A_1346] : memref<3276800xi32, #tpu.memory_space<hbm>> -> memref<1024xi32, #tpu.memory_space<hbm>>
    %dma_wait3A_1610 = arith.constant 5120 : i32
    %dma_wait3A_1611 = tpu.memref_slice %arg10[%dma_wait3A_1610] : memref<8192xi32, #tpu.memory_space<vmem>> -> memref<1024xi32, #tpu.memory_space<vmem>>
    %dma_wait3A_1612 = tpu.memref_slice %arg2[%add3A_1346] : memref<3276800xi32, #tpu.memory_space<hbm>> -> memref<1024xi32, #tpu.memory_space<hbm>>
    tpu.wait_dma2 semaphore(%arg21 : memref<!tpu.dma_semaphore, #tpu.memory_space<semaphore_mem>>) src(%dma_wait3A_1612 : memref<1024xi32, #tpu.memory_space<hbm>>) dst(%dma_wait3A_1611 : memref<1024xi32, #tpu.memory_space<vmem>>)
    %dma_wait3A_1613 = arith.constant 6144 : i32
    %dma_wait3A_1614 = tpu.memref_slice %arg10[%dma_wait3A_1613] : memref<8192xi32, #tpu.memory_space<vmem>> -> memref<1024xi32, #tpu.memory_space<vmem>>
    %dma_wait3A_1615 = tpu.memref_slice %arg2[%add3A_1348] : memref<3276800xi32, #tpu.memory_space<hbm>> -> memref<1024xi32, #tpu.memory_space<hbm>>
    %dma_wait3A_1616 = arith.constant 6144 : i32
    %dma_wait3A_1617 = tpu.memref_slice %arg10[%dma_wait3A_1616] : memref<8192xi32, #tpu.memory_space<vmem>> -> memref<1024xi32, #tpu.memory_space<vmem>>
    %dma_wait3A_1618 = tpu.memref_slice %arg2[%add3A_1348] : memref<3276800xi32, #tpu.memory_space<hbm>> -> memref<1024xi32, #tpu.memory_space<hbm>>
    tpu.wait_dma2 semaphore(%arg21 : memref<!tpu.dma_semaphore, #tpu.memory_space<semaphore_mem>>) src(%dma_wait3A_1618 : memref<1024xi32, #tpu.memory_space<hbm>>) dst(%dma_wait3A_1617 : memref<1024xi32, #tpu.memory_space<vmem>>)
    %dma_wait3A_1619 = arith.constant 7168 : i32
    %dma_wait3A_1620 = tpu.memref_slice %arg10[%dma_wait3A_1619] : memref<8192xi32, #tpu.memory_space<vmem>> -> memref<1024xi32, #tpu.memory_space<vmem>>
    %dma_wait3A_1621 = tpu.memref_slice %arg2[%add3A_1350] : memref<3276800xi32, #tpu.memory_space<hbm>> -> memref<1024xi32, #tpu.memory_space<hbm>>
    %dma_wait3A_1622 = arith.constant 7168 : i32
    %dma_wait3A_1623 = tpu.memref_slice %arg10[%dma_wait3A_1622] : memref<8192xi32, #tpu.memory_space<vmem>> -> memref<1024xi32, #tpu.memory_space<vmem>>
    %dma_wait3A_1624 = tpu.memref_slice %arg2[%add3A_1350] : memref<3276800xi32, #tpu.memory_space<hbm>> -> memref<1024xi32, #tpu.memory_space<hbm>>
    tpu.wait_dma2 semaphore(%arg21 : memref<!tpu.dma_semaphore, #tpu.memory_space<semaphore_mem>>) src(%dma_wait3A_1624 : memref<1024xi32, #tpu.memory_space<hbm>>) dst(%dma_wait3A_1623 : memref<1024xi32, #tpu.memory_space<vmem>>)
    %dma_wait3A_1625 = tpu.memref_slice %arg4[%add3A_1256] : memref<9830400xf32, #tpu.memory_space<hbm>> -> memref<8192xf32, #tpu.memory_space<hbm>>
    %dma_wait3A_1626 = tpu.memref_slice %arg4[%add3A_1256] : memref<9830400xf32, #tpu.memory_space<hbm>> -> memref<8192xf32, #tpu.memory_space<hbm>>
    tpu.wait_dma2 semaphore(%arg22 : memref<!tpu.dma_semaphore, #tpu.memory_space<semaphore_mem>>) src(%arg11 : memref<8192xf32, #tpu.memory_space<vmem>>) dst(%dma_wait3A_1626 : memref<8192xf32, #tpu.memory_space<hbm>>)
    %dma_wait3A_1627 = tpu.memref_slice %arg4[%add3A_1258] : memref<9830400xf32, #tpu.memory_space<hbm>> -> memref<8192xf32, #tpu.memory_space<hbm>>
    %dma_wait3A_1628 = tpu.memref_slice %arg4[%add3A_1258] : memref<9830400xf32, #tpu.memory_space<hbm>> -> memref<8192xf32, #tpu.memory_space<hbm>>
    tpu.wait_dma2 semaphore(%arg22 : memref<!tpu.dma_semaphore, #tpu.memory_space<semaphore_mem>>) src(%arg12 : memref<8192xf32, #tpu.memory_space<vmem>>) dst(%dma_wait3A_1628 : memref<8192xf32, #tpu.memory_space<hbm>>)
    %dma_wait3A_1629 = tpu.memref_slice %arg4[%add3A_1260] : memref<9830400xf32, #tpu.memory_space<hbm>> -> memref<8192xf32, #tpu.memory_space<hbm>>
    %dma_wait3A_1630 = tpu.memref_slice %arg4[%add3A_1260] : memref<9830400xf32, #tpu.memory_space<hbm>> -> memref<8192xf32, #tpu.memory_space<hbm>>
    tpu.wait_dma2 semaphore(%arg22 : memref<!tpu.dma_semaphore, #tpu.memory_space<semaphore_mem>>) src(%arg13 : memref<8192xf32, #tpu.memory_space<vmem>>) dst(%dma_wait3A_1630 : memref<8192xf32, #tpu.memory_space<hbm>>)
    %parallel_loop3A_1631 = arith.constant 0 : i32
    %parallel_loop3A_1632 = arith.constant 512 : i32
    %parallel_loop3A_1633 = arith.constant 1 : i32
    scf.for %parallel_loop3A_2045 = %parallel_loop3A_1631 to %parallel_loop3A_1632 step %parallel_loop3A_1633  : i32 {
      %parallel_loop3A_2046 = arith.constant 3 : i32
      %parallel_loop3A_2047 = arith.shrsi %parallel_loop3A_2045, %parallel_loop3A_2046 : i32
      %parallel_loop3A_2048 = arith.constant 7 : i32
      %parallel_loop3A_2049 = arith.andi %parallel_loop3A_2047, %parallel_loop3A_2048 : i32
      %parallel_loop3A_2050 = arith.constant 1024 : i32
      %parallel_loop3A_2051 = arith.muli %parallel_loop3A_2049, %parallel_loop3A_2050 : i32
      %parallel_loop3A_2052 = arith.constant 6 : i32
      %parallel_loop3A_2053 = arith.shrsi %parallel_loop3A_2045, %parallel_loop3A_2052 : i32
      %parallel_loop3A_2054 = arith.constant 128 : i32
      %parallel_loop3A_2055 = arith.muli %parallel_loop3A_2053, %parallel_loop3A_2054 : i32
      %parallel_loop3A_2056 = arith.addi %parallel_loop3A_2051, %parallel_loop3A_2055 : i32
      %parallel_loop3A_2057 = arith.constant 7 : i32
      %parallel_loop3A_2058 = arith.andi %parallel_loop3A_2045, %parallel_loop3A_2057 : i32
      %parallel_loop3A_2059 = arith.constant 16 : i32
      %parallel_loop3A_2060 = arith.muli %parallel_loop3A_2058, %parallel_loop3A_2059 : i32
      %parallel_loop3A_2061 = arith.addi %parallel_loop3A_2056, %parallel_loop3A_2060 : i32
      %parallel_loop3A_2062 = arith.constant 16 : i32
      %parallel_loop3A_2063 = arith.muli %parallel_loop3A_2045, %parallel_loop3A_2062 : i32
      %parallel_loop3A_2064 = arith.index_cast %parallel_loop3A_2061 : i32 to index
      %parallel_loop3A_2065 = tpu.vector_load %arg10[%parallel_loop3A_2064] {strides = array<i32>} : memref<8192xi32, #tpu.memory_space<vmem>>, vector<16xi32>,
      %parallel_loop3A_2066 = tpu.vector_load_idx %arg6[%parallel_loop3A_2065] : memref<1024xf32, #tpu.memory_space<vmem>>[vector<16xi32>], vector<16xf32>,
      %parallel_loop3A_2067 = arith.index_cast %parallel_loop3A_2063 : i32 to index
      %parallel_loop3A_2068 = tpu.vector_load %arg11[%parallel_loop3A_2067] {strides = array<i32>} : memref<8192xf32, #tpu.memory_space<vmem>>, vector<16xf32>,
      tpu.vector_store %arg11[%parallel_loop3A_2067], %parallel_loop3A_2066 {strides = array<i32>} : memref<8192xf32, #tpu.memory_space<vmem>>, vector<16xf32>,
      %parallel_loop3A_2069 = tpu.vector_load_idx %arg7[%parallel_loop3A_2065] : memref<1024xf32, #tpu.memory_space<vmem>>[vector<16xi32>], vector<16xf32>,
      %parallel_loop3A_2070 = arith.index_cast %parallel_loop3A_2063 : i32 to index
      %parallel_loop3A_2071 = tpu.vector_load %arg12[%parallel_loop3A_2070] {strides = array<i32>} : memref<8192xf32, #tpu.memory_space<vmem>>, vector<16xf32>,
      tpu.vector_store %arg12[%parallel_loop3A_2070], %parallel_loop3A_2069 {strides = array<i32>} : memref<8192xf32, #tpu.memory_space<vmem>>, vector<16xf32>,
      %parallel_loop3A_2072 = tpu.vector_load_idx %arg8[%parallel_loop3A_2065] : memref<1024xf32, #tpu.memory_space<vmem>>[vector<16xi32>], vector<16xf32>,
      %parallel_loop3A_2073 = arith.index_cast %parallel_loop3A_2063 : i32 to index
      %parallel_loop3A_2074 = tpu.vector_load %arg13[%parallel_loop3A_2073] {strides = array<i32>} : memref<8192xf32, #tpu.memory_space<vmem>>, vector<16xf32>,
      tpu.vector_store %arg13[%parallel_loop3A_2073], %parallel_loop3A_2072 {strides = array<i32>} : memref<8192xf32, #tpu.memory_space<vmem>>, vector<16xf32>,
    } {sc.loop_unroll_factor = 8 : i64, sc.parallel_access}
    %add3A_1634 = arith.constant 352 : i32
    %add3A_1635 = arith.addi %add3A, %add3A_1634 : i32
    %shift_right_arithmetic3A_1636 = arith.constant 4 : i32
    %shift_right_arithmetic3A_1637 = arith.shrsi %add3A_1635, %shift_right_arithmetic3A_1636 : i32
    %and3A_1638 = arith.constant 15 : i32
    %and3A_1639 = arith.andi %add3A_1635, %and3A_1638 : i32
    %mul3A_1640 = arith.constant 131072 : i32
    %mul3A_1641 = arith.muli %shift_right_arithmetic3A_1637, %mul3A_1640 : i32
    %mul3A_1642 = arith.constant 1024 : i32
    %mul3A_1643 = arith.muli %and3A_1639, %mul3A_1642 : i32
    %add3A_1644 = arith.addi %mul3A_1641, %mul3A_1643 : i32
    %add3A_1645 = arith.constant 0 : i32
    %add3A_1646 = arith.addi %add3A_1644, %add3A_1645 : i32
    %add3A_1647 = arith.constant 16384 : i32
    %add3A_1648 = arith.addi %add3A_1644, %add3A_1647 : i32
    %add3A_1649 = arith.constant 32768 : i32
    %add3A_1650 = arith.addi %add3A_1644, %add3A_1649 : i32
    %add3A_1651 = arith.constant 49152 : i32
    %add3A_1652 = arith.addi %add3A_1644, %add3A_1651 : i32
    %add3A_1653 = arith.constant 65536 : i32
    %add3A_1654 = arith.addi %add3A_1644, %add3A_1653 : i32
    %add3A_1655 = arith.constant 81920 : i32
    %add3A_1656 = arith.addi %add3A_1644, %add3A_1655 : i32
    %add3A_1657 = arith.constant 98304 : i32
    %add3A_1658 = arith.addi %add3A_1644, %add3A_1657 : i32
    %add3A_1659 = arith.constant 114688 : i32
    %add3A_1660 = arith.addi %add3A_1644, %add3A_1659 : i32
    %dma_start3A_1661 = arith.constant 0 : i32
    %dma_start3A_1662 = tpu.memref_slice %arg10[%dma_start3A_1661] : memref<8192xi32, #tpu.memory_space<vmem>> -> memref<1024xi32, #tpu.memory_space<vmem>>
    %dma_start3A_1663 = tpu.memref_slice %arg2[%add3A_1646] : memref<3276800xi32, #tpu.memory_space<hbm>> -> memref<1024xi32, #tpu.memory_space<hbm>>
    %dma_start3A_1664 = arith.constant 0 : i32
    %dma_start3A_1665 = tpu.memref_slice %arg10[%dma_start3A_1664] : memref<8192xi32, #tpu.memory_space<vmem>> -> memref<1024xi32, #tpu.memory_space<vmem>>
    %dma_start3A_1666 = tpu.memref_slice %arg2[%add3A_1646] : memref<3276800xi32, #tpu.memory_space<hbm>> -> memref<1024xi32, #tpu.memory_space<hbm>>
    tpu.enqueue_dma source(%dma_start3A_1666 : memref<1024xi32, #tpu.memory_space<hbm>>) target(%dma_start3A_1665 : memref<1024xi32, #tpu.memory_space<vmem>>) target_semaphore(%arg21 : memref<!tpu.dma_semaphore, #tpu.memory_space<semaphore_mem>>)
    %dma_start3A_1667 = arith.constant 1024 : i32
    %dma_start3A_1668 = tpu.memref_slice %arg10[%dma_start3A_1667] : memref<8192xi32, #tpu.memory_space<vmem>> -> memref<1024xi32, #tpu.memory_space<vmem>>
    %dma_start3A_1669 = tpu.memref_slice %arg2[%add3A_1648] : memref<3276800xi32, #tpu.memory_space<hbm>> -> memref<1024xi32, #tpu.memory_space<hbm>>
    %dma_start3A_1670 = arith.constant 1024 : i32
    %dma_start3A_1671 = tpu.memref_slice %arg10[%dma_start3A_1670] : memref<8192xi32, #tpu.memory_space<vmem>> -> memref<1024xi32, #tpu.memory_space<vmem>>
    %dma_start3A_1672 = tpu.memref_slice %arg2[%add3A_1648] : memref<3276800xi32, #tpu.memory_space<hbm>> -> memref<1024xi32, #tpu.memory_space<hbm>>
    tpu.enqueue_dma source(%dma_start3A_1672 : memref<1024xi32, #tpu.memory_space<hbm>>) target(%dma_start3A_1671 : memref<1024xi32, #tpu.memory_space<vmem>>) target_semaphore(%arg21 : memref<!tpu.dma_semaphore, #tpu.memory_space<semaphore_mem>>)
    %dma_start3A_1673 = arith.constant 2048 : i32
    %dma_start3A_1674 = tpu.memref_slice %arg10[%dma_start3A_1673] : memref<8192xi32, #tpu.memory_space<vmem>> -> memref<1024xi32, #tpu.memory_space<vmem>>
    %dma_start3A_1675 = tpu.memref_slice %arg2[%add3A_1650] : memref<3276800xi32, #tpu.memory_space<hbm>> -> memref<1024xi32, #tpu.memory_space<hbm>>
    %dma_start3A_1676 = arith.constant 2048 : i32
    %dma_start3A_1677 = tpu.memref_slice %arg10[%dma_start3A_1676] : memref<8192xi32, #tpu.memory_space<vmem>> -> memref<1024xi32, #tpu.memory_space<vmem>>
    %dma_start3A_1678 = tpu.memref_slice %arg2[%add3A_1650] : memref<3276800xi32, #tpu.memory_space<hbm>> -> memref<1024xi32, #tpu.memory_space<hbm>>
    tpu.enqueue_dma source(%dma_start3A_1678 : memref<1024xi32, #tpu.memory_space<hbm>>) target(%dma_start3A_1677 : memref<1024xi32, #tpu.memory_space<vmem>>) target_semaphore(%arg21 : memref<!tpu.dma_semaphore, #tpu.memory_space<semaphore_mem>>)
    %dma_start3A_1679 = arith.constant 3072 : i32
    %dma_start3A_1680 = tpu.memref_slice %arg10[%dma_start3A_1679] : memref<8192xi32, #tpu.memory_space<vmem>> -> memref<1024xi32, #tpu.memory_space<vmem>>
    %dma_start3A_1681 = tpu.memref_slice %arg2[%add3A_1652] : memref<3276800xi32, #tpu.memory_space<hbm>> -> memref<1024xi32, #tpu.memory_space<hbm>>
    %dma_start3A_1682 = arith.constant 3072 : i32
    %dma_start3A_1683 = tpu.memref_slice %arg10[%dma_start3A_1682] : memref<8192xi32, #tpu.memory_space<vmem>> -> memref<1024xi32, #tpu.memory_space<vmem>>
    %dma_start3A_1684 = tpu.memref_slice %arg2[%add3A_1652] : memref<3276800xi32, #tpu.memory_space<hbm>> -> memref<1024xi32, #tpu.memory_space<hbm>>
    tpu.enqueue_dma source(%dma_start3A_1684 : memref<1024xi32, #tpu.memory_space<hbm>>) target(%dma_start3A_1683 : memref<1024xi32, #tpu.memory_space<vmem>>) target_semaphore(%arg21 : memref<!tpu.dma_semaphore, #tpu.memory_space<semaphore_mem>>)
    %dma_start3A_1685 = arith.constant 4096 : i32
    %dma_start3A_1686 = tpu.memref_slice %arg10[%dma_start3A_1685] : memref<8192xi32, #tpu.memory_space<vmem>> -> memref<1024xi32, #tpu.memory_space<vmem>>
    %dma_start3A_1687 = tpu.memref_slice %arg2[%add3A_1654] : memref<3276800xi32, #tpu.memory_space<hbm>> -> memref<1024xi32, #tpu.memory_space<hbm>>
    %dma_start3A_1688 = arith.constant 4096 : i32
    %dma_start3A_1689 = tpu.memref_slice %arg10[%dma_start3A_1688] : memref<8192xi32, #tpu.memory_space<vmem>> -> memref<1024xi32, #tpu.memory_space<vmem>>
    %dma_start3A_1690 = tpu.memref_slice %arg2[%add3A_1654] : memref<3276800xi32, #tpu.memory_space<hbm>> -> memref<1024xi32, #tpu.memory_space<hbm>>
    tpu.enqueue_dma source(%dma_start3A_1690 : memref<1024xi32, #tpu.memory_space<hbm>>) target(%dma_start3A_1689 : memref<1024xi32, #tpu.memory_space<vmem>>) target_semaphore(%arg21 : memref<!tpu.dma_semaphore, #tpu.memory_space<semaphore_mem>>)
    %dma_start3A_1691 = arith.constant 5120 : i32
    %dma_start3A_1692 = tpu.memref_slice %arg10[%dma_start3A_1691] : memref<8192xi32, #tpu.memory_space<vmem>> -> memref<1024xi32, #tpu.memory_space<vmem>>
    %dma_start3A_1693 = tpu.memref_slice %arg2[%add3A_1656] : memref<3276800xi32, #tpu.memory_space<hbm>> -> memref<1024xi32, #tpu.memory_space<hbm>>
    %dma_start3A_1694 = arith.constant 5120 : i32
    %dma_start3A_1695 = tpu.memref_slice %arg10[%dma_start3A_1694] : memref<8192xi32, #tpu.memory_space<vmem>> -> memref<1024xi32, #tpu.memory_space<vmem>>
    %dma_start3A_1696 = tpu.memref_slice %arg2[%add3A_1656] : memref<3276800xi32, #tpu.memory_space<hbm>> -> memref<1024xi32, #tpu.memory_space<hbm>>
    tpu.enqueue_dma source(%dma_start3A_1696 : memref<1024xi32, #tpu.memory_space<hbm>>) target(%dma_start3A_1695 : memref<1024xi32, #tpu.memory_space<vmem>>) target_semaphore(%arg21 : memref<!tpu.dma_semaphore, #tpu.memory_space<semaphore_mem>>)
    %dma_start3A_1697 = arith.constant 6144 : i32
    %dma_start3A_1698 = tpu.memref_slice %arg10[%dma_start3A_1697] : memref<8192xi32, #tpu.memory_space<vmem>> -> memref<1024xi32, #tpu.memory_space<vmem>>
    %dma_start3A_1699 = tpu.memref_slice %arg2[%add3A_1658] : memref<3276800xi32, #tpu.memory_space<hbm>> -> memref<1024xi32, #tpu.memory_space<hbm>>
    %dma_start3A_1700 = arith.constant 6144 : i32
    %dma_start3A_1701 = tpu.memref_slice %arg10[%dma_start3A_1700] : memref<8192xi32, #tpu.memory_space<vmem>> -> memref<1024xi32, #tpu.memory_space<vmem>>
    %dma_start3A_1702 = tpu.memref_slice %arg2[%add3A_1658] : memref<3276800xi32, #tpu.memory_space<hbm>> -> memref<1024xi32, #tpu.memory_space<hbm>>
    tpu.enqueue_dma source(%dma_start3A_1702 : memref<1024xi32, #tpu.memory_space<hbm>>) target(%dma_start3A_1701 : memref<1024xi32, #tpu.memory_space<vmem>>) target_semaphore(%arg21 : memref<!tpu.dma_semaphore, #tpu.memory_space<semaphore_mem>>)
    %dma_start3A_1703 = arith.constant 7168 : i32
    %dma_start3A_1704 = tpu.memref_slice %arg10[%dma_start3A_1703] : memref<8192xi32, #tpu.memory_space<vmem>> -> memref<1024xi32, #tpu.memory_space<vmem>>
    %dma_start3A_1705 = tpu.memref_slice %arg2[%add3A_1660] : memref<3276800xi32, #tpu.memory_space<hbm>> -> memref<1024xi32, #tpu.memory_space<hbm>>
    %dma_start3A_1706 = arith.constant 7168 : i32
    %dma_start3A_1707 = tpu.memref_slice %arg10[%dma_start3A_1706] : memref<8192xi32, #tpu.memory_space<vmem>> -> memref<1024xi32, #tpu.memory_space<vmem>>
    %dma_start3A_1708 = tpu.memref_slice %arg2[%add3A_1660] : memref<3276800xi32, #tpu.memory_space<hbm>> -> memref<1024xi32, #tpu.memory_space<hbm>>
    tpu.enqueue_dma source(%dma_start3A_1708 : memref<1024xi32, #tpu.memory_space<hbm>>) target(%dma_start3A_1707 : memref<1024xi32, #tpu.memory_space<vmem>>) target_semaphore(%arg21 : memref<!tpu.dma_semaphore, #tpu.memory_space<semaphore_mem>>)
    %add3A_1709 = arith.constant 288 : i32
    %add3A_1710 = arith.addi %add3A, %add3A_1709 : i32
    %shift_right_arithmetic3A_1711 = arith.constant 4 : i32
    %shift_right_arithmetic3A_1712 = arith.shrsi %add3A_1710, %shift_right_arithmetic3A_1711 : i32
    %and3A_1713 = arith.constant 15 : i32
    %and3A_1714 = arith.andi %add3A_1710, %and3A_1713 : i32
    %mul3A_1715 = arith.constant 131072 : i32
    %mul3A_1716 = arith.muli %shift_right_arithmetic3A_1712, %mul3A_1715 : i32
    %mul3A_1717 = arith.constant 8192 : i32
    %mul3A_1718 = arith.muli %and3A_1714, %mul3A_1717 : i32
    %add3A_1719 = arith.addi %mul3A_1716, %mul3A_1718 : i32
    %add3A_1720 = arith.constant 0 : i32
    %add3A_1721 = arith.addi %add3A_1720, %add3A_1719 : i32
    %add3A_1722 = arith.constant 3276800 : i32
    %add3A_1723 = arith.addi %add3A_1722, %add3A_1719 : i32
    %add3A_1724 = arith.constant 6553600 : i32
    %add3A_1725 = arith.addi %add3A_1724, %add3A_1719 : i32
    %dma_start3A_1726 = tpu.memref_slice %arg4[%add3A_1721] : memref<9830400xf32, #tpu.memory_space<hbm>> -> memref<8192xf32, #tpu.memory_space<hbm>>
    %dma_start3A_1727 = tpu.memref_slice %arg4[%add3A_1721] : memref<9830400xf32, #tpu.memory_space<hbm>> -> memref<8192xf32, #tpu.memory_space<hbm>>
    tpu.enqueue_dma source(%arg11 : memref<8192xf32, #tpu.memory_space<vmem>>) target(%dma_start3A_1727 : memref<8192xf32, #tpu.memory_space<hbm>>) target_semaphore(%arg22 : memref<!tpu.dma_semaphore, #tpu.memory_space<semaphore_mem>>)
    %dma_start3A_1728 = tpu.memref_slice %arg4[%add3A_1723] : memref<9830400xf32, #tpu.memory_space<hbm>> -> memref<8192xf32, #tpu.memory_space<hbm>>
    %dma_start3A_1729 = tpu.memref_slice %arg4[%add3A_1723] : memref<9830400xf32, #tpu.memory_space<hbm>> -> memref<8192xf32, #tpu.memory_space<hbm>>
    tpu.enqueue_dma source(%arg12 : memref<8192xf32, #tpu.memory_space<vmem>>) target(%dma_start3A_1729 : memref<8192xf32, #tpu.memory_space<hbm>>) target_semaphore(%arg22 : memref<!tpu.dma_semaphore, #tpu.memory_space<semaphore_mem>>)
    %dma_start3A_1730 = tpu.memref_slice %arg4[%add3A_1725] : memref<9830400xf32, #tpu.memory_space<hbm>> -> memref<8192xf32, #tpu.memory_space<hbm>>
    %dma_start3A_1731 = tpu.memref_slice %arg4[%add3A_1725] : memref<9830400xf32, #tpu.memory_space<hbm>> -> memref<8192xf32, #tpu.memory_space<hbm>>
    tpu.enqueue_dma source(%arg13 : memref<8192xf32, #tpu.memory_space<vmem>>) target(%dma_start3A_1731 : memref<8192xf32, #tpu.memory_space<hbm>>) target_semaphore(%arg22 : memref<!tpu.dma_semaphore, #tpu.memory_space<semaphore_mem>>)
    %dma_wait3A_1732 = arith.constant 0 : i32
    %dma_wait3A_1733 = tpu.memref_slice %arg9[%dma_wait3A_1732] : memref<8192xi32, #tpu.memory_space<vmem>> -> memref<1024xi32, #tpu.memory_space<vmem>>
    %dma_wait3A_1734 = tpu.memref_slice %arg2[%add3A_1491] : memref<3276800xi32, #tpu.memory_space<hbm>> -> memref<1024xi32, #tpu.memory_space<hbm>>
    %dma_wait3A_1735 = arith.constant 0 : i32
    %dma_wait3A_1736 = tpu.memref_slice %arg9[%dma_wait3A_1735] : memref<8192xi32, #tpu.memory_space<vmem>> -> memref<1024xi32, #tpu.memory_space<vmem>>
    %dma_wait3A_1737 = tpu.memref_slice %arg2[%add3A_1491] : memref<3276800xi32, #tpu.memory_space<hbm>> -> memref<1024xi32, #tpu.memory_space<hbm>>
    tpu.wait_dma2 semaphore(%arg20 : memref<!tpu.dma_semaphore, #tpu.memory_space<semaphore_mem>>) src(%dma_wait3A_1737 : memref<1024xi32, #tpu.memory_space<hbm>>) dst(%dma_wait3A_1736 : memref<1024xi32, #tpu.memory_space<vmem>>)
    %dma_wait3A_1738 = arith.constant 1024 : i32
    %dma_wait3A_1739 = tpu.memref_slice %arg9[%dma_wait3A_1738] : memref<8192xi32, #tpu.memory_space<vmem>> -> memref<1024xi32, #tpu.memory_space<vmem>>
    %dma_wait3A_1740 = tpu.memref_slice %arg2[%add3A_1493] : memref<3276800xi32, #tpu.memory_space<hbm>> -> memref<1024xi32, #tpu.memory_space<hbm>>
    %dma_wait3A_1741 = arith.constant 1024 : i32
    %dma_wait3A_1742 = tpu.memref_slice %arg9[%dma_wait3A_1741] : memref<8192xi32, #tpu.memory_space<vmem>> -> memref<1024xi32, #tpu.memory_space<vmem>>
    %dma_wait3A_1743 = tpu.memref_slice %arg2[%add3A_1493] : memref<3276800xi32, #tpu.memory_space<hbm>> -> memref<1024xi32, #tpu.memory_space<hbm>>
    tpu.wait_dma2 semaphore(%arg20 : memref<!tpu.dma_semaphore, #tpu.memory_space<semaphore_mem>>) src(%dma_wait3A_1743 : memref<1024xi32, #tpu.memory_space<hbm>>) dst(%dma_wait3A_1742 : memref<1024xi32, #tpu.memory_space<vmem>>)
    %dma_wait3A_1744 = arith.constant 2048 : i32
    %dma_wait3A_1745 = tpu.memref_slice %arg9[%dma_wait3A_1744] : memref<8192xi32, #tpu.memory_space<vmem>> -> memref<1024xi32, #tpu.memory_space<vmem>>
    %dma_wait3A_1746 = tpu.memref_slice %arg2[%add3A_1495] : memref<3276800xi32, #tpu.memory_space<hbm>> -> memref<1024xi32, #tpu.memory_space<hbm>>
    %dma_wait3A_1747 = arith.constant 2048 : i32
    %dma_wait3A_1748 = tpu.memref_slice %arg9[%dma_wait3A_1747] : memref<8192xi32, #tpu.memory_space<vmem>> -> memref<1024xi32, #tpu.memory_space<vmem>>
    %dma_wait3A_1749 = tpu.memref_slice %arg2[%add3A_1495] : memref<3276800xi32, #tpu.memory_space<hbm>> -> memref<1024xi32, #tpu.memory_space<hbm>>
    tpu.wait_dma2 semaphore(%arg20 : memref<!tpu.dma_semaphore, #tpu.memory_space<semaphore_mem>>) src(%dma_wait3A_1749 : memref<1024xi32, #tpu.memory_space<hbm>>) dst(%dma_wait3A_1748 : memref<1024xi32, #tpu.memory_space<vmem>>)
    %dma_wait3A_1750 = arith.constant 3072 : i32
    %dma_wait3A_1751 = tpu.memref_slice %arg9[%dma_wait3A_1750] : memref<8192xi32, #tpu.memory_space<vmem>> -> memref<1024xi32, #tpu.memory_space<vmem>>
    %dma_wait3A_1752 = tpu.memref_slice %arg2[%add3A_1497] : memref<3276800xi32, #tpu.memory_space<hbm>> -> memref<1024xi32, #tpu.memory_space<hbm>>
    %dma_wait3A_1753 = arith.constant 3072 : i32
    %dma_wait3A_1754 = tpu.memref_slice %arg9[%dma_wait3A_1753] : memref<8192xi32, #tpu.memory_space<vmem>> -> memref<1024xi32, #tpu.memory_space<vmem>>
    %dma_wait3A_1755 = tpu.memref_slice %arg2[%add3A_1497] : memref<3276800xi32, #tpu.memory_space<hbm>> -> memref<1024xi32, #tpu.memory_space<hbm>>
    tpu.wait_dma2 semaphore(%arg20 : memref<!tpu.dma_semaphore, #tpu.memory_space<semaphore_mem>>) src(%dma_wait3A_1755 : memref<1024xi32, #tpu.memory_space<hbm>>) dst(%dma_wait3A_1754 : memref<1024xi32, #tpu.memory_space<vmem>>)
    %dma_wait3A_1756 = arith.constant 4096 : i32
    %dma_wait3A_1757 = tpu.memref_slice %arg9[%dma_wait3A_1756] : memref<8192xi32, #tpu.memory_space<vmem>> -> memref<1024xi32, #tpu.memory_space<vmem>>
    %dma_wait3A_1758 = tpu.memref_slice %arg2[%add3A_1499] : memref<3276800xi32, #tpu.memory_space<hbm>> -> memref<1024xi32, #tpu.memory_space<hbm>>
    %dma_wait3A_1759 = arith.constant 4096 : i32
    %dma_wait3A_1760 = tpu.memref_slice %arg9[%dma_wait3A_1759] : memref<8192xi32, #tpu.memory_space<vmem>> -> memref<1024xi32, #tpu.memory_space<vmem>>
    %dma_wait3A_1761 = tpu.memref_slice %arg2[%add3A_1499] : memref<3276800xi32, #tpu.memory_space<hbm>> -> memref<1024xi32, #tpu.memory_space<hbm>>
    tpu.wait_dma2 semaphore(%arg20 : memref<!tpu.dma_semaphore, #tpu.memory_space<semaphore_mem>>) src(%dma_wait3A_1761 : memref<1024xi32, #tpu.memory_space<hbm>>) dst(%dma_wait3A_1760 : memref<1024xi32, #tpu.memory_space<vmem>>)
    %dma_wait3A_1762 = arith.constant 5120 : i32
    %dma_wait3A_1763 = tpu.memref_slice %arg9[%dma_wait3A_1762] : memref<8192xi32, #tpu.memory_space<vmem>> -> memref<1024xi32, #tpu.memory_space<vmem>>
    %dma_wait3A_1764 = tpu.memref_slice %arg2[%add3A_1501] : memref<3276800xi32, #tpu.memory_space<hbm>> -> memref<1024xi32, #tpu.memory_space<hbm>>
    %dma_wait3A_1765 = arith.constant 5120 : i32
    %dma_wait3A_1766 = tpu.memref_slice %arg9[%dma_wait3A_1765] : memref<8192xi32, #tpu.memory_space<vmem>> -> memref<1024xi32, #tpu.memory_space<vmem>>
    %dma_wait3A_1767 = tpu.memref_slice %arg2[%add3A_1501] : memref<3276800xi32, #tpu.memory_space<hbm>> -> memref<1024xi32, #tpu.memory_space<hbm>>
    tpu.wait_dma2 semaphore(%arg20 : memref<!tpu.dma_semaphore, #tpu.memory_space<semaphore_mem>>) src(%dma_wait3A_1767 : memref<1024xi32, #tpu.memory_space<hbm>>) dst(%dma_wait3A_1766 : memref<1024xi32, #tpu.memory_space<vmem>>)
    %dma_wait3A_1768 = arith.constant 6144 : i32
    %dma_wait3A_1769 = tpu.memref_slice %arg9[%dma_wait3A_1768] : memref<8192xi32, #tpu.memory_space<vmem>> -> memref<1024xi32, #tpu.memory_space<vmem>>
    %dma_wait3A_1770 = tpu.memref_slice %arg2[%add3A_1503] : memref<3276800xi32, #tpu.memory_space<hbm>> -> memref<1024xi32, #tpu.memory_space<hbm>>
    %dma_wait3A_1771 = arith.constant 6144 : i32
    %dma_wait3A_1772 = tpu.memref_slice %arg9[%dma_wait3A_1771] : memref<8192xi32, #tpu.memory_space<vmem>> -> memref<1024xi32, #tpu.memory_space<vmem>>
    %dma_wait3A_1773 = tpu.memref_slice %arg2[%add3A_1503] : memref<3276800xi32, #tpu.memory_space<hbm>> -> memref<1024xi32, #tpu.memory_space<hbm>>
    tpu.wait_dma2 semaphore(%arg20 : memref<!tpu.dma_semaphore, #tpu.memory_space<semaphore_mem>>) src(%dma_wait3A_1773 : memref<1024xi32, #tpu.memory_space<hbm>>) dst(%dma_wait3A_1772 : memref<1024xi32, #tpu.memory_space<vmem>>)
    %dma_wait3A_1774 = arith.constant 7168 : i32
    %dma_wait3A_1775 = tpu.memref_slice %arg9[%dma_wait3A_1774] : memref<8192xi32, #tpu.memory_space<vmem>> -> memref<1024xi32, #tpu.memory_space<vmem>>
    %dma_wait3A_1776 = tpu.memref_slice %arg2[%add3A_1505] : memref<3276800xi32, #tpu.memory_space<hbm>> -> memref<1024xi32, #tpu.memory_space<hbm>>
    %dma_wait3A_1777 = arith.constant 7168 : i32
    %dma_wait3A_1778 = tpu.memref_slice %arg9[%dma_wait3A_1777] : memref<8192xi32, #tpu.memory_space<vmem>> -> memref<1024xi32, #tpu.memory_space<vmem>>
    %dma_wait3A_1779 = tpu.memref_slice %arg2[%add3A_1505] : memref<3276800xi32, #tpu.memory_space<hbm>> -> memref<1024xi32, #tpu.memory_space<hbm>>
    tpu.wait_dma2 semaphore(%arg20 : memref<!tpu.dma_semaphore, #tpu.memory_space<semaphore_mem>>) src(%dma_wait3A_1779 : memref<1024xi32, #tpu.memory_space<hbm>>) dst(%dma_wait3A_1778 : memref<1024xi32, #tpu.memory_space<vmem>>)
    %dma_wait3A_1780 = tpu.memref_slice %arg4[%add3A_1411] : memref<9830400xf32, #tpu.memory_space<hbm>> -> memref<8192xf32, #tpu.memory_space<hbm>>
    %dma_wait3A_1781 = tpu.memref_slice %arg4[%add3A_1411] : memref<9830400xf32, #tpu.memory_space<hbm>> -> memref<8192xf32, #tpu.memory_space<hbm>>
    tpu.wait_dma2 semaphore(%arg23 : memref<!tpu.dma_semaphore, #tpu.memory_space<semaphore_mem>>) src(%arg14 : memref<8192xf32, #tpu.memory_space<vmem>>) dst(%dma_wait3A_1781 : memref<8192xf32, #tpu.memory_space<hbm>>)
    %dma_wait3A_1782 = tpu.memref_slice %arg4[%add3A_1413] : memref<9830400xf32, #tpu.memory_space<hbm>> -> memref<8192xf32, #tpu.memory_space<hbm>>
    %dma_wait3A_1783 = tpu.memref_slice %arg4[%add3A_1413] : memref<9830400xf32, #tpu.memory_space<hbm>> -> memref<8192xf32, #tpu.memory_space<hbm>>
    tpu.wait_dma2 semaphore(%arg23 : memref<!tpu.dma_semaphore, #tpu.memory_space<semaphore_mem>>) src(%arg15 : memref<8192xf32, #tpu.memory_space<vmem>>) dst(%dma_wait3A_1783 : memref<8192xf32, #tpu.memory_space<hbm>>)
    %dma_wait3A_1784 = tpu.memref_slice %arg4[%add3A_1415] : memref<9830400xf32, #tpu.memory_space<hbm>> -> memref<8192xf32, #tpu.memory_space<hbm>>
    %dma_wait3A_1785 = tpu.memref_slice %arg4[%add3A_1415] : memref<9830400xf32, #tpu.memory_space<hbm>> -> memref<8192xf32, #tpu.memory_space<hbm>>
    tpu.wait_dma2 semaphore(%arg23 : memref<!tpu.dma_semaphore, #tpu.memory_space<semaphore_mem>>) src(%arg16 : memref<8192xf32, #tpu.memory_space<vmem>>) dst(%dma_wait3A_1785 : memref<8192xf32, #tpu.memory_space<hbm>>)
    %parallel_loop3A_1786 = arith.constant 0 : i32
    %parallel_loop3A_1787 = arith.constant 512 : i32
    %parallel_loop3A_1788 = arith.constant 1 : i32
    scf.for %parallel_loop3A_2045 = %parallel_loop3A_1786 to %parallel_loop3A_1787 step %parallel_loop3A_1788  : i32 {
      %parallel_loop3A_2046 = arith.constant 3 : i32
      %parallel_loop3A_2047 = arith.shrsi %parallel_loop3A_2045, %parallel_loop3A_2046 : i32
      %parallel_loop3A_2048 = arith.constant 7 : i32
      %parallel_loop3A_2049 = arith.andi %parallel_loop3A_2047, %parallel_loop3A_2048 : i32
      %parallel_loop3A_2050 = arith.constant 1024 : i32
      %parallel_loop3A_2051 = arith.muli %parallel_loop3A_2049, %parallel_loop3A_2050 : i32
      %parallel_loop3A_2052 = arith.constant 6 : i32
      %parallel_loop3A_2053 = arith.shrsi %parallel_loop3A_2045, %parallel_loop3A_2052 : i32
      %parallel_loop3A_2054 = arith.constant 128 : i32
      %parallel_loop3A_2055 = arith.muli %parallel_loop3A_2053, %parallel_loop3A_2054 : i32
      %parallel_loop3A_2056 = arith.addi %parallel_loop3A_2051, %parallel_loop3A_2055 : i32
      %parallel_loop3A_2057 = arith.constant 7 : i32
      %parallel_loop3A_2058 = arith.andi %parallel_loop3A_2045, %parallel_loop3A_2057 : i32
      %parallel_loop3A_2059 = arith.constant 16 : i32
      %parallel_loop3A_2060 = arith.muli %parallel_loop3A_2058, %parallel_loop3A_2059 : i32
      %parallel_loop3A_2061 = arith.addi %parallel_loop3A_2056, %parallel_loop3A_2060 : i32
      %parallel_loop3A_2062 = arith.constant 16 : i32
      %parallel_loop3A_2063 = arith.muli %parallel_loop3A_2045, %parallel_loop3A_2062 : i32
      %parallel_loop3A_2064 = arith.index_cast %parallel_loop3A_2061 : i32 to index
      %parallel_loop3A_2065 = tpu.vector_load %arg9[%parallel_loop3A_2064] {strides = array<i32>} : memref<8192xi32, #tpu.memory_space<vmem>>, vector<16xi32>,
      %parallel_loop3A_2066 = tpu.vector_load_idx %arg6[%parallel_loop3A_2065] : memref<1024xf32, #tpu.memory_space<vmem>>[vector<16xi32>], vector<16xf32>,
      %parallel_loop3A_2067 = arith.index_cast %parallel_loop3A_2063 : i32 to index
      %parallel_loop3A_2068 = tpu.vector_load %arg14[%parallel_loop3A_2067] {strides = array<i32>} : memref<8192xf32, #tpu.memory_space<vmem>>, vector<16xf32>,
      tpu.vector_store %arg14[%parallel_loop3A_2067], %parallel_loop3A_2066 {strides = array<i32>} : memref<8192xf32, #tpu.memory_space<vmem>>, vector<16xf32>,
      %parallel_loop3A_2069 = tpu.vector_load_idx %arg7[%parallel_loop3A_2065] : memref<1024xf32, #tpu.memory_space<vmem>>[vector<16xi32>], vector<16xf32>,
      %parallel_loop3A_2070 = arith.index_cast %parallel_loop3A_2063 : i32 to index
      %parallel_loop3A_2071 = tpu.vector_load %arg15[%parallel_loop3A_2070] {strides = array<i32>} : memref<8192xf32, #tpu.memory_space<vmem>>, vector<16xf32>,
      tpu.vector_store %arg15[%parallel_loop3A_2070], %parallel_loop3A_2069 {strides = array<i32>} : memref<8192xf32, #tpu.memory_space<vmem>>, vector<16xf32>,
      %parallel_loop3A_2072 = tpu.vector_load_idx %arg8[%parallel_loop3A_2065] : memref<1024xf32, #tpu.memory_space<vmem>>[vector<16xi32>], vector<16xf32>,
      %parallel_loop3A_2073 = arith.index_cast %parallel_loop3A_2063 : i32 to index
      %parallel_loop3A_2074 = tpu.vector_load %arg16[%parallel_loop3A_2073] {strides = array<i32>} : memref<8192xf32, #tpu.memory_space<vmem>>, vector<16xf32>,
      tpu.vector_store %arg16[%parallel_loop3A_2073], %parallel_loop3A_2072 {strides = array<i32>} : memref<8192xf32, #tpu.memory_space<vmem>>, vector<16xf32>,
    } {sc.loop_unroll_factor = 8 : i64, sc.parallel_access}
    %dma_start3A_1789 = arith.constant 0 : i32
    %dma_start3A_1790 = tpu.memref_slice %arg9[%dma_start3A_1789] : memref<8192xi32, #tpu.memory_space<vmem>> -> memref<512xi32, #tpu.memory_space<vmem>>
    %dma_start3A_1791 = tpu.memref_slice %arg2[%add3A_172] : memref<3276800xi32, #tpu.memory_space<hbm>> -> memref<512xi32, #tpu.memory_space<hbm>>
    %dma_start3A_1792 = arith.constant 0 : i32
    %dma_start3A_1793 = tpu.memref_slice %arg9[%dma_start3A_1792] : memref<8192xi32, #tpu.memory_space<vmem>> -> memref<512xi32, #tpu.memory_space<vmem>>
    %dma_start3A_1794 = tpu.memref_slice %arg2[%add3A_172] : memref<3276800xi32, #tpu.memory_space<hbm>> -> memref<512xi32, #tpu.memory_space<hbm>>
    tpu.enqueue_dma source(%dma_start3A_1794 : memref<512xi32, #tpu.memory_space<hbm>>) target(%dma_start3A_1793 : memref<512xi32, #tpu.memory_space<vmem>>) target_semaphore(%arg25 : memref<!tpu.dma_semaphore, #tpu.memory_space<semaphore_mem>>)
    %dma_start3A_1795 = arith.constant 512 : i32
    %dma_start3A_1796 = tpu.memref_slice %arg9[%dma_start3A_1795] : memref<8192xi32, #tpu.memory_space<vmem>> -> memref<512xi32, #tpu.memory_space<vmem>>
    %dma_start3A_1797 = tpu.memref_slice %arg2[%add3A_174] : memref<3276800xi32, #tpu.memory_space<hbm>> -> memref<512xi32, #tpu.memory_space<hbm>>
    %dma_start3A_1798 = arith.constant 512 : i32
    %dma_start3A_1799 = tpu.memref_slice %arg9[%dma_start3A_1798] : memref<8192xi32, #tpu.memory_space<vmem>> -> memref<512xi32, #tpu.memory_space<vmem>>
    %dma_start3A_1800 = tpu.memref_slice %arg2[%add3A_174] : memref<3276800xi32, #tpu.memory_space<hbm>> -> memref<512xi32, #tpu.memory_space<hbm>>
    tpu.enqueue_dma source(%dma_start3A_1800 : memref<512xi32, #tpu.memory_space<hbm>>) target(%dma_start3A_1799 : memref<512xi32, #tpu.memory_space<vmem>>) target_semaphore(%arg25 : memref<!tpu.dma_semaphore, #tpu.memory_space<semaphore_mem>>)
    %dma_start3A_1801 = arith.constant 1024 : i32
    %dma_start3A_1802 = tpu.memref_slice %arg9[%dma_start3A_1801] : memref<8192xi32, #tpu.memory_space<vmem>> -> memref<512xi32, #tpu.memory_space<vmem>>
    %dma_start3A_1803 = tpu.memref_slice %arg2[%add3A_176] : memref<3276800xi32, #tpu.memory_space<hbm>> -> memref<512xi32, #tpu.memory_space<hbm>>
    %dma_start3A_1804 = arith.constant 1024 : i32
    %dma_start3A_1805 = tpu.memref_slice %arg9[%dma_start3A_1804] : memref<8192xi32, #tpu.memory_space<vmem>> -> memref<512xi32, #tpu.memory_space<vmem>>
    %dma_start3A_1806 = tpu.memref_slice %arg2[%add3A_176] : memref<3276800xi32, #tpu.memory_space<hbm>> -> memref<512xi32, #tpu.memory_space<hbm>>
    tpu.enqueue_dma source(%dma_start3A_1806 : memref<512xi32, #tpu.memory_space<hbm>>) target(%dma_start3A_1805 : memref<512xi32, #tpu.memory_space<vmem>>) target_semaphore(%arg25 : memref<!tpu.dma_semaphore, #tpu.memory_space<semaphore_mem>>)
    %dma_start3A_1807 = arith.constant 1536 : i32
    %dma_start3A_1808 = tpu.memref_slice %arg9[%dma_start3A_1807] : memref<8192xi32, #tpu.memory_space<vmem>> -> memref<512xi32, #tpu.memory_space<vmem>>
    %dma_start3A_1809 = tpu.memref_slice %arg2[%add3A_178] : memref<3276800xi32, #tpu.memory_space<hbm>> -> memref<512xi32, #tpu.memory_space<hbm>>
    %dma_start3A_1810 = arith.constant 1536 : i32
    %dma_start3A_1811 = tpu.memref_slice %arg9[%dma_start3A_1810] : memref<8192xi32, #tpu.memory_space<vmem>> -> memref<512xi32, #tpu.memory_space<vmem>>
    %dma_start3A_1812 = tpu.memref_slice %arg2[%add3A_178] : memref<3276800xi32, #tpu.memory_space<hbm>> -> memref<512xi32, #tpu.memory_space<hbm>>
    tpu.enqueue_dma source(%dma_start3A_1812 : memref<512xi32, #tpu.memory_space<hbm>>) target(%dma_start3A_1811 : memref<512xi32, #tpu.memory_space<vmem>>) target_semaphore(%arg25 : memref<!tpu.dma_semaphore, #tpu.memory_space<semaphore_mem>>)
    %dma_start3A_1813 = arith.constant 2048 : i32
    %dma_start3A_1814 = tpu.memref_slice %arg9[%dma_start3A_1813] : memref<8192xi32, #tpu.memory_space<vmem>> -> memref<512xi32, #tpu.memory_space<vmem>>
    %dma_start3A_1815 = tpu.memref_slice %arg2[%add3A_180] : memref<3276800xi32, #tpu.memory_space<hbm>> -> memref<512xi32, #tpu.memory_space<hbm>>
    %dma_start3A_1816 = arith.constant 2048 : i32
    %dma_start3A_1817 = tpu.memref_slice %arg9[%dma_start3A_1816] : memref<8192xi32, #tpu.memory_space<vmem>> -> memref<512xi32, #tpu.memory_space<vmem>>
    %dma_start3A_1818 = tpu.memref_slice %arg2[%add3A_180] : memref<3276800xi32, #tpu.memory_space<hbm>> -> memref<512xi32, #tpu.memory_space<hbm>>
    tpu.enqueue_dma source(%dma_start3A_1818 : memref<512xi32, #tpu.memory_space<hbm>>) target(%dma_start3A_1817 : memref<512xi32, #tpu.memory_space<vmem>>) target_semaphore(%arg25 : memref<!tpu.dma_semaphore, #tpu.memory_space<semaphore_mem>>)
    %dma_start3A_1819 = arith.constant 2560 : i32
    %dma_start3A_1820 = tpu.memref_slice %arg9[%dma_start3A_1819] : memref<8192xi32, #tpu.memory_space<vmem>> -> memref<512xi32, #tpu.memory_space<vmem>>
    %dma_start3A_1821 = tpu.memref_slice %arg2[%add3A_182] : memref<3276800xi32, #tpu.memory_space<hbm>> -> memref<512xi32, #tpu.memory_space<hbm>>
    %dma_start3A_1822 = arith.constant 2560 : i32
    %dma_start3A_1823 = tpu.memref_slice %arg9[%dma_start3A_1822] : memref<8192xi32, #tpu.memory_space<vmem>> -> memref<512xi32, #tpu.memory_space<vmem>>
    %dma_start3A_1824 = tpu.memref_slice %arg2[%add3A_182] : memref<3276800xi32, #tpu.memory_space<hbm>> -> memref<512xi32, #tpu.memory_space<hbm>>
    tpu.enqueue_dma source(%dma_start3A_1824 : memref<512xi32, #tpu.memory_space<hbm>>) target(%dma_start3A_1823 : memref<512xi32, #tpu.memory_space<vmem>>) target_semaphore(%arg25 : memref<!tpu.dma_semaphore, #tpu.memory_space<semaphore_mem>>)
    %dma_start3A_1825 = arith.constant 3072 : i32
    %dma_start3A_1826 = tpu.memref_slice %arg9[%dma_start3A_1825] : memref<8192xi32, #tpu.memory_space<vmem>> -> memref<512xi32, #tpu.memory_space<vmem>>
    %dma_start3A_1827 = tpu.memref_slice %arg2[%add3A_184] : memref<3276800xi32, #tpu.memory_space<hbm>> -> memref<512xi32, #tpu.memory_space<hbm>>
    %dma_start3A_1828 = arith.constant 3072 : i32
    %dma_start3A_1829 = tpu.memref_slice %arg9[%dma_start3A_1828] : memref<8192xi32, #tpu.memory_space<vmem>> -> memref<512xi32, #tpu.memory_space<vmem>>
    %dma_start3A_1830 = tpu.memref_slice %arg2[%add3A_184] : memref<3276800xi32, #tpu.memory_space<hbm>> -> memref<512xi32, #tpu.memory_space<hbm>>
    tpu.enqueue_dma source(%dma_start3A_1830 : memref<512xi32, #tpu.memory_space<hbm>>) target(%dma_start3A_1829 : memref<512xi32, #tpu.memory_space<vmem>>) target_semaphore(%arg25 : memref<!tpu.dma_semaphore, #tpu.memory_space<semaphore_mem>>)
    %dma_start3A_1831 = arith.constant 3584 : i32
    %dma_start3A_1832 = tpu.memref_slice %arg9[%dma_start3A_1831] : memref<8192xi32, #tpu.memory_space<vmem>> -> memref<512xi32, #tpu.memory_space<vmem>>
    %dma_start3A_1833 = tpu.memref_slice %arg2[%add3A_186] : memref<3276800xi32, #tpu.memory_space<hbm>> -> memref<512xi32, #tpu.memory_space<hbm>>
    %dma_start3A_1834 = arith.constant 3584 : i32
    %dma_start3A_1835 = tpu.memref_slice %arg9[%dma_start3A_1834] : memref<8192xi32, #tpu.memory_space<vmem>> -> memref<512xi32, #tpu.memory_space<vmem>>
    %dma_start3A_1836 = tpu.memref_slice %arg2[%add3A_186] : memref<3276800xi32, #tpu.memory_space<hbm>> -> memref<512xi32, #tpu.memory_space<hbm>>
    tpu.enqueue_dma source(%dma_start3A_1836 : memref<512xi32, #tpu.memory_space<hbm>>) target(%dma_start3A_1835 : memref<512xi32, #tpu.memory_space<vmem>>) target_semaphore(%arg25 : memref<!tpu.dma_semaphore, #tpu.memory_space<semaphore_mem>>)
    %add3A_1837 = arith.constant 320 : i32
    %add3A_1838 = arith.addi %add3A, %add3A_1837 : i32
    %shift_right_arithmetic3A_1839 = arith.constant 4 : i32
    %shift_right_arithmetic3A_1840 = arith.shrsi %add3A_1838, %shift_right_arithmetic3A_1839 : i32
    %and3A_1841 = arith.constant 15 : i32
    %and3A_1842 = arith.andi %add3A_1838, %and3A_1841 : i32
    %mul3A_1843 = arith.constant 131072 : i32
    %mul3A_1844 = arith.muli %shift_right_arithmetic3A_1840, %mul3A_1843 : i32
    %mul3A_1845 = arith.constant 8192 : i32
    %mul3A_1846 = arith.muli %and3A_1842, %mul3A_1845 : i32
    %add3A_1847 = arith.addi %mul3A_1844, %mul3A_1846 : i32
    %add3A_1848 = arith.constant 0 : i32
    %add3A_1849 = arith.addi %add3A_1848, %add3A_1847 : i32
    %add3A_1850 = arith.constant 3276800 : i32
    %add3A_1851 = arith.addi %add3A_1850, %add3A_1847 : i32
    %add3A_1852 = arith.constant 6553600 : i32
    %add3A_1853 = arith.addi %add3A_1852, %add3A_1847 : i32
    %dma_start3A_1854 = tpu.memref_slice %arg4[%add3A_1849] : memref<9830400xf32, #tpu.memory_space<hbm>> -> memref<8192xf32, #tpu.memory_space<hbm>>
    %dma_start3A_1855 = tpu.memref_slice %arg4[%add3A_1849] : memref<9830400xf32, #tpu.memory_space<hbm>> -> memref<8192xf32, #tpu.memory_space<hbm>>
    tpu.enqueue_dma source(%arg14 : memref<8192xf32, #tpu.memory_space<vmem>>) target(%dma_start3A_1855 : memref<8192xf32, #tpu.memory_space<hbm>>) target_semaphore(%arg23 : memref<!tpu.dma_semaphore, #tpu.memory_space<semaphore_mem>>)
    %dma_start3A_1856 = tpu.memref_slice %arg4[%add3A_1851] : memref<9830400xf32, #tpu.memory_space<hbm>> -> memref<8192xf32, #tpu.memory_space<hbm>>
    %dma_start3A_1857 = tpu.memref_slice %arg4[%add3A_1851] : memref<9830400xf32, #tpu.memory_space<hbm>> -> memref<8192xf32, #tpu.memory_space<hbm>>
    tpu.enqueue_dma source(%arg15 : memref<8192xf32, #tpu.memory_space<vmem>>) target(%dma_start3A_1857 : memref<8192xf32, #tpu.memory_space<hbm>>) target_semaphore(%arg23 : memref<!tpu.dma_semaphore, #tpu.memory_space<semaphore_mem>>)
    %dma_start3A_1858 = tpu.memref_slice %arg4[%add3A_1853] : memref<9830400xf32, #tpu.memory_space<hbm>> -> memref<8192xf32, #tpu.memory_space<hbm>>
    %dma_start3A_1859 = tpu.memref_slice %arg4[%add3A_1853] : memref<9830400xf32, #tpu.memory_space<hbm>> -> memref<8192xf32, #tpu.memory_space<hbm>>
    tpu.enqueue_dma source(%arg16 : memref<8192xf32, #tpu.memory_space<vmem>>) target(%dma_start3A_1859 : memref<8192xf32, #tpu.memory_space<hbm>>) target_semaphore(%arg23 : memref<!tpu.dma_semaphore, #tpu.memory_space<semaphore_mem>>)
    %dma_wait3A_1860 = arith.constant 0 : i32
    %dma_wait3A_1861 = tpu.memref_slice %arg10[%dma_wait3A_1860] : memref<8192xi32, #tpu.memory_space<vmem>> -> memref<1024xi32, #tpu.memory_space<vmem>>
    %dma_wait3A_1862 = tpu.memref_slice %arg2[%add3A_1646] : memref<3276800xi32, #tpu.memory_space<hbm>> -> memref<1024xi32, #tpu.memory_space<hbm>>
    %dma_wait3A_1863 = arith.constant 0 : i32
    %dma_wait3A_1864 = tpu.memref_slice %arg10[%dma_wait3A_1863] : memref<8192xi32, #tpu.memory_space<vmem>> -> memref<1024xi32, #tpu.memory_space<vmem>>
    %dma_wait3A_1865 = tpu.memref_slice %arg2[%add3A_1646] : memref<3276800xi32, #tpu.memory_space<hbm>> -> memref<1024xi32, #tpu.memory_space<hbm>>
    tpu.wait_dma2 semaphore(%arg21 : memref<!tpu.dma_semaphore, #tpu.memory_space<semaphore_mem>>) src(%dma_wait3A_1865 : memref<1024xi32, #tpu.memory_space<hbm>>) dst(%dma_wait3A_1864 : memref<1024xi32, #tpu.memory_space<vmem>>)
    %dma_wait3A_1866 = arith.constant 1024 : i32
    %dma_wait3A_1867 = tpu.memref_slice %arg10[%dma_wait3A_1866] : memref<8192xi32, #tpu.memory_space<vmem>> -> memref<1024xi32, #tpu.memory_space<vmem>>
    %dma_wait3A_1868 = tpu.memref_slice %arg2[%add3A_1648] : memref<3276800xi32, #tpu.memory_space<hbm>> -> memref<1024xi32, #tpu.memory_space<hbm>>
    %dma_wait3A_1869 = arith.constant 1024 : i32
    %dma_wait3A_1870 = tpu.memref_slice %arg10[%dma_wait3A_1869] : memref<8192xi32, #tpu.memory_space<vmem>> -> memref<1024xi32, #tpu.memory_space<vmem>>
    %dma_wait3A_1871 = tpu.memref_slice %arg2[%add3A_1648] : memref<3276800xi32, #tpu.memory_space<hbm>> -> memref<1024xi32, #tpu.memory_space<hbm>>
    tpu.wait_dma2 semaphore(%arg21 : memref<!tpu.dma_semaphore, #tpu.memory_space<semaphore_mem>>) src(%dma_wait3A_1871 : memref<1024xi32, #tpu.memory_space<hbm>>) dst(%dma_wait3A_1870 : memref<1024xi32, #tpu.memory_space<vmem>>)
    %dma_wait3A_1872 = arith.constant 2048 : i32
    %dma_wait3A_1873 = tpu.memref_slice %arg10[%dma_wait3A_1872] : memref<8192xi32, #tpu.memory_space<vmem>> -> memref<1024xi32, #tpu.memory_space<vmem>>
    %dma_wait3A_1874 = tpu.memref_slice %arg2[%add3A_1650] : memref<3276800xi32, #tpu.memory_space<hbm>> -> memref<1024xi32, #tpu.memory_space<hbm>>
    %dma_wait3A_1875 = arith.constant 2048 : i32
    %dma_wait3A_1876 = tpu.memref_slice %arg10[%dma_wait3A_1875] : memref<8192xi32, #tpu.memory_space<vmem>> -> memref<1024xi32, #tpu.memory_space<vmem>>
    %dma_wait3A_1877 = tpu.memref_slice %arg2[%add3A_1650] : memref<3276800xi32, #tpu.memory_space<hbm>> -> memref<1024xi32, #tpu.memory_space<hbm>>
    tpu.wait_dma2 semaphore(%arg21 : memref<!tpu.dma_semaphore, #tpu.memory_space<semaphore_mem>>) src(%dma_wait3A_1877 : memref<1024xi32, #tpu.memory_space<hbm>>) dst(%dma_wait3A_1876 : memref<1024xi32, #tpu.memory_space<vmem>>)
    %dma_wait3A_1878 = arith.constant 3072 : i32
    %dma_wait3A_1879 = tpu.memref_slice %arg10[%dma_wait3A_1878] : memref<8192xi32, #tpu.memory_space<vmem>> -> memref<1024xi32, #tpu.memory_space<vmem>>
    %dma_wait3A_1880 = tpu.memref_slice %arg2[%add3A_1652] : memref<3276800xi32, #tpu.memory_space<hbm>> -> memref<1024xi32, #tpu.memory_space<hbm>>
    %dma_wait3A_1881 = arith.constant 3072 : i32
    %dma_wait3A_1882 = tpu.memref_slice %arg10[%dma_wait3A_1881] : memref<8192xi32, #tpu.memory_space<vmem>> -> memref<1024xi32, #tpu.memory_space<vmem>>
    %dma_wait3A_1883 = tpu.memref_slice %arg2[%add3A_1652] : memref<3276800xi32, #tpu.memory_space<hbm>> -> memref<1024xi32, #tpu.memory_space<hbm>>
    tpu.wait_dma2 semaphore(%arg21 : memref<!tpu.dma_semaphore, #tpu.memory_space<semaphore_mem>>) src(%dma_wait3A_1883 : memref<1024xi32, #tpu.memory_space<hbm>>) dst(%dma_wait3A_1882 : memref<1024xi32, #tpu.memory_space<vmem>>)
    %dma_wait3A_1884 = arith.constant 4096 : i32
    %dma_wait3A_1885 = tpu.memref_slice %arg10[%dma_wait3A_1884] : memref<8192xi32, #tpu.memory_space<vmem>> -> memref<1024xi32, #tpu.memory_space<vmem>>
    %dma_wait3A_1886 = tpu.memref_slice %arg2[%add3A_1654] : memref<3276800xi32, #tpu.memory_space<hbm>> -> memref<1024xi32, #tpu.memory_space<hbm>>
    %dma_wait3A_1887 = arith.constant 4096 : i32
    %dma_wait3A_1888 = tpu.memref_slice %arg10[%dma_wait3A_1887] : memref<8192xi32, #tpu.memory_space<vmem>> -> memref<1024xi32, #tpu.memory_space<vmem>>
    %dma_wait3A_1889 = tpu.memref_slice %arg2[%add3A_1654] : memref<3276800xi32, #tpu.memory_space<hbm>> -> memref<1024xi32, #tpu.memory_space<hbm>>
    tpu.wait_dma2 semaphore(%arg21 : memref<!tpu.dma_semaphore, #tpu.memory_space<semaphore_mem>>) src(%dma_wait3A_1889 : memref<1024xi32, #tpu.memory_space<hbm>>) dst(%dma_wait3A_1888 : memref<1024xi32, #tpu.memory_space<vmem>>)
    %dma_wait3A_1890 = arith.constant 5120 : i32
    %dma_wait3A_1891 = tpu.memref_slice %arg10[%dma_wait3A_1890] : memref<8192xi32, #tpu.memory_space<vmem>> -> memref<1024xi32, #tpu.memory_space<vmem>>
    %dma_wait3A_1892 = tpu.memref_slice %arg2[%add3A_1656] : memref<3276800xi32, #tpu.memory_space<hbm>> -> memref<1024xi32, #tpu.memory_space<hbm>>
    %dma_wait3A_1893 = arith.constant 5120 : i32
    %dma_wait3A_1894 = tpu.memref_slice %arg10[%dma_wait3A_1893] : memref<8192xi32, #tpu.memory_space<vmem>> -> memref<1024xi32, #tpu.memory_space<vmem>>
    %dma_wait3A_1895 = tpu.memref_slice %arg2[%add3A_1656] : memref<3276800xi32, #tpu.memory_space<hbm>> -> memref<1024xi32, #tpu.memory_space<hbm>>
    tpu.wait_dma2 semaphore(%arg21 : memref<!tpu.dma_semaphore, #tpu.memory_space<semaphore_mem>>) src(%dma_wait3A_1895 : memref<1024xi32, #tpu.memory_space<hbm>>) dst(%dma_wait3A_1894 : memref<1024xi32, #tpu.memory_space<vmem>>)
    %dma_wait3A_1896 = arith.constant 6144 : i32
    %dma_wait3A_1897 = tpu.memref_slice %arg10[%dma_wait3A_1896] : memref<8192xi32, #tpu.memory_space<vmem>> -> memref<1024xi32, #tpu.memory_space<vmem>>
    %dma_wait3A_1898 = tpu.memref_slice %arg2[%add3A_1658] : memref<3276800xi32, #tpu.memory_space<hbm>> -> memref<1024xi32, #tpu.memory_space<hbm>>
    %dma_wait3A_1899 = arith.constant 6144 : i32
    %dma_wait3A_1900 = tpu.memref_slice %arg10[%dma_wait3A_1899] : memref<8192xi32, #tpu.memory_space<vmem>> -> memref<1024xi32, #tpu.memory_space<vmem>>
    %dma_wait3A_1901 = tpu.memref_slice %arg2[%add3A_1658] : memref<3276800xi32, #tpu.memory_space<hbm>> -> memref<1024xi32, #tpu.memory_space<hbm>>
    tpu.wait_dma2 semaphore(%arg21 : memref<!tpu.dma_semaphore, #tpu.memory_space<semaphore_mem>>) src(%dma_wait3A_1901 : memref<1024xi32, #tpu.memory_space<hbm>>) dst(%dma_wait3A_1900 : memref<1024xi32, #tpu.memory_space<vmem>>)
    %dma_wait3A_1902 = arith.constant 7168 : i32
    %dma_wait3A_1903 = tpu.memref_slice %arg10[%dma_wait3A_1902] : memref<8192xi32, #tpu.memory_space<vmem>> -> memref<1024xi32, #tpu.memory_space<vmem>>
    %dma_wait3A_1904 = tpu.memref_slice %arg2[%add3A_1660] : memref<3276800xi32, #tpu.memory_space<hbm>> -> memref<1024xi32, #tpu.memory_space<hbm>>
    %dma_wait3A_1905 = arith.constant 7168 : i32
    %dma_wait3A_1906 = tpu.memref_slice %arg10[%dma_wait3A_1905] : memref<8192xi32, #tpu.memory_space<vmem>> -> memref<1024xi32, #tpu.memory_space<vmem>>
    %dma_wait3A_1907 = tpu.memref_slice %arg2[%add3A_1660] : memref<3276800xi32, #tpu.memory_space<hbm>> -> memref<1024xi32, #tpu.memory_space<hbm>>
    tpu.wait_dma2 semaphore(%arg21 : memref<!tpu.dma_semaphore, #tpu.memory_space<semaphore_mem>>) src(%dma_wait3A_1907 : memref<1024xi32, #tpu.memory_space<hbm>>) dst(%dma_wait3A_1906 : memref<1024xi32, #tpu.memory_space<vmem>>)
    %dma_wait3A_1908 = tpu.memref_slice %arg4[%add3A_1566] : memref<9830400xf32, #tpu.memory_space<hbm>> -> memref<8192xf32, #tpu.memory_space<hbm>>
    %dma_wait3A_1909 = tpu.memref_slice %arg4[%add3A_1566] : memref<9830400xf32, #tpu.memory_space<hbm>> -> memref<8192xf32, #tpu.memory_space<hbm>>
    tpu.wait_dma2 semaphore(%arg24 : memref<!tpu.dma_semaphore, #tpu.memory_space<semaphore_mem>>) src(%arg17 : memref<8192xf32, #tpu.memory_space<vmem>>) dst(%dma_wait3A_1909 : memref<8192xf32, #tpu.memory_space<hbm>>)
    %dma_wait3A_1910 = tpu.memref_slice %arg4[%add3A_1568] : memref<9830400xf32, #tpu.memory_space<hbm>> -> memref<8192xf32, #tpu.memory_space<hbm>>
    %dma_wait3A_1911 = tpu.memref_slice %arg4[%add3A_1568] : memref<9830400xf32, #tpu.memory_space<hbm>> -> memref<8192xf32, #tpu.memory_space<hbm>>
    tpu.wait_dma2 semaphore(%arg24 : memref<!tpu.dma_semaphore, #tpu.memory_space<semaphore_mem>>) src(%arg18 : memref<8192xf32, #tpu.memory_space<vmem>>) dst(%dma_wait3A_1911 : memref<8192xf32, #tpu.memory_space<hbm>>)
    %dma_wait3A_1912 = tpu.memref_slice %arg4[%add3A_1570] : memref<9830400xf32, #tpu.memory_space<hbm>> -> memref<8192xf32, #tpu.memory_space<hbm>>
    %dma_wait3A_1913 = tpu.memref_slice %arg4[%add3A_1570] : memref<9830400xf32, #tpu.memory_space<hbm>> -> memref<8192xf32, #tpu.memory_space<hbm>>
    tpu.wait_dma2 semaphore(%arg24 : memref<!tpu.dma_semaphore, #tpu.memory_space<semaphore_mem>>) src(%arg19 : memref<8192xf32, #tpu.memory_space<vmem>>) dst(%dma_wait3A_1913 : memref<8192xf32, #tpu.memory_space<hbm>>)
    %parallel_loop3A_1914 = arith.constant 0 : i32
    %parallel_loop3A_1915 = arith.constant 512 : i32
    %parallel_loop3A_1916 = arith.constant 1 : i32
    scf.for %parallel_loop3A_2045 = %parallel_loop3A_1914 to %parallel_loop3A_1915 step %parallel_loop3A_1916  : i32 {
      %parallel_loop3A_2046 = arith.constant 3 : i32
      %parallel_loop3A_2047 = arith.shrsi %parallel_loop3A_2045, %parallel_loop3A_2046 : i32
      %parallel_loop3A_2048 = arith.constant 7 : i32
      %parallel_loop3A_2049 = arith.andi %parallel_loop3A_2047, %parallel_loop3A_2048 : i32
      %parallel_loop3A_2050 = arith.constant 1024 : i32
      %parallel_loop3A_2051 = arith.muli %parallel_loop3A_2049, %parallel_loop3A_2050 : i32
      %parallel_loop3A_2052 = arith.constant 6 : i32
      %parallel_loop3A_2053 = arith.shrsi %parallel_loop3A_2045, %parallel_loop3A_2052 : i32
      %parallel_loop3A_2054 = arith.constant 128 : i32
      %parallel_loop3A_2055 = arith.muli %parallel_loop3A_2053, %parallel_loop3A_2054 : i32
      %parallel_loop3A_2056 = arith.addi %parallel_loop3A_2051, %parallel_loop3A_2055 : i32
      %parallel_loop3A_2057 = arith.constant 7 : i32
      %parallel_loop3A_2058 = arith.andi %parallel_loop3A_2045, %parallel_loop3A_2057 : i32
      %parallel_loop3A_2059 = arith.constant 16 : i32
      %parallel_loop3A_2060 = arith.muli %parallel_loop3A_2058, %parallel_loop3A_2059 : i32
      %parallel_loop3A_2061 = arith.addi %parallel_loop3A_2056, %parallel_loop3A_2060 : i32
      %parallel_loop3A_2062 = arith.constant 16 : i32
      %parallel_loop3A_2063 = arith.muli %parallel_loop3A_2045, %parallel_loop3A_2062 : i32
      %parallel_loop3A_2064 = arith.index_cast %parallel_loop3A_2061 : i32 to index
      %parallel_loop3A_2065 = tpu.vector_load %arg10[%parallel_loop3A_2064] {strides = array<i32>} : memref<8192xi32, #tpu.memory_space<vmem>>, vector<16xi32>,
      %parallel_loop3A_2066 = tpu.vector_load_idx %arg6[%parallel_loop3A_2065] : memref<1024xf32, #tpu.memory_space<vmem>>[vector<16xi32>], vector<16xf32>,
      %parallel_loop3A_2067 = arith.index_cast %parallel_loop3A_2063 : i32 to index
      %parallel_loop3A_2068 = tpu.vector_load %arg17[%parallel_loop3A_2067] {strides = array<i32>} : memref<8192xf32, #tpu.memory_space<vmem>>, vector<16xf32>,
      tpu.vector_store %arg17[%parallel_loop3A_2067], %parallel_loop3A_2066 {strides = array<i32>} : memref<8192xf32, #tpu.memory_space<vmem>>, vector<16xf32>,
      %parallel_loop3A_2069 = tpu.vector_load_idx %arg7[%parallel_loop3A_2065] : memref<1024xf32, #tpu.memory_space<vmem>>[vector<16xi32>], vector<16xf32>,
      %parallel_loop3A_2070 = arith.index_cast %parallel_loop3A_2063 : i32 to index
      %parallel_loop3A_2071 = tpu.vector_load %arg18[%parallel_loop3A_2070] {strides = array<i32>} : memref<8192xf32, #tpu.memory_space<vmem>>, vector<16xf32>,
      tpu.vector_store %arg18[%parallel_loop3A_2070], %parallel_loop3A_2069 {strides = array<i32>} : memref<8192xf32, #tpu.memory_space<vmem>>, vector<16xf32>,
      %parallel_loop3A_2072 = tpu.vector_load_idx %arg8[%parallel_loop3A_2065] : memref<1024xf32, #tpu.memory_space<vmem>>[vector<16xi32>], vector<16xf32>,
      %parallel_loop3A_2073 = arith.index_cast %parallel_loop3A_2063 : i32 to index
      %parallel_loop3A_2074 = tpu.vector_load %arg19[%parallel_loop3A_2073] {strides = array<i32>} : memref<8192xf32, #tpu.memory_space<vmem>>, vector<16xf32>,
      tpu.vector_store %arg19[%parallel_loop3A_2073], %parallel_loop3A_2072 {strides = array<i32>} : memref<8192xf32, #tpu.memory_space<vmem>>, vector<16xf32>,
    } {sc.loop_unroll_factor = 8 : i64, sc.parallel_access}
    %add3A_1917 = arith.constant 352 : i32
    %add3A_1918 = arith.addi %add3A, %add3A_1917 : i32
    %shift_right_arithmetic3A_1919 = arith.constant 4 : i32
    %shift_right_arithmetic3A_1920 = arith.shrsi %add3A_1918, %shift_right_arithmetic3A_1919 : i32
    %and3A_1921 = arith.constant 15 : i32
    %and3A_1922 = arith.andi %add3A_1918, %and3A_1921 : i32
    %mul3A_1923 = arith.constant 131072 : i32
    %mul3A_1924 = arith.muli %shift_right_arithmetic3A_1920, %mul3A_1923 : i32
    %mul3A_1925 = arith.constant 8192 : i32
    %mul3A_1926 = arith.muli %and3A_1922, %mul3A_1925 : i32
    %add3A_1927 = arith.addi %mul3A_1924, %mul3A_1926 : i32
    %add3A_1928 = arith.constant 0 : i32
    %add3A_1929 = arith.addi %add3A_1928, %add3A_1927 : i32
    %add3A_1930 = arith.constant 3276800 : i32
    %add3A_1931 = arith.addi %add3A_1930, %add3A_1927 : i32
    %add3A_1932 = arith.constant 6553600 : i32
    %add3A_1933 = arith.addi %add3A_1932, %add3A_1927 : i32
    %dma_start3A_1934 = tpu.memref_slice %arg4[%add3A_1929] : memref<9830400xf32, #tpu.memory_space<hbm>> -> memref<8192xf32, #tpu.memory_space<hbm>>
    %dma_start3A_1935 = tpu.memref_slice %arg4[%add3A_1929] : memref<9830400xf32, #tpu.memory_space<hbm>> -> memref<8192xf32, #tpu.memory_space<hbm>>
    tpu.enqueue_dma source(%arg17 : memref<8192xf32, #tpu.memory_space<vmem>>) target(%dma_start3A_1935 : memref<8192xf32, #tpu.memory_space<hbm>>) target_semaphore(%arg24 : memref<!tpu.dma_semaphore, #tpu.memory_space<semaphore_mem>>)
    %dma_start3A_1936 = tpu.memref_slice %arg4[%add3A_1931] : memref<9830400xf32, #tpu.memory_space<hbm>> -> memref<8192xf32, #tpu.memory_space<hbm>>
    %dma_start3A_1937 = tpu.memref_slice %arg4[%add3A_1931] : memref<9830400xf32, #tpu.memory_space<hbm>> -> memref<8192xf32, #tpu.memory_space<hbm>>
    tpu.enqueue_dma source(%arg18 : memref<8192xf32, #tpu.memory_space<vmem>>) target(%dma_start3A_1937 : memref<8192xf32, #tpu.memory_space<hbm>>) target_semaphore(%arg24 : memref<!tpu.dma_semaphore, #tpu.memory_space<semaphore_mem>>)
    %dma_start3A_1938 = tpu.memref_slice %arg4[%add3A_1933] : memref<9830400xf32, #tpu.memory_space<hbm>> -> memref<8192xf32, #tpu.memory_space<hbm>>
    %dma_start3A_1939 = tpu.memref_slice %arg4[%add3A_1933] : memref<9830400xf32, #tpu.memory_space<hbm>> -> memref<8192xf32, #tpu.memory_space<hbm>>
    tpu.enqueue_dma source(%arg19 : memref<8192xf32, #tpu.memory_space<vmem>>) target(%dma_start3A_1939 : memref<8192xf32, #tpu.memory_space<hbm>>) target_semaphore(%arg24 : memref<!tpu.dma_semaphore, #tpu.memory_space<semaphore_mem>>)
    %dma_wait3A_1940 = arith.constant 0 : i32
    %dma_wait3A_1941 = tpu.memref_slice %arg9[%dma_wait3A_1940] : memref<8192xi32, #tpu.memory_space<vmem>> -> memref<512xi32, #tpu.memory_space<vmem>>
    %dma_wait3A_1942 = tpu.memref_slice %arg2[%add3A_172] : memref<3276800xi32, #tpu.memory_space<hbm>> -> memref<512xi32, #tpu.memory_space<hbm>>
    %dma_wait3A_1943 = arith.constant 0 : i32
    %dma_wait3A_1944 = tpu.memref_slice %arg9[%dma_wait3A_1943] : memref<8192xi32, #tpu.memory_space<vmem>> -> memref<512xi32, #tpu.memory_space<vmem>>
    %dma_wait3A_1945 = tpu.memref_slice %arg2[%add3A_172] : memref<3276800xi32, #tpu.memory_space<hbm>> -> memref<512xi32, #tpu.memory_space<hbm>>
    tpu.wait_dma2 semaphore(%arg25 : memref<!tpu.dma_semaphore, #tpu.memory_space<semaphore_mem>>) src(%dma_wait3A_1945 : memref<512xi32, #tpu.memory_space<hbm>>) dst(%dma_wait3A_1944 : memref<512xi32, #tpu.memory_space<vmem>>)
    %dma_wait3A_1946 = arith.constant 512 : i32
    %dma_wait3A_1947 = tpu.memref_slice %arg9[%dma_wait3A_1946] : memref<8192xi32, #tpu.memory_space<vmem>> -> memref<512xi32, #tpu.memory_space<vmem>>
    %dma_wait3A_1948 = tpu.memref_slice %arg2[%add3A_174] : memref<3276800xi32, #tpu.memory_space<hbm>> -> memref<512xi32, #tpu.memory_space<hbm>>
    %dma_wait3A_1949 = arith.constant 512 : i32
    %dma_wait3A_1950 = tpu.memref_slice %arg9[%dma_wait3A_1949] : memref<8192xi32, #tpu.memory_space<vmem>> -> memref<512xi32, #tpu.memory_space<vmem>>
    %dma_wait3A_1951 = tpu.memref_slice %arg2[%add3A_174] : memref<3276800xi32, #tpu.memory_space<hbm>> -> memref<512xi32, #tpu.memory_space<hbm>>
    tpu.wait_dma2 semaphore(%arg25 : memref<!tpu.dma_semaphore, #tpu.memory_space<semaphore_mem>>) src(%dma_wait3A_1951 : memref<512xi32, #tpu.memory_space<hbm>>) dst(%dma_wait3A_1950 : memref<512xi32, #tpu.memory_space<vmem>>)
    %dma_wait3A_1952 = arith.constant 1024 : i32
    %dma_wait3A_1953 = tpu.memref_slice %arg9[%dma_wait3A_1952] : memref<8192xi32, #tpu.memory_space<vmem>> -> memref<512xi32, #tpu.memory_space<vmem>>
    %dma_wait3A_1954 = tpu.memref_slice %arg2[%add3A_176] : memref<3276800xi32, #tpu.memory_space<hbm>> -> memref<512xi32, #tpu.memory_space<hbm>>
    %dma_wait3A_1955 = arith.constant 1024 : i32
    %dma_wait3A_1956 = tpu.memref_slice %arg9[%dma_wait3A_1955] : memref<8192xi32, #tpu.memory_space<vmem>> -> memref<512xi32, #tpu.memory_space<vmem>>
    %dma_wait3A_1957 = tpu.memref_slice %arg2[%add3A_176] : memref<3276800xi32, #tpu.memory_space<hbm>> -> memref<512xi32, #tpu.memory_space<hbm>>
    tpu.wait_dma2 semaphore(%arg25 : memref<!tpu.dma_semaphore, #tpu.memory_space<semaphore_mem>>) src(%dma_wait3A_1957 : memref<512xi32, #tpu.memory_space<hbm>>) dst(%dma_wait3A_1956 : memref<512xi32, #tpu.memory_space<vmem>>)
    %dma_wait3A_1958 = arith.constant 1536 : i32
    %dma_wait3A_1959 = tpu.memref_slice %arg9[%dma_wait3A_1958] : memref<8192xi32, #tpu.memory_space<vmem>> -> memref<512xi32, #tpu.memory_space<vmem>>
    %dma_wait3A_1960 = tpu.memref_slice %arg2[%add3A_178] : memref<3276800xi32, #tpu.memory_space<hbm>> -> memref<512xi32, #tpu.memory_space<hbm>>
    %dma_wait3A_1961 = arith.constant 1536 : i32
    %dma_wait3A_1962 = tpu.memref_slice %arg9[%dma_wait3A_1961] : memref<8192xi32, #tpu.memory_space<vmem>> -> memref<512xi32, #tpu.memory_space<vmem>>
    %dma_wait3A_1963 = tpu.memref_slice %arg2[%add3A_178] : memref<3276800xi32, #tpu.memory_space<hbm>> -> memref<512xi32, #tpu.memory_space<hbm>>
    tpu.wait_dma2 semaphore(%arg25 : memref<!tpu.dma_semaphore, #tpu.memory_space<semaphore_mem>>) src(%dma_wait3A_1963 : memref<512xi32, #tpu.memory_space<hbm>>) dst(%dma_wait3A_1962 : memref<512xi32, #tpu.memory_space<vmem>>)
    %dma_wait3A_1964 = arith.constant 2048 : i32
    %dma_wait3A_1965 = tpu.memref_slice %arg9[%dma_wait3A_1964] : memref<8192xi32, #tpu.memory_space<vmem>> -> memref<512xi32, #tpu.memory_space<vmem>>
    %dma_wait3A_1966 = tpu.memref_slice %arg2[%add3A_180] : memref<3276800xi32, #tpu.memory_space<hbm>> -> memref<512xi32, #tpu.memory_space<hbm>>
    %dma_wait3A_1967 = arith.constant 2048 : i32
    %dma_wait3A_1968 = tpu.memref_slice %arg9[%dma_wait3A_1967] : memref<8192xi32, #tpu.memory_space<vmem>> -> memref<512xi32, #tpu.memory_space<vmem>>
    %dma_wait3A_1969 = tpu.memref_slice %arg2[%add3A_180] : memref<3276800xi32, #tpu.memory_space<hbm>> -> memref<512xi32, #tpu.memory_space<hbm>>
    tpu.wait_dma2 semaphore(%arg25 : memref<!tpu.dma_semaphore, #tpu.memory_space<semaphore_mem>>) src(%dma_wait3A_1969 : memref<512xi32, #tpu.memory_space<hbm>>) dst(%dma_wait3A_1968 : memref<512xi32, #tpu.memory_space<vmem>>)
    %dma_wait3A_1970 = arith.constant 2560 : i32
    %dma_wait3A_1971 = tpu.memref_slice %arg9[%dma_wait3A_1970] : memref<8192xi32, #tpu.memory_space<vmem>> -> memref<512xi32, #tpu.memory_space<vmem>>
    %dma_wait3A_1972 = tpu.memref_slice %arg2[%add3A_182] : memref<3276800xi32, #tpu.memory_space<hbm>> -> memref<512xi32, #tpu.memory_space<hbm>>
    %dma_wait3A_1973 = arith.constant 2560 : i32
    %dma_wait3A_1974 = tpu.memref_slice %arg9[%dma_wait3A_1973] : memref<8192xi32, #tpu.memory_space<vmem>> -> memref<512xi32, #tpu.memory_space<vmem>>
    %dma_wait3A_1975 = tpu.memref_slice %arg2[%add3A_182] : memref<3276800xi32, #tpu.memory_space<hbm>> -> memref<512xi32, #tpu.memory_space<hbm>>
    tpu.wait_dma2 semaphore(%arg25 : memref<!tpu.dma_semaphore, #tpu.memory_space<semaphore_mem>>) src(%dma_wait3A_1975 : memref<512xi32, #tpu.memory_space<hbm>>) dst(%dma_wait3A_1974 : memref<512xi32, #tpu.memory_space<vmem>>)
    %dma_wait3A_1976 = arith.constant 3072 : i32
    %dma_wait3A_1977 = tpu.memref_slice %arg9[%dma_wait3A_1976] : memref<8192xi32, #tpu.memory_space<vmem>> -> memref<512xi32, #tpu.memory_space<vmem>>
    %dma_wait3A_1978 = tpu.memref_slice %arg2[%add3A_184] : memref<3276800xi32, #tpu.memory_space<hbm>> -> memref<512xi32, #tpu.memory_space<hbm>>
    %dma_wait3A_1979 = arith.constant 3072 : i32
    %dma_wait3A_1980 = tpu.memref_slice %arg9[%dma_wait3A_1979] : memref<8192xi32, #tpu.memory_space<vmem>> -> memref<512xi32, #tpu.memory_space<vmem>>
    %dma_wait3A_1981 = tpu.memref_slice %arg2[%add3A_184] : memref<3276800xi32, #tpu.memory_space<hbm>> -> memref<512xi32, #tpu.memory_space<hbm>>
    tpu.wait_dma2 semaphore(%arg25 : memref<!tpu.dma_semaphore, #tpu.memory_space<semaphore_mem>>) src(%dma_wait3A_1981 : memref<512xi32, #tpu.memory_space<hbm>>) dst(%dma_wait3A_1980 : memref<512xi32, #tpu.memory_space<vmem>>)
    %dma_wait3A_1982 = arith.constant 3584 : i32
    %dma_wait3A_1983 = tpu.memref_slice %arg9[%dma_wait3A_1982] : memref<8192xi32, #tpu.memory_space<vmem>> -> memref<512xi32, #tpu.memory_space<vmem>>
    %dma_wait3A_1984 = tpu.memref_slice %arg2[%add3A_186] : memref<3276800xi32, #tpu.memory_space<hbm>> -> memref<512xi32, #tpu.memory_space<hbm>>
    %dma_wait3A_1985 = arith.constant 3584 : i32
    %dma_wait3A_1986 = tpu.memref_slice %arg9[%dma_wait3A_1985] : memref<8192xi32, #tpu.memory_space<vmem>> -> memref<512xi32, #tpu.memory_space<vmem>>
    %dma_wait3A_1987 = tpu.memref_slice %arg2[%add3A_186] : memref<3276800xi32, #tpu.memory_space<hbm>> -> memref<512xi32, #tpu.memory_space<hbm>>
    tpu.wait_dma2 semaphore(%arg25 : memref<!tpu.dma_semaphore, #tpu.memory_space<semaphore_mem>>) src(%dma_wait3A_1987 : memref<512xi32, #tpu.memory_space<hbm>>) dst(%dma_wait3A_1986 : memref<512xi32, #tpu.memory_space<vmem>>)
    %dma_wait3A_1988 = tpu.memref_slice %arg4[%add3A_1721] : memref<9830400xf32, #tpu.memory_space<hbm>> -> memref<8192xf32, #tpu.memory_space<hbm>>
    %dma_wait3A_1989 = tpu.memref_slice %arg4[%add3A_1721] : memref<9830400xf32, #tpu.memory_space<hbm>> -> memref<8192xf32, #tpu.memory_space<hbm>>
    tpu.wait_dma2 semaphore(%arg22 : memref<!tpu.dma_semaphore, #tpu.memory_space<semaphore_mem>>) src(%arg11 : memref<8192xf32, #tpu.memory_space<vmem>>) dst(%dma_wait3A_1989 : memref<8192xf32, #tpu.memory_space<hbm>>)
    %dma_wait3A_1990 = tpu.memref_slice %arg4[%add3A_1723] : memref<9830400xf32, #tpu.memory_space<hbm>> -> memref<8192xf32, #tpu.memory_space<hbm>>
    %dma_wait3A_1991 = tpu.memref_slice %arg4[%add3A_1723] : memref<9830400xf32, #tpu.memory_space<hbm>> -> memref<8192xf32, #tpu.memory_space<hbm>>
    tpu.wait_dma2 semaphore(%arg22 : memref<!tpu.dma_semaphore, #tpu.memory_space<semaphore_mem>>) src(%arg12 : memref<8192xf32, #tpu.memory_space<vmem>>) dst(%dma_wait3A_1991 : memref<8192xf32, #tpu.memory_space<hbm>>)
    %dma_wait3A_1992 = tpu.memref_slice %arg4[%add3A_1725] : memref<9830400xf32, #tpu.memory_space<hbm>> -> memref<8192xf32, #tpu.memory_space<hbm>>
    %dma_wait3A_1993 = tpu.memref_slice %arg4[%add3A_1725] : memref<9830400xf32, #tpu.memory_space<hbm>> -> memref<8192xf32, #tpu.memory_space<hbm>>
    tpu.wait_dma2 semaphore(%arg22 : memref<!tpu.dma_semaphore, #tpu.memory_space<semaphore_mem>>) src(%arg13 : memref<8192xf32, #tpu.memory_space<vmem>>) dst(%dma_wait3A_1993 : memref<8192xf32, #tpu.memory_space<hbm>>)
    %parallel_loop3A_1994 = arith.constant 0 : i32
    %parallel_loop3A_1995 = arith.constant 256 : i32
    %parallel_loop3A_1996 = arith.constant 1 : i32
    scf.for %parallel_loop3A_2045 = %parallel_loop3A_1994 to %parallel_loop3A_1995 step %parallel_loop3A_1996  : i32 {
      %parallel_loop3A_2046 = arith.constant 3 : i32
      %parallel_loop3A_2047 = arith.shrsi %parallel_loop3A_2045, %parallel_loop3A_2046 : i32
      %parallel_loop3A_2048 = arith.constant 7 : i32
      %parallel_loop3A_2049 = arith.andi %parallel_loop3A_2047, %parallel_loop3A_2048 : i32
      %parallel_loop3A_2050 = arith.constant 512 : i32
      %parallel_loop3A_2051 = arith.muli %parallel_loop3A_2049, %parallel_loop3A_2050 : i32
      %parallel_loop3A_2052 = arith.constant 6 : i32
      %parallel_loop3A_2053 = arith.shrsi %parallel_loop3A_2045, %parallel_loop3A_2052 : i32
      %parallel_loop3A_2054 = arith.constant 128 : i32
      %parallel_loop3A_2055 = arith.muli %parallel_loop3A_2053, %parallel_loop3A_2054 : i32
      %parallel_loop3A_2056 = arith.addi %parallel_loop3A_2051, %parallel_loop3A_2055 : i32
      %parallel_loop3A_2057 = arith.constant 7 : i32
      %parallel_loop3A_2058 = arith.andi %parallel_loop3A_2045, %parallel_loop3A_2057 : i32
      %parallel_loop3A_2059 = arith.constant 16 : i32
      %parallel_loop3A_2060 = arith.muli %parallel_loop3A_2058, %parallel_loop3A_2059 : i32
      %parallel_loop3A_2061 = arith.addi %parallel_loop3A_2056, %parallel_loop3A_2060 : i32
      %parallel_loop3A_2062 = arith.constant 16 : i32
      %parallel_loop3A_2063 = arith.muli %parallel_loop3A_2045, %parallel_loop3A_2062 : i32
      %parallel_loop3A_2064 = arith.index_cast %parallel_loop3A_2061 : i32 to index
      %parallel_loop3A_2065 = tpu.vector_load %arg9[%parallel_loop3A_2064] {strides = array<i32>} : memref<8192xi32, #tpu.memory_space<vmem>>, vector<16xi32>,
      %parallel_loop3A_2066 = tpu.vector_load_idx %arg6[%parallel_loop3A_2065] : memref<1024xf32, #tpu.memory_space<vmem>>[vector<16xi32>], vector<16xf32>,
      %parallel_loop3A_2067 = arith.index_cast %parallel_loop3A_2063 : i32 to index
      %parallel_loop3A_2068 = tpu.vector_load %arg11[%parallel_loop3A_2067] {strides = array<i32>} : memref<8192xf32, #tpu.memory_space<vmem>>, vector<16xf32>,
      tpu.vector_store %arg11[%parallel_loop3A_2067], %parallel_loop3A_2066 {strides = array<i32>} : memref<8192xf32, #tpu.memory_space<vmem>>, vector<16xf32>,
      %parallel_loop3A_2069 = tpu.vector_load_idx %arg7[%parallel_loop3A_2065] : memref<1024xf32, #tpu.memory_space<vmem>>[vector<16xi32>], vector<16xf32>,
      %parallel_loop3A_2070 = arith.index_cast %parallel_loop3A_2063 : i32 to index
      %parallel_loop3A_2071 = tpu.vector_load %arg12[%parallel_loop3A_2070] {strides = array<i32>} : memref<8192xf32, #tpu.memory_space<vmem>>, vector<16xf32>,
      tpu.vector_store %arg12[%parallel_loop3A_2070], %parallel_loop3A_2069 {strides = array<i32>} : memref<8192xf32, #tpu.memory_space<vmem>>, vector<16xf32>,
      %parallel_loop3A_2072 = tpu.vector_load_idx %arg8[%parallel_loop3A_2065] : memref<1024xf32, #tpu.memory_space<vmem>>[vector<16xi32>], vector<16xf32>,
      %parallel_loop3A_2073 = arith.index_cast %parallel_loop3A_2063 : i32 to index
      %parallel_loop3A_2074 = tpu.vector_load %arg13[%parallel_loop3A_2073] {strides = array<i32>} : memref<8192xf32, #tpu.memory_space<vmem>>, vector<16xf32>,
      tpu.vector_store %arg13[%parallel_loop3A_2073], %parallel_loop3A_2072 {strides = array<i32>} : memref<8192xf32, #tpu.memory_space<vmem>>, vector<16xf32>,
    } {sc.loop_unroll_factor = 8 : i64, sc.parallel_access}
    %dma_start3A_1997 = arith.constant 0 : i32
    %dma_start3A_1998 = tpu.memref_slice %arg11[%dma_start3A_1997] : memref<8192xf32, #tpu.memory_space<vmem>> -> memref<4096xf32, #tpu.memory_space<vmem>>
    %dma_start3A_1999 = tpu.memref_slice %arg4[%add3A_196] : memref<9830400xf32, #tpu.memory_space<hbm>> -> memref<4096xf32, #tpu.memory_space<hbm>>
    %dma_start3A_2000 = tpu.memref_slice %arg4[%add3A_196] : memref<9830400xf32, #tpu.memory_space<hbm>> -> memref<4096xf32, #tpu.memory_space<hbm>>
    %dma_start3A_2001 = arith.constant 0 : i32
    %dma_start3A_2002 = tpu.memref_slice %arg11[%dma_start3A_2001] : memref<8192xf32, #tpu.memory_space<vmem>> -> memref<4096xf32, #tpu.memory_space<vmem>>
    tpu.enqueue_dma source(%dma_start3A_2002 : memref<4096xf32, #tpu.memory_space<vmem>>) target(%dma_start3A_2000 : memref<4096xf32, #tpu.memory_space<hbm>>) target_semaphore(%arg25 : memref<!tpu.dma_semaphore, #tpu.memory_space<semaphore_mem>>)
    %dma_start3A_2003 = arith.constant 0 : i32
    %dma_start3A_2004 = tpu.memref_slice %arg12[%dma_start3A_2003] : memref<8192xf32, #tpu.memory_space<vmem>> -> memref<4096xf32, #tpu.memory_space<vmem>>
    %dma_start3A_2005 = tpu.memref_slice %arg4[%add3A_198] : memref<9830400xf32, #tpu.memory_space<hbm>> -> memref<4096xf32, #tpu.memory_space<hbm>>
    %dma_start3A_2006 = tpu.memref_slice %arg4[%add3A_198] : memref<9830400xf32, #tpu.memory_space<hbm>> -> memref<4096xf32, #tpu.memory_space<hbm>>
    %dma_start3A_2007 = arith.constant 0 : i32
    %dma_start3A_2008 = tpu.memref_slice %arg12[%dma_start3A_2007] : memref<8192xf32, #tpu.memory_space<vmem>> -> memref<4096xf32, #tpu.memory_space<vmem>>
    tpu.enqueue_dma source(%dma_start3A_2008 : memref<4096xf32, #tpu.memory_space<vmem>>) target(%dma_start3A_2006 : memref<4096xf32, #tpu.memory_space<hbm>>) target_semaphore(%arg25 : memref<!tpu.dma_semaphore, #tpu.memory_space<semaphore_mem>>)
    %dma_start3A_2009 = arith.constant 0 : i32
    %dma_start3A_2010 = tpu.memref_slice %arg13[%dma_start3A_2009] : memref<8192xf32, #tpu.memory_space<vmem>> -> memref<4096xf32, #tpu.memory_space<vmem>>
    %dma_start3A_2011 = tpu.memref_slice %arg4[%add3A_200] : memref<9830400xf32, #tpu.memory_space<hbm>> -> memref<4096xf32, #tpu.memory_space<hbm>>
    %dma_start3A_2012 = tpu.memref_slice %arg4[%add3A_200] : memref<9830400xf32, #tpu.memory_space<hbm>> -> memref<4096xf32, #tpu.memory_space<hbm>>
    %dma_start3A_2013 = arith.constant 0 : i32
    %dma_start3A_2014 = tpu.memref_slice %arg13[%dma_start3A_2013] : memref<8192xf32, #tpu.memory_space<vmem>> -> memref<4096xf32, #tpu.memory_space<vmem>>
    tpu.enqueue_dma source(%dma_start3A_2014 : memref<4096xf32, #tpu.memory_space<vmem>>) target(%dma_start3A_2012 : memref<4096xf32, #tpu.memory_space<hbm>>) target_semaphore(%arg25 : memref<!tpu.dma_semaphore, #tpu.memory_space<semaphore_mem>>)
    %dma_wait3A_2015 = tpu.memref_slice %arg4[%add3A_1849] : memref<9830400xf32, #tpu.memory_space<hbm>> -> memref<8192xf32, #tpu.memory_space<hbm>>
    %dma_wait3A_2016 = tpu.memref_slice %arg4[%add3A_1849] : memref<9830400xf32, #tpu.memory_space<hbm>> -> memref<8192xf32, #tpu.memory_space<hbm>>
    tpu.wait_dma2 semaphore(%arg23 : memref<!tpu.dma_semaphore, #tpu.memory_space<semaphore_mem>>) src(%arg14 : memref<8192xf32, #tpu.memory_space<vmem>>) dst(%dma_wait3A_2016 : memref<8192xf32, #tpu.memory_space<hbm>>)
    %dma_wait3A_2017 = tpu.memref_slice %arg4[%add3A_1851] : memref<9830400xf32, #tpu.memory_space<hbm>> -> memref<8192xf32, #tpu.memory_space<hbm>>
    %dma_wait3A_2018 = tpu.memref_slice %arg4[%add3A_1851] : memref<9830400xf32, #tpu.memory_space<hbm>> -> memref<8192xf32, #tpu.memory_space<hbm>>
    tpu.wait_dma2 semaphore(%arg23 : memref<!tpu.dma_semaphore, #tpu.memory_space<semaphore_mem>>) src(%arg15 : memref<8192xf32, #tpu.memory_space<vmem>>) dst(%dma_wait3A_2018 : memref<8192xf32, #tpu.memory_space<hbm>>)
    %dma_wait3A_2019 = tpu.memref_slice %arg4[%add3A_1853] : memref<9830400xf32, #tpu.memory_space<hbm>> -> memref<8192xf32, #tpu.memory_space<hbm>>
    %dma_wait3A_2020 = tpu.memref_slice %arg4[%add3A_1853] : memref<9830400xf32, #tpu.memory_space<hbm>> -> memref<8192xf32, #tpu.memory_space<hbm>>
    tpu.wait_dma2 semaphore(%arg23 : memref<!tpu.dma_semaphore, #tpu.memory_space<semaphore_mem>>) src(%arg16 : memref<8192xf32, #tpu.memory_space<vmem>>) dst(%dma_wait3A_2020 : memref<8192xf32, #tpu.memory_space<hbm>>)
    %dma_wait3A_2021 = tpu.memref_slice %arg4[%add3A_1929] : memref<9830400xf32, #tpu.memory_space<hbm>> -> memref<8192xf32, #tpu.memory_space<hbm>>
    %dma_wait3A_2022 = tpu.memref_slice %arg4[%add3A_1929] : memref<9830400xf32, #tpu.memory_space<hbm>> -> memref<8192xf32, #tpu.memory_space<hbm>>
    tpu.wait_dma2 semaphore(%arg24 : memref<!tpu.dma_semaphore, #tpu.memory_space<semaphore_mem>>) src(%arg17 : memref<8192xf32, #tpu.memory_space<vmem>>) dst(%dma_wait3A_2022 : memref<8192xf32, #tpu.memory_space<hbm>>)
    %dma_wait3A_2023 = tpu.memref_slice %arg4[%add3A_1931] : memref<9830400xf32, #tpu.memory_space<hbm>> -> memref<8192xf32, #tpu.memory_space<hbm>>
    %dma_wait3A_2024 = tpu.memref_slice %arg4[%add3A_1931] : memref<9830400xf32, #tpu.memory_space<hbm>> -> memref<8192xf32, #tpu.memory_space<hbm>>
    tpu.wait_dma2 semaphore(%arg24 : memref<!tpu.dma_semaphore, #tpu.memory_space<semaphore_mem>>) src(%arg18 : memref<8192xf32, #tpu.memory_space<vmem>>) dst(%dma_wait3A_2024 : memref<8192xf32, #tpu.memory_space<hbm>>)
    %dma_wait3A_2025 = tpu.memref_slice %arg4[%add3A_1933] : memref<9830400xf32, #tpu.memory_space<hbm>> -> memref<8192xf32, #tpu.memory_space<hbm>>
    %dma_wait3A_2026 = tpu.memref_slice %arg4[%add3A_1933] : memref<9830400xf32, #tpu.memory_space<hbm>> -> memref<8192xf32, #tpu.memory_space<hbm>>
    tpu.wait_dma2 semaphore(%arg24 : memref<!tpu.dma_semaphore, #tpu.memory_space<semaphore_mem>>) src(%arg19 : memref<8192xf32, #tpu.memory_space<vmem>>) dst(%dma_wait3A_2026 : memref<8192xf32, #tpu.memory_space<hbm>>)
    %dma_wait3A_2027 = arith.constant 0 : i32
    %dma_wait3A_2028 = tpu.memref_slice %arg11[%dma_wait3A_2027] : memref<8192xf32, #tpu.memory_space<vmem>> -> memref<4096xf32, #tpu.memory_space<vmem>>
    %dma_wait3A_2029 = tpu.memref_slice %arg4[%add3A_196] : memref<9830400xf32, #tpu.memory_space<hbm>> -> memref<4096xf32, #tpu.memory_space<hbm>>
    %dma_wait3A_2030 = tpu.memref_slice %arg4[%add3A_196] : memref<9830400xf32, #tpu.memory_space<hbm>> -> memref<4096xf32, #tpu.memory_space<hbm>>
    %dma_wait3A_2031 = arith.constant 0 : i32
    %dma_wait3A_2032 = tpu.memref_slice %arg11[%dma_wait3A_2031] : memref<8192xf32, #tpu.memory_space<vmem>> -> memref<4096xf32, #tpu.memory_space<vmem>>
    tpu.wait_dma2 semaphore(%arg25 : memref<!tpu.dma_semaphore, #tpu.memory_space<semaphore_mem>>) src(%dma_wait3A_2032 : memref<4096xf32, #tpu.memory_space<vmem>>) dst(%dma_wait3A_2030 : memref<4096xf32, #tpu.memory_space<hbm>>)
    %dma_wait3A_2033 = arith.constant 0 : i32
    %dma_wait3A_2034 = tpu.memref_slice %arg12[%dma_wait3A_2033] : memref<8192xf32, #tpu.memory_space<vmem>> -> memref<4096xf32, #tpu.memory_space<vmem>>
    %dma_wait3A_2035 = tpu.memref_slice %arg4[%add3A_198] : memref<9830400xf32, #tpu.memory_space<hbm>> -> memref<4096xf32, #tpu.memory_space<hbm>>
    %dma_wait3A_2036 = tpu.memref_slice %arg4[%add3A_198] : memref<9830400xf32, #tpu.memory_space<hbm>> -> memref<4096xf32, #tpu.memory_space<hbm>>
    %dma_wait3A_2037 = arith.constant 0 : i32
    %dma_wait3A_2038 = tpu.memref_slice %arg12[%dma_wait3A_2037] : memref<8192xf32, #tpu.memory_space<vmem>> -> memref<4096xf32, #tpu.memory_space<vmem>>
    tpu.wait_dma2 semaphore(%arg25 : memref<!tpu.dma_semaphore, #tpu.memory_space<semaphore_mem>>) src(%dma_wait3A_2038 : memref<4096xf32, #tpu.memory_space<vmem>>) dst(%dma_wait3A_2036 : memref<4096xf32, #tpu.memory_space<hbm>>)
    %dma_wait3A_2039 = arith.constant 0 : i32
    %dma_wait3A_2040 = tpu.memref_slice %arg13[%dma_wait3A_2039] : memref<8192xf32, #tpu.memory_space<vmem>> -> memref<4096xf32, #tpu.memory_space<vmem>>
    %dma_wait3A_2041 = tpu.memref_slice %arg4[%add3A_200] : memref<9830400xf32, #tpu.memory_space<hbm>> -> memref<4096xf32, #tpu.memory_space<hbm>>
    %dma_wait3A_2042 = tpu.memref_slice %arg4[%add3A_200] : memref<9830400xf32, #tpu.memory_space<hbm>> -> memref<4096xf32, #tpu.memory_space<hbm>>
    %dma_wait3A_2043 = arith.constant 0 : i32
    %dma_wait3A_2044 = tpu.memref_slice %arg13[%dma_wait3A_2043] : memref<8192xf32, #tpu.memory_space<vmem>> -> memref<4096xf32, #tpu.memory_space<vmem>>
    tpu.wait_dma2 semaphore(%arg25 : memref<!tpu.dma_semaphore, #tpu.memory_space<semaphore_mem>>) src(%dma_wait3A_2044 : memref<4096xf32, #tpu.memory_space<vmem>>) dst(%dma_wait3A_2042 : memref<4096xf32, #tpu.memory_space<hbm>>)
    return
  }
}

</mosaic_0001>

<sc_bundles>
// kernel: kernel.3.cloned.1.call-start
scs
__scs_entry_jumppad:
0x0: {  	(pc) =	sbr.rel $0x88, $3  }
0x1: {  	(tag) =	ssettag $0x0;
	lr =	simm.s32 $0x1  }
0x2: {  	[smem:$0x3F9F] =	sst lr;
	_ =	strace $0xD0000000  }
0x3: {  	_ = 	snop  }
0x4: {  	_ = 	snop  }
0x5: {  	_ = 	snop  }
0x6: {  	_ = 	snop  }
0x7: {  	_ = 	snop  }
__scs_overlays_trampoline_lowered:
0x8: {  	[smem:$0x3FAE] =	sst s0  }
0x9: {  	[smem:$0x3FAF] =	sst s1  }
0xa: {  	[smem:$0x3FB0] =	sst s2  }
0xb: {  	[smem:$0x3FB1] =	sst s3  }
0xc: {  	[smem:$0x3FB2] =	sst s4  }
0xd: {  	[smem:$0x3FB3] =	sst s5  }
0xe: {  	[smem:$0x3FB4] =	sst s6  }
0xf: {  	[smem:$0x3FB5] =	sst s7  }
0x10: {  	[smem:$0x3FB6] =	sst s8  }
0x11: {  	[smem:$0x3FB7] =	sst s9;
	s0 =	simm.s32 @!p0 $0x0  }
0x12: {  	s1 =	sld [smem:$0x3F9D];
	s0 =	simm.s32 @p0 $0x1  }
0x13: {  	[smem:$0x3FB8] =	sst s0;
	s0 =	simm.s32 @!p1 $0x0  }
0x14: {  	s2 =	sld [smem:$0x3F9C];
	s0 =	simm.s32 @p1 $0x1  }
0x15: {  	[smem:$0x3FB9] =	sst s0;
	s0 =	simm.s32 @!p2 $0x0  }
0x16: {  	s3 =	sld [smem:$0x3FDB];
	s0 =	simm.s32 @p2 $0x1  }
0x17: {  	s4 =	simm.s32 $0x1BF5;
	[smem:$0x3FBB] =	sst s0  }
0x18: {  	s0 =	sld [smem:$0x3F9E];
	_ =	swait.ge [sflag:s4], $0x0  }
0x19: {  	s7 =	sld [smem:$0x3F9F]  }
0x1a: {  	s8 =	sadd.s32 $0xFFFFE003, lr  }
0x1b: {  	s9 =	sadd.s32 $0xFFFFFEF7, lr;
	s5 =	simm.s32 $0xFFFFFFFF;
	p2 =	slt.u32 s8, $0xFFFFF086  }
0x1c: {  	p1 =	slt.u32 s9, $0xF7A;
	s5 =	simm.s32 @!p2 $0x0  }
0x1d: {  	s5 =	simm.s32 @p1 $0x1;
	p0 =	seq.s32 s7, s2  }
0x1e: {  	s7 =	smul.u32 @!p0 $0xF7A, s2;
	p2 =	seq.s32 @!p0 s5, $0x0  }
0x1f: {  	s9 =	smul.u32 $0xF7A, s1;
	s8 =	simm.s32 @!p0 $0x1BF5;
	p2 =	por !p2, p0  }
0x20: {  	[sflag:s8] =	ssyncset.s32 @!p0 $0xFFFFF086;
	s6 =	sadd.s32 @!p0 s3, s7;
	s7 =	simm.s32 @!p0 $0x108  }
0x21: {  	s3 =	sadd.s32 s3, s9;
	s6 =	sadd.s32 @!p0 $0x88, s6;
	s7 =	simm.s32 @p2 $0x1082  }
0x22: {  	[simem:s7], [sflag:s8] =	dma.local @!p0 [hbm:s6], $0xF7A  }
0x23: {  	s9 =	sor.u32 $0xD0000000, s2;
	s6 =	simm.s32 $0x108;
	_ =	swait.ge @!p0 [sflag:s8], $0x0  }
0x24: {  	s3 =	sadd.s32 $0x88, s3;
	s6 =	simm.s32 @!p1 $0x1082;
	[sflag:s4] =	ssyncset.s32 $0xFFFFF086  }
0x25: {  	[simem:s6], [sflag:s4] =	dma.local [hbm:s3], $0xF7A  }
0x26: {  	[smem:$0x3F9F] =	sst s1;
	(tag) =	ssettag s2;
	_ =	strace s9  }
0x27: {  	s1 =	sld [smem:$0x3FAF]  }
0x28: {  	s2 =	sld [smem:$0x3FB0]  }
0x29: {  	s4 =	sld [smem:$0x3FB2]  }
0x2a: {  	p0 =	seq.s32 s5, $0x0;
	s5 =	sld [smem:$0x3FB3]  }
0x2b: {  	s6 =	sld [smem:$0x3FB4]  }
0x2c: {  	s7 =	sld [smem:$0x3FB5]  }
0x2d: {  	s3 =	simm.s32 $0x108;
	s8 =	sld [smem:$0x3FB6]  }
0x2e: {  	s3 =	simm.s32 @!p0 $0x1082;
	s9 =	sld [smem:$0x3FB7]  }
0x2f: {  	lr =	sadd.s32 s0, s3;
	s0 =	sld [smem:$0x3FAE]  }
0x30: {  	s3 =	sld [smem:$0x3FB1]  }
0x31: {  	[smem:$0x3FBA] =	sst s10  }
0x32: {  	s10 =	sld [smem:$0x3FB8];
	_ =	sdelay $0x3  }
0x33: {  	p0 =	seq.s32 s10, $0x1;
	s10 =	sld [smem:$0x3FBA];
	_ =	sdelay $0x3  }
0x34: {  	[smem:$0x3FBA] =	sst s10  }
0x35: {  	s10 =	sld [smem:$0x3FB9];
	_ =	sdelay $0x3  }
0x36: {  	p1 =	seq.s32 s10, $0x1;
	s10 =	sld [smem:$0x3FBA];
	_ =	sdelay $0x3  }
0x37: {  	[smem:$0x3FBA] =	sst s10  }
0x38: {  	s10 =	sld [smem:$0x3FBB]  }
0x39: {  	_ = 	snop;
	(pc) =	sbr.ind lr, $3  }
0x3a: {  	_ = 	snop  }
0x3b: {  	_ = 	snop  }
0x3c: {  	p2 =	seq.s32 s10, $0x1;
	s10 =	sld [smem:$0x3FBA]  }
0x3d: {  	_ =	shalt  }
0x3e: {  	_ =	shalt  }
0x3f: {  	_ =	shalt  }
0x40: {  	_ =	shalt  }
0x41: {  	_ =	shalt  }
0x42: {  	_ =	shalt  }
0x43: {  	_ =	shalt  }
0x44: {  	_ =	shalt  }
0x45: {  	_ =	shalt  }
0x46: {  	_ =	shalt  }
0x47: {  	_ =	shalt  }
0x48: {  	_ =	shalt  }
0x49: {  	_ =	shalt  }
0x4a: {  	_ =	shalt  }
0x4b: {  	_ =	shalt  }
0x4c: {  	_ =	shalt  }
0x4d: {  	_ =	shalt  }
0x4e: {  	_ =	shalt  }
0x4f: {  	_ =	shalt  }
0x50: {  	_ =	shalt  }
0x51: {  	_ =	shalt  }
0x52: {  	_ =	shalt  }
0x53: {  	_ =	shalt  }
0x54: {  	_ =	shalt  }
0x55: {  	_ =	shalt  }
0x56: {  	_ =	shalt  }
0x57: {  	_ =	shalt  }
0x58: {  	_ =	shalt  }
0x59: {  	_ =	shalt  }
0x5a: {  	_ =	shalt  }
0x5b: {  	_ =	shalt  }
0x5c: {  	_ =	shalt  }
0x5d: {  	_ =	shalt  }
0x5e: {  	_ =	shalt  }
0x5f: {  	_ =	shalt  }
0x60: {  	_ =	shalt  }
0x61: {  	_ =	shalt  }
0x62: {  	_ =	shalt  }
0x63: {  	_ =	shalt  }
0x64: {  	_ =	shalt  }
0x65: {  	_ =	shalt  }
0x66: {  	_ =	shalt  }
0x67: {  	_ =	shalt  }
0x68: {  	_ =	shalt  }
0x69: {  	_ =	shalt  }
0x6a: {  	_ =	shalt  }
0x6b: {  	_ =	shalt  }
0x6c: {  	_ =	shalt  }
0x6d: {  	_ =	shalt  }
0x6e: {  	_ =	shalt  }
0x6f: {  	_ =	shalt  }
0x70: {  	_ =	shalt  }
0x71: {  	_ =	shalt  }
0x72: {  	_ =	shalt  }
0x73: {  	_ =	shalt  }
0x74: {  	_ =	shalt  }
0x75: {  	_ =	shalt  }
0x76: {  	_ =	shalt  }
0x77: {  	_ =	shalt  }
0x78: {  	_ =	shalt  }
0x79: {  	_ =	shalt  }
0x7a: {  	_ =	shalt  }
0x7b: {  	_ =	shalt  }
0x7c: {  	_ =	shalt  }
0x7d: {  	_ =	shalt  }
0x7e: {  	_ =	shalt  }
0x7f: {  	_ =	shalt  }
0x80: {  	_ =	shalt  }
0x81: {  	_ =	shalt  }
0x82: {  	_ =	shalt  }
0x83: {  	_ =	shalt  }
0x84: {  	_ =	shalt  }
0x85: {  	_ =	shalt  }
0x86: {  	_ =	shalt  }
0x87: {  	_ =	shalt  }
.Lfunc_end0:
.L_simem_size_0:
called_computation_lowered:
.L_overlay_start_0:
0x88: {  	s2 =	sld [smem:$0x3FD9]  }
0x89: {  	s3 =	sld [smem:$0x3FFE];
	_ =	sdelay $0x1  }
0x8a: {  	s1 =	srdreg.scid  }
0x8b: {  	s0 =	sand.u32 $0x1, s1  }
0x8c: {  	s17 =	sshll.u32 s0, $0xA;
	s2 =	sadd.s32 s3, s2  }
0x8d: {  	s2 =	sadd.s32 s2, s17  }
0x8e: {  	[smem:$0x3FC6] =	sst s2  }
0x8f: {  	_ = 	snop  }
0x90: {  	s2 =	sld [smem:$0x3FC9]  }
0x91: {  	s18 =	sld [smem:$0x3FD0];
	(tm) =	ssettm $0x1  }
0x92: {  	s4 =	sld [smem:$0x3FFB];
	_ =	sdelay $0x3  }
0x93: {  	_ =	strace s4  }
0x94: {  	s4 =	sld [smem:$0x3FFC];
	_ =	sdelay $0x3  }
0x95: {  	_ =	strace s4  }
0x96: {  	s4 =	sld [smem:$0x3FFD];
	_ =	sdelay $0x3  }
0x97: {  	_ =	strace s4  }
0x98: {  	_ =	strace $0x8FFFFFFF  }
0x99: {  	s19 =	sld [smem:$0x3FDB];
	_ =	sdelay $0x1  }
0x9a: {  	s5 =	simm.s32 $_scs_section_size  }
0x9b: {  	s6 =	simm.s32 $_size__tile_overlayer_lowered;
	s7 =	simm.s32 $_tile_overlayer_lowered  }
0x9c: {  	s22 =	simm.s32 $0x1BFF;
	s21 =	sshll.u32 s7, $0x1;
	s4 =	sadd.s32 s5, s19  }
0x9d: {  	s8 =	simm.s32 $0x0;
	s20 =	sshll.u32 s6, $0x1;
	s6 =	sadd.s32 s21, s4  }
0x9e: {  	[timem:s8], [sflag:s22] =	dma.local [hbm:s6], s20  }
0x9f: {  	_ =	swait.ge [sflag:s22], s20  }
0xa0: {  	s5 =	ssub.s32 $0x0, s20;
	[sflag:s22] =	ssyncset.done $0x0  }
0xa1: {  	[sflag:s22] =	ssyncadd.s32 s5;
	_ =	sdelay $0x1  }
0xa2: {  	s23 =	simm.s32 $0x1B8B  }
0xa3: {  	_ =	swait.ge [sflag:s23], $0x1  }
0xa4: {  	[sflag:s23] =	ssyncset.done $0x0  }
0xa5: {  	s25 =	simm.s32 $0x1B8E;
	s24 =	sld [smem:$0x3FFE];
	[sflag:s23] =	ssyncadd.s32 $0xFFFFFFFF  }
0xa6: {  	s26 =	simm.s32 $execute0_lowered;
	[smem:$0x3FD2] =	sst s25  }
0xa7: {  	s6 =	sshll.u32 s26, $0x1;
	_ =	strace $0x80000046;
	[dreg:$0x1] =	wrdreg $0xFFFFFFFF  }
0xa8: {  	s28 =	simm.s32 $_size_execute0_lowered;
	s4 =	sadd.s32 s4, s6;
	[dreg:$0x0] =	wrdreg $0x0  }
0xa9: {  	s6 =	sshll.u32 s28, $0x1;
	[dreg:$0x2] =	wrdreg s4  }
0xaa: {  	[dreg:$0x3] =	wrdreg s6  }
0xab: {  	[dreg:$0x4] =	wrdreg $0xC0  }
0xac: {  	_ =	task [dreg:s8], $0x5FFFF  }
0xad: {  	[dreg:$0x1] =	wrdreg $0xFFFFFFFF  }
0xae: {  	[dreg:$0x0] =	wrdreg $0x60  }
0xaf: {  	[dreg:$0x2] =	wrdreg s2  }
0xb0: {  	[dreg:$0x3] =	wrdreg s24  }
0xb1: {  	[dreg:$0x4] =	wrdreg s18  }
0xb2: {  	[dreg:$0x5] =	wrdreg $0x9  }
0xb3: {  	_ =	task.clear_ibuf [dreg:s8], $0x6FFFF;
	_ =	strace $0x90000046  }
0xb4: {  	s29 =	simm.s32 $0x9;
	_ =	strace $0x80000048  }
0xb5: {  	_ =	swait.ge [sflag:s29], $0x1  }
0xb6: {  	[sflag:s29] =	ssyncadd.s32 $0xFFFFFFFF  }
0xb7: {  	_ =	strace $0x90000048  }
0xb8: {  	_ =	sfence  }
0xb9: {  	s30 =	sld [smem:$0x0];
	_ =	sdelay $0x2  }
0xba: {  	s31 =	sshll.u32 s1, $0xD;
	s1 =	sshrl.u32 s1, $0x2  }
0xbb: {  	s3 =	sand.u32 $0x4000, s31;
	s1 =	sadd.s32 s1, s30  }
0xbc: {  	s0 =	sor.u32 s3, s0;
	s1 =	sshll.u32 s1, $0x11  }
0xbd: {  	s0 =	sor.u32 s1, s0  }
0xbe: {  	s0 =	sadd.s32 $0x8F2B, s0  }
0xbf: {  	[sflag:s0] =	ssyncadd.remote.s32 $0x1  }
0xc0: {  	_ =	sfence.sel $0xFFFF  }
0xc1: {  	[dreg:$0x0] =	wrdreg $0xFFFFFFFF;
	(pc) =	sbr.abs _section_cstart, $3  }
0xc2: {  	[dreg:$0x1] =	wrdreg $0xFFFFFFFF  }
0xc3: {  	_ =	task.clear_ibuf [dreg:s8], $0x2FFFF;
	_ =	strace $0x9FFFFFFF  }
0xc4: {  	(tm) =	ssettm $0x7FFFFFFF  }
0xc5: {  	_ =	shalt  }
tec
execute0_lowered:
.L_overlay_start_1:
0x0: {  	(tag) =	ssettag $0x1  }
0x1: {  	s15 =	stileid.u32  }
0x2: {  	s0 =	srdreg.scid;
	s1 =	sshll.u32 s15, $0x1  }
0x3: {  	s12 =	sand.u32 $0x1, s0;
	s4 =	sand.u32 $0xE, s1  }
0x4: {  	s5 =	sshll.u32 s15, $0xE;
	s2 =	sor.u32 s12, s4  }
0x5: {  	s3 =	sand.u32 $0x20000, s5;
	s14 =	sshll.u32 s2, $0xA  }
0x6: {  	s19 =	sshll.u32 s15, $0x7;
	s6 =	ssub.s32 $0x2, s12;
	s5 =	sor.u32 s3, s14  }
0x7: {  	s4 =	rddreg [dreg:$0x0];
	s7 =	sshrl.u32 s6, $0x1;
	s16 =	sshrl.u32 s5, $0x3  }
0x8: {  	s0 =	ssub.s32 s6, s7;
	s6 =	sadd.s32 $0x800, s4;
	s8 =	sadd.s32 s4, s16  }
0x9: {  	s7 =	sadd.s32 $0x1000, s4;
	s9 =	sadd.s32 s16, s6;
	[dreg:$0x4] =	wrdreg s8  }
0xa: {  	s10 =	sadd.s32 s16, s7;
	[dreg:$0x5] =	wrdreg s9;
	s8 =	sadd.s32 $0x1800, s4  }
0xb: {  	[dreg:$0x6] =	wrdreg s10;
	s9 =	sadd.s32 $0x2000, s4;
	s11 =	sadd.s32 s16, s8  }
0xc: {  	s10 =	sadd.s32 $0x2800, s4;
	s13 =	sadd.s32 s16, s9;
	[dreg:$0x7] =	wrdreg s11  }
0xd: {  	s15 =	sshll.u32 s15, $0xA;
	s17 =	sadd.s32 s16, s10;
	[dreg:$0x8] =	wrdreg s13  }
0xe: {  	s5 =	sor.u32 $0x40000, s3;
	[dreg:$0x9] =	wrdreg s17;
	s11 =	sadd.s32 $0x3000, s4  }
0xf: {  	s17 =	sor.u32 s5, s14;
	s13 =	sshll.u32 s12, $0x6;
	s12 =	sshll.u32 s12, $0x9  }
0x10: {  	s18 =	sadd.s32 s16, s11;
	s1 =	sor.u32 s12, s15;
	s15 =	sadd.s32 $0x3800, s4  }
0x11: {  	s17 =	sshrl.u32 s17, $0x3;
	[dreg:$0xa] =	wrdreg s18;
	s16 =	sadd.s32 s16, s15  }
0x12: {  	s20 =	sadd.s32 s4, s17;
	[dreg:$0xb] =	wrdreg s16  }
0x13: {  	s21 =	sadd.s32 s17, s6;
	[dreg:$0xc] =	wrdreg s20  }
0x14: {  	s22 =	sadd.s32 s17, s7;
	[dreg:$0xd] =	wrdreg s21  }
0x15: {  	s23 =	sadd.s32 s17, s8;
	[dreg:$0xe] =	wrdreg s22  }
0x16: {  	s13 =	sor.u32 s13, s19;
	s24 =	sadd.s32 s17, s9;
	[dreg:$0xf] =	wrdreg s23  }
0x17: {  	s12 =	sor.u32 $0x80000, s3;
	s25 =	sadd.s32 s17, s10;
	[dreg:$0x10] =	wrdreg s24  }
0x18: {  	s18 =	sor.u32 s12, s14;
	s26 =	sadd.s32 s17, s11;
	[dreg:$0x11] =	wrdreg s25  }
0x19: {  	s19 =	sadd.s32 s17, s15;
	s18 =	sshrl.u32 s18, $0x3;
	[dreg:$0x12] =	wrdreg s26  }
0x1a: {  	[dreg:$0x13] =	wrdreg s19;
	s20 =	sadd.s32 s4, s18  }
0x1b: {  	s21 =	sadd.s32 s18, s6;
	[dreg:$0x14] =	wrdreg s20  }
0x1c: {  	s22 =	sadd.s32 s18, s7;
	[dreg:$0x15] =	wrdreg s21  }
0x1d: {  	s23 =	sadd.s32 s18, s8;
	[dreg:$0x16] =	wrdreg s22  }
0x1e: {  	s24 =	sadd.s32 s18, s9;
	[dreg:$0x17] =	wrdreg s23  }
0x1f: {  	s16 =	sor.u32 $0xC0000, s3;
	s25 =	sadd.s32 s18, s10;
	[dreg:$0x18] =	wrdreg s24  }
0x20: {  	s19 =	sadd.s32 s18, s11;
	s26 =	sor.u32 s16, s14;
	[dreg:$0x19] =	wrdreg s25  }
0x21: {  	s18 =	sadd.s32 s18, s15;
	[dreg:$0x1a] =	wrdreg s19;
	s19 =	sshrl.u32 s26, $0x3  }
0x22: {  	[dreg:$0x1b] =	wrdreg s18;
	s21 =	sadd.s32 s4, s19  }
0x23: {  	s22 =	sadd.s32 s19, s6;
	[dreg:$0x1c] =	wrdreg s21  }
0x24: {  	s23 =	sadd.s32 s19, s7;
	[dreg:$0x1d] =	wrdreg s22  }
0x25: {  	s24 =	sadd.s32 s19, s8;
	[dreg:$0x1e] =	wrdreg s23  }
0x26: {  	s25 =	sadd.s32 s19, s9;
	[dreg:$0x1f] =	wrdreg s24  }
0x27: {  	s17 =	sor.u32 $0x100000, s3;
	s26 =	sadd.s32 s19, s11;
	[smem:$0x789] =	sst s25  }
0x28: {  	s20 =	sor.u32 s17, s14;
	s21 =	sadd.s32 s19, s10;
	[smem:$0x78B] =	sst s26  }
0x29: {  	s20 =	sshrl.u32 s20, $0x3;
	s19 =	sadd.s32 s19, s15;
	[smem:$0x78A] =	sst s21  }
0x2a: {  	s23 =	sadd.s32 s4, s20;
	[smem:$0x78C] =	sst s19  }
0x2b: {  	s24 =	sadd.s32 s20, s6;
	[smem:$0x78D] =	sst s23  }
0x2c: {  	s18 =	sor.u32 $0x140000, s3;
	s25 =	sadd.s32 s20, s7;
	[smem:$0x78E] =	sst s24  }
0x2d: {  	s22 =	sor.u32 s18, s14;
	s26 =	sadd.s32 s20, s8;
	[smem:$0x78F] =	sst s25  }
0x2e: {  	s21 =	sshrl.u32 s22, $0x3;
	[smem:$0x790] =	sst s26;
	s22 =	sadd.s32 s20, s9  }
0x2f: {  	s23 =	sadd.s32 s20, s10;
	[smem:$0x791] =	sst s22  }
0x30: {  	s24 =	sadd.s32 s20, s11;
	[smem:$0x792] =	sst s23  }
0x31: {  	s25 =	sadd.s32 s20, s15;
	[smem:$0x793] =	sst s24  }
0x32: {  	[smem:$0x794] =	sst s25;
	s26 =	sadd.s32 s4, s21  }
0x33: {  	s20 =	sadd.s32 s21, s6;
	[smem:$0x795] =	sst s26  }
0x34: {  	s22 =	sadd.s32 s21, s7;
	[smem:$0x796] =	sst s20  }
0x35: {  	s23 =	sadd.s32 s21, s8;
	[smem:$0x797] =	sst s22  }
0x36: {  	s24 =	sadd.s32 s21, s9;
	[smem:$0x798] =	sst s23  }
0x37: {  	s19 =	sor.u32 $0x180000, s3;
	s25 =	sadd.s32 s21, s10;
	[smem:$0x799] =	sst s24  }
0x38: {  	[smem:$0x79A] =	sst s25;
	s22 =	sadd.s32 s21, s11;
	s26 =	sor.u32 s19, s14  }
0x39: {  	s21 =	sadd.s32 s21, s15;
	[smem:$0x79B] =	sst s22;
	s22 =	sshrl.u32 s26, $0x3  }
0x3a: {  	[smem:$0x79C] =	sst s21;
	s24 =	sadd.s32 s4, s22  }
0x3b: {  	s25 =	sadd.s32 s22, s6;
	[smem:$0x79D] =	sst s24  }
0x3c: {  	s26 =	sadd.s32 s22, s7;
	[smem:$0x79E] =	sst s25  }
0x3d: {  	[smem:$0x79F] =	sst s26;
	s24 =	sadd.s32 s22, s8  }
0x3e: {  	s20 =	sor.u32 $0x1C0000, s3;
	s25 =	sadd.s32 s22, s9;
	[smem:$0x7A0] =	sst s24  }
0x3f: {  	s23 =	sor.u32 s20, s14;
	s26 =	sadd.s32 s22, s11;
	[smem:$0x7A1] =	sst s25  }
0x40: {  	s21 =	sor.u32 $0x200000, s3;
	s24 =	sadd.s32 s22, s10;
	[smem:$0x7A3] =	sst s26  }
0x41: {  	s23 =	sshrl.u32 s23, $0x3;
	s22 =	sadd.s32 s22, s15;
	[smem:$0x7A2] =	sst s24  }
0x42: {  	s25 =	sor.u32 s21, s14;
	s26 =	sadd.s32 s4, s23;
	[smem:$0x7A4] =	sst s22  }
0x43: {  	s22 =	sshrl.u32 s25, $0x3;
	[smem:$0x7A5] =	sst s26;
	s25 =	sadd.s32 s23, s6  }
0x44: {  	s26 =	sadd.s32 s23, s7;
	[smem:$0x7A6] =	sst s25  }
0x45: {  	[smem:$0x7A7] =	sst s26;
	s25 =	sadd.s32 s23, s8  }
0x46: {  	s26 =	sadd.s32 s23, s9;
	[smem:$0x7A8] =	sst s25  }
0x47: {  	s24 =	sadd.s32 s22, s7;
	[smem:$0x7A9] =	sst s26  }
0x48: {  	s25 =	sadd.s32 s23, s10;
	[smem:$0x7AF] =	sst s24  }
0x49: {  	s26 =	sadd.s32 s23, s11;
	[smem:$0x7AA] =	sst s25  }
0x4a: {  	s23 =	sadd.s32 s23, s15;
	[smem:$0x7AB] =	sst s26  }
0x4b: {  	s24 =	sadd.s32 s22, s10;
	[smem:$0x7AC] =	sst s23  }
0x4c: {  	s25 =	sadd.s32 s4, s22;
	[smem:$0x7B2] =	sst s24  }
0x4d: {  	s26 =	sadd.s32 s22, s6;
	[smem:$0x7AD] =	sst s25  }
0x4e: {  	[smem:$0x7AE] =	sst s26;
	s25 =	sadd.s32 s22, s8  }
0x4f: {  	s26 =	sadd.s32 s22, s9;
	[smem:$0x7B0] =	sst s25  }
0x50: {  	s23 =	sor.u32 $0x240000, s3;
	[smem:$0x7B1] =	sst s26  }
0x51: {  	s25 =	sadd.s32 s22, s11;
	s22 =	sadd.s32 s22, s15;
	s26 =	sor.u32 s23, s14  }
0x52: {  	[smem:$0x7B4] =	sst s22;
	s22 =	sshrl.u32 s26, $0x3  }
0x53: {  	[smem:$0x7B3] =	sst s25;
	s28 =	sadd.s32 s4, s22  }
0x54: {  	[smem:$0x7B5] =	sst s28;
	s28 =	sadd.s32 s22, s6  }
0x55: {  	[smem:$0x7B6] =	sst s28;
	s28 =	sadd.s32 s22, s7  }
0x56: {  	[smem:$0x7B7] =	sst s28;
	s28 =	sadd.s32 s22, s8  }
0x57: {  	s24 =	sor.u32 $0x280000, s3;
	[smem:$0x7B8] =	sst s28;
	s28 =	sadd.s32 s22, s9  }
0x58: {  	s25 =	sor.u32 s24, s14;
	[smem:$0x7B9] =	sst s28;
	s28 =	sadd.s32 s22, s10  }
0x59: {  	s26 =	sor.u32 $0x2C0000, s3;
	[smem:$0x7BA] =	sst s28;
	s28 =	sadd.s32 s22, s11  }
0x5a: {  	s25 =	sshrl.u32 s25, $0x3;
	s22 =	sadd.s32 s22, s15;
	[smem:$0x7BB] =	sst s28  }
0x5b: {  	s14 =	sor.u32 s26, s14;
	[smem:$0x7BC] =	sst s22;
	s22 =	sadd.s32 s4, s25  }
0x5c: {  	s14 =	sshrl.u32 s14, $0x3;
	[smem:$0x7BD] =	sst s22;
	s22 =	sadd.s32 s25, s6  }
0x5d: {  	s2 =	sshll.u32 s2, $0xD;
	s6 =	sadd.s32 s14, s6;
	[smem:$0x7BE] =	sst s22  }
0x5e: {  	s5 =	sor.u32 s5, s2;
	s22 =	sadd.s32 s25, s7;
	[smem:$0x7C5] =	sst s6  }
0x5f: {  	s5 =	sshrl.u32 s5, $0x3;
	s7 =	sadd.s32 s14, s7;
	[smem:$0x7BF] =	sst s22  }
0x60: {  	s21 =	sor.u32 s21, s2;
	s22 =	sadd.s32 s25, s8;
	[smem:$0x7C6] =	sst s7  }
0x61: {  	s21 =	sshrl.u32 s21, $0x3;
	s8 =	sadd.s32 s14, s8;
	[smem:$0x7C0] =	sst s22  }
0x62: {  	s3 =	sor.u32 s3, s2;
	s7 =	sadd.s32 s4, s14;
	[smem:$0x7C7] =	sst s8  }
0x63: {  	s6 =	sadd.s32 s13, s4;
	s4 =	simm.s32 $0x0;
	[smem:$0x7CC] =	sst s7  }
0x64: {  	s3 =	sshrl.u32 s3, $0x3;
	s22 =	sadd.s32 s25, s9;
	[smem:$0x7FF] =	sst s4  }
0x65: {  	s13 =	sor.u32 s20, s2;
	s9 =	sadd.s32 s14, s9;
	[smem:$0x7C1] =	sst s22  }
0x66: {  	s8 =	sor.u32 s12, s2;
	s12 =	sor.u32 s19, s2;
	[smem:$0x7C8] =	sst s9  }
0x67: {  	s22 =	sadd.s32 s25, s10;
	s9 =	sor.u32 s16, s2;
	s16 =	rddreg [dreg:$0x2]  }
0x68: {  	s10 =	sadd.s32 s14, s10;
	s7 =	sshrl.u32 s12, $0x3;
	[smem:$0x7C2] =	sst s22  }
0x69: {  	s22 =	sadd.s32 s25, s11;
	s25 =	sadd.s32 s25, s15;
	[smem:$0x7C9] =	sst s10  }
0x6a: {  	s10 =	sor.u32 s17, s2;
	s19 =	sadd.s32 s16, s5;
	s17 =	sshrl.u32 s13, $0x3  }
0x6b: {  	s13 =	sadd.s32 s16, s21;
	s1 =	sadd.s32 s1, s16;
	[smem:$0x7C3] =	sst s22  }
0x6c: {  	[smem:$0x7C4] =	sst s25;
	s22 =	sadd.s32 s14, s11;
	s25 =	sadd.s32 s14, s15  }
0x6d: {  	s11 =	sor.u32 s18, s2;
	s14 =	sor.u32 s23, s2;
	s15 =	sor.u32 s24, s2  }
0x6e: {  	s2 =	sor.u32 s26, s2;
	s18 =	sadd.s32 s16, s3;
	s23 =	sshrl.u32 s8, $0x3  }
0x6f: {  	s24 =	sshrl.u32 s9, $0x3;
	s12 =	sadd.s32 s16, s17;
	[smem:$0x7CA] =	sst s22  }
0x70: {  	[smem:$0x7CB] =	sst s25;
	s22 =	sadd.s32 $0xC8000, s16;
	s25 =	sshrl.u32 s10, $0x3  }
0x71: {  	s8 =	sadd.s32 s16, s23;
	s9 =	sadd.s32 s16, s24;
	s5 =	sshrl.u32 s11, $0x3  }
0x72: {  	s2 =	sshrl.u32 s2, $0x3;
	s24 =	rddreg [dreg:$0x1];
	s3 =	sadd.s32 s3, s22  }
0x73: {  	s20 =	sadd.s32 s16, s25;
	s26 =	sadd.s32 s25, s22;
	[smem:$0x7CD] =	sst s3  }
0x74: {  	s10 =	sadd.s32 s16, s5;
	s11 =	sadd.s32 s7, s22;
	[smem:$0x7CF] =	sst s26  }
0x75: {  	s2 =	sadd.s32 s16, s2;
	s3 =	sadd.s32 s23, s22;
	[smem:$0x7D0] =	sst s11  }
0x76: {  	s5 =	sadd.s32 $0x400, s24;
	s25 =	sadd.s32 $0x60000, s6;
	[smem:$0x7CE] =	sst s3  }
0x77: {  	s11 =	sadd.s32 s16, s7;
	_ =	strace $0x80000047;
	[smem:$0x7D1] =	sst s5  }
0x78: {  	s22 =	sshrl.u32 s14, $0x3;
	s26 =	sadd.s32 $0x60800, s6;
	[smem:$0x7D2] =	sst s25  }
0x79: {  	s23 =	sshrl.u32 s15, $0x3;
	s14 =	sadd.s32 $0x61000, s6;
	[smem:$0x7D3] =	sst s26  }
0x7a: {  	s15 =	sadd.s32 $0x61800, s6;
	s7 =	sadd.s32 s16, s22;
	[smem:$0x7D4] =	sst s14  }
0x7b: {  	s3 =	sadd.s32 s16, s23;
	s16 =	sadd.s32 $0x62000, s6;
	[smem:$0x7D5] =	sst s15  }
0x7c: {  	s17 =	sadd.s32 $0x62800, s6;
	[smem:$0x7D6] =	sst s16  }
0x7d: {  	s21 =	sadd.s32 $0x63000, s6;
	[smem:$0x7D7] =	sst s17  }
0x7e: {  	s22 =	sadd.s32 $0x63800, s6;
	[smem:$0x7D8] =	sst s21  }
0x7f: {  	s23 =	sadd.s32 $0x60000, s1;
	[smem:$0x7D9] =	sst s22  }
0x80: {  	s24 =	sadd.s32 $0xC4000, s1;
	[smem:$0x7DA] =	sst s23  }
0x81: {  	s1 =	sadd.s32 $0x128000, s1;
	[smem:$0x7DB] =	sst s24  }
0x82: {  	s0 =	smax.u32 s0, $0x1;
	[smem:$0x7DC] =	sst s1  }
0x83: {  	[smem:$0x7DD] =	sst s0  }
0x84: {  	[smem:$0x7DE] =	sst s18  }
0x85: {  	[smem:$0x7E1] =	sst s19  }
0x86: {  	s6 =	sadd.s32 $0x64000, s9;
	[smem:$0x7E3] =	sst s8  }
0x87: {  	[smem:$0x7E5] =	sst s6  }
0x88: {  	[smem:$0x7E6] =	sst s9  }
0x89: {  	[smem:$0x7E8] =	sst s20  }
0x8a: {  	[smem:$0x7EB] =	sst s10  }
0x8b: {  	[smem:$0x7ED] =	sst s11  }
0x8c: {  	[smem:$0x7F0] =	sst s12  }
0x8d: {  	[smem:$0x7F3] =	sst s13  }
0x8e: {  	[smem:$0x7F6] =	sst s7  }
0x8f: {  	[smem:$0x7F9] =	sst s3  }
0x90: {  	s25 =	sadd.s32 $0x64000, s18;
	[smem:$0x7FC] =	sst s2  }
0x91: {  	s26 =	sadd.s32 $0x64000, s19;
	[smem:$0x7DF] =	sst s25  }
0x92: {  	s1 =	sadd.s32 $0xC8000, s19;
	[smem:$0x7E0] =	sst s26  }
0x93: {  	s5 =	sadd.s32 $0x64000, s8;
	[smem:$0x7E2] =	sst s1  }
0x94: {  	s8 =	sadd.s32 $0xC8000, s9;
	[smem:$0x7E4] =	sst s5  }
0x95: {  	s9 =	sadd.s32 $0x64000, s20;
	[smem:$0x7E7] =	sst s8  }
0x96: {  	s14 =	sadd.s32 $0x64000, s10;
	[smem:$0x7E9] =	sst s9  }
0x97: {  	s15 =	sadd.s32 $0xC8000, s10;
	[smem:$0x7EA] =	sst s14  }
0x98: {  	s29 =	simm.s32 $0x3000;
	s16 =	sadd.s32 $0x64000, s11;
	[smem:$0x7EC] =	sst s15  }
0x99: {  	s30 =	simm.s32 $0x4400;
	s17 =	sadd.s32 $0x64000, s12;
	[smem:$0x7EE] =	sst s16  }
0x9a: {  	s31 =	simm.s32 $0x4800;
	s18 =	sadd.s32 $0xC8000, s12;
	[smem:$0x7EF] =	sst s17  }
0x9b: {  	s28 =	simm.s32 $0x2C00;
	s19 =	sadd.s32 $0x64000, s13;
	[smem:$0x7F1] =	sst s18  }
0x9c: {  	s20 =	sadd.s32 $0xC8000, s13;
	s21 =	sadd.s32 $0x64000, s7;
	[smem:$0x7F2] =	sst s19  }
0x9d: {  	s22 =	sadd.s32 $0xC8000, s7;
	s23 =	sadd.s32 $0x64000, s3;
	[smem:$0x7F4] =	sst s20  }
0x9e: {  	s24 =	sadd.s32 $0xC8000, s3;
	s12 =	simm.s32 $0x1C00;
	[smem:$0x7F5] =	sst s21  }
0x9f: {  	s0 =	simm.s32 $0x4C00;
	s6 =	simm.s32 $0x1;
	[smem:$0x7F7] =	sst s22  }
0xa0: {  	s11 =	simm.s32 $0x1400;
	s13 =	simm.s32 $0x2;
	[smem:$0x7F8] =	sst s23  }
0xa1: {  	[smem:$0x7FA] =	sst s24;
	s25 =	sadd.s32 $0x64000, s2;
	s26 =	sadd.s32 $0xC8000, s2  }
0xa2: {  	s9 =	simm.s32 $0x1800;
	s14 =	simm.s32 $0x2000;
	s21 =	simm.s32 $0x2400  }
0xa3: {  	v0 =	vlaneseq.u32;
	s1 =	simm.s32 $0x5000;
	s2 =	simm.s32 $0x5400;
	s5 =	simm.s32 $0xC00  }
0xa4: {  	v0 =	vmul.u32 $0x3, v0;
	s8 =	simm.s32 $0x1000;
	s16 =	simm.s32 $0x3;
	s17 =	simm.s32 $0x4  }
0xa5: {  	s18 =	simm.s32 $0x5;
	s19 =	simm.s32 $0x6;
	[smem:$0x7FB] =	sst s25  }
0xa6: {  	v1 =	vadd.s32 $0x1, v0;
	v2 =	vadd.s32 $0x2, v0;
	s20 =	simm.s32 $0x0;
	[smem:$0x7FD] =	sst s26;
	s26 =	simm.s32 $0x2800  }
.LBB2_1:
0xa7: {  	s3 =	rddreg [dreg:$0x4]  }
0xa8: {  	s23 =	rddreg [dreg:$0x5]  }
0xa9: {  	[tilespmem:s9], [sflag:$0x1] =	stream.linear.gather [hbm4b:s3+s4], $0x400, $0x38;
	[tilespmem:$0x17800] =	vst v63  }
0xaa: {  	s24 =	rddreg [dreg:$0x6]  }
0xab: {  	[tilespmem:s12], [sflag:$0x1] =	stream.linear.gather [hbm4b:s23+s4], $0x400, $0x38;
	[tilespmem:$0x17800] =	vst v63  }
0xac: {  	s25 =	rddreg [dreg:$0x7]  }
0xad: {  	[tilespmem:s14], [sflag:$0x1] =	stream.linear.gather [hbm4b:s24+s4], $0x400, $0x38;
	[tilespmem:$0x17800] =	vst v63  }
0xae: {  	s7 =	rddreg [dreg:$0x8]  }
0xaf: {  	[tilespmem:s21], [sflag:$0x1] =	stream.linear.gather [hbm4b:s25+s4], $0x400, $0x38;
	[tilespmem:$0x17800] =	vst v63  }
0xb0: {  	s10 =	rddreg [dreg:$0x9]  }
0xb1: {  	[tilespmem:s26], [sflag:$0x1] =	stream.linear.gather [hbm4b:s7+s4], $0x400, $0x38;
	[tilespmem:$0x17800] =	vst v63  }
0xb2: {  	s15 =	rddreg [dreg:$0xa]  }
0xb3: {  	[tilespmem:s28], [sflag:$0x1] =	stream.linear.gather [hbm4b:s10+s4], $0x400, $0x38;
	[tilespmem:$0x17800] =	vst v63  }
0xb4: {  	s22 =	rddreg [dreg:$0xb]  }
0xb5: {  	[tilespmem:s29], [sflag:$0x1] =	stream.linear.gather [hbm4b:s15+s4], $0x400, $0x38;
	[tilespmem:$0x17800] =	vst v63  }
0xb6: {  	s23 =	rddreg [dreg:$0xc];
	s7 =	simm.s32 $0x3400  }
0xb7: {  	[tilespmem:s7], [sflag:$0x1] =	stream.linear.gather [hbm4b:s22+s4], $0x400, $0x38;
	[tilespmem:$0x17800] =	vst v63  }
0xb8: {  	s24 =	simm.s32 $0x3800;
	s25 =	rddreg [dreg:$0xd]  }
0xb9: {  	[tilespmem:s24], [sflag:$0x2] =	stream.linear.gather [hbm4b:s23+s4], $0x400, $0x38;
	[tilespmem:$0x17800] =	vst v63  }
0xba: {  	s26 =	simm.s32 $0x3C00;
	s28 =	rddreg [dreg:$0xe]  }
0xbb: {  	[tilespmem:s26], [sflag:$0x2] =	stream.linear.gather [hbm4b:s25+s4], $0x400, $0x38;
	[tilespmem:$0x17800] =	vst v63  }
0xbc: {  	s10 =	rddreg [dreg:$0x10];
	s29 =	simm.s32 $0x4000  }
0xbd: {  	[tilespmem:s29], [sflag:$0x2] =	stream.linear.gather [hbm4b:s28+s4], $0x400, $0x38;
	[tilespmem:$0x17800] =	vst v63  }
0xbe: {  	s7 =	rddreg [dreg:$0xf]  }
0xbf: {  	[tilespmem:s30], [sflag:$0x2] =	stream.linear.gather [hbm4b:s7+s4], $0x400, $0x38;
	[tilespmem:$0x17800] =	vst v63  }
0xc0: {  	s15 =	rddreg [dreg:$0x11]  }
0xc1: {  	[tilespmem:s31], [sflag:$0x2] =	stream.linear.gather [hbm4b:s10+s4], $0x400, $0x38;
	[tilespmem:$0x17800] =	vst v63  }
0xc2: {  	s22 =	rddreg [dreg:$0x12]  }
0xc3: {  	[tilespmem:s0], [sflag:$0x2] =	stream.linear.gather [hbm4b:s15+s4], $0x400, $0x38;
	[tilespmem:$0x17800] =	vst v63  }
0xc4: {  	s23 =	rddreg [dreg:$0x13]  }
0xc5: {  	[tilespmem:s1], [sflag:$0x2] =	stream.linear.gather [hbm4b:s22+s4], $0x400, $0x38;
	[tilespmem:$0x17800] =	vst v63  }
0xc6: {  	s24 =	sld [smem:$0x7D1]  }
0xc7: {  	[tilespmem:s2], [sflag:$0x2] =	stream.linear.gather [hbm4b:s23+s4], $0x400, $0x38;
	[tilespmem:$0x17800] =	vst v63  }
0xc8: {  	v3 =	vor.u32 s4, v2;
	s25 =	simm.s32 $0x7  }
0xc9: {  	v4 =	vor.u32 s4, v0;
	[tilespmem:s4], [sflag:$0x7] =	stream.linear.gather [hbm4b:s24+s4], $0xBB8, $0x38;
	[tilespmem:$0x17800] =	vst v63  }
0xca: {  	v5 =	vor.u32 s4, v1;
	s26 =	simm.s32 $0x30;
	_ =	swait.ge [sflag:s25], $0xBB8  }
0xcb: {  	v6 =	vadd.s32 s26, v0;
	s28 =	simm.s32 $0x90;
	[sflag:s25] =	ssyncset.done $0x0  }
0xcc: {  	v7 =	vadd.s32 s28, v1;
	[sflag:s25] =	ssyncadd.s32 $0xFFFFF448  }
0xcd: {  	v9 =	vadd.s32 s26, v2;
	v3 =	vld.idx.msk [tilespmem:v3+s4+$0x0], $0xffff  }
0xce: {  	v4 =	vld.idx.msk [tilespmem:v4+s4+$0x0], $0xffff  }
0xcf: {  	v8 =	vadd.s32 s26, v1;
	s10 =	simm.s32 $0x60;
	v5 =	vld.idx.msk [tilespmem:v5+s4+$0x0], $0xffff  }
0xd0: {  	v10 =	vadd.s32 s10, v1;
	v6 =	vld.idx.msk [tilespmem:v6+s4+$0x0], $0xffff  }
0xd1: {  	v7 =	vld.idx.msk [tilespmem:v7+s4+$0x0], $0xffff  }
0xd2: {  	v9 =	vld.idx.msk [tilespmem:v9+s4+$0x0], $0xffff  }
0xd3: {  	v11 =	vadd.s32 s28, v0  }
0xd4: {  	v12 =	vadd.s32 s10, v2;
	v8 =	vld.idx.msk [tilespmem:v8+s4+$0x0], $0xffff;
	v3 =	vmul.f32 $6.931471820e-01, v3  }
0xd5: {  	v10 =	vld.idx.msk [tilespmem:v10+s4+$0x0], $0xffff;
	v4 =	vmul.f32 $6.931471820e-01, v4;
	v5 =	vmul.f32 $6.931471820e-01, v5  }
0xd6: {  	v6 =	vmul.f32 $6.931471820e-01, v6;
	v7 =	vmul.f32 $6.931471820e-01, v7  }
0xd7: {  	v13 =	vadd.s32 s10, v0;
	v16 =	vmul.f32 $6.931471820e-01, v9;
	v3 =	vmul.f32 $1.442695020e+00, v3  }
0xd8: {  	v14 =	vadd.s32 s28, v2;
	v11 =	vld.idx.msk [tilespmem:v11+s4+$0x0], $0xffff;
	v4 =	vmul.f32 $1.442695020e+00, v4;
	v5 =	vmul.f32 $1.442695020e+00, v5  }
0xd9: {  	v12 =	vld.idx.msk [tilespmem:v12+s4+$0x0], $0xffff;
	(erf) = vpow2.f32 v3;
	v3 =	vmul.f32 $6.931471820e-01, v8  }
0xda: {  	v9 =	vmul.f32 $6.931471820e-01, v10;
	(erf) = vpow2.f32 v4  }
0xdb: {  	s24 =	simm.s32 $0xC0;
	(erf) = vpow2.f32 v5;
	v3 =	vmul.f32 $1.442695020e+00, v3  }
0xdc: {  	v19 =	vor.u32 s24, v0;
	v15 =	vmul.f32 $1.442695020e+00, v6;
	v6 =	vld.idx.msk [tilespmem:v13+s4+$0x0], $0xffff;
	v4 =	vmul.f32 $1.442695020e+00, v7  }
0xdd: {  	s29 =	simm.s32 $0xF0;
	v8 =	vmul.f32 $6.931471820e-01, v11;
	v11 =	vld.idx.msk [tilespmem:v14+s4+$0x0], $0xffff;
	v5 =	vor.u32 s24, v2;
	(erf) = vpow2.f32 v3  }
0xde: {  	v18 =	vmul.f32 $6.931471820e-01, v12;
	v10 =	vadd.s32 s29, v0;
	(erf) = vpow2.f32 v4  }
0xdf: {  	s22 =	simm.s32 $0x150;
	v9 =	vmul.f32 $1.442695020e+00, v9;
	v17 =	vmul.f32 $1.442695020e+00, v16;
	v7 =	vor.u32 s24, v1  }
0xe0: {  	v13 =	vadd.s32 s22, v1;
	v20 =	vmul.f32 $1.442695020e+00, v18;
	(erf) = vpow2.f32 v15  }
0xe1: {  	s26 =	simm.s32 $0x120;
	v14 =	vadd.s32 s29, v2;
	v22 =	vmul.f32 $1.442695020e+00, v8;
	v8 =	vadd.s32 s29, v1  }
0xe2: {  	s3 =	simm.s32 $0x1460;
	v21 =	vmul.f32 $6.931471820e-01, v6;
	v6 =	vadd.s32 s26, v1;
	v23 =	vmul.f32 $6.931471820e-01, v11;
	v12 =	vld.idx.msk [tilespmem:v5+s4+$0x0], $0xffff;
	v5 =	vpop (erf)  }
0xe3: {  	s7 =	simm.s32 $0xC20;
	s10 =	simm.s32 $0x1420;
	s15 =	simm.s32 $0x1020;
	v3 =	vadd.s32 s22, v2;
	v4 =	vadd.s32 s26, v0;
	v15 =	vld.idx.msk [tilespmem:v19+s4+$0x0], $0xffff;
	(erf) = vpow2.f32 v22;
	v16 =	vpop (erf)  }
0xe4: {  	s23 =	simm.s32 $0xC20;
	s25 =	simm.s32 $0x4;
	v11 =	vadd.s32 s22, v0;
	s22 =	simm.s32 $0x1020;
	v19 =	vmul.f32 $1.442695020e+00, v21;
	v18 =	vmul.f32 $1.442695020e+00, v23;
	[tilespmem:s7+$0xFFFFFFE0] =	vst v16;
	v16 =	vld.idx.msk [tilespmem:v7+s4+$0x0], $0xffff;
	v7 =	vpop (erf)  }
.LBB2_2:
0xe5: {  	s25 =	sadd.s32 $0x4, s25;
	v10 =	vld.idx.msk [tilespmem:v10+s4+$0x0], $0xffff;
	s7 =	sadd.s32 $0x40, s7;
	s15 =	sadd.s32 $0x40, s15;
	(erf) = vpow2.f32 v20  }
0xe6: {  	v20 =	vadd.s32 s26, v2;
	p0 =	slt.u32 s25, $0x38;
	v13 =	vld.idx.msk [tilespmem:v13+s4+$0x0], $0xffff;
	v21 =	vpop (erf);
	(erf) = vpow2.f32 v17  }
0xe7: {  	v12 =	vmul.f32 $6.931471820e-01, v12;
	v14 =	vld.idx.msk [tilespmem:v14+s4+$0x0], $0xffff;
	(erf) = vpow2.f32 v19;
	v17 =	vpop (erf)  }
0xe8: {  	v8 =	vld.idx.msk [tilespmem:v8+s4+$0x0], $0xffff;
	(erf) = vpow2.f32 v9  }
0xe9: {  	v9 =	vmul.f32 $6.931471820e-01, v15;
	v6 =	vld.idx.msk [tilespmem:v6+s4+$0x0], $0xffff;
	v15 =	vpop (erf);
	(erf) = vpow2.f32 v18  }
0xea: {  	v12 =	vmul.f32 $1.442695020e+00, v12;
	v16 =	vmul.f32 $6.931471820e-01, v16;
	v11 =	vld.idx.msk [tilespmem:v11+s4+$0x0], $0xffff;
	[tilespmem:s23+$0xFFFFFFF0] =	vst v15  }
0xeb: {  	v9 =	vmul.f32 $1.442695020e+00, v9;
	v10 =	vmul.f32 $6.931471820e-01, v10;
	v15 =	vld.idx.msk [tilespmem:v20+s4+$0x0], $0xffff;
	[tilespmem:s22+$0xFFFFFFF0] =	vst v21  }
0xec: {  	v16 =	vmul.f32 $1.442695020e+00, v16;
	v13 =	vmul.f32 $6.931471820e-01, v13;
	v4 =	vld.idx.msk [tilespmem:v4+s4+$0x0], $0xffff;
	[tilespmem:s22+$0xFFFFFFE0] =	vst v7;
	v7 =	vpop (erf)  }
0xed: {  	v18 =	vmul.f32 $1.442695020e+00, v10;
	(erf) = vpow2.f32 v12;
	[tilespmem:s10+$0xFFFFFFE0] =	vst v5  }
0xee: {  	v5 =	vmul.f32 $6.931471820e-01, v8;
	(erf) = vpow2.f32 v9;
	[tilespmem:s23+$0x10] =	vst v7;
	v7 =	vpop (erf)  }
0xef: {  	v19 =	vmul.f32 $6.931471820e-01, v14;
	v9 =	vmul.f32 $6.931471820e-01, v6;
	[tilespmem:s22+$0x10] =	vst v17;
	v6 =	vpop (erf)  }
0xf0: {  	s24 =	sadd.s32 $0xC0, s24;
	v10 =	vmul.f32 $1.442695020e+00, v5;
	(erf) = vpow2.f32 v16;
	[tilespmem:s10+$0xFFFFFFF0] =	vst v6;
	v6 =	vpop (erf)  }
0xf1: {  	v12 =	vor.u32 s24, v2;
	v8 =	vmul.f32 $1.442695020e+00, v13;
	v16 =	vld.idx.msk [tilespmem:v3+s4+$0x0], $0xffff;
	v3 =	vmul.f32 $6.931471820e-01, v11;
	[tilespmem:s23+$0x0] =	vst v6;
	v6 =	vpop (erf);
	s23 =	smov.u32 s7  }
0xf2: {  	v21 =	vor.u32 s24, v1;
	v20 =	vmul.f32 $6.931471820e-01, v15;
	(erf) = vpow2.f32 v10;
	[tilespmem:s22+$0x0] =	vst v6;
	v5 =	vpop (erf);
	s22 =	smov.u32 s15  }
0xf3: {  	s28 =	sadd.s32 $0x30, s24;
	s26 =	sadd.s32 $0x60, s24;
	s29 =	sadd.s32 $0x90, s24;
	v11 =	vor.u32 s24, v0;
	v22 =	vmul.f32 $6.931471820e-01, v4;
	(erf) = vpow2.f32 v8;
	[tilespmem:s10+$0x10] =	vst v5  }
0xf4: {  	v4 =	vadd.s32 s26, v0;
	v10 =	vadd.s32 s28, v0;
	v23 =	vmul.f32 $1.442695020e+00, v3;
	[tilespmem:s10+$0x0] =	vst v7;
	s10 =	smov.u32 s3  }
.Ltmp0:
0xf5: {  	v6 =	vadd.s32 s26, v1;
	v8 =	vadd.s32 s28, v1;
	(erf) = vpow2.f32 v18;
	(pc) =	sbr.rel @p0 .LBB2_2-.Ltmp0, $4  }
0xf6: {  	v13 =	vadd.s32 s29, v1;
	v9 =	vmul.f32 $1.442695020e+00, v9;
	v3 =	vadd.s32 s29, v2;
	v12 =	vld.idx.msk [tilespmem:v12+s4+$0x0], $0xffff;
	v5 =	vpop (erf)  }
0xf7: {  	v14 =	vadd.s32 s28, v2;
	v17 =	vmul.f32 $1.442695020e+00, v19;
	v24 =	vmul.f32 $6.931471820e-01, v16;
	v16 =	vpop (erf)  }
0xf8: {  	v20 =	vmul.f32 $1.442695020e+00, v20;
	v15 =	vld.idx.msk [tilespmem:v11+s4+$0x0], $0xffff;
	v11 =	vadd.s32 s29, v0;
	[tilespmem:s7+$0xFFFFFFE0] =	vst v16;
	(erf) = vpow2.f32 v23  }
0xf9: {  	v19 =	vmul.f32 $1.442695020e+00, v22;
	s3 =	sadd.s32 $0x40, s3;
	v18 =	vmul.f32 $1.442695020e+00, v24;
	v16 =	vld.idx.msk [tilespmem:v21+s4+$0x0], $0xffff;
	v7 =	vpop (erf)  }
0xfa: {  	_ =	sdelay $0x3  }
0xfb: {  	(erf) = vpow2.f32 v20;
	v10 =	vld.idx.msk [tilespmem:v10+s4+$0x0], $0xffff  }
0xfc: {  	v8 =	vld.idx.msk [tilespmem:v8+s4+$0x0], $0xffff;
	(erf) = vpow2.f32 v17  }
0xfd: {  	v13 =	vld.idx.msk [tilespmem:v13+s4+$0x0], $0xffff;
	v12 =	vmul.f32 $6.931471820e-01, v12;
	(erf) = vpow2.f32 v19  }
0xfe: {  	(erf) = vpow2.f32 v9  }
0xff: {  	v41 =	vadd.s32 s26, v2;
	v15 =	vmul.f32 $6.931471820e-01, v15;
	v12 =	vmul.f32 $1.442695020e+00, v12  }
0x100: {  	(erf) = vpow2.f32 v18;
	v16 =	vmul.f32 $6.931471820e-01, v16  }
0x101: {  	v14 =	vld.idx.msk [tilespmem:v14+s4+$0x0], $0xffff;
	v15 =	vmul.f32 $1.442695020e+00, v15;
	v10 =	vmul.f32 $6.931471820e-01, v10  }
0x102: {  	v6 =	vld.idx.msk [tilespmem:v6+s4+$0x0], $0xffff;
	v8 =	vmul.f32 $6.931471820e-01, v8;
	v13 =	vmul.f32 $6.931471820e-01, v13  }
0x103: {  	v11 =	vld.idx.msk [tilespmem:v11+s4+$0x0], $0xffff;
	v42 =	vpop (erf);
	(erf) = vpow2.f32 v12;
	v16 =	vmul.f32 $1.442695020e+00, v16  }
0x104: {  	v43 =	vpop (erf);
	v9 =	vld.idx.msk [tilespmem:v41+s4+$0x0], $0xffff;
	(erf) = vpow2.f32 v15;
	v8 =	vmul.f32 $1.442695020e+00, v8  }
0x105: {  	v4 =	vld.idx.msk [tilespmem:v4+s4+$0x0], $0xffff;
	v44 =	vpop (erf);
	v13 =	vmul.f32 $1.442695020e+00, v13;
	(erf) = vpow2.f32 v16  }
0x106: {  	v3 =	vld.idx.msk [tilespmem:v3+s4+$0x0], $0xffff;
	[tilespmem:s22+$0xFFFFFFE0] =	vst v7;
	v45 =	vpop (erf);
	v10 =	vmul.f32 $1.442695020e+00, v10;
	(erf) = vpow2.f32 v8  }
0x107: {  	[tilespmem:s10+$0xFFFFFFE0] =	vst v5;
	v14 =	vmul.f32 $6.931471820e-01, v14;
	v46 =	vpop (erf);
	(erf) = vpow2.f32 v13  }
0x108: {  	[tilespmem:s23+$0xFFFFFFF0] =	vst v44;
	v11 =	vmul.f32 $6.931471820e-01, v11;
	v47 =	vpop (erf);
	(erf) = vpow2.f32 v10  }
0x109: {  	v49 =	vmul.f32 $6.931471820e-01, v6;
	[tilespmem:s22+$0xFFFFFFF0] =	vst v42;
	v50 =	vmul.f32 $6.931471820e-01, v9;
	v48 =	vpop (erf)  }
0x10a: {  	v4 =	vmul.f32 $6.931471820e-01, v4;
	v11 =	vmul.f32 $1.442695020e+00, v11;
	[tilespmem:s23+$0x10] =	vst v45;
	v51 =	vpop (erf)  }
0x10b: {  	v3 =	vmul.f32 $6.931471820e-01, v3;
	[tilespmem:s22+$0x10] =	vst v43;
	v6 =	vmul.f32 $1.442695020e+00, v50;
	v52 =	vpop (erf)  }
0x10c: {  	v53 =	vmul.f32 $1.442695020e+00, v14;
	[tilespmem:s10+$0xFFFFFFF0] =	vst v47;
	v54 =	vpop (erf);
	(erf) = vpow2.f32 v11  }
0x10d: {  	v4 =	vmul.f32 $1.442695020e+00, v4;
	[tilespmem:s23+$0x0] =	vst v48;
	v55 =	vpop (erf);
	(erf) = vpow2.f32 v6  }
0x10e: {  	v5 =	vmul.f32 $1.442695020e+00, v49;
	[tilespmem:s22+$0x0] =	vst v51;
	v56 =	vpop (erf);
	(erf) = vpow2.f32 v53  }
0x10f: {  	v3 =	vmul.f32 $1.442695020e+00, v3;
	[tilespmem:s10+$0x10] =	vst v52;
	v57 =	vpop (erf);
	(erf) = vpow2.f32 v4  }
0x110: {  	s7 =	sadd.s32 $0x40, s7;
	[tilespmem:s10+$0x0] =	vst v46;
	v58 =	vpop (erf);
	(erf) = vpow2.f32 v5  }
0x111: {  	s29 =	sadd.s32 $0x40, s15;
	[tilespmem:s7+$0xFFFFFFE0] =	vst v55;
	v59 =	vpop (erf);
	(erf) = vpow2.f32 v3  }
0x112: {  	[tilespmem:s29+$0xFFFFFFE0] =	vst v56  }
0x113: {  	[tilespmem:s3+$0xFFFFFFE0] =	vst v54  }
0x114: {  	[tilespmem:s7+$0xFFFFFFF0] =	vst v59  }
0x115: {  	[tilespmem:s29+$0xFFFFFFF0] =	vst v57;
	v3 =	vpop (erf)  }
0x116: {  	[tilespmem:s7+$0x10] =	vst v3;
	v3 =	vpop (erf)  }
0x117: {  	[tilespmem:s29+$0x10] =	vst v58;
	v60 =	vpop (erf)  }
0x118: {  	[tilespmem:s3+$0xFFFFFFF0] =	vst v60;
	v61 =	vpop (erf)  }
0x119: {  	[tilespmem:s7+$0x0] =	vst v61;
	v62 =	vpop (erf)  }
0x11a: {  	[tilespmem:s29+$0x0] =	vst v62;
	v63 =	vpop (erf)  }
0x11b: {  	s15 =	simm.s32 $0xB40;
	[tilespmem:s3+$0x10] =	vst v63  }
0x11c: {  	s22 =	simm.s32 $0xFC0;
	s10 =	simm.s32 $0x17C0;
	s7 =	simm.s32 $0x13C0;
	[tilespmem:s3+$0x0] =	vst v3  }
.LBB2_4:
0x11d: {  	v3 =	vadd.s32 s15, v0  }
0x11e: {  	v4 =	vadd.s32 s15, v1  }
0x11f: {  	v5 =	vadd.s32 s15, v2;
	_ =	sdelay $0x2  }
0x120: {  	v3 =	vld.idx.msk [tilespmem:v3+s4+$0x0], $0xffff  }
0x121: {  	v4 =	vld.idx.msk [tilespmem:v4+s4+$0x0], $0xffff  }
0x122: {  	v5 =	vld.idx.msk [tilespmem:v5+s4+$0x0], $0xffff;
	_ =	sdelay $0x2  }
0x123: {  	v3 =	vmul.f32 $6.931471820e-01, v3  }
0x124: {  	v4 =	vmul.f32 $6.931471820e-01, v4  }
0x125: {  	v5 =	vmul.f32 $6.931471820e-01, v5;
	v3 =	vmul.f32 $1.442695020e+00, v3  }
0x126: {  	v4 =	vmul.f32 $1.442695020e+00, v4  }
0x127: {  	(erf) = vpow2.f32 v3;
	v3 =	vmul.f32 $1.442695020e+00, v5  }
0x128: {  	(erf) = vpow2.f32 v4  }
0x129: {  	(erf) = vpow2.f32 v3;
	_ =	sdelay $0x4  }
0x12a: {  	p0 =	sne.s32 s15, $0xBA0  }
.Ltmp1:
0x12b: {  	_ = 	snop;
	(pc) =	sbr.rel @p0 .LBB2_4-.Ltmp1, $4  }
0x12c: {  	v3 =	vpop (erf)  }
0x12d: {  	v4 =	vpop (erf);
	[tilespmem:s22+$0x0] =	vst v3  }
0x12e: {  	s15 =	sadd.s32 $0x30, s15;
	[tilespmem:s7+$0x0] =	vst v4;
	v3 =	vpop (erf)  }
0x12f: {  	s22 =	sadd.s32 $0x10, s22;
	s7 =	sadd.s32 $0x10, s7;
	[tilespmem:s10+$0x0] =	vst v3;
	s10 =	sadd.s32 $0x10, s10  }
0x130: {  	_ =	swait.ge [sflag:s6], $0x400  }
0x131: {  	[sflag:s6] =	ssyncset.done $0x0  }
0x132: {  	[sflag:s6] =	ssyncadd.s32 $0xFFFFFC00  }
0x133: {  	_ =	swait.ge [sflag:s6], $0x400  }
0x134: {  	[sflag:s6] =	ssyncset.done $0x0  }
0x135: {  	[sflag:s6] =	ssyncadd.s32 $0xFFFFFC00  }
0x136: {  	_ =	swait.ge [sflag:s6], $0x400  }
0x137: {  	[sflag:s6] =	ssyncset.done $0x0  }
0x138: {  	[sflag:s6] =	ssyncadd.s32 $0xFFFFFC00  }
0x139: {  	_ =	swait.ge [sflag:s6], $0x400  }
0x13a: {  	[sflag:s6] =	ssyncset.done $0x0  }
0x13b: {  	[sflag:s6] =	ssyncadd.s32 $0xFFFFFC00  }
0x13c: {  	_ =	swait.ge [sflag:s6], $0x400  }
0x13d: {  	[sflag:s6] =	ssyncset.done $0x0  }
0x13e: {  	[sflag:s6] =	ssyncadd.s32 $0xFFFFFC00  }
0x13f: {  	_ =	swait.ge [sflag:s6], $0x400  }
0x140: {  	[sflag:s6] =	ssyncset.done $0x0  }
0x141: {  	[sflag:s6] =	ssyncadd.s32 $0xFFFFFC00  }
0x142: {  	_ =	swait.ge [sflag:s6], $0x400  }
0x143: {  	[sflag:s6] =	ssyncset.done $0x0  }
0x144: {  	[sflag:s6] =	ssyncadd.s32 $0xFFFFFC00  }
0x145: {  	s3 =	simm.s32 $0x0;
	_ =	swait.ge [sflag:s6], $0x400  }
0x146: {  	s7 =	sand.u32 $0x1C00, s3;
	s3 =	sand.u32 $0x380, s3;
	[sflag:s6] =	ssyncset.done $0x0  }
0x147: {  	s3 =	sor.u32 s3, s7;
	[sflag:s6] =	ssyncadd.s32 $0xFFFFFC00  }
0x148: {  	v5 =	vld [tilespmem:s3+$0x1870]  }
0x149: {  	v6 =	vld [tilespmem:s3+$0x1800]  }
0x14a: {  	v7 =	vld [tilespmem:s3+$0x1810]  }
0x14b: {  	v9 =	vld [tilespmem:s3+$0x1820]  }
0x14c: {  	v10 =	vld [tilespmem:s3+$0x1830]  }
0x14d: {  	v11 =	vld [tilespmem:s3+$0x1840]  }
0x14e: {  	v4 =	vld [tilespmem:s3+$0x1850]  }
0x14f: {  	v3 =	vld [tilespmem:s3+$0x1860]  }
0x150: {  	v8 =	vld.idx.msk [tilespmem:v5+s5+$0x0], $0xffff  }
0x151: {  	v12 =	vld.idx.msk [tilespmem:v6+s5+$0x0], $0xffff  }
0x152: {  	v13 =	vld.idx.msk [tilespmem:v7+s5+$0x0], $0xffff  }
0x153: {  	v14 =	vld.idx.msk [tilespmem:v9+s5+$0x0], $0xffff  }
0x154: {  	v15 =	vld.idx.msk [tilespmem:v10+s5+$0x0], $0xffff  }
0x155: {  	s3 =	simm.s32 $0x5840;
	v16 =	vld.idx.msk [tilespmem:v11+s5+$0x0], $0xffff  }
0x156: {  	v17 =	vld.idx.msk [tilespmem:v4+s5+$0x0], $0xffff;
	[tilespmem:s3+$0x30] =	vst v8  }
0x157: {  	v56 =	vld.idx.msk [tilespmem:v3+s5+$0x0], $0xffff;
	[tilespmem:s3+$0xFFFFFFC0] =	vst v12  }
0x158: {  	[tilespmem:s3+$0xFFFFFFD0] =	vst v13;
	v8 =	vld.idx.msk [tilespmem:v5+s8+$0x0], $0xffff  }
0x159: {  	[tilespmem:s3+$0xFFFFFFE0] =	vst v14;
	v57 =	vld.idx.msk [tilespmem:v6+s8+$0x0], $0xffff  }
0x15a: {  	[tilespmem:s3+$0xFFFFFFF0] =	vst v15;
	v58 =	vld.idx.msk [tilespmem:v7+s8+$0x0], $0xffff  }
0x15b: {  	[tilespmem:s3+$0x0] =	vst v16;
	v59 =	vld.idx.msk [tilespmem:v9+s8+$0x0], $0xffff  }
0x15c: {  	[tilespmem:s3+$0x10] =	vst v17;
	v60 =	vld.idx.msk [tilespmem:v10+s8+$0x0], $0xffff  }
0x15d: {  	s7 =	simm.s32 $0x7840;
	[tilespmem:s3+$0x20] =	vst v56;
	v61 =	vld.idx.msk [tilespmem:v11+s8+$0x0], $0xffff  }
0x15e: {  	v63 =	vld.idx.msk [tilespmem:v4+s8+$0x0], $0xffff;
	[tilespmem:s7+$0x30] =	vst v8  }
0x15f: {  	[tilespmem:s7+$0xFFFFFFC0] =	vst v57;
	v8 =	vld.idx.msk [tilespmem:v3+s8+$0x0], $0xffff  }
0x160: {  	[tilespmem:s7+$0xFFFFFFD0] =	vst v58;
	v62 =	vld.idx.msk [tilespmem:v5+s11+$0x0], $0xffff  }
0x161: {  	[tilespmem:s7+$0xFFFFFFE0] =	vst v59;
	v6 =	vld.idx.msk [tilespmem:v6+s11+$0x0], $0xffff  }
0x162: {  	[tilespmem:s7+$0xFFFFFFF0] =	vst v60;
	v5 =	vld.idx.msk [tilespmem:v7+s11+$0x0], $0xffff  }
0x163: {  	s10 =	simm.s32 $0x9840;
	[tilespmem:s7+$0x0] =	vst v61;
	v7 =	vld.idx.msk [tilespmem:v9+s11+$0x0], $0xffff  }
0x164: {  	s15 =	simm.s32 $0x0;
	s22 =	simm.s32 $0x400;
	s23 =	simm.s32 $0x10;
	[tilespmem:s7+$0x10] =	vst v63;
	v9 =	vld.idx.msk [tilespmem:v10+s11+$0x0], $0xffff  }
0x165: {  	s26 =	simm.s32 $0x2800;
	s28 =	simm.s32 $0x2C00;
	s29 =	simm.s32 $0x3000;
	v10 =	vld.idx.msk [tilespmem:v11+s11+$0x0], $0xffff;
	[tilespmem:s10+$0x30] =	vst v62  }
.LBB2_6:
0x166: {  	s24 =	sand.u32 $0x1C00, s22;
	s25 =	sand.u32 $0x380, s23;
	s15 =	sadd.s32 $0x8, s15;
	v4 =	vld.idx.msk [tilespmem:v4+s11+$0x0], $0xffff;
	[tilespmem:s7+$0x20] =	vst v8  }
0x167: {  	s24 =	sor.u32 s25, s24;
	p0 =	slt.u32 s15, $0x1F8;
	[tilespmem:s10+$0xFFFFFFC0] =	vst v6;
	v3 =	vld.idx.msk [tilespmem:v3+s11+$0x0], $0xffff  }
0x168: {  	v6 =	vld [tilespmem:s24+$0x1870];
	[tilespmem:s10+$0xFFFFFFD0] =	vst v5  }
0x169: {  	v5 =	vld [tilespmem:s24+$0x1800];
	[tilespmem:s10+$0xFFFFFFE0] =	vst v7  }
0x16a: {  	v7 =	vld [tilespmem:s24+$0x1810];
	[tilespmem:s10+$0xFFFFFFF0] =	vst v9  }
0x16b: {  	v9 =	vld [tilespmem:s24+$0x1820];
	[tilespmem:s10+$0x0] =	vst v10  }
0x16c: {  	v10 =	vld [tilespmem:s24+$0x1830];
	[tilespmem:s10+$0x10] =	vst v4  }
0x16d: {  	v11 =	vld [tilespmem:s24+$0x1840];
	[tilespmem:s10+$0x20] =	vst v3  }
0x16e: {  	v4 =	vld [tilespmem:s24+$0x1850]  }
0x16f: {  	v3 =	vld [tilespmem:s24+$0x1860]  }
0x170: {  	v8 =	vld.idx.msk [tilespmem:v6+s5+$0x0], $0xffff  }
0x171: {  	v12 =	vld.idx.msk [tilespmem:v5+s5+$0x0], $0xffff  }
0x172: {  	v13 =	vld.idx.msk [tilespmem:v7+s5+$0x0], $0xffff  }
0x173: {  	v14 =	vld.idx.msk [tilespmem:v9+s5+$0x0], $0xffff  }
0x174: {  	v15 =	vld.idx.msk [tilespmem:v10+s5+$0x0], $0xffff  }
0x175: {  	s3 =	sadd.s32 $0x80, s3;
	v16 =	vld.idx.msk [tilespmem:v11+s5+$0x0], $0xffff  }
0x176: {  	v17 =	vld.idx.msk [tilespmem:v4+s5+$0x0], $0xffff;
	[tilespmem:s3+$0x30] =	vst v8  }
0x177: {  	[tilespmem:s3+$0xFFFFFFC0] =	vst v12;
	v8 =	vld.idx.msk [tilespmem:v6+s8+$0x0], $0xffff  }
0x178: {  	[tilespmem:s3+$0xFFFFFFD0] =	vst v13;
	v12 =	vld.idx.msk [tilespmem:v3+s5+$0x0], $0xffff  }
0x179: {  	v13 =	vld.idx.msk [tilespmem:v5+s8+$0x0], $0xffff;
	[tilespmem:s3+$0xFFFFFFE0] =	vst v14  }
0x17a: {  	v14 =	vld.idx.msk [tilespmem:v7+s8+$0x0], $0xffff;
	[tilespmem:s3+$0xFFFFFFF0] =	vst v15  }
0x17b: {  	v15 =	vld.idx.msk [tilespmem:v9+s8+$0x0], $0xffff;
	[tilespmem:s3+$0x0] =	vst v16  }
0x17c: {  	s7 =	sadd.s32 $0x80, s7;
	v16 =	vld.idx.msk [tilespmem:v10+s8+$0x0], $0xffff;
	[tilespmem:s3+$0x10] =	vst v17  }
0x17d: {  	v17 =	vld.idx.msk [tilespmem:v11+s8+$0x0], $0xffff;
	[tilespmem:s7+$0x30] =	vst v8  }
0x17e: {  	[tilespmem:s3+$0x20] =	vst v12;
	v12 =	vld.idx.msk [tilespmem:v6+s11+$0x0], $0xffff  }
0x17f: {  	[tilespmem:s7+$0xFFFFFFC0] =	vst v13;
	v13 =	vld.idx.msk [tilespmem:v4+s8+$0x0], $0xffff  }
0x180: {  	[tilespmem:s7+$0xFFFFFFD0] =	vst v14;
	v8 =	vld.idx.msk [tilespmem:v3+s8+$0x0], $0xffff  }
.Ltmp2:
0x181: {  	v6 =	vld.idx.msk [tilespmem:v5+s11+$0x0], $0xffff;
	[tilespmem:s7+$0xFFFFFFE0] =	vst v15;
	(pc) =	sbr.rel @p0 .LBB2_6-.Ltmp2, $4  }
0x182: {  	v5 =	vld.idx.msk [tilespmem:v7+s11+$0x0], $0xffff;
	[tilespmem:s7+$0xFFFFFFF0] =	vst v16  }
0x183: {  	s10 =	sadd.s32 $0x80, s10;
	v7 =	vld.idx.msk [tilespmem:v9+s11+$0x0], $0xffff;
	[tilespmem:s7+$0x0] =	vst v17  }
0x184: {  	v9 =	vld.idx.msk [tilespmem:v10+s11+$0x0], $0xffff;
	[tilespmem:s10+$0x30] =	vst v12  }
0x185: {  	s22 =	sadd.s32 $0x400, s22;
	s23 =	sadd.s32 $0x10, s23;
	v10 =	vld.idx.msk [tilespmem:v11+s11+$0x0], $0xffff;
	[tilespmem:s7+$0x10] =	vst v13  }
0x186: {  	_ =	sdelay $0x2  }
0x187: {  	[tilespmem:s7+$0x20] =	vst v8  }
0x188: {  	v4 =	vld.idx.msk [tilespmem:v4+s11+$0x0], $0xffff;
	[tilespmem:s10+$0xFFFFFFC0] =	vst v6  }
0x189: {  	v3 =	vld.idx.msk [tilespmem:v3+s11+$0x0], $0xffff;
	[tilespmem:s10+$0xFFFFFFD0] =	vst v5  }
0x18a: {  	[tilespmem:s10+$0xFFFFFFE0] =	vst v7  }
0x18b: {  	[tilespmem:s10+$0xFFFFFFF0] =	vst v9  }
0x18c: {  	[tilespmem:s10+$0x0] =	vst v10  }
0x18d: {  	[tilespmem:s10+$0x10] =	vst v4  }
0x18e: {  	[tilespmem:s10+$0x20] =	vst v3  }
0x18f: {  	s7 =	rddreg [dreg:$0x14]  }
0x190: {  	s3 =	simm.s32 $0x0;
	s22 =	rddreg [dreg:$0x15]  }
0x191: {  	[tilespmem:s9], [sflag:$0x1] =	stream.linear.gather [hbm4b:s7+s3], $0x400, $0x38;
	[tilespmem:$0x17800] =	vst v63  }
0x192: {  	s23 =	rddreg [dreg:$0x16]  }
0x193: {  	[tilespmem:s12], [sflag:$0x1] =	stream.linear.gather [hbm4b:s22+s3], $0x400, $0x38;
	[tilespmem:$0x17800] =	vst v63  }
0x194: {  	s24 =	rddreg [dreg:$0x17]  }
0x195: {  	[tilespmem:s14], [sflag:$0x1] =	stream.linear.gather [hbm4b:s23+s3], $0x400, $0x38;
	[tilespmem:$0x17800] =	vst v63  }
0x196: {  	s25 =	rddreg [dreg:$0x18]  }
0x197: {  	[tilespmem:s21], [sflag:$0x1] =	stream.linear.gather [hbm4b:s24+s3], $0x400, $0x38;
	[tilespmem:$0x17800] =	vst v63  }
0x198: {  	s10 =	rddreg [dreg:$0x19]  }
0x199: {  	[tilespmem:s26], [sflag:$0x1] =	stream.linear.gather [hbm4b:s25+s3], $0x400, $0x38;
	[tilespmem:$0x17800] =	vst v63  }
0x19a: {  	s15 =	rddreg [dreg:$0x1a]  }
0x19b: {  	[tilespmem:s28], [sflag:$0x1] =	stream.linear.gather [hbm4b:s10+s3], $0x400, $0x38;
	[tilespmem:$0x17800] =	vst v63  }
0x19c: {  	s22 =	rddreg [dreg:$0x1b]  }
0x19d: {  	[tilespmem:s29], [sflag:$0x1] =	stream.linear.gather [hbm4b:s15+s3], $0x400, $0x38;
	[tilespmem:$0x17800] =	vst v63  }
0x19e: {  	s23 =	simm.s32 $0x3400;
	s24 =	sld [smem:$0x7DE]  }
0x19f: {  	[tilespmem:s23], [sflag:$0x1] =	stream.linear.gather [hbm4b:s22+s3], $0x400, $0x38;
	[tilespmem:$0x17800] =	vst v63  }
0x1a0: {  	s25 =	simm.s32 $0x5800;
	s15 =	sld [smem:$0x7DF]  }
0x1a1: {  	[hbm4b:s24+s3] =	stream.linear.scatter [tilespmem:s25], [sflag:$0x3], $0x2000, $0x38;
	[tilespmem:$0x17800] =	vst v63  }
0x1a2: {  	s22 =	simm.s32 $0x7800;
	s23 =	sld [smem:$0x7CD]  }
0x1a3: {  	[hbm4b:s15+s3] =	stream.linear.scatter [tilespmem:s22], [sflag:$0x3], $0x2000, $0x38;
	[tilespmem:$0x17800] =	vst v63  }
0x1a4: {  	s24 =	simm.s32 $0x9800  }
0x1a5: {  	[hbm4b:s23+s3] =	stream.linear.scatter [tilespmem:s24], [sflag:$0x3], $0x2000, $0x38;
	[tilespmem:$0x17800] =	vst v63  }
0x1a6: {  	_ =	swait.ge [sflag:s13], $0x400  }
0x1a7: {  	[sflag:s13] =	ssyncset.done $0x0  }
0x1a8: {  	[sflag:s13] =	ssyncadd.s32 $0xFFFFFC00  }
0x1a9: {  	_ =	swait.ge [sflag:s13], $0x400  }
0x1aa: {  	[sflag:s13] =	ssyncset.done $0x0  }
0x1ab: {  	[sflag:s13] =	ssyncadd.s32 $0xFFFFFC00  }
0x1ac: {  	_ =	swait.ge [sflag:s13], $0x400  }
0x1ad: {  	[sflag:s13] =	ssyncset.done $0x0  }
0x1ae: {  	[sflag:s13] =	ssyncadd.s32 $0xFFFFFC00  }
0x1af: {  	_ =	swait.ge [sflag:s13], $0x400  }
0x1b0: {  	[sflag:s13] =	ssyncset.done $0x0  }
0x1b1: {  	[sflag:s13] =	ssyncadd.s32 $0xFFFFFC00  }
0x1b2: {  	_ =	swait.ge [sflag:s13], $0x400  }
0x1b3: {  	[sflag:s13] =	ssyncset.done $0x0  }
0x1b4: {  	[sflag:s13] =	ssyncadd.s32 $0xFFFFFC00  }
0x1b5: {  	_ =	swait.ge [sflag:s13], $0x400  }
0x1b6: {  	[sflag:s13] =	ssyncset.done $0x0  }
0x1b7: {  	[sflag:s13] =	ssyncadd.s32 $0xFFFFFC00  }
0x1b8: {  	_ =	swait.ge [sflag:s13], $0x400  }
0x1b9: {  	[sflag:s13] =	ssyncset.done $0x0  }
0x1ba: {  	[sflag:s13] =	ssyncadd.s32 $0xFFFFFC00  }
0x1bb: {  	_ =	swait.ge [sflag:s13], $0x400  }
0x1bc: {  	s25 =	sand.u32 $0x1C00, s3;
	s3 =	sand.u32 $0x380, s3;
	[sflag:s13] =	ssyncset.done $0x0  }
0x1bd: {  	s3 =	sor.u32 s3, s25;
	[sflag:s13] =	ssyncadd.s32 $0xFFFFFC00  }
0x1be: {  	v5 =	vld [tilespmem:s3+$0x3870]  }
0x1bf: {  	v6 =	vld [tilespmem:s3+$0x3800]  }
0x1c0: {  	v7 =	vld [tilespmem:s3+$0x3810]  }
0x1c1: {  	v9 =	vld [tilespmem:s3+$0x3820]  }
0x1c2: {  	v10 =	vld [tilespmem:s3+$0x3830]  }
0x1c3: {  	v11 =	vld [tilespmem:s3+$0x3840]  }
0x1c4: {  	v4 =	vld [tilespmem:s3+$0x3850]  }
0x1c5: {  	v3 =	vld [tilespmem:s3+$0x3860]  }
0x1c6: {  	v8 =	vld.idx.msk [tilespmem:v5+s5+$0x0], $0xffff  }
0x1c7: {  	v12 =	vld.idx.msk [tilespmem:v6+s5+$0x0], $0xffff  }
0x1c8: {  	v13 =	vld.idx.msk [tilespmem:v7+s5+$0x0], $0xffff  }
0x1c9: {  	v14 =	vld.idx.msk [tilespmem:v9+s5+$0x0], $0xffff  }
0x1ca: {  	v15 =	vld.idx.msk [tilespmem:v10+s5+$0x0], $0xffff  }
0x1cb: {  	s3 =	simm.s32 $0xB840;
	v16 =	vld.idx.msk [tilespmem:v11+s5+$0x0], $0xffff  }
0x1cc: {  	v17 =	vld.idx.msk [tilespmem:v4+s5+$0x0], $0xffff;
	[tilespmem:s3+$0x30] =	vst v8  }
0x1cd: {  	v56 =	vld.idx.msk [tilespmem:v3+s5+$0x0], $0xffff;
	[tilespmem:s3+$0xFFFFFFC0] =	vst v12  }
0x1ce: {  	[tilespmem:s3+$0xFFFFFFD0] =	vst v13;
	v8 =	vld.idx.msk [tilespmem:v5+s8+$0x0], $0xffff  }
0x1cf: {  	[tilespmem:s3+$0xFFFFFFE0] =	vst v14;
	v57 =	vld.idx.msk [tilespmem:v6+s8+$0x0], $0xffff  }
0x1d0: {  	[tilespmem:s3+$0xFFFFFFF0] =	vst v15;
	v58 =	vld.idx.msk [tilespmem:v7+s8+$0x0], $0xffff  }
0x1d1: {  	[tilespmem:s3+$0x0] =	vst v16;
	v59 =	vld.idx.msk [tilespmem:v9+s8+$0x0], $0xffff  }
0x1d2: {  	[tilespmem:s3+$0x10] =	vst v17;
	v60 =	vld.idx.msk [tilespmem:v10+s8+$0x0], $0xffff  }
0x1d3: {  	s7 =	simm.s32 $0xD840;
	[tilespmem:s3+$0x20] =	vst v56;
	v61 =	vld.idx.msk [tilespmem:v11+s8+$0x0], $0xffff  }
0x1d4: {  	v63 =	vld.idx.msk [tilespmem:v4+s8+$0x0], $0xffff;
	[tilespmem:s7+$0x30] =	vst v8  }
0x1d5: {  	[tilespmem:s7+$0xFFFFFFC0] =	vst v57;
	v8 =	vld.idx.msk [tilespmem:v3+s8+$0x0], $0xffff  }
0x1d6: {  	[tilespmem:s7+$0xFFFFFFD0] =	vst v58;
	v62 =	vld.idx.msk [tilespmem:v5+s11+$0x0], $0xffff  }
0x1d7: {  	[tilespmem:s7+$0xFFFFFFE0] =	vst v59;
	v6 =	vld.idx.msk [tilespmem:v6+s11+$0x0], $0xffff  }
0x1d8: {  	[tilespmem:s7+$0xFFFFFFF0] =	vst v60;
	v5 =	vld.idx.msk [tilespmem:v7+s11+$0x0], $0xffff  }
0x1d9: {  	[tilespmem:s7+$0x0] =	vst v61;
	v7 =	vld.idx.msk [tilespmem:v9+s11+$0x0], $0xffff  }
0x1da: {  	s10 =	simm.s32 $0xF840;
	[tilespmem:s7+$0x10] =	vst v63;
	v9 =	vld.idx.msk [tilespmem:v10+s11+$0x0], $0xffff  }
0x1db: {  	s15 =	simm.s32 $0x0;
	s22 =	simm.s32 $0x400;
	s23 =	simm.s32 $0x10;
	v10 =	vld.idx.msk [tilespmem:v11+s11+$0x0], $0xffff;
	[tilespmem:s10+$0x30] =	vst v62  }
.LBB2_8:
0x1dc: {  	s24 =	sand.u32 $0x1C00, s22;
	s25 =	sand.u32 $0x380, s23;
	s15 =	sadd.s32 $0x8, s15;
	v4 =	vld.idx.msk [tilespmem:v4+s11+$0x0], $0xffff;
	[tilespmem:s7+$0x20] =	vst v8  }
0x1dd: {  	s24 =	sor.u32 s25, s24;
	p0 =	slt.u32 s15, $0x1F8;
	[tilespmem:s10+$0xFFFFFFC0] =	vst v6;
	v3 =	vld.idx.msk [tilespmem:v3+s11+$0x0], $0xffff  }
0x1de: {  	v6 =	vld [tilespmem:s24+$0x3870];
	[tilespmem:s10+$0xFFFFFFD0] =	vst v5  }
0x1df: {  	v5 =	vld [tilespmem:s24+$0x3800];
	[tilespmem:s10+$0xFFFFFFE0] =	vst v7  }
0x1e0: {  	v7 =	vld [tilespmem:s24+$0x3810];
	[tilespmem:s10+$0xFFFFFFF0] =	vst v9  }
0x1e1: {  	v9 =	vld [tilespmem:s24+$0x3820];
	[tilespmem:s10+$0x0] =	vst v10  }
0x1e2: {  	v10 =	vld [tilespmem:s24+$0x3830];
	[tilespmem:s10+$0x10] =	vst v4  }
0x1e3: {  	v11 =	vld [tilespmem:s24+$0x3840];
	[tilespmem:s10+$0x20] =	vst v3  }
0x1e4: {  	v4 =	vld [tilespmem:s24+$0x3850]  }
0x1e5: {  	v3 =	vld [tilespmem:s24+$0x3860]  }
0x1e6: {  	v8 =	vld.idx.msk [tilespmem:v6+s5+$0x0], $0xffff  }
0x1e7: {  	v12 =	vld.idx.msk [tilespmem:v5+s5+$0x0], $0xffff  }
0x1e8: {  	v13 =	vld.idx.msk [tilespmem:v7+s5+$0x0], $0xffff  }
0x1e9: {  	v14 =	vld.idx.msk [tilespmem:v9+s5+$0x0], $0xffff  }
0x1ea: {  	v15 =	vld.idx.msk [tilespmem:v10+s5+$0x0], $0xffff  }
0x1eb: {  	s3 =	sadd.s32 $0x80, s3;
	v16 =	vld.idx.msk [tilespmem:v11+s5+$0x0], $0xffff  }
0x1ec: {  	v17 =	vld.idx.msk [tilespmem:v4+s5+$0x0], $0xffff;
	[tilespmem:s3+$0x30] =	vst v8  }
0x1ed: {  	[tilespmem:s3+$0xFFFFFFC0] =	vst v12;
	v8 =	vld.idx.msk [tilespmem:v6+s8+$0x0], $0xffff  }
0x1ee: {  	[tilespmem:s3+$0xFFFFFFD0] =	vst v13;
	v12 =	vld.idx.msk [tilespmem:v3+s5+$0x0], $0xffff  }
0x1ef: {  	v13 =	vld.idx.msk [tilespmem:v5+s8+$0x0], $0xffff;
	[tilespmem:s3+$0xFFFFFFE0] =	vst v14  }
0x1f0: {  	v14 =	vld.idx.msk [tilespmem:v7+s8+$0x0], $0xffff;
	[tilespmem:s3+$0xFFFFFFF0] =	vst v15  }
0x1f1: {  	v15 =	vld.idx.msk [tilespmem:v9+s8+$0x0], $0xffff;
	[tilespmem:s3+$0x0] =	vst v16  }
0x1f2: {  	s7 =	sadd.s32 $0x80, s7;
	v16 =	vld.idx.msk [tilespmem:v10+s8+$0x0], $0xffff;
	[tilespmem:s3+$0x10] =	vst v17  }
0x1f3: {  	v17 =	vld.idx.msk [tilespmem:v11+s8+$0x0], $0xffff;
	[tilespmem:s7+$0x30] =	vst v8  }
0x1f4: {  	[tilespmem:s3+$0x20] =	vst v12;
	v12 =	vld.idx.msk [tilespmem:v6+s11+$0x0], $0xffff  }
0x1f5: {  	[tilespmem:s7+$0xFFFFFFC0] =	vst v13;
	v13 =	vld.idx.msk [tilespmem:v4+s8+$0x0], $0xffff  }
0x1f6: {  	[tilespmem:s7+$0xFFFFFFD0] =	vst v14;
	v8 =	vld.idx.msk [tilespmem:v3+s8+$0x0], $0xffff  }
.Ltmp3:
0x1f7: {  	v6 =	vld.idx.msk [tilespmem:v5+s11+$0x0], $0xffff;
	[tilespmem:s7+$0xFFFFFFE0] =	vst v15;
	(pc) =	sbr.rel @p0 .LBB2_8-.Ltmp3, $4  }
0x1f8: {  	v5 =	vld.idx.msk [tilespmem:v7+s11+$0x0], $0xffff;
	[tilespmem:s7+$0xFFFFFFF0] =	vst v16  }
0x1f9: {  	s10 =	sadd.s32 $0x80, s10;
	v7 =	vld.idx.msk [tilespmem:v9+s11+$0x0], $0xffff;
	[tilespmem:s7+$0x0] =	vst v17  }
0x1fa: {  	v9 =	vld.idx.msk [tilespmem:v10+s11+$0x0], $0xffff;
	[tilespmem:s10+$0x30] =	vst v12  }
0x1fb: {  	s22 =	sadd.s32 $0x400, s22;
	s23 =	sadd.s32 $0x10, s23;
	v10 =	vld.idx.msk [tilespmem:v11+s11+$0x0], $0xffff;
	[tilespmem:s7+$0x10] =	vst v13  }
0x1fc: {  	_ =	sdelay $0x2  }
0x1fd: {  	[tilespmem:s7+$0x20] =	vst v8  }
0x1fe: {  	v4 =	vld.idx.msk [tilespmem:v4+s11+$0x0], $0xffff;
	[tilespmem:s10+$0xFFFFFFC0] =	vst v6  }
0x1ff: {  	v3 =	vld.idx.msk [tilespmem:v3+s11+$0x0], $0xffff;
	[tilespmem:s10+$0xFFFFFFD0] =	vst v5  }
0x200: {  	[tilespmem:s10+$0xFFFFFFE0] =	vst v7  }
0x201: {  	[tilespmem:s10+$0xFFFFFFF0] =	vst v9  }
0x202: {  	[tilespmem:s10+$0x0] =	vst v10  }
0x203: {  	[tilespmem:s10+$0x10] =	vst v4  }
0x204: {  	[tilespmem:s10+$0x20] =	vst v3  }
0x205: {  	s7 =	rddreg [dreg:$0x1c]  }
0x206: {  	s3 =	simm.s32 $0x0;
	s25 =	simm.s32 $0x3800;
	s15 =	rddreg [dreg:$0x1d]  }
0x207: {  	[tilespmem:s25], [sflag:$0x2] =	stream.linear.gather [hbm4b:s7+s3], $0x400, $0x38;
	[tilespmem:$0x17800] =	vst v63  }
0x208: {  	s22 =	simm.s32 $0x3C00;
	s23 =	rddreg [dreg:$0x1e]  }
0x209: {  	[tilespmem:s22], [sflag:$0x2] =	stream.linear.gather [hbm4b:s15+s3], $0x400, $0x38;
	[tilespmem:$0x17800] =	vst v63  }
0x20a: {  	s24 =	simm.s32 $0x4000;
	s10 =	sld [smem:$0x789]  }
0x20b: {  	[tilespmem:s24], [sflag:$0x2] =	stream.linear.gather [hbm4b:s23+s3], $0x400, $0x38;
	[tilespmem:$0x17800] =	vst v63  }
0x20c: {  	s25 =	rddreg [dreg:$0x1f]  }
0x20d: {  	[tilespmem:s30], [sflag:$0x2] =	stream.linear.gather [hbm4b:s25+s3], $0x400, $0x38;
	[tilespmem:$0x17800] =	vst v63  }
0x20e: {  	s15 =	sld [smem:$0x78A]  }
0x20f: {  	[tilespmem:s31], [sflag:$0x2] =	stream.linear.gather [hbm4b:s10+s3], $0x400, $0x38;
	[tilespmem:$0x17800] =	vst v63  }
0x210: {  	s22 =	sld [smem:$0x78B]  }
0x211: {  	[tilespmem:s0], [sflag:$0x2] =	stream.linear.gather [hbm4b:s15+s3], $0x400, $0x38;
	[tilespmem:$0x17800] =	vst v63  }
0x212: {  	s23 =	sld [smem:$0x78C]  }
0x213: {  	[tilespmem:s1], [sflag:$0x2] =	stream.linear.gather [hbm4b:s22+s3], $0x400, $0x38;
	[tilespmem:$0x17800] =	vst v63  }
0x214: {  	s24 =	sld [smem:$0x7E1]  }
0x215: {  	[tilespmem:s2], [sflag:$0x2] =	stream.linear.gather [hbm4b:s23+s3], $0x400, $0x38;
	[tilespmem:$0x17800] =	vst v63  }
0x216: {  	s25 =	simm.s32 $0xB800;
	s15 =	sld [smem:$0x7E0]  }
0x217: {  	[hbm4b:s24+s3] =	stream.linear.scatter [tilespmem:s25], [sflag:$0x4], $0x2000, $0x38;
	[tilespmem:$0x17800] =	vst v63  }
0x218: {  	s22 =	simm.s32 $0xD800;
	s23 =	sld [smem:$0x7E2]  }
0x219: {  	[hbm4b:s15+s3] =	stream.linear.scatter [tilespmem:s22], [sflag:$0x4], $0x2000, $0x38;
	[tilespmem:$0x17800] =	vst v63  }
0x21a: {  	s24 =	simm.s32 $0xF800  }
0x21b: {  	[hbm4b:s23+s3] =	stream.linear.scatter [tilespmem:s24], [sflag:$0x4], $0x2000, $0x38;
	[tilespmem:$0x17800] =	vst v63  }
0x21c: {  	_ =	swait.ge [sflag:s6], $0x400  }
0x21d: {  	[sflag:s6] =	ssyncset.done $0x0  }
0x21e: {  	[sflag:s6] =	ssyncadd.s32 $0xFFFFFC00  }
0x21f: {  	_ =	swait.ge [sflag:s6], $0x400  }
0x220: {  	[sflag:s6] =	ssyncset.done $0x0  }
0x221: {  	[sflag:s6] =	ssyncadd.s32 $0xFFFFFC00  }
0x222: {  	_ =	swait.ge [sflag:s6], $0x400  }
0x223: {  	[sflag:s6] =	ssyncset.done $0x0  }
0x224: {  	[sflag:s6] =	ssyncadd.s32 $0xFFFFFC00  }
0x225: {  	_ =	swait.ge [sflag:s6], $0x400  }
0x226: {  	[sflag:s6] =	ssyncset.done $0x0  }
0x227: {  	[sflag:s6] =	ssyncadd.s32 $0xFFFFFC00  }
0x228: {  	_ =	swait.ge [sflag:s6], $0x400  }
0x229: {  	[sflag:s6] =	ssyncset.done $0x0  }
0x22a: {  	[sflag:s6] =	ssyncadd.s32 $0xFFFFFC00  }
0x22b: {  	_ =	swait.ge [sflag:s6], $0x400  }
0x22c: {  	[sflag:s6] =	ssyncset.done $0x0  }
0x22d: {  	[sflag:s6] =	ssyncadd.s32 $0xFFFFFC00  }
0x22e: {  	_ =	swait.ge [sflag:s6], $0x400  }
0x22f: {  	[sflag:s6] =	ssyncset.done $0x0  }
0x230: {  	[sflag:s6] =	ssyncadd.s32 $0xFFFFFC00  }
0x231: {  	_ =	swait.ge [sflag:s6], $0x400  }
0x232: {  	s25 =	sand.u32 $0x1C00, s3;
	s3 =	sand.u32 $0x380, s3;
	[sflag:s6] =	ssyncset.done $0x0  }
0x233: {  	s3 =	sor.u32 s3, s25;
	[sflag:s6] =	ssyncadd.s32 $0xFFFFFC00  }
0x234: {  	v5 =	vld [tilespmem:s3+$0x1870]  }
0x235: {  	v6 =	vld [tilespmem:s3+$0x1800]  }
0x236: {  	v7 =	vld [tilespmem:s3+$0x1810]  }
0x237: {  	v9 =	vld [tilespmem:s3+$0x1820]  }
0x238: {  	v10 =	vld [tilespmem:s3+$0x1830]  }
0x239: {  	v11 =	vld [tilespmem:s3+$0x1840]  }
0x23a: {  	v4 =	vld [tilespmem:s3+$0x1850]  }
0x23b: {  	v3 =	vld [tilespmem:s3+$0x1860]  }
0x23c: {  	v8 =	vld.idx.msk [tilespmem:v5+s5+$0x0], $0xffff  }
0x23d: {  	v12 =	vld.idx.msk [tilespmem:v6+s5+$0x0], $0xffff  }
0x23e: {  	v13 =	vld.idx.msk [tilespmem:v7+s5+$0x0], $0xffff  }
0x23f: {  	v14 =	vld.idx.msk [tilespmem:v9+s5+$0x0], $0xffff  }
0x240: {  	v15 =	vld.idx.msk [tilespmem:v10+s5+$0x0], $0xffff  }
0x241: {  	s3 =	simm.s32 $0x11840;
	v16 =	vld.idx.msk [tilespmem:v11+s5+$0x0], $0xffff  }
0x242: {  	v17 =	vld.idx.msk [tilespmem:v4+s5+$0x0], $0xffff;
	[tilespmem:s3+$0x30] =	vst v8  }
0x243: {  	v56 =	vld.idx.msk [tilespmem:v3+s5+$0x0], $0xffff;
	[tilespmem:s3+$0xFFFFFFC0] =	vst v12  }
0x244: {  	[tilespmem:s3+$0xFFFFFFD0] =	vst v13;
	v8 =	vld.idx.msk [tilespmem:v5+s8+$0x0], $0xffff  }
0x245: {  	[tilespmem:s3+$0xFFFFFFE0] =	vst v14;
	v57 =	vld.idx.msk [tilespmem:v6+s8+$0x0], $0xffff  }
0x246: {  	[tilespmem:s3+$0xFFFFFFF0] =	vst v15;
	v58 =	vld.idx.msk [tilespmem:v7+s8+$0x0], $0xffff  }
0x247: {  	[tilespmem:s3+$0x0] =	vst v16;
	v59 =	vld.idx.msk [tilespmem:v9+s8+$0x0], $0xffff  }
0x248: {  	[tilespmem:s3+$0x10] =	vst v17;
	v60 =	vld.idx.msk [tilespmem:v10+s8+$0x0], $0xffff  }
0x249: {  	s7 =	simm.s32 $0x13840;
	[tilespmem:s3+$0x20] =	vst v56;
	v61 =	vld.idx.msk [tilespmem:v11+s8+$0x0], $0xffff  }
0x24a: {  	v63 =	vld.idx.msk [tilespmem:v4+s8+$0x0], $0xffff;
	[tilespmem:s7+$0x30] =	vst v8  }
0x24b: {  	[tilespmem:s7+$0xFFFFFFC0] =	vst v57;
	v8 =	vld.idx.msk [tilespmem:v3+s8+$0x0], $0xffff  }
0x24c: {  	[tilespmem:s7+$0xFFFFFFD0] =	vst v58;
	v62 =	vld.idx.msk [tilespmem:v5+s11+$0x0], $0xffff  }
0x24d: {  	[tilespmem:s7+$0xFFFFFFE0] =	vst v59;
	v6 =	vld.idx.msk [tilespmem:v6+s11+$0x0], $0xffff  }
0x24e: {  	[tilespmem:s7+$0xFFFFFFF0] =	vst v60;
	v5 =	vld.idx.msk [tilespmem:v7+s11+$0x0], $0xffff  }
0x24f: {  	[tilespmem:s7+$0x0] =	vst v61;
	v7 =	vld.idx.msk [tilespmem:v9+s11+$0x0], $0xffff  }
0x250: {  	s10 =	simm.s32 $0x15840;
	[tilespmem:s7+$0x10] =	vst v63;
	v9 =	vld.idx.msk [tilespmem:v10+s11+$0x0], $0xffff  }
0x251: {  	s15 =	simm.s32 $0x0;
	s22 =	simm.s32 $0x400;
	s23 =	simm.s32 $0x10;
	v10 =	vld.idx.msk [tilespmem:v11+s11+$0x0], $0xffff;
	[tilespmem:s10+$0x30] =	vst v62  }
.LBB2_10:
0x252: {  	s24 =	sand.u32 $0x1C00, s22;
	s25 =	sand.u32 $0x380, s23;
	s15 =	sadd.s32 $0x8, s15;
	v4 =	vld.idx.msk [tilespmem:v4+s11+$0x0], $0xffff;
	[tilespmem:s7+$0x20] =	vst v8  }
0x253: {  	s24 =	sor.u32 s25, s24;
	p0 =	slt.u32 s15, $0x1F8;
	[tilespmem:s10+$0xFFFFFFC0] =	vst v6;
	v3 =	vld.idx.msk [tilespmem:v3+s11+$0x0], $0xffff  }
0x254: {  	v6 =	vld [tilespmem:s24+$0x1870];
	[tilespmem:s10+$0xFFFFFFD0] =	vst v5  }
0x255: {  	v5 =	vld [tilespmem:s24+$0x1800];
	[tilespmem:s10+$0xFFFFFFE0] =	vst v7  }
0x256: {  	v7 =	vld [tilespmem:s24+$0x1810];
	[tilespmem:s10+$0xFFFFFFF0] =	vst v9  }
0x257: {  	v9 =	vld [tilespmem:s24+$0x1820];
	[tilespmem:s10+$0x0] =	vst v10  }
0x258: {  	v10 =	vld [tilespmem:s24+$0x1830];
	[tilespmem:s10+$0x10] =	vst v4  }
0x259: {  	v11 =	vld [tilespmem:s24+$0x1840];
	[tilespmem:s10+$0x20] =	vst v3  }
0x25a: {  	v4 =	vld [tilespmem:s24+$0x1850]  }
0x25b: {  	v3 =	vld [tilespmem:s24+$0x1860]  }
0x25c: {  	v8 =	vld.idx.msk [tilespmem:v6+s5+$0x0], $0xffff  }
0x25d: {  	v12 =	vld.idx.msk [tilespmem:v5+s5+$0x0], $0xffff  }
0x25e: {  	v13 =	vld.idx.msk [tilespmem:v7+s5+$0x0], $0xffff  }
0x25f: {  	v14 =	vld.idx.msk [tilespmem:v9+s5+$0x0], $0xffff  }
0x260: {  	v15 =	vld.idx.msk [tilespmem:v10+s5+$0x0], $0xffff  }
0x261: {  	s3 =	sadd.s32 $0x80, s3;
	v16 =	vld.idx.msk [tilespmem:v11+s5+$0x0], $0xffff  }
0x262: {  	v17 =	vld.idx.msk [tilespmem:v4+s5+$0x0], $0xffff;
	[tilespmem:s3+$0x30] =	vst v8  }
0x263: {  	[tilespmem:s3+$0xFFFFFFC0] =	vst v12;
	v8 =	vld.idx.msk [tilespmem:v6+s8+$0x0], $0xffff  }
0x264: {  	[tilespmem:s3+$0xFFFFFFD0] =	vst v13;
	v12 =	vld.idx.msk [tilespmem:v3+s5+$0x0], $0xffff  }
0x265: {  	v13 =	vld.idx.msk [tilespmem:v5+s8+$0x0], $0xffff;
	[tilespmem:s3+$0xFFFFFFE0] =	vst v14  }
0x266: {  	v14 =	vld.idx.msk [tilespmem:v7+s8+$0x0], $0xffff;
	[tilespmem:s3+$0xFFFFFFF0] =	vst v15  }
0x267: {  	v15 =	vld.idx.msk [tilespmem:v9+s8+$0x0], $0xffff;
	[tilespmem:s3+$0x0] =	vst v16  }
0x268: {  	s7 =	sadd.s32 $0x80, s7;
	v16 =	vld.idx.msk [tilespmem:v10+s8+$0x0], $0xffff;
	[tilespmem:s3+$0x10] =	vst v17  }
0x269: {  	v17 =	vld.idx.msk [tilespmem:v11+s8+$0x0], $0xffff;
	[tilespmem:s7+$0x30] =	vst v8  }
0x26a: {  	[tilespmem:s3+$0x20] =	vst v12;
	v12 =	vld.idx.msk [tilespmem:v6+s11+$0x0], $0xffff  }
0x26b: {  	[tilespmem:s7+$0xFFFFFFC0] =	vst v13;
	v13 =	vld.idx.msk [tilespmem:v4+s8+$0x0], $0xffff  }
0x26c: {  	[tilespmem:s7+$0xFFFFFFD0] =	vst v14;
	v8 =	vld.idx.msk [tilespmem:v3+s8+$0x0], $0xffff  }
.Ltmp4:
0x26d: {  	v6 =	vld.idx.msk [tilespmem:v5+s11+$0x0], $0xffff;
	[tilespmem:s7+$0xFFFFFFE0] =	vst v15;
	(pc) =	sbr.rel @p0 .LBB2_10-.Ltmp4, $4  }
0x26e: {  	v5 =	vld.idx.msk [tilespmem:v7+s11+$0x0], $0xffff;
	[tilespmem:s7+$0xFFFFFFF0] =	vst v16  }
0x26f: {  	s10 =	sadd.s32 $0x80, s10;
	v7 =	vld.idx.msk [tilespmem:v9+s11+$0x0], $0xffff;
	[tilespmem:s7+$0x0] =	vst v17  }
0x270: {  	v9 =	vld.idx.msk [tilespmem:v10+s11+$0x0], $0xffff;
	[tilespmem:s10+$0x30] =	vst v12  }
0x271: {  	s22 =	sadd.s32 $0x400, s22;
	s23 =	sadd.s32 $0x10, s23;
	v10 =	vld.idx.msk [tilespmem:v11+s11+$0x0], $0xffff;
	[tilespmem:s7+$0x10] =	vst v13  }
0x272: {  	_ =	sdelay $0x2  }
0x273: {  	[tilespmem:s7+$0x20] =	vst v8  }
0x274: {  	v4 =	vld.idx.msk [tilespmem:v4+s11+$0x0], $0xffff;
	[tilespmem:s10+$0xFFFFFFC0] =	vst v6  }
0x275: {  	v3 =	vld.idx.msk [tilespmem:v3+s11+$0x0], $0xffff;
	[tilespmem:s10+$0xFFFFFFD0] =	vst v5  }
0x276: {  	[tilespmem:s10+$0xFFFFFFE0] =	vst v7  }
0x277: {  	[tilespmem:s10+$0xFFFFFFF0] =	vst v9  }
0x278: {  	[tilespmem:s10+$0x0] =	vst v10  }
0x279: {  	[tilespmem:s10+$0x10] =	vst v4  }
0x27a: {  	[tilespmem:s10+$0x20] =	vst v3  }
0x27b: {  	s7 =	sld [smem:$0x78D];
	_ =	sdelay $0x1  }
0x27c: {  	s3 =	simm.s32 $0x0;
	s22 =	sld [smem:$0x78E]  }
0x27d: {  	[tilespmem:s9], [sflag:$0x1] =	stream.linear.gather [hbm4b:s7+s3], $0x400, $0x38;
	[tilespmem:$0x17800] =	vst v63  }
0x27e: {  	s23 =	sld [smem:$0x78F]  }
0x27f: {  	[tilespmem:s12], [sflag:$0x1] =	stream.linear.gather [hbm4b:s22+s3], $0x400, $0x38;
	[tilespmem:$0x17800] =	vst v63  }
0x280: {  	s24 =	sld [smem:$0x790]  }
0x281: {  	[tilespmem:s14], [sflag:$0x1] =	stream.linear.gather [hbm4b:s23+s3], $0x400, $0x38;
	[tilespmem:$0x17800] =	vst v63  }
0x282: {  	s25 =	sld [smem:$0x791]  }
0x283: {  	[tilespmem:s21], [sflag:$0x1] =	stream.linear.gather [hbm4b:s24+s3], $0x400, $0x38;
	[tilespmem:$0x17800] =	vst v63  }
0x284: {  	s10 =	sld [smem:$0x792]  }
0x285: {  	[tilespmem:s26], [sflag:$0x1] =	stream.linear.gather [hbm4b:s25+s3], $0x400, $0x38;
	[tilespmem:$0x17800] =	vst v63  }
0x286: {  	s15 =	sld [smem:$0x793]  }
0x287: {  	[tilespmem:s28], [sflag:$0x1] =	stream.linear.gather [hbm4b:s10+s3], $0x400, $0x38;
	[tilespmem:$0x17800] =	vst v63  }
0x288: {  	s22 =	sld [smem:$0x794]  }
0x289: {  	[tilespmem:s29], [sflag:$0x1] =	stream.linear.gather [hbm4b:s15+s3], $0x400, $0x38;
	[tilespmem:$0x17800] =	vst v63  }
0x28a: {  	s23 =	simm.s32 $0x3400;
	s24 =	sld [smem:$0x7E3]  }
0x28b: {  	[tilespmem:s23], [sflag:$0x1] =	stream.linear.gather [hbm4b:s22+s3], $0x400, $0x38;
	[tilespmem:$0x17800] =	vst v63  }
0x28c: {  	s25 =	simm.s32 $0x11800;
	s15 =	sld [smem:$0x7E4]  }
0x28d: {  	[hbm4b:s24+s3] =	stream.linear.scatter [tilespmem:s25], [sflag:$0x5], $0x2000, $0x38;
	[tilespmem:$0x17800] =	vst v63  }
0x28e: {  	s22 =	simm.s32 $0x13800;
	s23 =	sld [smem:$0x7CE]  }
0x28f: {  	[hbm4b:s15+s3] =	stream.linear.scatter [tilespmem:s22], [sflag:$0x5], $0x2000, $0x38;
	[tilespmem:$0x17800] =	vst v63  }
0x290: {  	s24 =	simm.s32 $0x15800  }
0x291: {  	[hbm4b:s23+s3] =	stream.linear.scatter [tilespmem:s24], [sflag:$0x5], $0x2000, $0x38;
	[tilespmem:$0x17800] =	vst v63  }
0x292: {  	_ =	swait.ge [sflag:s13], $0x400  }
0x293: {  	[sflag:s13] =	ssyncset.done $0x0  }
0x294: {  	[sflag:s13] =	ssyncadd.s32 $0xFFFFFC00  }
0x295: {  	_ =	swait.ge [sflag:s13], $0x400  }
0x296: {  	[sflag:s13] =	ssyncset.done $0x0  }
0x297: {  	[sflag:s13] =	ssyncadd.s32 $0xFFFFFC00  }
0x298: {  	_ =	swait.ge [sflag:s13], $0x400  }
0x299: {  	[sflag:s13] =	ssyncset.done $0x0  }
0x29a: {  	[sflag:s13] =	ssyncadd.s32 $0xFFFFFC00  }
0x29b: {  	_ =	swait.ge [sflag:s13], $0x400  }
0x29c: {  	[sflag:s13] =	ssyncset.done $0x0  }
0x29d: {  	[sflag:s13] =	ssyncadd.s32 $0xFFFFFC00  }
0x29e: {  	_ =	swait.ge [sflag:s13], $0x400  }
0x29f: {  	[sflag:s13] =	ssyncset.done $0x0  }
0x2a0: {  	[sflag:s13] =	ssyncadd.s32 $0xFFFFFC00  }
0x2a1: {  	_ =	swait.ge [sflag:s13], $0x400  }
0x2a2: {  	[sflag:s13] =	ssyncset.done $0x0  }
0x2a3: {  	[sflag:s13] =	ssyncadd.s32 $0xFFFFFC00  }
0x2a4: {  	_ =	swait.ge [sflag:s13], $0x400  }
0x2a5: {  	[sflag:s13] =	ssyncset.done $0x0  }
0x2a6: {  	[sflag:s13] =	ssyncadd.s32 $0xFFFFFC00  }
0x2a7: {  	_ =	swait.ge [sflag:s13], $0x400  }
0x2a8: {  	[sflag:s13] =	ssyncset.done $0x0  }
0x2a9: {  	[sflag:s13] =	ssyncadd.s32 $0xFFFFFC00  }
0x2aa: {  	_ =	swait.ge [sflag:s16], $0x2000  }
0x2ab: {  	[sflag:s16] =	ssyncset.done $0x0  }
0x2ac: {  	[sflag:s16] =	ssyncadd.s32 $0xFFFFE000  }
0x2ad: {  	_ =	swait.ge [sflag:s16], $0x2000  }
0x2ae: {  	[sflag:s16] =	ssyncset.done $0x0  }
0x2af: {  	[sflag:s16] =	ssyncadd.s32 $0xFFFFE000  }
0x2b0: {  	_ =	swait.ge [sflag:s16], $0x2000  }
0x2b1: {  	s25 =	sand.u32 $0x1C00, s3;
	s3 =	sand.u32 $0x380, s3;
	[sflag:s16] =	ssyncset.done $0x0  }
0x2b2: {  	s3 =	sor.u32 s3, s25;
	[sflag:s16] =	ssyncadd.s32 $0xFFFFE000  }
0x2b3: {  	v5 =	vld [tilespmem:s3+$0x3870]  }
0x2b4: {  	v6 =	vld [tilespmem:s3+$0x3800]  }
0x2b5: {  	v7 =	vld [tilespmem:s3+$0x3810]  }
0x2b6: {  	v9 =	vld [tilespmem:s3+$0x3820]  }
0x2b7: {  	v10 =	vld [tilespmem:s3+$0x3830]  }
0x2b8: {  	v11 =	vld [tilespmem:s3+$0x3840]  }
0x2b9: {  	v4 =	vld [tilespmem:s3+$0x3850]  }
0x2ba: {  	v3 =	vld [tilespmem:s3+$0x3860]  }
0x2bb: {  	v8 =	vld.idx.msk [tilespmem:v5+s5+$0x0], $0xffff  }
0x2bc: {  	v12 =	vld.idx.msk [tilespmem:v6+s5+$0x0], $0xffff  }
0x2bd: {  	v13 =	vld.idx.msk [tilespmem:v7+s5+$0x0], $0xffff  }
0x2be: {  	v14 =	vld.idx.msk [tilespmem:v9+s5+$0x0], $0xffff  }
0x2bf: {  	v15 =	vld.idx.msk [tilespmem:v10+s5+$0x0], $0xffff  }
0x2c0: {  	s3 =	simm.s32 $0x5840;
	v16 =	vld.idx.msk [tilespmem:v11+s5+$0x0], $0xffff  }
0x2c1: {  	v17 =	vld.idx.msk [tilespmem:v4+s5+$0x0], $0xffff;
	[tilespmem:s3+$0x30] =	vst v8  }
0x2c2: {  	v56 =	vld.idx.msk [tilespmem:v3+s5+$0x0], $0xffff;
	[tilespmem:s3+$0xFFFFFFC0] =	vst v12  }
0x2c3: {  	[tilespmem:s3+$0xFFFFFFD0] =	vst v13;
	v8 =	vld.idx.msk [tilespmem:v5+s8+$0x0], $0xffff  }
0x2c4: {  	[tilespmem:s3+$0xFFFFFFE0] =	vst v14;
	v57 =	vld.idx.msk [tilespmem:v6+s8+$0x0], $0xffff  }
0x2c5: {  	[tilespmem:s3+$0xFFFFFFF0] =	vst v15;
	v58 =	vld.idx.msk [tilespmem:v7+s8+$0x0], $0xffff  }
0x2c6: {  	[tilespmem:s3+$0x0] =	vst v16;
	v59 =	vld.idx.msk [tilespmem:v9+s8+$0x0], $0xffff  }
0x2c7: {  	[tilespmem:s3+$0x10] =	vst v17;
	v60 =	vld.idx.msk [tilespmem:v10+s8+$0x0], $0xffff  }
0x2c8: {  	s7 =	simm.s32 $0x7840;
	[tilespmem:s3+$0x20] =	vst v56;
	v61 =	vld.idx.msk [tilespmem:v11+s8+$0x0], $0xffff  }
0x2c9: {  	v63 =	vld.idx.msk [tilespmem:v4+s8+$0x0], $0xffff;
	[tilespmem:s7+$0x30] =	vst v8  }
0x2ca: {  	[tilespmem:s7+$0xFFFFFFC0] =	vst v57;
	v8 =	vld.idx.msk [tilespmem:v3+s8+$0x0], $0xffff  }
0x2cb: {  	[tilespmem:s7+$0xFFFFFFD0] =	vst v58;
	v62 =	vld.idx.msk [tilespmem:v5+s11+$0x0], $0xffff  }
0x2cc: {  	[tilespmem:s7+$0xFFFFFFE0] =	vst v59;
	v6 =	vld.idx.msk [tilespmem:v6+s11+$0x0], $0xffff  }
0x2cd: {  	[tilespmem:s7+$0xFFFFFFF0] =	vst v60;
	v5 =	vld.idx.msk [tilespmem:v7+s11+$0x0], $0xffff  }
0x2ce: {  	[tilespmem:s7+$0x0] =	vst v61;
	v7 =	vld.idx.msk [tilespmem:v9+s11+$0x0], $0xffff  }
0x2cf: {  	s10 =	simm.s32 $0x9840;
	[tilespmem:s7+$0x10] =	vst v63;
	v9 =	vld.idx.msk [tilespmem:v10+s11+$0x0], $0xffff  }
0x2d0: {  	s15 =	simm.s32 $0x0;
	s22 =	simm.s32 $0x400;
	s23 =	simm.s32 $0x10;
	v10 =	vld.idx.msk [tilespmem:v11+s11+$0x0], $0xffff;
	[tilespmem:s10+$0x30] =	vst v62  }
.LBB2_12:
0x2d1: {  	s24 =	sand.u32 $0x1C00, s22;
	s25 =	sand.u32 $0x380, s23;
	s15 =	sadd.s32 $0x8, s15;
	v4 =	vld.idx.msk [tilespmem:v4+s11+$0x0], $0xffff;
	[tilespmem:s7+$0x20] =	vst v8  }
0x2d2: {  	s24 =	sor.u32 s25, s24;
	p0 =	slt.u32 s15, $0x1F8;
	[tilespmem:s10+$0xFFFFFFC0] =	vst v6;
	v3 =	vld.idx.msk [tilespmem:v3+s11+$0x0], $0xffff  }
0x2d3: {  	v6 =	vld [tilespmem:s24+$0x3870];
	[tilespmem:s10+$0xFFFFFFD0] =	vst v5  }
0x2d4: {  	v5 =	vld [tilespmem:s24+$0x3800];
	[tilespmem:s10+$0xFFFFFFE0] =	vst v7  }
0x2d5: {  	v7 =	vld [tilespmem:s24+$0x3810];
	[tilespmem:s10+$0xFFFFFFF0] =	vst v9  }
0x2d6: {  	v9 =	vld [tilespmem:s24+$0x3820];
	[tilespmem:s10+$0x0] =	vst v10  }
0x2d7: {  	v10 =	vld [tilespmem:s24+$0x3830];
	[tilespmem:s10+$0x10] =	vst v4  }
0x2d8: {  	v11 =	vld [tilespmem:s24+$0x3840];
	[tilespmem:s10+$0x20] =	vst v3  }
0x2d9: {  	v4 =	vld [tilespmem:s24+$0x3850]  }
0x2da: {  	v3 =	vld [tilespmem:s24+$0x3860]  }
0x2db: {  	v8 =	vld.idx.msk [tilespmem:v6+s5+$0x0], $0xffff  }
0x2dc: {  	v12 =	vld.idx.msk [tilespmem:v5+s5+$0x0], $0xffff  }
0x2dd: {  	v13 =	vld.idx.msk [tilespmem:v7+s5+$0x0], $0xffff  }
0x2de: {  	v14 =	vld.idx.msk [tilespmem:v9+s5+$0x0], $0xffff  }
0x2df: {  	v15 =	vld.idx.msk [tilespmem:v10+s5+$0x0], $0xffff  }
0x2e0: {  	s3 =	sadd.s32 $0x80, s3;
	v16 =	vld.idx.msk [tilespmem:v11+s5+$0x0], $0xffff  }
0x2e1: {  	v17 =	vld.idx.msk [tilespmem:v4+s5+$0x0], $0xffff;
	[tilespmem:s3+$0x30] =	vst v8  }
0x2e2: {  	[tilespmem:s3+$0xFFFFFFC0] =	vst v12;
	v8 =	vld.idx.msk [tilespmem:v6+s8+$0x0], $0xffff  }
0x2e3: {  	[tilespmem:s3+$0xFFFFFFD0] =	vst v13;
	v12 =	vld.idx.msk [tilespmem:v3+s5+$0x0], $0xffff  }
0x2e4: {  	v13 =	vld.idx.msk [tilespmem:v5+s8+$0x0], $0xffff;
	[tilespmem:s3+$0xFFFFFFE0] =	vst v14  }
0x2e5: {  	v14 =	vld.idx.msk [tilespmem:v7+s8+$0x0], $0xffff;
	[tilespmem:s3+$0xFFFFFFF0] =	vst v15  }
0x2e6: {  	v15 =	vld.idx.msk [tilespmem:v9+s8+$0x0], $0xffff;
	[tilespmem:s3+$0x0] =	vst v16  }
0x2e7: {  	s7 =	sadd.s32 $0x80, s7;
	v16 =	vld.idx.msk [tilespmem:v10+s8+$0x0], $0xffff;
	[tilespmem:s3+$0x10] =	vst v17  }
0x2e8: {  	v17 =	vld.idx.msk [tilespmem:v11+s8+$0x0], $0xffff;
	[tilespmem:s7+$0x30] =	vst v8  }
0x2e9: {  	[tilespmem:s3+$0x20] =	vst v12;
	v12 =	vld.idx.msk [tilespmem:v6+s11+$0x0], $0xffff  }
0x2ea: {  	[tilespmem:s7+$0xFFFFFFC0] =	vst v13;
	v13 =	vld.idx.msk [tilespmem:v4+s8+$0x0], $0xffff  }
0x2eb: {  	[tilespmem:s7+$0xFFFFFFD0] =	vst v14;
	v8 =	vld.idx.msk [tilespmem:v3+s8+$0x0], $0xffff  }
.Ltmp5:
0x2ec: {  	v6 =	vld.idx.msk [tilespmem:v5+s11+$0x0], $0xffff;
	[tilespmem:s7+$0xFFFFFFE0] =	vst v15;
	(pc) =	sbr.rel @p0 .LBB2_12-.Ltmp5, $4  }
0x2ed: {  	v5 =	vld.idx.msk [tilespmem:v7+s11+$0x0], $0xffff;
	[tilespmem:s7+$0xFFFFFFF0] =	vst v16  }
0x2ee: {  	s10 =	sadd.s32 $0x80, s10;
	v7 =	vld.idx.msk [tilespmem:v9+s11+$0x0], $0xffff;
	[tilespmem:s7+$0x0] =	vst v17  }
0x2ef: {  	v9 =	vld.idx.msk [tilespmem:v10+s11+$0x0], $0xffff;
	[tilespmem:s10+$0x30] =	vst v12  }
0x2f0: {  	s22 =	sadd.s32 $0x400, s22;
	s23 =	sadd.s32 $0x10, s23;
	v10 =	vld.idx.msk [tilespmem:v11+s11+$0x0], $0xffff;
	[tilespmem:s7+$0x10] =	vst v13  }
0x2f1: {  	_ =	sdelay $0x2  }
0x2f2: {  	[tilespmem:s7+$0x20] =	vst v8  }
0x2f3: {  	v4 =	vld.idx.msk [tilespmem:v4+s11+$0x0], $0xffff;
	[tilespmem:s10+$0xFFFFFFC0] =	vst v6  }
0x2f4: {  	v3 =	vld.idx.msk [tilespmem:v3+s11+$0x0], $0xffff;
	[tilespmem:s10+$0xFFFFFFD0] =	vst v5  }
0x2f5: {  	[tilespmem:s10+$0xFFFFFFE0] =	vst v7  }
0x2f6: {  	[tilespmem:s10+$0xFFFFFFF0] =	vst v9  }
0x2f7: {  	[tilespmem:s10+$0x0] =	vst v10  }
0x2f8: {  	[tilespmem:s10+$0x10] =	vst v4  }
0x2f9: {  	[tilespmem:s10+$0x20] =	vst v3  }
0x2fa: {  	s7 =	sld [smem:$0x795];
	_ =	sdelay $0x1  }
0x2fb: {  	s3 =	simm.s32 $0x0;
	s25 =	simm.s32 $0x3800;
	s15 =	sld [smem:$0x796]  }
0x2fc: {  	[tilespmem:s25], [sflag:$0x2] =	stream.linear.gather [hbm4b:s7+s3], $0x400, $0x38;
	[tilespmem:$0x17800] =	vst v63  }
0x2fd: {  	s22 =	simm.s32 $0x3C00;
	s23 =	sld [smem:$0x797]  }
0x2fe: {  	[tilespmem:s22], [sflag:$0x2] =	stream.linear.gather [hbm4b:s15+s3], $0x400, $0x38;
	[tilespmem:$0x17800] =	vst v63  }
0x2ff: {  	s24 =	simm.s32 $0x4000;
	s25 =	sld [smem:$0x798]  }
0x300: {  	[tilespmem:s24], [sflag:$0x2] =	stream.linear.gather [hbm4b:s23+s3], $0x400, $0x38;
	[tilespmem:$0x17800] =	vst v63  }
0x301: {  	s10 =	sld [smem:$0x799]  }
0x302: {  	[tilespmem:s30], [sflag:$0x2] =	stream.linear.gather [hbm4b:s25+s3], $0x400, $0x38;
	[tilespmem:$0x17800] =	vst v63  }
0x303: {  	s15 =	sld [smem:$0x79A]  }
0x304: {  	[tilespmem:s31], [sflag:$0x2] =	stream.linear.gather [hbm4b:s10+s3], $0x400, $0x38;
	[tilespmem:$0x17800] =	vst v63  }
0x305: {  	s22 =	sld [smem:$0x79B]  }
0x306: {  	[tilespmem:s0], [sflag:$0x2] =	stream.linear.gather [hbm4b:s15+s3], $0x400, $0x38;
	[tilespmem:$0x17800] =	vst v63  }
0x307: {  	s23 =	sld [smem:$0x79C]  }
0x308: {  	[tilespmem:s1], [sflag:$0x2] =	stream.linear.gather [hbm4b:s22+s3], $0x400, $0x38;
	[tilespmem:$0x17800] =	vst v63  }
0x309: {  	s24 =	sld [smem:$0x7E6]  }
0x30a: {  	[tilespmem:s2], [sflag:$0x2] =	stream.linear.gather [hbm4b:s23+s3], $0x400, $0x38;
	[tilespmem:$0x17800] =	vst v63  }
0x30b: {  	s25 =	simm.s32 $0x5800;
	s15 =	sld [smem:$0x7E5]  }
0x30c: {  	[hbm4b:s24+s3] =	stream.linear.scatter [tilespmem:s25], [sflag:$0x3], $0x2000, $0x38;
	[tilespmem:$0x17800] =	vst v63  }
0x30d: {  	s22 =	simm.s32 $0x7800;
	s23 =	sld [smem:$0x7E7]  }
0x30e: {  	[hbm4b:s15+s3] =	stream.linear.scatter [tilespmem:s22], [sflag:$0x3], $0x2000, $0x38;
	[tilespmem:$0x17800] =	vst v63  }
0x30f: {  	s24 =	simm.s32 $0x9800  }
0x310: {  	[hbm4b:s23+s3] =	stream.linear.scatter [tilespmem:s24], [sflag:$0x3], $0x2000, $0x38;
	[tilespmem:$0x17800] =	vst v63  }
0x311: {  	_ =	swait.ge [sflag:s6], $0x400  }
0x312: {  	[sflag:s6] =	ssyncset.done $0x0  }
0x313: {  	[sflag:s6] =	ssyncadd.s32 $0xFFFFFC00  }
0x314: {  	_ =	swait.ge [sflag:s6], $0x400  }
0x315: {  	[sflag:s6] =	ssyncset.done $0x0  }
0x316: {  	[sflag:s6] =	ssyncadd.s32 $0xFFFFFC00  }
0x317: {  	_ =	swait.ge [sflag:s6], $0x400  }
0x318: {  	[sflag:s6] =	ssyncset.done $0x0  }
0x319: {  	[sflag:s6] =	ssyncadd.s32 $0xFFFFFC00  }
0x31a: {  	_ =	swait.ge [sflag:s6], $0x400  }
0x31b: {  	[sflag:s6] =	ssyncset.done $0x0  }
0x31c: {  	[sflag:s6] =	ssyncadd.s32 $0xFFFFFC00  }
0x31d: {  	_ =	swait.ge [sflag:s6], $0x400  }
0x31e: {  	[sflag:s6] =	ssyncset.done $0x0  }
0x31f: {  	[sflag:s6] =	ssyncadd.s32 $0xFFFFFC00  }
0x320: {  	_ =	swait.ge [sflag:s6], $0x400  }
0x321: {  	[sflag:s6] =	ssyncset.done $0x0  }
0x322: {  	[sflag:s6] =	ssyncadd.s32 $0xFFFFFC00  }
0x323: {  	_ =	swait.ge [sflag:s6], $0x400  }
0x324: {  	[sflag:s6] =	ssyncset.done $0x0  }
0x325: {  	[sflag:s6] =	ssyncadd.s32 $0xFFFFFC00  }
0x326: {  	_ =	swait.ge [sflag:s6], $0x400  }
0x327: {  	[sflag:s6] =	ssyncset.done $0x0  }
0x328: {  	[sflag:s6] =	ssyncadd.s32 $0xFFFFFC00  }
0x329: {  	_ =	swait.ge [sflag:s17], $0x2000  }
0x32a: {  	[sflag:s17] =	ssyncset.done $0x0  }
0x32b: {  	[sflag:s17] =	ssyncadd.s32 $0xFFFFE000  }
0x32c: {  	_ =	swait.ge [sflag:s17], $0x2000  }
0x32d: {  	[sflag:s17] =	ssyncset.done $0x0  }
0x32e: {  	[sflag:s17] =	ssyncadd.s32 $0xFFFFE000  }
0x32f: {  	_ =	swait.ge [sflag:s17], $0x2000  }
0x330: {  	s25 =	sand.u32 $0x1C00, s3;
	s3 =	sand.u32 $0x380, s3;
	[sflag:s17] =	ssyncset.done $0x0  }
0x331: {  	s3 =	sor.u32 s3, s25;
	[sflag:s17] =	ssyncadd.s32 $0xFFFFE000  }
0x332: {  	v5 =	vld [tilespmem:s3+$0x1870]  }
0x333: {  	v6 =	vld [tilespmem:s3+$0x1800]  }
0x334: {  	v7 =	vld [tilespmem:s3+$0x1810]  }
0x335: {  	v9 =	vld [tilespmem:s3+$0x1820]  }
0x336: {  	v10 =	vld [tilespmem:s3+$0x1830]  }
0x337: {  	v11 =	vld [tilespmem:s3+$0x1840]  }
0x338: {  	v4 =	vld [tilespmem:s3+$0x1850]  }
0x339: {  	v3 =	vld [tilespmem:s3+$0x1860]  }
0x33a: {  	v8 =	vld.idx.msk [tilespmem:v5+s5+$0x0], $0xffff  }
0x33b: {  	v12 =	vld.idx.msk [tilespmem:v6+s5+$0x0], $0xffff  }
0x33c: {  	v13 =	vld.idx.msk [tilespmem:v7+s5+$0x0], $0xffff  }
0x33d: {  	v14 =	vld.idx.msk [tilespmem:v9+s5+$0x0], $0xffff  }
0x33e: {  	v15 =	vld.idx.msk [tilespmem:v10+s5+$0x0], $0xffff  }
0x33f: {  	s3 =	simm.s32 $0xB840;
	v16 =	vld.idx.msk [tilespmem:v11+s5+$0x0], $0xffff  }
0x340: {  	v17 =	vld.idx.msk [tilespmem:v4+s5+$0x0], $0xffff;
	[tilespmem:s3+$0x30] =	vst v8  }
0x341: {  	v56 =	vld.idx.msk [tilespmem:v3+s5+$0x0], $0xffff;
	[tilespmem:s3+$0xFFFFFFC0] =	vst v12  }
0x342: {  	[tilespmem:s3+$0xFFFFFFD0] =	vst v13;
	v8 =	vld.idx.msk [tilespmem:v5+s8+$0x0], $0xffff  }
0x343: {  	[tilespmem:s3+$0xFFFFFFE0] =	vst v14;
	v57 =	vld.idx.msk [tilespmem:v6+s8+$0x0], $0xffff  }
0x344: {  	[tilespmem:s3+$0xFFFFFFF0] =	vst v15;
	v58 =	vld.idx.msk [tilespmem:v7+s8+$0x0], $0xffff  }
0x345: {  	[tilespmem:s3+$0x0] =	vst v16;
	v59 =	vld.idx.msk [tilespmem:v9+s8+$0x0], $0xffff  }
0x346: {  	[tilespmem:s3+$0x10] =	vst v17;
	v60 =	vld.idx.msk [tilespmem:v10+s8+$0x0], $0xffff  }
0x347: {  	s7 =	simm.s32 $0xD840;
	[tilespmem:s3+$0x20] =	vst v56;
	v61 =	vld.idx.msk [tilespmem:v11+s8+$0x0], $0xffff  }
0x348: {  	v63 =	vld.idx.msk [tilespmem:v4+s8+$0x0], $0xffff;
	[tilespmem:s7+$0x30] =	vst v8  }
0x349: {  	[tilespmem:s7+$0xFFFFFFC0] =	vst v57;
	v8 =	vld.idx.msk [tilespmem:v3+s8+$0x0], $0xffff  }
0x34a: {  	[tilespmem:s7+$0xFFFFFFD0] =	vst v58;
	v62 =	vld.idx.msk [tilespmem:v5+s11+$0x0], $0xffff  }
0x34b: {  	[tilespmem:s7+$0xFFFFFFE0] =	vst v59;
	v6 =	vld.idx.msk [tilespmem:v6+s11+$0x0], $0xffff  }
0x34c: {  	[tilespmem:s7+$0xFFFFFFF0] =	vst v60;
	v5 =	vld.idx.msk [tilespmem:v7+s11+$0x0], $0xffff  }
0x34d: {  	[tilespmem:s7+$0x0] =	vst v61;
	v7 =	vld.idx.msk [tilespmem:v9+s11+$0x0], $0xffff  }
0x34e: {  	s10 =	simm.s32 $0xF840;
	[tilespmem:s7+$0x10] =	vst v63;
	v9 =	vld.idx.msk [tilespmem:v10+s11+$0x0], $0xffff  }
0x34f: {  	s15 =	simm.s32 $0x0;
	s22 =	simm.s32 $0x400;
	s23 =	simm.s32 $0x10;
	v10 =	vld.idx.msk [tilespmem:v11+s11+$0x0], $0xffff;
	[tilespmem:s10+$0x30] =	vst v62  }
.LBB2_14:
0x350: {  	s24 =	sand.u32 $0x1C00, s22;
	s25 =	sand.u32 $0x380, s23;
	s15 =	sadd.s32 $0x8, s15;
	v4 =	vld.idx.msk [tilespmem:v4+s11+$0x0], $0xffff;
	[tilespmem:s7+$0x20] =	vst v8  }
0x351: {  	s24 =	sor.u32 s25, s24;
	p0 =	slt.u32 s15, $0x1F8;
	[tilespmem:s10+$0xFFFFFFC0] =	vst v6;
	v3 =	vld.idx.msk [tilespmem:v3+s11+$0x0], $0xffff  }
0x352: {  	v6 =	vld [tilespmem:s24+$0x1870];
	[tilespmem:s10+$0xFFFFFFD0] =	vst v5  }
0x353: {  	v5 =	vld [tilespmem:s24+$0x1800];
	[tilespmem:s10+$0xFFFFFFE0] =	vst v7  }
0x354: {  	v7 =	vld [tilespmem:s24+$0x1810];
	[tilespmem:s10+$0xFFFFFFF0] =	vst v9  }
0x355: {  	v9 =	vld [tilespmem:s24+$0x1820];
	[tilespmem:s10+$0x0] =	vst v10  }
0x356: {  	v10 =	vld [tilespmem:s24+$0x1830];
	[tilespmem:s10+$0x10] =	vst v4  }
0x357: {  	v11 =	vld [tilespmem:s24+$0x1840];
	[tilespmem:s10+$0x20] =	vst v3  }
0x358: {  	v4 =	vld [tilespmem:s24+$0x1850]  }
0x359: {  	v3 =	vld [tilespmem:s24+$0x1860]  }
0x35a: {  	v8 =	vld.idx.msk [tilespmem:v6+s5+$0x0], $0xffff  }
0x35b: {  	v12 =	vld.idx.msk [tilespmem:v5+s5+$0x0], $0xffff  }
0x35c: {  	v13 =	vld.idx.msk [tilespmem:v7+s5+$0x0], $0xffff  }
0x35d: {  	v14 =	vld.idx.msk [tilespmem:v9+s5+$0x0], $0xffff  }
0x35e: {  	v15 =	vld.idx.msk [tilespmem:v10+s5+$0x0], $0xffff  }
0x35f: {  	s3 =	sadd.s32 $0x80, s3;
	v16 =	vld.idx.msk [tilespmem:v11+s5+$0x0], $0xffff  }
0x360: {  	v17 =	vld.idx.msk [tilespmem:v4+s5+$0x0], $0xffff;
	[tilespmem:s3+$0x30] =	vst v8  }
0x361: {  	[tilespmem:s3+$0xFFFFFFC0] =	vst v12;
	v8 =	vld.idx.msk [tilespmem:v6+s8+$0x0], $0xffff  }
0x362: {  	[tilespmem:s3+$0xFFFFFFD0] =	vst v13;
	v12 =	vld.idx.msk [tilespmem:v3+s5+$0x0], $0xffff  }
0x363: {  	v13 =	vld.idx.msk [tilespmem:v5+s8+$0x0], $0xffff;
	[tilespmem:s3+$0xFFFFFFE0] =	vst v14  }
0x364: {  	v14 =	vld.idx.msk [tilespmem:v7+s8+$0x0], $0xffff;
	[tilespmem:s3+$0xFFFFFFF0] =	vst v15  }
0x365: {  	v15 =	vld.idx.msk [tilespmem:v9+s8+$0x0], $0xffff;
	[tilespmem:s3+$0x0] =	vst v16  }
0x366: {  	s7 =	sadd.s32 $0x80, s7;
	v16 =	vld.idx.msk [tilespmem:v10+s8+$0x0], $0xffff;
	[tilespmem:s3+$0x10] =	vst v17  }
0x367: {  	v17 =	vld.idx.msk [tilespmem:v11+s8+$0x0], $0xffff;
	[tilespmem:s7+$0x30] =	vst v8  }
0x368: {  	[tilespmem:s3+$0x20] =	vst v12;
	v12 =	vld.idx.msk [tilespmem:v6+s11+$0x0], $0xffff  }
0x369: {  	[tilespmem:s7+$0xFFFFFFC0] =	vst v13;
	v13 =	vld.idx.msk [tilespmem:v4+s8+$0x0], $0xffff  }
0x36a: {  	[tilespmem:s7+$0xFFFFFFD0] =	vst v14;
	v8 =	vld.idx.msk [tilespmem:v3+s8+$0x0], $0xffff  }
.Ltmp6:
0x36b: {  	v6 =	vld.idx.msk [tilespmem:v5+s11+$0x0], $0xffff;
	[tilespmem:s7+$0xFFFFFFE0] =	vst v15;
	(pc) =	sbr.rel @p0 .LBB2_14-.Ltmp6, $4  }
0x36c: {  	v5 =	vld.idx.msk [tilespmem:v7+s11+$0x0], $0xffff;
	[tilespmem:s7+$0xFFFFFFF0] =	vst v16  }
0x36d: {  	s10 =	sadd.s32 $0x80, s10;
	v7 =	vld.idx.msk [tilespmem:v9+s11+$0x0], $0xffff;
	[tilespmem:s7+$0x0] =	vst v17  }
0x36e: {  	v9 =	vld.idx.msk [tilespmem:v10+s11+$0x0], $0xffff;
	[tilespmem:s10+$0x30] =	vst v12  }
0x36f: {  	s22 =	sadd.s32 $0x400, s22;
	s23 =	sadd.s32 $0x10, s23;
	v10 =	vld.idx.msk [tilespmem:v11+s11+$0x0], $0xffff;
	[tilespmem:s7+$0x10] =	vst v13  }
0x370: {  	_ =	sdelay $0x2  }
0x371: {  	[tilespmem:s7+$0x20] =	vst v8  }
0x372: {  	v4 =	vld.idx.msk [tilespmem:v4+s11+$0x0], $0xffff;
	[tilespmem:s10+$0xFFFFFFC0] =	vst v6  }
0x373: {  	v3 =	vld.idx.msk [tilespmem:v3+s11+$0x0], $0xffff;
	[tilespmem:s10+$0xFFFFFFD0] =	vst v5  }
0x374: {  	[tilespmem:s10+$0xFFFFFFE0] =	vst v7  }
0x375: {  	[tilespmem:s10+$0xFFFFFFF0] =	vst v9  }
0x376: {  	[tilespmem:s10+$0x0] =	vst v10  }
0x377: {  	[tilespmem:s10+$0x10] =	vst v4  }
0x378: {  	[tilespmem:s10+$0x20] =	vst v3  }
0x379: {  	s7 =	sld [smem:$0x79D];
	_ =	sdelay $0x1  }
0x37a: {  	s3 =	simm.s32 $0x0;
	s22 =	sld [smem:$0x79E]  }
0x37b: {  	[tilespmem:s9], [sflag:$0x1] =	stream.linear.gather [hbm4b:s7+s3], $0x400, $0x38;
	[tilespmem:$0x17800] =	vst v63  }
0x37c: {  	s23 =	sld [smem:$0x79F]  }
0x37d: {  	[tilespmem:s12], [sflag:$0x1] =	stream.linear.gather [hbm4b:s22+s3], $0x400, $0x38;
	[tilespmem:$0x17800] =	vst v63  }
0x37e: {  	s24 =	sld [smem:$0x7A0]  }
0x37f: {  	[tilespmem:s14], [sflag:$0x1] =	stream.linear.gather [hbm4b:s23+s3], $0x400, $0x38;
	[tilespmem:$0x17800] =	vst v63  }
0x380: {  	s25 =	sld [smem:$0x7A1]  }
0x381: {  	[tilespmem:s21], [sflag:$0x1] =	stream.linear.gather [hbm4b:s24+s3], $0x400, $0x38;
	[tilespmem:$0x17800] =	vst v63  }
0x382: {  	s10 =	sld [smem:$0x7A2]  }
0x383: {  	[tilespmem:s26], [sflag:$0x1] =	stream.linear.gather [hbm4b:s25+s3], $0x400, $0x38;
	[tilespmem:$0x17800] =	vst v63  }
0x384: {  	s15 =	sld [smem:$0x7A3]  }
0x385: {  	[tilespmem:s28], [sflag:$0x1] =	stream.linear.gather [hbm4b:s10+s3], $0x400, $0x38;
	[tilespmem:$0x17800] =	vst v63  }
0x386: {  	s22 =	sld [smem:$0x7A4]  }
0x387: {  	[tilespmem:s29], [sflag:$0x1] =	stream.linear.gather [hbm4b:s15+s3], $0x400, $0x38;
	[tilespmem:$0x17800] =	vst v63  }
0x388: {  	s23 =	simm.s32 $0x3400;
	s24 =	sld [smem:$0x7E8]  }
0x389: {  	[tilespmem:s23], [sflag:$0x1] =	stream.linear.gather [hbm4b:s22+s3], $0x400, $0x38;
	[tilespmem:$0x17800] =	vst v63  }
0x38a: {  	s25 =	simm.s32 $0xB800;
	s15 =	sld [smem:$0x7E9]  }
0x38b: {  	[hbm4b:s24+s3] =	stream.linear.scatter [tilespmem:s25], [sflag:$0x4], $0x2000, $0x38;
	[tilespmem:$0x17800] =	vst v63  }
0x38c: {  	s22 =	simm.s32 $0xD800;
	s23 =	sld [smem:$0x7CF]  }
0x38d: {  	[hbm4b:s15+s3] =	stream.linear.scatter [tilespmem:s22], [sflag:$0x4], $0x2000, $0x38;
	[tilespmem:$0x17800] =	vst v63  }
0x38e: {  	s24 =	simm.s32 $0xF800  }
0x38f: {  	[hbm4b:s23+s3] =	stream.linear.scatter [tilespmem:s24], [sflag:$0x4], $0x2000, $0x38;
	[tilespmem:$0x17800] =	vst v63  }
0x390: {  	_ =	swait.ge [sflag:s13], $0x400  }
0x391: {  	[sflag:s13] =	ssyncset.done $0x0  }
0x392: {  	[sflag:s13] =	ssyncadd.s32 $0xFFFFFC00  }
0x393: {  	_ =	swait.ge [sflag:s13], $0x400  }
0x394: {  	[sflag:s13] =	ssyncset.done $0x0  }
0x395: {  	[sflag:s13] =	ssyncadd.s32 $0xFFFFFC00  }
0x396: {  	_ =	swait.ge [sflag:s13], $0x400  }
0x397: {  	[sflag:s13] =	ssyncset.done $0x0  }
0x398: {  	[sflag:s13] =	ssyncadd.s32 $0xFFFFFC00  }
0x399: {  	_ =	swait.ge [sflag:s13], $0x400  }
0x39a: {  	[sflag:s13] =	ssyncset.done $0x0  }
0x39b: {  	[sflag:s13] =	ssyncadd.s32 $0xFFFFFC00  }
0x39c: {  	_ =	swait.ge [sflag:s13], $0x400  }
0x39d: {  	[sflag:s13] =	ssyncset.done $0x0  }
0x39e: {  	[sflag:s13] =	ssyncadd.s32 $0xFFFFFC00  }
0x39f: {  	_ =	swait.ge [sflag:s13], $0x400  }
0x3a0: {  	[sflag:s13] =	ssyncset.done $0x0  }
0x3a1: {  	[sflag:s13] =	ssyncadd.s32 $0xFFFFFC00  }
0x3a2: {  	_ =	swait.ge [sflag:s13], $0x400  }
0x3a3: {  	[sflag:s13] =	ssyncset.done $0x0  }
0x3a4: {  	[sflag:s13] =	ssyncadd.s32 $0xFFFFFC00  }
0x3a5: {  	_ =	swait.ge [sflag:s13], $0x400  }
0x3a6: {  	[sflag:s13] =	ssyncset.done $0x0  }
0x3a7: {  	[sflag:s13] =	ssyncadd.s32 $0xFFFFFC00  }
0x3a8: {  	_ =	swait.ge [sflag:s18], $0x2000  }
0x3a9: {  	[sflag:s18] =	ssyncset.done $0x0  }
0x3aa: {  	[sflag:s18] =	ssyncadd.s32 $0xFFFFE000  }
0x3ab: {  	_ =	swait.ge [sflag:s18], $0x2000  }
0x3ac: {  	[sflag:s18] =	ssyncset.done $0x0  }
0x3ad: {  	[sflag:s18] =	ssyncadd.s32 $0xFFFFE000  }
0x3ae: {  	_ =	swait.ge [sflag:s18], $0x2000  }
0x3af: {  	s25 =	sand.u32 $0x1C00, s3;
	s3 =	sand.u32 $0x380, s3;
	[sflag:s18] =	ssyncset.done $0x0  }
0x3b0: {  	s3 =	sor.u32 s3, s25;
	[sflag:s18] =	ssyncadd.s32 $0xFFFFE000  }
0x3b1: {  	v5 =	vld [tilespmem:s3+$0x3870]  }
0x3b2: {  	v6 =	vld [tilespmem:s3+$0x3800]  }
0x3b3: {  	v7 =	vld [tilespmem:s3+$0x3810]  }
0x3b4: {  	v9 =	vld [tilespmem:s3+$0x3820]  }
0x3b5: {  	v10 =	vld [tilespmem:s3+$0x3830]  }
0x3b6: {  	v11 =	vld [tilespmem:s3+$0x3840]  }
0x3b7: {  	v4 =	vld [tilespmem:s3+$0x3850]  }
0x3b8: {  	v3 =	vld [tilespmem:s3+$0x3860]  }
0x3b9: {  	v8 =	vld.idx.msk [tilespmem:v5+s5+$0x0], $0xffff  }
0x3ba: {  	v12 =	vld.idx.msk [tilespmem:v6+s5+$0x0], $0xffff  }
0x3bb: {  	v13 =	vld.idx.msk [tilespmem:v7+s5+$0x0], $0xffff  }
0x3bc: {  	v14 =	vld.idx.msk [tilespmem:v9+s5+$0x0], $0xffff  }
0x3bd: {  	v15 =	vld.idx.msk [tilespmem:v10+s5+$0x0], $0xffff  }
0x3be: {  	s3 =	simm.s32 $0x11840;
	v16 =	vld.idx.msk [tilespmem:v11+s5+$0x0], $0xffff  }
0x3bf: {  	v17 =	vld.idx.msk [tilespmem:v4+s5+$0x0], $0xffff;
	[tilespmem:s3+$0x30] =	vst v8  }
0x3c0: {  	v56 =	vld.idx.msk [tilespmem:v3+s5+$0x0], $0xffff;
	[tilespmem:s3+$0xFFFFFFC0] =	vst v12  }
0x3c1: {  	[tilespmem:s3+$0xFFFFFFD0] =	vst v13;
	v8 =	vld.idx.msk [tilespmem:v5+s8+$0x0], $0xffff  }
0x3c2: {  	[tilespmem:s3+$0xFFFFFFE0] =	vst v14;
	v57 =	vld.idx.msk [tilespmem:v6+s8+$0x0], $0xffff  }
0x3c3: {  	[tilespmem:s3+$0xFFFFFFF0] =	vst v15;
	v58 =	vld.idx.msk [tilespmem:v7+s8+$0x0], $0xffff  }
0x3c4: {  	[tilespmem:s3+$0x0] =	vst v16;
	v59 =	vld.idx.msk [tilespmem:v9+s8+$0x0], $0xffff  }
0x3c5: {  	[tilespmem:s3+$0x10] =	vst v17;
	v60 =	vld.idx.msk [tilespmem:v10+s8+$0x0], $0xffff  }
0x3c6: {  	s7 =	simm.s32 $0x13840;
	[tilespmem:s3+$0x20] =	vst v56;
	v61 =	vld.idx.msk [tilespmem:v11+s8+$0x0], $0xffff  }
0x3c7: {  	v63 =	vld.idx.msk [tilespmem:v4+s8+$0x0], $0xffff;
	[tilespmem:s7+$0x30] =	vst v8  }
0x3c8: {  	[tilespmem:s7+$0xFFFFFFC0] =	vst v57;
	v8 =	vld.idx.msk [tilespmem:v3+s8+$0x0], $0xffff  }
0x3c9: {  	[tilespmem:s7+$0xFFFFFFD0] =	vst v58;
	v62 =	vld.idx.msk [tilespmem:v5+s11+$0x0], $0xffff  }
0x3ca: {  	[tilespmem:s7+$0xFFFFFFE0] =	vst v59;
	v6 =	vld.idx.msk [tilespmem:v6+s11+$0x0], $0xffff  }
0x3cb: {  	[tilespmem:s7+$0xFFFFFFF0] =	vst v60;
	v5 =	vld.idx.msk [tilespmem:v7+s11+$0x0], $0xffff  }
0x3cc: {  	[tilespmem:s7+$0x0] =	vst v61;
	v7 =	vld.idx.msk [tilespmem:v9+s11+$0x0], $0xffff  }
0x3cd: {  	s10 =	simm.s32 $0x15840;
	[tilespmem:s7+$0x10] =	vst v63;
	v9 =	vld.idx.msk [tilespmem:v10+s11+$0x0], $0xffff  }
0x3ce: {  	s15 =	simm.s32 $0x0;
	s22 =	simm.s32 $0x400;
	s23 =	simm.s32 $0x10;
	v10 =	vld.idx.msk [tilespmem:v11+s11+$0x0], $0xffff;
	[tilespmem:s10+$0x30] =	vst v62  }
.LBB2_16:
0x3cf: {  	s24 =	sand.u32 $0x1C00, s22;
	s25 =	sand.u32 $0x380, s23;
	s15 =	sadd.s32 $0x8, s15;
	v4 =	vld.idx.msk [tilespmem:v4+s11+$0x0], $0xffff;
	[tilespmem:s7+$0x20] =	vst v8  }
0x3d0: {  	s24 =	sor.u32 s25, s24;
	p0 =	slt.u32 s15, $0x1F8;
	[tilespmem:s10+$0xFFFFFFC0] =	vst v6;
	v3 =	vld.idx.msk [tilespmem:v3+s11+$0x0], $0xffff  }
0x3d1: {  	v6 =	vld [tilespmem:s24+$0x3870];
	[tilespmem:s10+$0xFFFFFFD0] =	vst v5  }
0x3d2: {  	v5 =	vld [tilespmem:s24+$0x3800];
	[tilespmem:s10+$0xFFFFFFE0] =	vst v7  }
0x3d3: {  	v7 =	vld [tilespmem:s24+$0x3810];
	[tilespmem:s10+$0xFFFFFFF0] =	vst v9  }
0x3d4: {  	v9 =	vld [tilespmem:s24+$0x3820];
	[tilespmem:s10+$0x0] =	vst v10  }
0x3d5: {  	v10 =	vld [tilespmem:s24+$0x3830];
	[tilespmem:s10+$0x10] =	vst v4  }
0x3d6: {  	v11 =	vld [tilespmem:s24+$0x3840];
	[tilespmem:s10+$0x20] =	vst v3  }
0x3d7: {  	v4 =	vld [tilespmem:s24+$0x3850]  }
0x3d8: {  	v3 =	vld [tilespmem:s24+$0x3860]  }
0x3d9: {  	v8 =	vld.idx.msk [tilespmem:v6+s5+$0x0], $0xffff  }
0x3da: {  	v12 =	vld.idx.msk [tilespmem:v5+s5+$0x0], $0xffff  }
0x3db: {  	v13 =	vld.idx.msk [tilespmem:v7+s5+$0x0], $0xffff  }
0x3dc: {  	v14 =	vld.idx.msk [tilespmem:v9+s5+$0x0], $0xffff  }
0x3dd: {  	v15 =	vld.idx.msk [tilespmem:v10+s5+$0x0], $0xffff  }
0x3de: {  	s3 =	sadd.s32 $0x80, s3;
	v16 =	vld.idx.msk [tilespmem:v11+s5+$0x0], $0xffff  }
0x3df: {  	v17 =	vld.idx.msk [tilespmem:v4+s5+$0x0], $0xffff;
	[tilespmem:s3+$0x30] =	vst v8  }
0x3e0: {  	[tilespmem:s3+$0xFFFFFFC0] =	vst v12;
	v8 =	vld.idx.msk [tilespmem:v6+s8+$0x0], $0xffff  }
0x3e1: {  	[tilespmem:s3+$0xFFFFFFD0] =	vst v13;
	v12 =	vld.idx.msk [tilespmem:v3+s5+$0x0], $0xffff  }
0x3e2: {  	v13 =	vld.idx.msk [tilespmem:v5+s8+$0x0], $0xffff;
	[tilespmem:s3+$0xFFFFFFE0] =	vst v14  }
0x3e3: {  	v14 =	vld.idx.msk [tilespmem:v7+s8+$0x0], $0xffff;
	[tilespmem:s3+$0xFFFFFFF0] =	vst v15  }
0x3e4: {  	v15 =	vld.idx.msk [tilespmem:v9+s8+$0x0], $0xffff;
	[tilespmem:s3+$0x0] =	vst v16  }
0x3e5: {  	s7 =	sadd.s32 $0x80, s7;
	v16 =	vld.idx.msk [tilespmem:v10+s8+$0x0], $0xffff;
	[tilespmem:s3+$0x10] =	vst v17  }
0x3e6: {  	v17 =	vld.idx.msk [tilespmem:v11+s8+$0x0], $0xffff;
	[tilespmem:s7+$0x30] =	vst v8  }
0x3e7: {  	[tilespmem:s3+$0x20] =	vst v12;
	v12 =	vld.idx.msk [tilespmem:v6+s11+$0x0], $0xffff  }
0x3e8: {  	[tilespmem:s7+$0xFFFFFFC0] =	vst v13;
	v13 =	vld.idx.msk [tilespmem:v4+s8+$0x0], $0xffff  }
0x3e9: {  	[tilespmem:s7+$0xFFFFFFD0] =	vst v14;
	v8 =	vld.idx.msk [tilespmem:v3+s8+$0x0], $0xffff  }
.Ltmp7:
0x3ea: {  	v6 =	vld.idx.msk [tilespmem:v5+s11+$0x0], $0xffff;
	[tilespmem:s7+$0xFFFFFFE0] =	vst v15;
	(pc) =	sbr.rel @p0 .LBB2_16-.Ltmp7, $4  }
0x3eb: {  	v5 =	vld.idx.msk [tilespmem:v7+s11+$0x0], $0xffff;
	[tilespmem:s7+$0xFFFFFFF0] =	vst v16  }
0x3ec: {  	s10 =	sadd.s32 $0x80, s10;
	v7 =	vld.idx.msk [tilespmem:v9+s11+$0x0], $0xffff;
	[tilespmem:s7+$0x0] =	vst v17  }
0x3ed: {  	v9 =	vld.idx.msk [tilespmem:v10+s11+$0x0], $0xffff;
	[tilespmem:s10+$0x30] =	vst v12  }
0x3ee: {  	s22 =	sadd.s32 $0x400, s22;
	s23 =	sadd.s32 $0x10, s23;
	v10 =	vld.idx.msk [tilespmem:v11+s11+$0x0], $0xffff;
	[tilespmem:s7+$0x10] =	vst v13  }
0x3ef: {  	_ =	sdelay $0x2  }
0x3f0: {  	[tilespmem:s7+$0x20] =	vst v8  }
0x3f1: {  	v4 =	vld.idx.msk [tilespmem:v4+s11+$0x0], $0xffff;
	[tilespmem:s10+$0xFFFFFFC0] =	vst v6  }
0x3f2: {  	v3 =	vld.idx.msk [tilespmem:v3+s11+$0x0], $0xffff;
	[tilespmem:s10+$0xFFFFFFD0] =	vst v5  }
0x3f3: {  	[tilespmem:s10+$0xFFFFFFE0] =	vst v7  }
0x3f4: {  	[tilespmem:s10+$0xFFFFFFF0] =	vst v9  }
0x3f5: {  	[tilespmem:s10+$0x0] =	vst v10  }
0x3f6: {  	[tilespmem:s10+$0x10] =	vst v4  }
0x3f7: {  	[tilespmem:s10+$0x20] =	vst v3  }
0x3f8: {  	s7 =	sld [smem:$0x7A5];
	_ =	sdelay $0x1  }
0x3f9: {  	s3 =	simm.s32 $0x0;
	s25 =	simm.s32 $0x3800;
	s15 =	sld [smem:$0x7A6]  }
0x3fa: {  	[tilespmem:s25], [sflag:$0x2] =	stream.linear.gather [hbm4b:s7+s3], $0x400, $0x38;
	[tilespmem:$0x17800] =	vst v63  }
0x3fb: {  	s22 =	simm.s32 $0x3C00;
	s23 =	sld [smem:$0x7A7]  }
0x3fc: {  	[tilespmem:s22], [sflag:$0x2] =	stream.linear.gather [hbm4b:s15+s3], $0x400, $0x38;
	[tilespmem:$0x17800] =	vst v63  }
0x3fd: {  	s24 =	simm.s32 $0x4000;
	s25 =	sld [smem:$0x7A8]  }
0x3fe: {  	[tilespmem:s24], [sflag:$0x2] =	stream.linear.gather [hbm4b:s23+s3], $0x400, $0x38;
	[tilespmem:$0x17800] =	vst v63  }
0x3ff: {  	s10 =	sld [smem:$0x7A9]  }
0x400: {  	[tilespmem:s30], [sflag:$0x2] =	stream.linear.gather [hbm4b:s25+s3], $0x400, $0x38;
	[tilespmem:$0x17800] =	vst v63  }
0x401: {  	s15 =	sld [smem:$0x7AA]  }
0x402: {  	[tilespmem:s31], [sflag:$0x2] =	stream.linear.gather [hbm4b:s10+s3], $0x400, $0x38;
	[tilespmem:$0x17800] =	vst v63  }
0x403: {  	s22 =	sld [smem:$0x7AB]  }
0x404: {  	[tilespmem:s0], [sflag:$0x2] =	stream.linear.gather [hbm4b:s15+s3], $0x400, $0x38;
	[tilespmem:$0x17800] =	vst v63  }
0x405: {  	s23 =	sld [smem:$0x7AC]  }
0x406: {  	[tilespmem:s1], [sflag:$0x2] =	stream.linear.gather [hbm4b:s22+s3], $0x400, $0x38;
	[tilespmem:$0x17800] =	vst v63  }
0x407: {  	s24 =	sld [smem:$0x7EB]  }
0x408: {  	[tilespmem:s2], [sflag:$0x2] =	stream.linear.gather [hbm4b:s23+s3], $0x400, $0x38;
	[tilespmem:$0x17800] =	vst v63  }
0x409: {  	s25 =	simm.s32 $0x11800;
	s15 =	sld [smem:$0x7EA]  }
0x40a: {  	[hbm4b:s24+s3] =	stream.linear.scatter [tilespmem:s25], [sflag:$0x5], $0x2000, $0x38;
	[tilespmem:$0x17800] =	vst v63  }
0x40b: {  	s22 =	simm.s32 $0x13800;
	s23 =	sld [smem:$0x7EC]  }
0x40c: {  	[hbm4b:s15+s3] =	stream.linear.scatter [tilespmem:s22], [sflag:$0x5], $0x2000, $0x38;
	[tilespmem:$0x17800] =	vst v63  }
0x40d: {  	s24 =	simm.s32 $0x15800  }
0x40e: {  	[hbm4b:s23+s3] =	stream.linear.scatter [tilespmem:s24], [sflag:$0x5], $0x2000, $0x38;
	[tilespmem:$0x17800] =	vst v63  }
0x40f: {  	_ =	swait.ge [sflag:s6], $0x400  }
0x410: {  	[sflag:s6] =	ssyncset.done $0x0  }
0x411: {  	[sflag:s6] =	ssyncadd.s32 $0xFFFFFC00  }
0x412: {  	_ =	swait.ge [sflag:s6], $0x400  }
0x413: {  	[sflag:s6] =	ssyncset.done $0x0  }
0x414: {  	[sflag:s6] =	ssyncadd.s32 $0xFFFFFC00  }
0x415: {  	_ =	swait.ge [sflag:s6], $0x400  }
0x416: {  	[sflag:s6] =	ssyncset.done $0x0  }
0x417: {  	[sflag:s6] =	ssyncadd.s32 $0xFFFFFC00  }
0x418: {  	_ =	swait.ge [sflag:s6], $0x400  }
0x419: {  	[sflag:s6] =	ssyncset.done $0x0  }
0x41a: {  	[sflag:s6] =	ssyncadd.s32 $0xFFFFFC00  }
0x41b: {  	_ =	swait.ge [sflag:s6], $0x400  }
0x41c: {  	[sflag:s6] =	ssyncset.done $0x0  }
0x41d: {  	[sflag:s6] =	ssyncadd.s32 $0xFFFFFC00  }
0x41e: {  	_ =	swait.ge [sflag:s6], $0x400  }
0x41f: {  	[sflag:s6] =	ssyncset.done $0x0  }
0x420: {  	[sflag:s6] =	ssyncadd.s32 $0xFFFFFC00  }
0x421: {  	_ =	swait.ge [sflag:s6], $0x400  }
0x422: {  	[sflag:s6] =	ssyncset.done $0x0  }
0x423: {  	[sflag:s6] =	ssyncadd.s32 $0xFFFFFC00  }
0x424: {  	_ =	swait.ge [sflag:s6], $0x400  }
0x425: {  	[sflag:s6] =	ssyncset.done $0x0  }
0x426: {  	[sflag:s6] =	ssyncadd.s32 $0xFFFFFC00  }
0x427: {  	_ =	swait.ge [sflag:s16], $0x2000  }
0x428: {  	[sflag:s16] =	ssyncset.done $0x0  }
0x429: {  	[sflag:s16] =	ssyncadd.s32 $0xFFFFE000  }
0x42a: {  	_ =	swait.ge [sflag:s16], $0x2000  }
0x42b: {  	[sflag:s16] =	ssyncset.done $0x0  }
0x42c: {  	[sflag:s16] =	ssyncadd.s32 $0xFFFFE000  }
0x42d: {  	_ =	swait.ge [sflag:s16], $0x2000  }
0x42e: {  	s25 =	sand.u32 $0x1C00, s3;
	s3 =	sand.u32 $0x380, s3;
	[sflag:s16] =	ssyncset.done $0x0  }
0x42f: {  	s3 =	sor.u32 s3, s25;
	[sflag:s16] =	ssyncadd.s32 $0xFFFFE000  }
0x430: {  	v5 =	vld [tilespmem:s3+$0x1870]  }
0x431: {  	v6 =	vld [tilespmem:s3+$0x1800]  }
0x432: {  	v7 =	vld [tilespmem:s3+$0x1810]  }
0x433: {  	v9 =	vld [tilespmem:s3+$0x1820]  }
0x434: {  	v10 =	vld [tilespmem:s3+$0x1830]  }
0x435: {  	v11 =	vld [tilespmem:s3+$0x1840]  }
0x436: {  	v4 =	vld [tilespmem:s3+$0x1850]  }
0x437: {  	v3 =	vld [tilespmem:s3+$0x1860]  }
0x438: {  	v8 =	vld.idx.msk [tilespmem:v5+s5+$0x0], $0xffff  }
0x439: {  	v12 =	vld.idx.msk [tilespmem:v6+s5+$0x0], $0xffff  }
0x43a: {  	v13 =	vld.idx.msk [tilespmem:v7+s5+$0x0], $0xffff  }
0x43b: {  	v14 =	vld.idx.msk [tilespmem:v9+s5+$0x0], $0xffff  }
0x43c: {  	v15 =	vld.idx.msk [tilespmem:v10+s5+$0x0], $0xffff  }
0x43d: {  	s3 =	simm.s32 $0x5840;
	v16 =	vld.idx.msk [tilespmem:v11+s5+$0x0], $0xffff  }
0x43e: {  	v17 =	vld.idx.msk [tilespmem:v4+s5+$0x0], $0xffff;
	[tilespmem:s3+$0x30] =	vst v8  }
0x43f: {  	v56 =	vld.idx.msk [tilespmem:v3+s5+$0x0], $0xffff;
	[tilespmem:s3+$0xFFFFFFC0] =	vst v12  }
0x440: {  	[tilespmem:s3+$0xFFFFFFD0] =	vst v13;
	v8 =	vld.idx.msk [tilespmem:v5+s8+$0x0], $0xffff  }
0x441: {  	[tilespmem:s3+$0xFFFFFFE0] =	vst v14;
	v57 =	vld.idx.msk [tilespmem:v6+s8+$0x0], $0xffff  }
0x442: {  	[tilespmem:s3+$0xFFFFFFF0] =	vst v15;
	v58 =	vld.idx.msk [tilespmem:v7+s8+$0x0], $0xffff  }
0x443: {  	[tilespmem:s3+$0x0] =	vst v16;
	v59 =	vld.idx.msk [tilespmem:v9+s8+$0x0], $0xffff  }
0x444: {  	[tilespmem:s3+$0x10] =	vst v17;
	v60 =	vld.idx.msk [tilespmem:v10+s8+$0x0], $0xffff  }
0x445: {  	s7 =	simm.s32 $0x7840;
	[tilespmem:s3+$0x20] =	vst v56;
	v61 =	vld.idx.msk [tilespmem:v11+s8+$0x0], $0xffff  }
0x446: {  	v63 =	vld.idx.msk [tilespmem:v4+s8+$0x0], $0xffff;
	[tilespmem:s7+$0x30] =	vst v8  }
0x447: {  	[tilespmem:s7+$0xFFFFFFC0] =	vst v57;
	v8 =	vld.idx.msk [tilespmem:v3+s8+$0x0], $0xffff  }
0x448: {  	[tilespmem:s7+$0xFFFFFFD0] =	vst v58;
	v62 =	vld.idx.msk [tilespmem:v5+s11+$0x0], $0xffff  }
0x449: {  	[tilespmem:s7+$0xFFFFFFE0] =	vst v59;
	v6 =	vld.idx.msk [tilespmem:v6+s11+$0x0], $0xffff  }
0x44a: {  	[tilespmem:s7+$0xFFFFFFF0] =	vst v60;
	v5 =	vld.idx.msk [tilespmem:v7+s11+$0x0], $0xffff  }
0x44b: {  	[tilespmem:s7+$0x0] =	vst v61;
	v7 =	vld.idx.msk [tilespmem:v9+s11+$0x0], $0xffff  }
0x44c: {  	s10 =	simm.s32 $0x9840;
	[tilespmem:s7+$0x10] =	vst v63;
	v9 =	vld.idx.msk [tilespmem:v10+s11+$0x0], $0xffff  }
0x44d: {  	s15 =	simm.s32 $0x0;
	s22 =	simm.s32 $0x400;
	s23 =	simm.s32 $0x10;
	v10 =	vld.idx.msk [tilespmem:v11+s11+$0x0], $0xffff;
	[tilespmem:s10+$0x30] =	vst v62  }
.LBB2_18:
0x44e: {  	s24 =	sand.u32 $0x1C00, s22;
	s25 =	sand.u32 $0x380, s23;
	s15 =	sadd.s32 $0x8, s15;
	v4 =	vld.idx.msk [tilespmem:v4+s11+$0x0], $0xffff;
	[tilespmem:s7+$0x20] =	vst v8  }
0x44f: {  	s24 =	sor.u32 s25, s24;
	p0 =	slt.u32 s15, $0x1F8;
	[tilespmem:s10+$0xFFFFFFC0] =	vst v6;
	v3 =	vld.idx.msk [tilespmem:v3+s11+$0x0], $0xffff  }
0x450: {  	v6 =	vld [tilespmem:s24+$0x1870];
	[tilespmem:s10+$0xFFFFFFD0] =	vst v5  }
0x451: {  	v5 =	vld [tilespmem:s24+$0x1800];
	[tilespmem:s10+$0xFFFFFFE0] =	vst v7  }
0x452: {  	v7 =	vld [tilespmem:s24+$0x1810];
	[tilespmem:s10+$0xFFFFFFF0] =	vst v9  }
0x453: {  	v9 =	vld [tilespmem:s24+$0x1820];
	[tilespmem:s10+$0x0] =	vst v10  }
0x454: {  	v10 =	vld [tilespmem:s24+$0x1830];
	[tilespmem:s10+$0x10] =	vst v4  }
0x455: {  	v11 =	vld [tilespmem:s24+$0x1840];
	[tilespmem:s10+$0x20] =	vst v3  }
0x456: {  	v4 =	vld [tilespmem:s24+$0x1850]  }
0x457: {  	v3 =	vld [tilespmem:s24+$0x1860]  }
0x458: {  	v8 =	vld.idx.msk [tilespmem:v6+s5+$0x0], $0xffff  }
0x459: {  	v12 =	vld.idx.msk [tilespmem:v5+s5+$0x0], $0xffff  }
0x45a: {  	v13 =	vld.idx.msk [tilespmem:v7+s5+$0x0], $0xffff  }
0x45b: {  	v14 =	vld.idx.msk [tilespmem:v9+s5+$0x0], $0xffff  }
0x45c: {  	v15 =	vld.idx.msk [tilespmem:v10+s5+$0x0], $0xffff  }
0x45d: {  	s3 =	sadd.s32 $0x80, s3;
	v16 =	vld.idx.msk [tilespmem:v11+s5+$0x0], $0xffff  }
0x45e: {  	v17 =	vld.idx.msk [tilespmem:v4+s5+$0x0], $0xffff;
	[tilespmem:s3+$0x30] =	vst v8  }
0x45f: {  	[tilespmem:s3+$0xFFFFFFC0] =	vst v12;
	v8 =	vld.idx.msk [tilespmem:v6+s8+$0x0], $0xffff  }
0x460: {  	[tilespmem:s3+$0xFFFFFFD0] =	vst v13;
	v12 =	vld.idx.msk [tilespmem:v3+s5+$0x0], $0xffff  }
0x461: {  	v13 =	vld.idx.msk [tilespmem:v5+s8+$0x0], $0xffff;
	[tilespmem:s3+$0xFFFFFFE0] =	vst v14  }
0x462: {  	v14 =	vld.idx.msk [tilespmem:v7+s8+$0x0], $0xffff;
	[tilespmem:s3+$0xFFFFFFF0] =	vst v15  }
0x463: {  	v15 =	vld.idx.msk [tilespmem:v9+s8+$0x0], $0xffff;
	[tilespmem:s3+$0x0] =	vst v16  }
0x464: {  	s7 =	sadd.s32 $0x80, s7;
	v16 =	vld.idx.msk [tilespmem:v10+s8+$0x0], $0xffff;
	[tilespmem:s3+$0x10] =	vst v17  }
0x465: {  	v17 =	vld.idx.msk [tilespmem:v11+s8+$0x0], $0xffff;
	[tilespmem:s7+$0x30] =	vst v8  }
0x466: {  	[tilespmem:s3+$0x20] =	vst v12;
	v12 =	vld.idx.msk [tilespmem:v6+s11+$0x0], $0xffff  }
0x467: {  	[tilespmem:s7+$0xFFFFFFC0] =	vst v13;
	v13 =	vld.idx.msk [tilespmem:v4+s8+$0x0], $0xffff  }
0x468: {  	[tilespmem:s7+$0xFFFFFFD0] =	vst v14;
	v8 =	vld.idx.msk [tilespmem:v3+s8+$0x0], $0xffff  }
.Ltmp8:
0x469: {  	v6 =	vld.idx.msk [tilespmem:v5+s11+$0x0], $0xffff;
	[tilespmem:s7+$0xFFFFFFE0] =	vst v15;
	(pc) =	sbr.rel @p0 .LBB2_18-.Ltmp8, $4  }
0x46a: {  	v5 =	vld.idx.msk [tilespmem:v7+s11+$0x0], $0xffff;
	[tilespmem:s7+$0xFFFFFFF0] =	vst v16  }
0x46b: {  	s10 =	sadd.s32 $0x80, s10;
	v7 =	vld.idx.msk [tilespmem:v9+s11+$0x0], $0xffff;
	[tilespmem:s7+$0x0] =	vst v17  }
0x46c: {  	v9 =	vld.idx.msk [tilespmem:v10+s11+$0x0], $0xffff;
	[tilespmem:s10+$0x30] =	vst v12  }
0x46d: {  	s22 =	sadd.s32 $0x400, s22;
	s23 =	sadd.s32 $0x10, s23;
	v10 =	vld.idx.msk [tilespmem:v11+s11+$0x0], $0xffff;
	[tilespmem:s7+$0x10] =	vst v13  }
0x46e: {  	_ =	sdelay $0x2  }
0x46f: {  	[tilespmem:s7+$0x20] =	vst v8  }
0x470: {  	v4 =	vld.idx.msk [tilespmem:v4+s11+$0x0], $0xffff;
	[tilespmem:s10+$0xFFFFFFC0] =	vst v6  }
0x471: {  	v3 =	vld.idx.msk [tilespmem:v3+s11+$0x0], $0xffff;
	[tilespmem:s10+$0xFFFFFFD0] =	vst v5  }
0x472: {  	[tilespmem:s10+$0xFFFFFFE0] =	vst v7  }
0x473: {  	[tilespmem:s10+$0xFFFFFFF0] =	vst v9  }
0x474: {  	[tilespmem:s10+$0x0] =	vst v10  }
0x475: {  	[tilespmem:s10+$0x10] =	vst v4  }
0x476: {  	[tilespmem:s10+$0x20] =	vst v3  }
0x477: {  	s7 =	sld [smem:$0x7AD];
	_ =	sdelay $0x1  }
0x478: {  	s3 =	simm.s32 $0x0;
	s22 =	sld [smem:$0x7AE]  }
0x479: {  	[tilespmem:s9], [sflag:$0x1] =	stream.linear.gather [hbm4b:s7+s3], $0x400, $0x38;
	[tilespmem:$0x17800] =	vst v63  }
0x47a: {  	s23 =	sld [smem:$0x7AF]  }
0x47b: {  	[tilespmem:s12], [sflag:$0x1] =	stream.linear.gather [hbm4b:s22+s3], $0x400, $0x38;
	[tilespmem:$0x17800] =	vst v63  }
0x47c: {  	s24 =	sld [smem:$0x7B0]  }
0x47d: {  	[tilespmem:s14], [sflag:$0x1] =	stream.linear.gather [hbm4b:s23+s3], $0x400, $0x38;
	[tilespmem:$0x17800] =	vst v63  }
0x47e: {  	s25 =	sld [smem:$0x7B1]  }
0x47f: {  	[tilespmem:s21], [sflag:$0x1] =	stream.linear.gather [hbm4b:s24+s3], $0x400, $0x38;
	[tilespmem:$0x17800] =	vst v63  }
0x480: {  	s10 =	sld [smem:$0x7B2]  }
0x481: {  	[tilespmem:s26], [sflag:$0x1] =	stream.linear.gather [hbm4b:s25+s3], $0x400, $0x38;
	[tilespmem:$0x17800] =	vst v63  }
0x482: {  	s15 =	sld [smem:$0x7B3]  }
0x483: {  	[tilespmem:s28], [sflag:$0x1] =	stream.linear.gather [hbm4b:s10+s3], $0x400, $0x38;
	[tilespmem:$0x17800] =	vst v63  }
0x484: {  	s22 =	sld [smem:$0x7B4]  }
0x485: {  	[tilespmem:s29], [sflag:$0x1] =	stream.linear.gather [hbm4b:s15+s3], $0x400, $0x38;
	[tilespmem:$0x17800] =	vst v63  }
0x486: {  	s23 =	simm.s32 $0x3400;
	s24 =	sld [smem:$0x7ED]  }
0x487: {  	[tilespmem:s23], [sflag:$0x1] =	stream.linear.gather [hbm4b:s22+s3], $0x400, $0x38;
	[tilespmem:$0x17800] =	vst v63  }
0x488: {  	s25 =	simm.s32 $0x5800;
	s15 =	sld [smem:$0x7EE]  }
0x489: {  	[hbm4b:s24+s3] =	stream.linear.scatter [tilespmem:s25], [sflag:$0x3], $0x2000, $0x38;
	[tilespmem:$0x17800] =	vst v63  }
0x48a: {  	s22 =	simm.s32 $0x7800;
	s23 =	sld [smem:$0x7D0]  }
0x48b: {  	[hbm4b:s15+s3] =	stream.linear.scatter [tilespmem:s22], [sflag:$0x3], $0x2000, $0x38;
	[tilespmem:$0x17800] =	vst v63  }
0x48c: {  	s24 =	simm.s32 $0x9800  }
0x48d: {  	[hbm4b:s23+s3] =	stream.linear.scatter [tilespmem:s24], [sflag:$0x3], $0x2000, $0x38;
	[tilespmem:$0x17800] =	vst v63  }
0x48e: {  	_ =	swait.ge [sflag:s13], $0x400  }
0x48f: {  	[sflag:s13] =	ssyncset.done $0x0  }
0x490: {  	[sflag:s13] =	ssyncadd.s32 $0xFFFFFC00  }
0x491: {  	_ =	swait.ge [sflag:s13], $0x400  }
0x492: {  	[sflag:s13] =	ssyncset.done $0x0  }
0x493: {  	[sflag:s13] =	ssyncadd.s32 $0xFFFFFC00  }
0x494: {  	_ =	swait.ge [sflag:s13], $0x400  }
0x495: {  	[sflag:s13] =	ssyncset.done $0x0  }
0x496: {  	[sflag:s13] =	ssyncadd.s32 $0xFFFFFC00  }
0x497: {  	_ =	swait.ge [sflag:s13], $0x400  }
0x498: {  	[sflag:s13] =	ssyncset.done $0x0  }
0x499: {  	[sflag:s13] =	ssyncadd.s32 $0xFFFFFC00  }
0x49a: {  	_ =	swait.ge [sflag:s13], $0x400  }
0x49b: {  	[sflag:s13] =	ssyncset.done $0x0  }
0x49c: {  	[sflag:s13] =	ssyncadd.s32 $0xFFFFFC00  }
0x49d: {  	_ =	swait.ge [sflag:s13], $0x400  }
0x49e: {  	[sflag:s13] =	ssyncset.done $0x0  }
0x49f: {  	[sflag:s13] =	ssyncadd.s32 $0xFFFFFC00  }
0x4a0: {  	_ =	swait.ge [sflag:s13], $0x400  }
0x4a1: {  	[sflag:s13] =	ssyncset.done $0x0  }
0x4a2: {  	[sflag:s13] =	ssyncadd.s32 $0xFFFFFC00  }
0x4a3: {  	_ =	swait.ge [sflag:s13], $0x400  }
0x4a4: {  	[sflag:s13] =	ssyncset.done $0x0  }
0x4a5: {  	[sflag:s13] =	ssyncadd.s32 $0xFFFFFC00  }
0x4a6: {  	_ =	swait.ge [sflag:s17], $0x2000  }
0x4a7: {  	[sflag:s17] =	ssyncset.done $0x0  }
0x4a8: {  	[sflag:s17] =	ssyncadd.s32 $0xFFFFE000  }
0x4a9: {  	_ =	swait.ge [sflag:s17], $0x2000  }
0x4aa: {  	[sflag:s17] =	ssyncset.done $0x0  }
0x4ab: {  	[sflag:s17] =	ssyncadd.s32 $0xFFFFE000  }
0x4ac: {  	_ =	swait.ge [sflag:s17], $0x2000  }
0x4ad: {  	s25 =	sand.u32 $0x1C00, s3;
	s3 =	sand.u32 $0x380, s3;
	[sflag:s17] =	ssyncset.done $0x0  }
0x4ae: {  	s3 =	sor.u32 s3, s25;
	[sflag:s17] =	ssyncadd.s32 $0xFFFFE000  }
0x4af: {  	v5 =	vld [tilespmem:s3+$0x3870]  }
0x4b0: {  	v6 =	vld [tilespmem:s3+$0x3800]  }
0x4b1: {  	v7 =	vld [tilespmem:s3+$0x3810]  }
0x4b2: {  	v9 =	vld [tilespmem:s3+$0x3820]  }
0x4b3: {  	v10 =	vld [tilespmem:s3+$0x3830]  }
0x4b4: {  	v11 =	vld [tilespmem:s3+$0x3840]  }
0x4b5: {  	v4 =	vld [tilespmem:s3+$0x3850]  }
0x4b6: {  	v3 =	vld [tilespmem:s3+$0x3860]  }
0x4b7: {  	v8 =	vld.idx.msk [tilespmem:v5+s5+$0x0], $0xffff  }
0x4b8: {  	v12 =	vld.idx.msk [tilespmem:v6+s5+$0x0], $0xffff  }
0x4b9: {  	v13 =	vld.idx.msk [tilespmem:v7+s5+$0x0], $0xffff  }
0x4ba: {  	v14 =	vld.idx.msk [tilespmem:v9+s5+$0x0], $0xffff  }
0x4bb: {  	v15 =	vld.idx.msk [tilespmem:v10+s5+$0x0], $0xffff  }
0x4bc: {  	s3 =	simm.s32 $0xB840;
	v16 =	vld.idx.msk [tilespmem:v11+s5+$0x0], $0xffff  }
0x4bd: {  	v17 =	vld.idx.msk [tilespmem:v4+s5+$0x0], $0xffff;
	[tilespmem:s3+$0x30] =	vst v8  }
0x4be: {  	v56 =	vld.idx.msk [tilespmem:v3+s5+$0x0], $0xffff;
	[tilespmem:s3+$0xFFFFFFC0] =	vst v12  }
0x4bf: {  	[tilespmem:s3+$0xFFFFFFD0] =	vst v13;
	v8 =	vld.idx.msk [tilespmem:v5+s8+$0x0], $0xffff  }
0x4c0: {  	[tilespmem:s3+$0xFFFFFFE0] =	vst v14;
	v57 =	vld.idx.msk [tilespmem:v6+s8+$0x0], $0xffff  }
0x4c1: {  	[tilespmem:s3+$0xFFFFFFF0] =	vst v15;
	v58 =	vld.idx.msk [tilespmem:v7+s8+$0x0], $0xffff  }
0x4c2: {  	[tilespmem:s3+$0x0] =	vst v16;
	v59 =	vld.idx.msk [tilespmem:v9+s8+$0x0], $0xffff  }
0x4c3: {  	[tilespmem:s3+$0x10] =	vst v17;
	v60 =	vld.idx.msk [tilespmem:v10+s8+$0x0], $0xffff  }
0x4c4: {  	s7 =	simm.s32 $0xD840;
	[tilespmem:s3+$0x20] =	vst v56;
	v61 =	vld.idx.msk [tilespmem:v11+s8+$0x0], $0xffff  }
0x4c5: {  	v63 =	vld.idx.msk [tilespmem:v4+s8+$0x0], $0xffff;
	[tilespmem:s7+$0x30] =	vst v8  }
0x4c6: {  	[tilespmem:s7+$0xFFFFFFC0] =	vst v57;
	v8 =	vld.idx.msk [tilespmem:v3+s8+$0x0], $0xffff  }
0x4c7: {  	[tilespmem:s7+$0xFFFFFFD0] =	vst v58;
	v62 =	vld.idx.msk [tilespmem:v5+s11+$0x0], $0xffff  }
0x4c8: {  	[tilespmem:s7+$0xFFFFFFE0] =	vst v59;
	v6 =	vld.idx.msk [tilespmem:v6+s11+$0x0], $0xffff  }
0x4c9: {  	[tilespmem:s7+$0xFFFFFFF0] =	vst v60;
	v5 =	vld.idx.msk [tilespmem:v7+s11+$0x0], $0xffff  }
0x4ca: {  	[tilespmem:s7+$0x0] =	vst v61;
	v7 =	vld.idx.msk [tilespmem:v9+s11+$0x0], $0xffff  }
0x4cb: {  	s10 =	simm.s32 $0xF840;
	[tilespmem:s7+$0x10] =	vst v63;
	v9 =	vld.idx.msk [tilespmem:v10+s11+$0x0], $0xffff  }
0x4cc: {  	s15 =	simm.s32 $0x0;
	s22 =	simm.s32 $0x400;
	s23 =	simm.s32 $0x10;
	v10 =	vld.idx.msk [tilespmem:v11+s11+$0x0], $0xffff;
	[tilespmem:s10+$0x30] =	vst v62  }
.LBB2_20:
0x4cd: {  	s24 =	sand.u32 $0x1C00, s22;
	s25 =	sand.u32 $0x380, s23;
	s15 =	sadd.s32 $0x8, s15;
	v4 =	vld.idx.msk [tilespmem:v4+s11+$0x0], $0xffff;
	[tilespmem:s7+$0x20] =	vst v8  }
0x4ce: {  	s24 =	sor.u32 s25, s24;
	p0 =	slt.u32 s15, $0x1F8;
	[tilespmem:s10+$0xFFFFFFC0] =	vst v6;
	v3 =	vld.idx.msk [tilespmem:v3+s11+$0x0], $0xffff  }
0x4cf: {  	v6 =	vld [tilespmem:s24+$0x3870];
	[tilespmem:s10+$0xFFFFFFD0] =	vst v5  }
0x4d0: {  	v5 =	vld [tilespmem:s24+$0x3800];
	[tilespmem:s10+$0xFFFFFFE0] =	vst v7  }
0x4d1: {  	v7 =	vld [tilespmem:s24+$0x3810];
	[tilespmem:s10+$0xFFFFFFF0] =	vst v9  }
0x4d2: {  	v9 =	vld [tilespmem:s24+$0x3820];
	[tilespmem:s10+$0x0] =	vst v10  }
0x4d3: {  	v10 =	vld [tilespmem:s24+$0x3830];
	[tilespmem:s10+$0x10] =	vst v4  }
0x4d4: {  	v11 =	vld [tilespmem:s24+$0x3840];
	[tilespmem:s10+$0x20] =	vst v3  }
0x4d5: {  	v4 =	vld [tilespmem:s24+$0x3850]  }
0x4d6: {  	v3 =	vld [tilespmem:s24+$0x3860]  }
0x4d7: {  	v8 =	vld.idx.msk [tilespmem:v6+s5+$0x0], $0xffff  }
0x4d8: {  	v12 =	vld.idx.msk [tilespmem:v5+s5+$0x0], $0xffff  }
0x4d9: {  	v13 =	vld.idx.msk [tilespmem:v7+s5+$0x0], $0xffff  }
0x4da: {  	v14 =	vld.idx.msk [tilespmem:v9+s5+$0x0], $0xffff  }
0x4db: {  	v15 =	vld.idx.msk [tilespmem:v10+s5+$0x0], $0xffff  }
0x4dc: {  	s3 =	sadd.s32 $0x80, s3;
	v16 =	vld.idx.msk [tilespmem:v11+s5+$0x0], $0xffff  }
0x4dd: {  	v17 =	vld.idx.msk [tilespmem:v4+s5+$0x0], $0xffff;
	[tilespmem:s3+$0x30] =	vst v8  }
0x4de: {  	[tilespmem:s3+$0xFFFFFFC0] =	vst v12;
	v8 =	vld.idx.msk [tilespmem:v6+s8+$0x0], $0xffff  }
0x4df: {  	[tilespmem:s3+$0xFFFFFFD0] =	vst v13;
	v12 =	vld.idx.msk [tilespmem:v3+s5+$0x0], $0xffff  }
0x4e0: {  	v13 =	vld.idx.msk [tilespmem:v5+s8+$0x0], $0xffff;
	[tilespmem:s3+$0xFFFFFFE0] =	vst v14  }
0x4e1: {  	v14 =	vld.idx.msk [tilespmem:v7+s8+$0x0], $0xffff;
	[tilespmem:s3+$0xFFFFFFF0] =	vst v15  }
0x4e2: {  	v15 =	vld.idx.msk [tilespmem:v9+s8+$0x0], $0xffff;
	[tilespmem:s3+$0x0] =	vst v16  }
0x4e3: {  	s7 =	sadd.s32 $0x80, s7;
	v16 =	vld.idx.msk [tilespmem:v10+s8+$0x0], $0xffff;
	[tilespmem:s3+$0x10] =	vst v17  }
0x4e4: {  	v17 =	vld.idx.msk [tilespmem:v11+s8+$0x0], $0xffff;
	[tilespmem:s7+$0x30] =	vst v8  }
0x4e5: {  	[tilespmem:s3+$0x20] =	vst v12;
	v12 =	vld.idx.msk [tilespmem:v6+s11+$0x0], $0xffff  }
0x4e6: {  	[tilespmem:s7+$0xFFFFFFC0] =	vst v13;
	v13 =	vld.idx.msk [tilespmem:v4+s8+$0x0], $0xffff  }
0x4e7: {  	[tilespmem:s7+$0xFFFFFFD0] =	vst v14;
	v8 =	vld.idx.msk [tilespmem:v3+s8+$0x0], $0xffff  }
.Ltmp9:
0x4e8: {  	v6 =	vld.idx.msk [tilespmem:v5+s11+$0x0], $0xffff;
	[tilespmem:s7+$0xFFFFFFE0] =	vst v15;
	(pc) =	sbr.rel @p0 .LBB2_20-.Ltmp9, $4  }
0x4e9: {  	v5 =	vld.idx.msk [tilespmem:v7+s11+$0x0], $0xffff;
	[tilespmem:s7+$0xFFFFFFF0] =	vst v16  }
0x4ea: {  	s10 =	sadd.s32 $0x80, s10;
	v7 =	vld.idx.msk [tilespmem:v9+s11+$0x0], $0xffff;
	[tilespmem:s7+$0x0] =	vst v17  }
0x4eb: {  	v9 =	vld.idx.msk [tilespmem:v10+s11+$0x0], $0xffff;
	[tilespmem:s10+$0x30] =	vst v12  }
0x4ec: {  	s22 =	sadd.s32 $0x400, s22;
	s23 =	sadd.s32 $0x10, s23;
	v10 =	vld.idx.msk [tilespmem:v11+s11+$0x0], $0xffff;
	[tilespmem:s7+$0x10] =	vst v13  }
0x4ed: {  	_ =	sdelay $0x2  }
0x4ee: {  	[tilespmem:s7+$0x20] =	vst v8  }
0x4ef: {  	v4 =	vld.idx.msk [tilespmem:v4+s11+$0x0], $0xffff;
	[tilespmem:s10+$0xFFFFFFC0] =	vst v6  }
0x4f0: {  	v3 =	vld.idx.msk [tilespmem:v3+s11+$0x0], $0xffff;
	[tilespmem:s10+$0xFFFFFFD0] =	vst v5  }
0x4f1: {  	[tilespmem:s10+$0xFFFFFFE0] =	vst v7  }
0x4f2: {  	[tilespmem:s10+$0xFFFFFFF0] =	vst v9  }
0x4f3: {  	[tilespmem:s10+$0x0] =	vst v10  }
0x4f4: {  	[tilespmem:s10+$0x10] =	vst v4  }
0x4f5: {  	[tilespmem:s10+$0x20] =	vst v3  }
0x4f6: {  	s7 =	sld [smem:$0x7B5];
	_ =	sdelay $0x1  }
0x4f7: {  	s3 =	simm.s32 $0x0;
	s25 =	simm.s32 $0x3800;
	s15 =	sld [smem:$0x7B6]  }
0x4f8: {  	[tilespmem:s25], [sflag:$0x2] =	stream.linear.gather [hbm4b:s7+s3], $0x400, $0x38;
	[tilespmem:$0x17800] =	vst v63  }
0x4f9: {  	s22 =	simm.s32 $0x3C00;
	s23 =	sld [smem:$0x7B7]  }
0x4fa: {  	[tilespmem:s22], [sflag:$0x2] =	stream.linear.gather [hbm4b:s15+s3], $0x400, $0x38;
	[tilespmem:$0x17800] =	vst v63  }
0x4fb: {  	s24 =	simm.s32 $0x4000;
	s25 =	sld [smem:$0x7B8]  }
0x4fc: {  	[tilespmem:s24], [sflag:$0x2] =	stream.linear.gather [hbm4b:s23+s3], $0x400, $0x38;
	[tilespmem:$0x17800] =	vst v63  }
0x4fd: {  	s10 =	sld [smem:$0x7B9]  }
0x4fe: {  	[tilespmem:s30], [sflag:$0x2] =	stream.linear.gather [hbm4b:s25+s3], $0x400, $0x38;
	[tilespmem:$0x17800] =	vst v63  }
0x4ff: {  	s15 =	sld [smem:$0x7BA]  }
0x500: {  	[tilespmem:s31], [sflag:$0x2] =	stream.linear.gather [hbm4b:s10+s3], $0x400, $0x38;
	[tilespmem:$0x17800] =	vst v63  }
0x501: {  	s22 =	sld [smem:$0x7BB]  }
0x502: {  	[tilespmem:s0], [sflag:$0x2] =	stream.linear.gather [hbm4b:s15+s3], $0x400, $0x38;
	[tilespmem:$0x17800] =	vst v63  }
0x503: {  	s23 =	sld [smem:$0x7BC]  }
0x504: {  	[tilespmem:s1], [sflag:$0x2] =	stream.linear.gather [hbm4b:s22+s3], $0x400, $0x38;
	[tilespmem:$0x17800] =	vst v63  }
0x505: {  	s24 =	sld [smem:$0x7F0]  }
0x506: {  	[tilespmem:s2], [sflag:$0x2] =	stream.linear.gather [hbm4b:s23+s3], $0x400, $0x38;
	[tilespmem:$0x17800] =	vst v63  }
0x507: {  	s25 =	simm.s32 $0xB800;
	s15 =	sld [smem:$0x7EF]  }
0x508: {  	[hbm4b:s24+s3] =	stream.linear.scatter [tilespmem:s25], [sflag:$0x4], $0x2000, $0x38;
	[tilespmem:$0x17800] =	vst v63  }
0x509: {  	s22 =	simm.s32 $0xD800;
	s23 =	sld [smem:$0x7F1]  }
0x50a: {  	[hbm4b:s15+s3] =	stream.linear.scatter [tilespmem:s22], [sflag:$0x4], $0x2000, $0x38;
	[tilespmem:$0x17800] =	vst v63  }
0x50b: {  	s24 =	simm.s32 $0xF800  }
0x50c: {  	[hbm4b:s23+s3] =	stream.linear.scatter [tilespmem:s24], [sflag:$0x4], $0x2000, $0x38;
	[tilespmem:$0x17800] =	vst v63  }
0x50d: {  	_ =	swait.ge [sflag:s6], $0x400  }
0x50e: {  	[sflag:s6] =	ssyncset.done $0x0  }
0x50f: {  	[sflag:s6] =	ssyncadd.s32 $0xFFFFFC00  }
0x510: {  	_ =	swait.ge [sflag:s6], $0x400  }
0x511: {  	[sflag:s6] =	ssyncset.done $0x0  }
0x512: {  	[sflag:s6] =	ssyncadd.s32 $0xFFFFFC00  }
0x513: {  	_ =	swait.ge [sflag:s6], $0x400  }
0x514: {  	[sflag:s6] =	ssyncset.done $0x0  }
0x515: {  	[sflag:s6] =	ssyncadd.s32 $0xFFFFFC00  }
0x516: {  	_ =	swait.ge [sflag:s6], $0x400  }
0x517: {  	[sflag:s6] =	ssyncset.done $0x0  }
0x518: {  	[sflag:s6] =	ssyncadd.s32 $0xFFFFFC00  }
0x519: {  	_ =	swait.ge [sflag:s6], $0x400  }
0x51a: {  	[sflag:s6] =	ssyncset.done $0x0  }
0x51b: {  	[sflag:s6] =	ssyncadd.s32 $0xFFFFFC00  }
0x51c: {  	_ =	swait.ge [sflag:s6], $0x400  }
0x51d: {  	[sflag:s6] =	ssyncset.done $0x0  }
0x51e: {  	[sflag:s6] =	ssyncadd.s32 $0xFFFFFC00  }
0x51f: {  	_ =	swait.ge [sflag:s6], $0x400  }
0x520: {  	[sflag:s6] =	ssyncset.done $0x0  }
0x521: {  	[sflag:s6] =	ssyncadd.s32 $0xFFFFFC00  }
0x522: {  	_ =	swait.ge [sflag:s6], $0x400  }
0x523: {  	[sflag:s6] =	ssyncset.done $0x0  }
0x524: {  	[sflag:s6] =	ssyncadd.s32 $0xFFFFFC00  }
0x525: {  	_ =	swait.ge [sflag:s18], $0x2000  }
0x526: {  	[sflag:s18] =	ssyncset.done $0x0  }
0x527: {  	[sflag:s18] =	ssyncadd.s32 $0xFFFFE000  }
0x528: {  	_ =	swait.ge [sflag:s18], $0x2000  }
0x529: {  	[sflag:s18] =	ssyncset.done $0x0  }
0x52a: {  	[sflag:s18] =	ssyncadd.s32 $0xFFFFE000  }
0x52b: {  	_ =	swait.ge [sflag:s18], $0x2000  }
0x52c: {  	s25 =	sand.u32 $0x1C00, s3;
	s3 =	sand.u32 $0x380, s3;
	[sflag:s18] =	ssyncset.done $0x0  }
0x52d: {  	s3 =	sor.u32 s3, s25;
	[sflag:s18] =	ssyncadd.s32 $0xFFFFE000  }
0x52e: {  	v5 =	vld [tilespmem:s3+$0x1870]  }
0x52f: {  	v6 =	vld [tilespmem:s3+$0x1800]  }
0x530: {  	v7 =	vld [tilespmem:s3+$0x1810]  }
0x531: {  	v9 =	vld [tilespmem:s3+$0x1820]  }
0x532: {  	v10 =	vld [tilespmem:s3+$0x1830]  }
0x533: {  	v11 =	vld [tilespmem:s3+$0x1840]  }
0x534: {  	v4 =	vld [tilespmem:s3+$0x1850]  }
0x535: {  	v3 =	vld [tilespmem:s3+$0x1860]  }
0x536: {  	v8 =	vld.idx.msk [tilespmem:v5+s5+$0x0], $0xffff  }
0x537: {  	v12 =	vld.idx.msk [tilespmem:v6+s5+$0x0], $0xffff  }
0x538: {  	v13 =	vld.idx.msk [tilespmem:v7+s5+$0x0], $0xffff  }
0x539: {  	v14 =	vld.idx.msk [tilespmem:v9+s5+$0x0], $0xffff  }
0x53a: {  	v15 =	vld.idx.msk [tilespmem:v10+s5+$0x0], $0xffff  }
0x53b: {  	s3 =	simm.s32 $0x11840;
	v16 =	vld.idx.msk [tilespmem:v11+s5+$0x0], $0xffff  }
0x53c: {  	v17 =	vld.idx.msk [tilespmem:v4+s5+$0x0], $0xffff;
	[tilespmem:s3+$0x30] =	vst v8  }
0x53d: {  	v56 =	vld.idx.msk [tilespmem:v3+s5+$0x0], $0xffff;
	[tilespmem:s3+$0xFFFFFFC0] =	vst v12  }
0x53e: {  	[tilespmem:s3+$0xFFFFFFD0] =	vst v13;
	v8 =	vld.idx.msk [tilespmem:v5+s8+$0x0], $0xffff  }
0x53f: {  	[tilespmem:s3+$0xFFFFFFE0] =	vst v14;
	v57 =	vld.idx.msk [tilespmem:v6+s8+$0x0], $0xffff  }
0x540: {  	[tilespmem:s3+$0xFFFFFFF0] =	vst v15;
	v58 =	vld.idx.msk [tilespmem:v7+s8+$0x0], $0xffff  }
0x541: {  	[tilespmem:s3+$0x0] =	vst v16;
	v59 =	vld.idx.msk [tilespmem:v9+s8+$0x0], $0xffff  }
0x542: {  	[tilespmem:s3+$0x10] =	vst v17;
	v60 =	vld.idx.msk [tilespmem:v10+s8+$0x0], $0xffff  }
0x543: {  	s7 =	simm.s32 $0x13840;
	[tilespmem:s3+$0x20] =	vst v56;
	v61 =	vld.idx.msk [tilespmem:v11+s8+$0x0], $0xffff  }
0x544: {  	v63 =	vld.idx.msk [tilespmem:v4+s8+$0x0], $0xffff;
	[tilespmem:s7+$0x30] =	vst v8  }
0x545: {  	[tilespmem:s7+$0xFFFFFFC0] =	vst v57;
	v8 =	vld.idx.msk [tilespmem:v3+s8+$0x0], $0xffff  }
0x546: {  	[tilespmem:s7+$0xFFFFFFD0] =	vst v58;
	v62 =	vld.idx.msk [tilespmem:v5+s11+$0x0], $0xffff  }
0x547: {  	[tilespmem:s7+$0xFFFFFFE0] =	vst v59;
	v6 =	vld.idx.msk [tilespmem:v6+s11+$0x0], $0xffff  }
0x548: {  	[tilespmem:s7+$0xFFFFFFF0] =	vst v60;
	v5 =	vld.idx.msk [tilespmem:v7+s11+$0x0], $0xffff  }
0x549: {  	[tilespmem:s7+$0x0] =	vst v61;
	v7 =	vld.idx.msk [tilespmem:v9+s11+$0x0], $0xffff  }
0x54a: {  	s10 =	simm.s32 $0x15840;
	[tilespmem:s7+$0x10] =	vst v63;
	v9 =	vld.idx.msk [tilespmem:v10+s11+$0x0], $0xffff  }
0x54b: {  	s15 =	simm.s32 $0x0;
	s22 =	simm.s32 $0x400;
	s23 =	simm.s32 $0x10;
	v10 =	vld.idx.msk [tilespmem:v11+s11+$0x0], $0xffff;
	[tilespmem:s10+$0x30] =	vst v62  }
.LBB2_22:
0x54c: {  	s24 =	sand.u32 $0x1C00, s22;
	s25 =	sand.u32 $0x380, s23;
	s15 =	sadd.s32 $0x8, s15;
	v4 =	vld.idx.msk [tilespmem:v4+s11+$0x0], $0xffff;
	[tilespmem:s7+$0x20] =	vst v8  }
0x54d: {  	s24 =	sor.u32 s25, s24;
	p0 =	slt.u32 s15, $0x1F8;
	[tilespmem:s10+$0xFFFFFFC0] =	vst v6;
	v3 =	vld.idx.msk [tilespmem:v3+s11+$0x0], $0xffff  }
0x54e: {  	v6 =	vld [tilespmem:s24+$0x1870];
	[tilespmem:s10+$0xFFFFFFD0] =	vst v5  }
0x54f: {  	v5 =	vld [tilespmem:s24+$0x1800];
	[tilespmem:s10+$0xFFFFFFE0] =	vst v7  }
0x550: {  	v7 =	vld [tilespmem:s24+$0x1810];
	[tilespmem:s10+$0xFFFFFFF0] =	vst v9  }
0x551: {  	v9 =	vld [tilespmem:s24+$0x1820];
	[tilespmem:s10+$0x0] =	vst v10  }
0x552: {  	v10 =	vld [tilespmem:s24+$0x1830];
	[tilespmem:s10+$0x10] =	vst v4  }
0x553: {  	v11 =	vld [tilespmem:s24+$0x1840];
	[tilespmem:s10+$0x20] =	vst v3  }
0x554: {  	v4 =	vld [tilespmem:s24+$0x1850]  }
0x555: {  	v3 =	vld [tilespmem:s24+$0x1860]  }
0x556: {  	v8 =	vld.idx.msk [tilespmem:v6+s5+$0x0], $0xffff  }
0x557: {  	v12 =	vld.idx.msk [tilespmem:v5+s5+$0x0], $0xffff  }
0x558: {  	v13 =	vld.idx.msk [tilespmem:v7+s5+$0x0], $0xffff  }
0x559: {  	v14 =	vld.idx.msk [tilespmem:v9+s5+$0x0], $0xffff  }
0x55a: {  	v15 =	vld.idx.msk [tilespmem:v10+s5+$0x0], $0xffff  }
0x55b: {  	s3 =	sadd.s32 $0x80, s3;
	v16 =	vld.idx.msk [tilespmem:v11+s5+$0x0], $0xffff  }
0x55c: {  	v17 =	vld.idx.msk [tilespmem:v4+s5+$0x0], $0xffff;
	[tilespmem:s3+$0x30] =	vst v8  }
0x55d: {  	[tilespmem:s3+$0xFFFFFFC0] =	vst v12;
	v8 =	vld.idx.msk [tilespmem:v6+s8+$0x0], $0xffff  }
0x55e: {  	[tilespmem:s3+$0xFFFFFFD0] =	vst v13;
	v12 =	vld.idx.msk [tilespmem:v3+s5+$0x0], $0xffff  }
0x55f: {  	v13 =	vld.idx.msk [tilespmem:v5+s8+$0x0], $0xffff;
	[tilespmem:s3+$0xFFFFFFE0] =	vst v14  }
0x560: {  	v14 =	vld.idx.msk [tilespmem:v7+s8+$0x0], $0xffff;
	[tilespmem:s3+$0xFFFFFFF0] =	vst v15  }
0x561: {  	v15 =	vld.idx.msk [tilespmem:v9+s8+$0x0], $0xffff;
	[tilespmem:s3+$0x0] =	vst v16  }
0x562: {  	s7 =	sadd.s32 $0x80, s7;
	v16 =	vld.idx.msk [tilespmem:v10+s8+$0x0], $0xffff;
	[tilespmem:s3+$0x10] =	vst v17  }
0x563: {  	v17 =	vld.idx.msk [tilespmem:v11+s8+$0x0], $0xffff;
	[tilespmem:s7+$0x30] =	vst v8  }
0x564: {  	[tilespmem:s3+$0x20] =	vst v12;
	v12 =	vld.idx.msk [tilespmem:v6+s11+$0x0], $0xffff  }
0x565: {  	[tilespmem:s7+$0xFFFFFFC0] =	vst v13;
	v13 =	vld.idx.msk [tilespmem:v4+s8+$0x0], $0xffff  }
0x566: {  	[tilespmem:s7+$0xFFFFFFD0] =	vst v14;
	v8 =	vld.idx.msk [tilespmem:v3+s8+$0x0], $0xffff  }
.Ltmp10:
0x567: {  	v6 =	vld.idx.msk [tilespmem:v5+s11+$0x0], $0xffff;
	[tilespmem:s7+$0xFFFFFFE0] =	vst v15;
	(pc) =	sbr.rel @p0 .LBB2_22-.Ltmp10, $4  }
0x568: {  	v5 =	vld.idx.msk [tilespmem:v7+s11+$0x0], $0xffff;
	[tilespmem:s7+$0xFFFFFFF0] =	vst v16  }
0x569: {  	s10 =	sadd.s32 $0x80, s10;
	v7 =	vld.idx.msk [tilespmem:v9+s11+$0x0], $0xffff;
	[tilespmem:s7+$0x0] =	vst v17  }
0x56a: {  	v9 =	vld.idx.msk [tilespmem:v10+s11+$0x0], $0xffff;
	[tilespmem:s10+$0x30] =	vst v12  }
0x56b: {  	s22 =	sadd.s32 $0x400, s22;
	s23 =	sadd.s32 $0x10, s23;
	v10 =	vld.idx.msk [tilespmem:v11+s11+$0x0], $0xffff;
	[tilespmem:s7+$0x10] =	vst v13  }
0x56c: {  	_ =	sdelay $0x2  }
0x56d: {  	[tilespmem:s7+$0x20] =	vst v8  }
0x56e: {  	v4 =	vld.idx.msk [tilespmem:v4+s11+$0x0], $0xffff;
	[tilespmem:s10+$0xFFFFFFC0] =	vst v6  }
0x56f: {  	v3 =	vld.idx.msk [tilespmem:v3+s11+$0x0], $0xffff;
	[tilespmem:s10+$0xFFFFFFD0] =	vst v5  }
0x570: {  	[tilespmem:s10+$0xFFFFFFE0] =	vst v7  }
0x571: {  	[tilespmem:s10+$0xFFFFFFF0] =	vst v9  }
0x572: {  	[tilespmem:s10+$0x0] =	vst v10  }
0x573: {  	[tilespmem:s10+$0x10] =	vst v4  }
0x574: {  	[tilespmem:s10+$0x20] =	vst v3  }
0x575: {  	s7 =	sld [smem:$0x7BD];
	_ =	sdelay $0x1  }
0x576: {  	s3 =	simm.s32 $0x0;
	s22 =	sld [smem:$0x7BE]  }
0x577: {  	[tilespmem:s9], [sflag:$0x1] =	stream.linear.gather [hbm4b:s7+s3], $0x400, $0x38;
	[tilespmem:$0x17800] =	vst v63  }
0x578: {  	s23 =	sld [smem:$0x7BF]  }
0x579: {  	[tilespmem:s12], [sflag:$0x1] =	stream.linear.gather [hbm4b:s22+s3], $0x400, $0x38;
	[tilespmem:$0x17800] =	vst v63  }
0x57a: {  	s24 =	sld [smem:$0x7C0]  }
0x57b: {  	[tilespmem:s14], [sflag:$0x1] =	stream.linear.gather [hbm4b:s23+s3], $0x400, $0x38;
	[tilespmem:$0x17800] =	vst v63  }
0x57c: {  	s25 =	sld [smem:$0x7C1]  }
0x57d: {  	[tilespmem:s21], [sflag:$0x1] =	stream.linear.gather [hbm4b:s24+s3], $0x400, $0x38;
	[tilespmem:$0x17800] =	vst v63  }
0x57e: {  	s10 =	sld [smem:$0x7C2]  }
0x57f: {  	[tilespmem:s26], [sflag:$0x1] =	stream.linear.gather [hbm4b:s25+s3], $0x400, $0x38;
	[tilespmem:$0x17800] =	vst v63  }
0x580: {  	s15 =	sld [smem:$0x7C3]  }
0x581: {  	[tilespmem:s28], [sflag:$0x1] =	stream.linear.gather [hbm4b:s10+s3], $0x400, $0x38;
	[tilespmem:$0x17800] =	vst v63  }
0x582: {  	s22 =	sld [smem:$0x7C4]  }
0x583: {  	[tilespmem:s29], [sflag:$0x1] =	stream.linear.gather [hbm4b:s15+s3], $0x400, $0x38;
	[tilespmem:$0x17800] =	vst v63  }
0x584: {  	s23 =	simm.s32 $0x3400;
	s24 =	sld [smem:$0x7F3]  }
0x585: {  	[tilespmem:s23], [sflag:$0x1] =	stream.linear.gather [hbm4b:s22+s3], $0x400, $0x38;
	[tilespmem:$0x17800] =	vst v63  }
0x586: {  	s25 =	simm.s32 $0x11800;
	s15 =	sld [smem:$0x7F2]  }
0x587: {  	[hbm4b:s24+s3] =	stream.linear.scatter [tilespmem:s25], [sflag:$0x5], $0x2000, $0x38;
	[tilespmem:$0x17800] =	vst v63  }
0x588: {  	s22 =	simm.s32 $0x13800;
	s23 =	sld [smem:$0x7F4]  }
0x589: {  	[hbm4b:s15+s3] =	stream.linear.scatter [tilespmem:s22], [sflag:$0x5], $0x2000, $0x38;
	[tilespmem:$0x17800] =	vst v63  }
0x58a: {  	s24 =	simm.s32 $0x15800  }
0x58b: {  	[hbm4b:s23+s3] =	stream.linear.scatter [tilespmem:s24], [sflag:$0x5], $0x2000, $0x38;
	[tilespmem:$0x17800] =	vst v63  }
0x58c: {  	_ =	swait.ge [sflag:s13], $0x400  }
0x58d: {  	[sflag:s13] =	ssyncset.done $0x0  }
0x58e: {  	[sflag:s13] =	ssyncadd.s32 $0xFFFFFC00  }
0x58f: {  	_ =	swait.ge [sflag:s13], $0x400  }
0x590: {  	[sflag:s13] =	ssyncset.done $0x0  }
0x591: {  	[sflag:s13] =	ssyncadd.s32 $0xFFFFFC00  }
0x592: {  	_ =	swait.ge [sflag:s13], $0x400  }
0x593: {  	[sflag:s13] =	ssyncset.done $0x0  }
0x594: {  	[sflag:s13] =	ssyncadd.s32 $0xFFFFFC00  }
0x595: {  	_ =	swait.ge [sflag:s13], $0x400  }
0x596: {  	[sflag:s13] =	ssyncset.done $0x0  }
0x597: {  	[sflag:s13] =	ssyncadd.s32 $0xFFFFFC00  }
0x598: {  	_ =	swait.ge [sflag:s13], $0x400  }
0x599: {  	[sflag:s13] =	ssyncset.done $0x0  }
0x59a: {  	[sflag:s13] =	ssyncadd.s32 $0xFFFFFC00  }
0x59b: {  	_ =	swait.ge [sflag:s13], $0x400  }
0x59c: {  	[sflag:s13] =	ssyncset.done $0x0  }
0x59d: {  	[sflag:s13] =	ssyncadd.s32 $0xFFFFFC00  }
0x59e: {  	_ =	swait.ge [sflag:s13], $0x400  }
0x59f: {  	[sflag:s13] =	ssyncset.done $0x0  }
0x5a0: {  	[sflag:s13] =	ssyncadd.s32 $0xFFFFFC00  }
0x5a1: {  	_ =	swait.ge [sflag:s13], $0x400  }
0x5a2: {  	[sflag:s13] =	ssyncset.done $0x0  }
0x5a3: {  	[sflag:s13] =	ssyncadd.s32 $0xFFFFFC00  }
0x5a4: {  	_ =	swait.ge [sflag:s16], $0x2000  }
0x5a5: {  	[sflag:s16] =	ssyncset.done $0x0  }
0x5a6: {  	[sflag:s16] =	ssyncadd.s32 $0xFFFFE000  }
0x5a7: {  	_ =	swait.ge [sflag:s16], $0x2000  }
0x5a8: {  	[sflag:s16] =	ssyncset.done $0x0  }
0x5a9: {  	[sflag:s16] =	ssyncadd.s32 $0xFFFFE000  }
0x5aa: {  	_ =	swait.ge [sflag:s16], $0x2000  }
0x5ab: {  	s25 =	sand.u32 $0x1C00, s3;
	s3 =	sand.u32 $0x380, s3;
	[sflag:s16] =	ssyncset.done $0x0  }
0x5ac: {  	s3 =	sor.u32 s3, s25;
	[sflag:s16] =	ssyncadd.s32 $0xFFFFE000  }
0x5ad: {  	v5 =	vld [tilespmem:s3+$0x3870]  }
0x5ae: {  	v6 =	vld [tilespmem:s3+$0x3800]  }
0x5af: {  	v7 =	vld [tilespmem:s3+$0x3810]  }
0x5b0: {  	v9 =	vld [tilespmem:s3+$0x3820]  }
0x5b1: {  	v10 =	vld [tilespmem:s3+$0x3830]  }
0x5b2: {  	v11 =	vld [tilespmem:s3+$0x3840]  }
0x5b3: {  	v4 =	vld [tilespmem:s3+$0x3850]  }
0x5b4: {  	v3 =	vld [tilespmem:s3+$0x3860]  }
0x5b5: {  	v8 =	vld.idx.msk [tilespmem:v5+s5+$0x0], $0xffff  }
0x5b6: {  	v12 =	vld.idx.msk [tilespmem:v6+s5+$0x0], $0xffff  }
0x5b7: {  	v13 =	vld.idx.msk [tilespmem:v7+s5+$0x0], $0xffff  }
0x5b8: {  	v14 =	vld.idx.msk [tilespmem:v9+s5+$0x0], $0xffff  }
0x5b9: {  	v15 =	vld.idx.msk [tilespmem:v10+s5+$0x0], $0xffff  }
0x5ba: {  	s3 =	simm.s32 $0x5840;
	v16 =	vld.idx.msk [tilespmem:v11+s5+$0x0], $0xffff  }
0x5bb: {  	v17 =	vld.idx.msk [tilespmem:v4+s5+$0x0], $0xffff;
	[tilespmem:s3+$0x30] =	vst v8  }
0x5bc: {  	v56 =	vld.idx.msk [tilespmem:v3+s5+$0x0], $0xffff;
	[tilespmem:s3+$0xFFFFFFC0] =	vst v12  }
0x5bd: {  	[tilespmem:s3+$0xFFFFFFD0] =	vst v13;
	v8 =	vld.idx.msk [tilespmem:v5+s8+$0x0], $0xffff  }
0x5be: {  	[tilespmem:s3+$0xFFFFFFE0] =	vst v14;
	v57 =	vld.idx.msk [tilespmem:v6+s8+$0x0], $0xffff  }
0x5bf: {  	[tilespmem:s3+$0xFFFFFFF0] =	vst v15;
	v58 =	vld.idx.msk [tilespmem:v7+s8+$0x0], $0xffff  }
0x5c0: {  	[tilespmem:s3+$0x0] =	vst v16;
	v59 =	vld.idx.msk [tilespmem:v9+s8+$0x0], $0xffff  }
0x5c1: {  	[tilespmem:s3+$0x10] =	vst v17;
	v60 =	vld.idx.msk [tilespmem:v10+s8+$0x0], $0xffff  }
0x5c2: {  	s7 =	simm.s32 $0x7840;
	[tilespmem:s3+$0x20] =	vst v56;
	v61 =	vld.idx.msk [tilespmem:v11+s8+$0x0], $0xffff  }
0x5c3: {  	v63 =	vld.idx.msk [tilespmem:v4+s8+$0x0], $0xffff;
	[tilespmem:s7+$0x30] =	vst v8  }
0x5c4: {  	[tilespmem:s7+$0xFFFFFFC0] =	vst v57;
	v8 =	vld.idx.msk [tilespmem:v3+s8+$0x0], $0xffff  }
0x5c5: {  	[tilespmem:s7+$0xFFFFFFD0] =	vst v58;
	v62 =	vld.idx.msk [tilespmem:v5+s11+$0x0], $0xffff  }
0x5c6: {  	[tilespmem:s7+$0xFFFFFFE0] =	vst v59;
	v6 =	vld.idx.msk [tilespmem:v6+s11+$0x0], $0xffff  }
0x5c7: {  	[tilespmem:s7+$0xFFFFFFF0] =	vst v60;
	v5 =	vld.idx.msk [tilespmem:v7+s11+$0x0], $0xffff  }
0x5c8: {  	[tilespmem:s7+$0x0] =	vst v61;
	v7 =	vld.idx.msk [tilespmem:v9+s11+$0x0], $0xffff  }
0x5c9: {  	s10 =	simm.s32 $0x9840;
	[tilespmem:s7+$0x10] =	vst v63;
	v9 =	vld.idx.msk [tilespmem:v10+s11+$0x0], $0xffff  }
0x5ca: {  	s15 =	simm.s32 $0x0;
	s22 =	simm.s32 $0x400;
	s23 =	simm.s32 $0x10;
	v10 =	vld.idx.msk [tilespmem:v11+s11+$0x0], $0xffff;
	[tilespmem:s10+$0x30] =	vst v62  }
.LBB2_24:
0x5cb: {  	s24 =	sand.u32 $0x1C00, s22;
	s25 =	sand.u32 $0x380, s23;
	s15 =	sadd.s32 $0x8, s15;
	v4 =	vld.idx.msk [tilespmem:v4+s11+$0x0], $0xffff;
	[tilespmem:s7+$0x20] =	vst v8  }
0x5cc: {  	s24 =	sor.u32 s25, s24;
	p0 =	slt.u32 s15, $0x1F8;
	[tilespmem:s10+$0xFFFFFFC0] =	vst v6;
	v3 =	vld.idx.msk [tilespmem:v3+s11+$0x0], $0xffff  }
0x5cd: {  	v6 =	vld [tilespmem:s24+$0x3870];
	[tilespmem:s10+$0xFFFFFFD0] =	vst v5  }
0x5ce: {  	v5 =	vld [tilespmem:s24+$0x3800];
	[tilespmem:s10+$0xFFFFFFE0] =	vst v7  }
0x5cf: {  	v7 =	vld [tilespmem:s24+$0x3810];
	[tilespmem:s10+$0xFFFFFFF0] =	vst v9  }
0x5d0: {  	v9 =	vld [tilespmem:s24+$0x3820];
	[tilespmem:s10+$0x0] =	vst v10  }
0x5d1: {  	v10 =	vld [tilespmem:s24+$0x3830];
	[tilespmem:s10+$0x10] =	vst v4  }
0x5d2: {  	v11 =	vld [tilespmem:s24+$0x3840];
	[tilespmem:s10+$0x20] =	vst v3  }
0x5d3: {  	v4 =	vld [tilespmem:s24+$0x3850]  }
0x5d4: {  	v3 =	vld [tilespmem:s24+$0x3860]  }
0x5d5: {  	v8 =	vld.idx.msk [tilespmem:v6+s5+$0x0], $0xffff  }
0x5d6: {  	v12 =	vld.idx.msk [tilespmem:v5+s5+$0x0], $0xffff  }
0x5d7: {  	v13 =	vld.idx.msk [tilespmem:v7+s5+$0x0], $0xffff  }
0x5d8: {  	v14 =	vld.idx.msk [tilespmem:v9+s5+$0x0], $0xffff  }
0x5d9: {  	v15 =	vld.idx.msk [tilespmem:v10+s5+$0x0], $0xffff  }
0x5da: {  	s3 =	sadd.s32 $0x80, s3;
	v16 =	vld.idx.msk [tilespmem:v11+s5+$0x0], $0xffff  }
0x5db: {  	v17 =	vld.idx.msk [tilespmem:v4+s5+$0x0], $0xffff;
	[tilespmem:s3+$0x30] =	vst v8  }
0x5dc: {  	[tilespmem:s3+$0xFFFFFFC0] =	vst v12;
	v8 =	vld.idx.msk [tilespmem:v6+s8+$0x0], $0xffff  }
0x5dd: {  	[tilespmem:s3+$0xFFFFFFD0] =	vst v13;
	v12 =	vld.idx.msk [tilespmem:v3+s5+$0x0], $0xffff  }
0x5de: {  	v13 =	vld.idx.msk [tilespmem:v5+s8+$0x0], $0xffff;
	[tilespmem:s3+$0xFFFFFFE0] =	vst v14  }
0x5df: {  	v14 =	vld.idx.msk [tilespmem:v7+s8+$0x0], $0xffff;
	[tilespmem:s3+$0xFFFFFFF0] =	vst v15  }
0x5e0: {  	v15 =	vld.idx.msk [tilespmem:v9+s8+$0x0], $0xffff;
	[tilespmem:s3+$0x0] =	vst v16  }
0x5e1: {  	s7 =	sadd.s32 $0x80, s7;
	v16 =	vld.idx.msk [tilespmem:v10+s8+$0x0], $0xffff;
	[tilespmem:s3+$0x10] =	vst v17  }
0x5e2: {  	v17 =	vld.idx.msk [tilespmem:v11+s8+$0x0], $0xffff;
	[tilespmem:s7+$0x30] =	vst v8  }
0x5e3: {  	[tilespmem:s3+$0x20] =	vst v12;
	v12 =	vld.idx.msk [tilespmem:v6+s11+$0x0], $0xffff  }
0x5e4: {  	[tilespmem:s7+$0xFFFFFFC0] =	vst v13;
	v13 =	vld.idx.msk [tilespmem:v4+s8+$0x0], $0xffff  }
0x5e5: {  	[tilespmem:s7+$0xFFFFFFD0] =	vst v14;
	v8 =	vld.idx.msk [tilespmem:v3+s8+$0x0], $0xffff  }
.Ltmp11:
0x5e6: {  	v6 =	vld.idx.msk [tilespmem:v5+s11+$0x0], $0xffff;
	[tilespmem:s7+$0xFFFFFFE0] =	vst v15;
	(pc) =	sbr.rel @p0 .LBB2_24-.Ltmp11, $4  }
0x5e7: {  	v5 =	vld.idx.msk [tilespmem:v7+s11+$0x0], $0xffff;
	[tilespmem:s7+$0xFFFFFFF0] =	vst v16  }
0x5e8: {  	s10 =	sadd.s32 $0x80, s10;
	v7 =	vld.idx.msk [tilespmem:v9+s11+$0x0], $0xffff;
	[tilespmem:s7+$0x0] =	vst v17  }
0x5e9: {  	v9 =	vld.idx.msk [tilespmem:v10+s11+$0x0], $0xffff;
	[tilespmem:s10+$0x30] =	vst v12  }
0x5ea: {  	s22 =	sadd.s32 $0x400, s22;
	s23 =	sadd.s32 $0x10, s23;
	v10 =	vld.idx.msk [tilespmem:v11+s11+$0x0], $0xffff;
	[tilespmem:s7+$0x10] =	vst v13  }
0x5eb: {  	_ =	sdelay $0x2  }
0x5ec: {  	[tilespmem:s7+$0x20] =	vst v8  }
0x5ed: {  	v4 =	vld.idx.msk [tilespmem:v4+s11+$0x0], $0xffff;
	[tilespmem:s10+$0xFFFFFFC0] =	vst v6  }
0x5ee: {  	v3 =	vld.idx.msk [tilespmem:v3+s11+$0x0], $0xffff;
	[tilespmem:s10+$0xFFFFFFD0] =	vst v5  }
0x5ef: {  	[tilespmem:s10+$0xFFFFFFE0] =	vst v7  }
0x5f0: {  	[tilespmem:s10+$0xFFFFFFF0] =	vst v9  }
0x5f1: {  	[tilespmem:s10+$0x0] =	vst v10  }
0x5f2: {  	[tilespmem:s10+$0x10] =	vst v4  }
0x5f3: {  	[tilespmem:s10+$0x20] =	vst v3  }
0x5f4: {  	s7 =	sld [smem:$0x7CC];
	_ =	sdelay $0x1  }
0x5f5: {  	s3 =	simm.s32 $0x0;
	s25 =	simm.s32 $0x3800;
	s15 =	sld [smem:$0x7C5]  }
0x5f6: {  	[tilespmem:s25], [sflag:$0x2] =	stream.linear.gather [hbm4b:s7+s3], $0x400, $0x38;
	[tilespmem:$0x17800] =	vst v63  }
0x5f7: {  	s22 =	simm.s32 $0x3C00;
	s23 =	sld [smem:$0x7C6]  }
0x5f8: {  	[tilespmem:s22], [sflag:$0x2] =	stream.linear.gather [hbm4b:s15+s3], $0x400, $0x38;
	[tilespmem:$0x17800] =	vst v63  }
0x5f9: {  	s24 =	simm.s32 $0x4000;
	s25 =	sld [smem:$0x7C7]  }
0x5fa: {  	[tilespmem:s24], [sflag:$0x2] =	stream.linear.gather [hbm4b:s23+s3], $0x400, $0x38;
	[tilespmem:$0x17800] =	vst v63  }
0x5fb: {  	s10 =	sld [smem:$0x7C8]  }
0x5fc: {  	[tilespmem:s30], [sflag:$0x2] =	stream.linear.gather [hbm4b:s25+s3], $0x400, $0x38;
	[tilespmem:$0x17800] =	vst v63  }
0x5fd: {  	s15 =	sld [smem:$0x7C9]  }
0x5fe: {  	[tilespmem:s31], [sflag:$0x2] =	stream.linear.gather [hbm4b:s10+s3], $0x400, $0x38;
	[tilespmem:$0x17800] =	vst v63  }
0x5ff: {  	s22 =	sld [smem:$0x7CA]  }
0x600: {  	[tilespmem:s0], [sflag:$0x2] =	stream.linear.gather [hbm4b:s15+s3], $0x400, $0x38;
	[tilespmem:$0x17800] =	vst v63  }
0x601: {  	s23 =	sld [smem:$0x7CB]  }
0x602: {  	[tilespmem:s1], [sflag:$0x2] =	stream.linear.gather [hbm4b:s22+s3], $0x400, $0x38;
	[tilespmem:$0x17800] =	vst v63  }
0x603: {  	s24 =	sld [smem:$0x7F6]  }
0x604: {  	[tilespmem:s2], [sflag:$0x2] =	stream.linear.gather [hbm4b:s23+s3], $0x400, $0x38;
	[tilespmem:$0x17800] =	vst v63  }
0x605: {  	s25 =	simm.s32 $0x5800;
	s15 =	sld [smem:$0x7F5]  }
0x606: {  	[hbm4b:s24+s3] =	stream.linear.scatter [tilespmem:s25], [sflag:$0x3], $0x2000, $0x38;
	[tilespmem:$0x17800] =	vst v63  }
0x607: {  	s22 =	simm.s32 $0x7800;
	s23 =	sld [smem:$0x7F7]  }
0x608: {  	[hbm4b:s15+s3] =	stream.linear.scatter [tilespmem:s22], [sflag:$0x3], $0x2000, $0x38;
	[tilespmem:$0x17800] =	vst v63  }
0x609: {  	s24 =	simm.s32 $0x9800  }
0x60a: {  	[hbm4b:s23+s3] =	stream.linear.scatter [tilespmem:s24], [sflag:$0x3], $0x2000, $0x38;
	[tilespmem:$0x17800] =	vst v63  }
0x60b: {  	_ =	swait.ge [sflag:s6], $0x400  }
0x60c: {  	[sflag:s6] =	ssyncset.done $0x0  }
0x60d: {  	[sflag:s6] =	ssyncadd.s32 $0xFFFFFC00  }
0x60e: {  	_ =	swait.ge [sflag:s6], $0x400  }
0x60f: {  	[sflag:s6] =	ssyncset.done $0x0  }
0x610: {  	[sflag:s6] =	ssyncadd.s32 $0xFFFFFC00  }
0x611: {  	_ =	swait.ge [sflag:s6], $0x400  }
0x612: {  	[sflag:s6] =	ssyncset.done $0x0  }
0x613: {  	[sflag:s6] =	ssyncadd.s32 $0xFFFFFC00  }
0x614: {  	_ =	swait.ge [sflag:s6], $0x400  }
0x615: {  	[sflag:s6] =	ssyncset.done $0x0  }
0x616: {  	[sflag:s6] =	ssyncadd.s32 $0xFFFFFC00  }
0x617: {  	_ =	swait.ge [sflag:s6], $0x400  }
0x618: {  	[sflag:s6] =	ssyncset.done $0x0  }
0x619: {  	[sflag:s6] =	ssyncadd.s32 $0xFFFFFC00  }
0x61a: {  	_ =	swait.ge [sflag:s6], $0x400  }
0x61b: {  	[sflag:s6] =	ssyncset.done $0x0  }
0x61c: {  	[sflag:s6] =	ssyncadd.s32 $0xFFFFFC00  }
0x61d: {  	_ =	swait.ge [sflag:s6], $0x400  }
0x61e: {  	[sflag:s6] =	ssyncset.done $0x0  }
0x61f: {  	[sflag:s6] =	ssyncadd.s32 $0xFFFFFC00  }
0x620: {  	_ =	swait.ge [sflag:s6], $0x400  }
0x621: {  	[sflag:s6] =	ssyncset.done $0x0  }
0x622: {  	[sflag:s6] =	ssyncadd.s32 $0xFFFFFC00  }
0x623: {  	_ =	swait.ge [sflag:s17], $0x2000  }
0x624: {  	[sflag:s17] =	ssyncset.done $0x0  }
0x625: {  	[sflag:s17] =	ssyncadd.s32 $0xFFFFE000  }
0x626: {  	_ =	swait.ge [sflag:s17], $0x2000  }
0x627: {  	[sflag:s17] =	ssyncset.done $0x0  }
0x628: {  	[sflag:s17] =	ssyncadd.s32 $0xFFFFE000  }
0x629: {  	_ =	swait.ge [sflag:s17], $0x2000  }
0x62a: {  	s25 =	sand.u32 $0x1C00, s3;
	s3 =	sand.u32 $0x380, s3;
	[sflag:s17] =	ssyncset.done $0x0  }
0x62b: {  	s3 =	sor.u32 s3, s25;
	[sflag:s17] =	ssyncadd.s32 $0xFFFFE000  }
0x62c: {  	v5 =	vld [tilespmem:s3+$0x1870]  }
0x62d: {  	v6 =	vld [tilespmem:s3+$0x1800]  }
0x62e: {  	v7 =	vld [tilespmem:s3+$0x1810]  }
0x62f: {  	v9 =	vld [tilespmem:s3+$0x1820]  }
0x630: {  	v10 =	vld [tilespmem:s3+$0x1830]  }
0x631: {  	v11 =	vld [tilespmem:s3+$0x1840]  }
0x632: {  	v4 =	vld [tilespmem:s3+$0x1850]  }
0x633: {  	v3 =	vld [tilespmem:s3+$0x1860]  }
0x634: {  	v8 =	vld.idx.msk [tilespmem:v5+s5+$0x0], $0xffff  }
0x635: {  	v12 =	vld.idx.msk [tilespmem:v6+s5+$0x0], $0xffff  }
0x636: {  	v13 =	vld.idx.msk [tilespmem:v7+s5+$0x0], $0xffff  }
0x637: {  	v14 =	vld.idx.msk [tilespmem:v9+s5+$0x0], $0xffff  }
0x638: {  	v15 =	vld.idx.msk [tilespmem:v10+s5+$0x0], $0xffff  }
0x639: {  	s3 =	simm.s32 $0xB840;
	v16 =	vld.idx.msk [tilespmem:v11+s5+$0x0], $0xffff  }
0x63a: {  	v17 =	vld.idx.msk [tilespmem:v4+s5+$0x0], $0xffff;
	[tilespmem:s3+$0x30] =	vst v8  }
0x63b: {  	v56 =	vld.idx.msk [tilespmem:v3+s5+$0x0], $0xffff;
	[tilespmem:s3+$0xFFFFFFC0] =	vst v12  }
0x63c: {  	[tilespmem:s3+$0xFFFFFFD0] =	vst v13;
	v8 =	vld.idx.msk [tilespmem:v5+s8+$0x0], $0xffff  }
0x63d: {  	[tilespmem:s3+$0xFFFFFFE0] =	vst v14;
	v57 =	vld.idx.msk [tilespmem:v6+s8+$0x0], $0xffff  }
0x63e: {  	[tilespmem:s3+$0xFFFFFFF0] =	vst v15;
	v58 =	vld.idx.msk [tilespmem:v7+s8+$0x0], $0xffff  }
0x63f: {  	[tilespmem:s3+$0x0] =	vst v16;
	v59 =	vld.idx.msk [tilespmem:v9+s8+$0x0], $0xffff  }
0x640: {  	[tilespmem:s3+$0x10] =	vst v17;
	v60 =	vld.idx.msk [tilespmem:v10+s8+$0x0], $0xffff  }
0x641: {  	s7 =	simm.s32 $0xD840;
	[tilespmem:s3+$0x20] =	vst v56;
	v61 =	vld.idx.msk [tilespmem:v11+s8+$0x0], $0xffff  }
0x642: {  	v63 =	vld.idx.msk [tilespmem:v4+s8+$0x0], $0xffff;
	[tilespmem:s7+$0x30] =	vst v8  }
0x643: {  	[tilespmem:s7+$0xFFFFFFC0] =	vst v57;
	v8 =	vld.idx.msk [tilespmem:v3+s8+$0x0], $0xffff  }
0x644: {  	[tilespmem:s7+$0xFFFFFFD0] =	vst v58;
	v62 =	vld.idx.msk [tilespmem:v5+s11+$0x0], $0xffff  }
0x645: {  	[tilespmem:s7+$0xFFFFFFE0] =	vst v59;
	v6 =	vld.idx.msk [tilespmem:v6+s11+$0x0], $0xffff  }
0x646: {  	[tilespmem:s7+$0xFFFFFFF0] =	vst v60;
	v5 =	vld.idx.msk [tilespmem:v7+s11+$0x0], $0xffff  }
0x647: {  	[tilespmem:s7+$0x0] =	vst v61;
	v7 =	vld.idx.msk [tilespmem:v9+s11+$0x0], $0xffff  }
0x648: {  	s10 =	simm.s32 $0xF840;
	[tilespmem:s7+$0x10] =	vst v63;
	v9 =	vld.idx.msk [tilespmem:v10+s11+$0x0], $0xffff  }
0x649: {  	s15 =	simm.s32 $0x0;
	s22 =	simm.s32 $0x400;
	s23 =	simm.s32 $0x10;
	v10 =	vld.idx.msk [tilespmem:v11+s11+$0x0], $0xffff;
	[tilespmem:s10+$0x30] =	vst v62  }
.LBB2_26:
0x64a: {  	s24 =	sand.u32 $0x1C00, s22;
	s25 =	sand.u32 $0x380, s23;
	s15 =	sadd.s32 $0x8, s15;
	v4 =	vld.idx.msk [tilespmem:v4+s11+$0x0], $0xffff;
	[tilespmem:s7+$0x20] =	vst v8  }
0x64b: {  	s24 =	sor.u32 s25, s24;
	p0 =	slt.u32 s15, $0x1F8;
	[tilespmem:s10+$0xFFFFFFC0] =	vst v6;
	v3 =	vld.idx.msk [tilespmem:v3+s11+$0x0], $0xffff  }
0x64c: {  	v6 =	vld [tilespmem:s24+$0x1870];
	[tilespmem:s10+$0xFFFFFFD0] =	vst v5  }
0x64d: {  	v5 =	vld [tilespmem:s24+$0x1800];
	[tilespmem:s10+$0xFFFFFFE0] =	vst v7  }
0x64e: {  	v7 =	vld [tilespmem:s24+$0x1810];
	[tilespmem:s10+$0xFFFFFFF0] =	vst v9  }
0x64f: {  	v9 =	vld [tilespmem:s24+$0x1820];
	[tilespmem:s10+$0x0] =	vst v10  }
0x650: {  	v10 =	vld [tilespmem:s24+$0x1830];
	[tilespmem:s10+$0x10] =	vst v4  }
0x651: {  	v11 =	vld [tilespmem:s24+$0x1840];
	[tilespmem:s10+$0x20] =	vst v3  }
0x652: {  	v4 =	vld [tilespmem:s24+$0x1850]  }
0x653: {  	v3 =	vld [tilespmem:s24+$0x1860]  }
0x654: {  	v8 =	vld.idx.msk [tilespmem:v6+s5+$0x0], $0xffff  }
0x655: {  	v12 =	vld.idx.msk [tilespmem:v5+s5+$0x0], $0xffff  }
0x656: {  	v13 =	vld.idx.msk [tilespmem:v7+s5+$0x0], $0xffff  }
0x657: {  	v14 =	vld.idx.msk [tilespmem:v9+s5+$0x0], $0xffff  }
0x658: {  	v15 =	vld.idx.msk [tilespmem:v10+s5+$0x0], $0xffff  }
0x659: {  	s3 =	sadd.s32 $0x80, s3;
	v16 =	vld.idx.msk [tilespmem:v11+s5+$0x0], $0xffff  }
0x65a: {  	v17 =	vld.idx.msk [tilespmem:v4+s5+$0x0], $0xffff;
	[tilespmem:s3+$0x30] =	vst v8  }
0x65b: {  	[tilespmem:s3+$0xFFFFFFC0] =	vst v12;
	v8 =	vld.idx.msk [tilespmem:v6+s8+$0x0], $0xffff  }
0x65c: {  	[tilespmem:s3+$0xFFFFFFD0] =	vst v13;
	v12 =	vld.idx.msk [tilespmem:v3+s5+$0x0], $0xffff  }
0x65d: {  	v13 =	vld.idx.msk [tilespmem:v5+s8+$0x0], $0xffff;
	[tilespmem:s3+$0xFFFFFFE0] =	vst v14  }
0x65e: {  	v14 =	vld.idx.msk [tilespmem:v7+s8+$0x0], $0xffff;
	[tilespmem:s3+$0xFFFFFFF0] =	vst v15  }
0x65f: {  	v15 =	vld.idx.msk [tilespmem:v9+s8+$0x0], $0xffff;
	[tilespmem:s3+$0x0] =	vst v16  }
0x660: {  	s7 =	sadd.s32 $0x80, s7;
	v16 =	vld.idx.msk [tilespmem:v10+s8+$0x0], $0xffff;
	[tilespmem:s3+$0x10] =	vst v17  }
0x661: {  	v17 =	vld.idx.msk [tilespmem:v11+s8+$0x0], $0xffff;
	[tilespmem:s7+$0x30] =	vst v8  }
0x662: {  	[tilespmem:s3+$0x20] =	vst v12;
	v12 =	vld.idx.msk [tilespmem:v6+s11+$0x0], $0xffff  }
0x663: {  	[tilespmem:s7+$0xFFFFFFC0] =	vst v13;
	v13 =	vld.idx.msk [tilespmem:v4+s8+$0x0], $0xffff  }
0x664: {  	[tilespmem:s7+$0xFFFFFFD0] =	vst v14;
	v8 =	vld.idx.msk [tilespmem:v3+s8+$0x0], $0xffff  }
.Ltmp12:
0x665: {  	v6 =	vld.idx.msk [tilespmem:v5+s11+$0x0], $0xffff;
	[tilespmem:s7+$0xFFFFFFE0] =	vst v15;
	(pc) =	sbr.rel @p0 .LBB2_26-.Ltmp12, $4  }
0x666: {  	v5 =	vld.idx.msk [tilespmem:v7+s11+$0x0], $0xffff;
	[tilespmem:s7+$0xFFFFFFF0] =	vst v16  }
0x667: {  	s10 =	sadd.s32 $0x80, s10;
	v7 =	vld.idx.msk [tilespmem:v9+s11+$0x0], $0xffff;
	[tilespmem:s7+$0x0] =	vst v17  }
0x668: {  	v9 =	vld.idx.msk [tilespmem:v10+s11+$0x0], $0xffff;
	[tilespmem:s10+$0x30] =	vst v12  }
0x669: {  	s22 =	sadd.s32 $0x400, s22;
	s23 =	sadd.s32 $0x10, s23;
	v10 =	vld.idx.msk [tilespmem:v11+s11+$0x0], $0xffff;
	[tilespmem:s7+$0x10] =	vst v13  }
0x66a: {  	_ =	sdelay $0x2  }
0x66b: {  	[tilespmem:s7+$0x20] =	vst v8  }
0x66c: {  	v4 =	vld.idx.msk [tilespmem:v4+s11+$0x0], $0xffff;
	[tilespmem:s10+$0xFFFFFFC0] =	vst v6  }
0x66d: {  	v3 =	vld.idx.msk [tilespmem:v3+s11+$0x0], $0xffff;
	[tilespmem:s10+$0xFFFFFFD0] =	vst v5  }
0x66e: {  	[tilespmem:s10+$0xFFFFFFE0] =	vst v7  }
0x66f: {  	[tilespmem:s10+$0xFFFFFFF0] =	vst v9  }
0x670: {  	[tilespmem:s10+$0x0] =	vst v10  }
0x671: {  	[tilespmem:s10+$0x10] =	vst v4  }
0x672: {  	[tilespmem:s10+$0x20] =	vst v3  }
0x673: {  	s7 =	sld [smem:$0x7D2];
	_ =	sdelay $0x1  }
0x674: {  	s3 =	simm.s32 $0x0;
	s24 =	sld [smem:$0x7D3]  }
0x675: {  	[tilespmem:s9], [sflag:$0x6] =	stream.linear.gather [hbm4b:s7+s3], $0x200, $0x38;
	[tilespmem:$0x17800] =	vst v63  }
0x676: {  	s25 =	simm.s32 $0x1A00;
	s10 =	sld [smem:$0x7D4]  }
0x677: {  	[tilespmem:s25], [sflag:$0x6] =	stream.linear.gather [hbm4b:s24+s3], $0x200, $0x38;
	[tilespmem:$0x17800] =	vst v63  }
0x678: {  	s15 =	sld [smem:$0x7D5]  }
0x679: {  	[tilespmem:s12], [sflag:$0x6] =	stream.linear.gather [hbm4b:s10+s3], $0x200, $0x38;
	[tilespmem:$0x17800] =	vst v63  }
0x67a: {  	s22 =	simm.s32 $0x1E00;
	s23 =	sld [smem:$0x7D6]  }
0x67b: {  	[tilespmem:s22], [sflag:$0x6] =	stream.linear.gather [hbm4b:s15+s3], $0x200, $0x38;
	[tilespmem:$0x17800] =	vst v63  }
0x67c: {  	s24 =	sld [smem:$0x7D7]  }
0x67d: {  	[tilespmem:s14], [sflag:$0x6] =	stream.linear.gather [hbm4b:s23+s3], $0x200, $0x38;
	[tilespmem:$0x17800] =	vst v63  }
0x67e: {  	s25 =	simm.s32 $0x2200;
	s15 =	sld [smem:$0x7D8]  }
0x67f: {  	[tilespmem:s25], [sflag:$0x6] =	stream.linear.gather [hbm4b:s24+s3], $0x200, $0x38;
	[tilespmem:$0x17800] =	vst v63  }
0x680: {  	s22 =	sld [smem:$0x7D9]  }
0x681: {  	[tilespmem:s21], [sflag:$0x6] =	stream.linear.gather [hbm4b:s15+s3], $0x200, $0x38;
	[tilespmem:$0x17800] =	vst v63  }
0x682: {  	s23 =	simm.s32 $0x2600;
	s24 =	sld [smem:$0x7F9]  }
0x683: {  	[tilespmem:s23], [sflag:$0x6] =	stream.linear.gather [hbm4b:s22+s3], $0x200, $0x38;
	[tilespmem:$0x17800] =	vst v63  }
0x684: {  	s25 =	simm.s32 $0xB800;
	s15 =	sld [smem:$0x7F8]  }
0x685: {  	[hbm4b:s24+s3] =	stream.linear.scatter [tilespmem:s25], [sflag:$0x4], $0x2000, $0x38;
	[tilespmem:$0x17800] =	vst v63  }
0x686: {  	s22 =	simm.s32 $0xD800;
	s23 =	sld [smem:$0x7FA]  }
0x687: {  	[hbm4b:s15+s3] =	stream.linear.scatter [tilespmem:s22], [sflag:$0x4], $0x2000, $0x38;
	[tilespmem:$0x17800] =	vst v63  }
0x688: {  	s24 =	simm.s32 $0xF800  }
0x689: {  	[hbm4b:s23+s3] =	stream.linear.scatter [tilespmem:s24], [sflag:$0x4], $0x2000, $0x38;
	[tilespmem:$0x17800] =	vst v63  }
0x68a: {  	_ =	swait.ge [sflag:s13], $0x400  }
0x68b: {  	[sflag:s13] =	ssyncset.done $0x0  }
0x68c: {  	[sflag:s13] =	ssyncadd.s32 $0xFFFFFC00  }
0x68d: {  	_ =	swait.ge [sflag:s13], $0x400  }
0x68e: {  	[sflag:s13] =	ssyncset.done $0x0  }
0x68f: {  	[sflag:s13] =	ssyncadd.s32 $0xFFFFFC00  }
0x690: {  	_ =	swait.ge [sflag:s13], $0x400  }
0x691: {  	[sflag:s13] =	ssyncset.done $0x0  }
0x692: {  	[sflag:s13] =	ssyncadd.s32 $0xFFFFFC00  }
0x693: {  	_ =	swait.ge [sflag:s13], $0x400  }
0x694: {  	[sflag:s13] =	ssyncset.done $0x0  }
0x695: {  	[sflag:s13] =	ssyncadd.s32 $0xFFFFFC00  }
0x696: {  	_ =	swait.ge [sflag:s13], $0x400  }
0x697: {  	[sflag:s13] =	ssyncset.done $0x0  }
0x698: {  	[sflag:s13] =	ssyncadd.s32 $0xFFFFFC00  }
0x699: {  	_ =	swait.ge [sflag:s13], $0x400  }
0x69a: {  	[sflag:s13] =	ssyncset.done $0x0  }
0x69b: {  	[sflag:s13] =	ssyncadd.s32 $0xFFFFFC00  }
0x69c: {  	_ =	swait.ge [sflag:s13], $0x400  }
0x69d: {  	[sflag:s13] =	ssyncset.done $0x0  }
0x69e: {  	[sflag:s13] =	ssyncadd.s32 $0xFFFFFC00  }
0x69f: {  	_ =	swait.ge [sflag:s13], $0x400  }
0x6a0: {  	[sflag:s13] =	ssyncset.done $0x0  }
0x6a1: {  	[sflag:s13] =	ssyncadd.s32 $0xFFFFFC00  }
0x6a2: {  	_ =	swait.ge [sflag:s18], $0x2000  }
0x6a3: {  	[sflag:s18] =	ssyncset.done $0x0  }
0x6a4: {  	[sflag:s18] =	ssyncadd.s32 $0xFFFFE000  }
0x6a5: {  	_ =	swait.ge [sflag:s18], $0x2000  }
0x6a6: {  	[sflag:s18] =	ssyncset.done $0x0  }
0x6a7: {  	[sflag:s18] =	ssyncadd.s32 $0xFFFFE000  }
0x6a8: {  	_ =	swait.ge [sflag:s18], $0x2000  }
0x6a9: {  	s25 =	sand.u32 $0x1C00, s3;
	s3 =	sand.u32 $0x380, s3;
	[sflag:s18] =	ssyncset.done $0x0  }
0x6aa: {  	s3 =	sor.u32 s3, s25;
	[sflag:s18] =	ssyncadd.s32 $0xFFFFE000  }
0x6ab: {  	v5 =	vld [tilespmem:s3+$0x3870]  }
0x6ac: {  	v6 =	vld [tilespmem:s3+$0x3800]  }
0x6ad: {  	v7 =	vld [tilespmem:s3+$0x3810]  }
0x6ae: {  	v9 =	vld [tilespmem:s3+$0x3820]  }
0x6af: {  	v10 =	vld [tilespmem:s3+$0x3830]  }
0x6b0: {  	v11 =	vld [tilespmem:s3+$0x3840]  }
0x6b1: {  	v4 =	vld [tilespmem:s3+$0x3850]  }
0x6b2: {  	v3 =	vld [tilespmem:s3+$0x3860]  }
0x6b3: {  	v8 =	vld.idx.msk [tilespmem:v5+s5+$0x0], $0xffff  }
0x6b4: {  	v12 =	vld.idx.msk [tilespmem:v6+s5+$0x0], $0xffff  }
0x6b5: {  	v13 =	vld.idx.msk [tilespmem:v7+s5+$0x0], $0xffff  }
0x6b6: {  	v14 =	vld.idx.msk [tilespmem:v9+s5+$0x0], $0xffff  }
0x6b7: {  	v15 =	vld.idx.msk [tilespmem:v10+s5+$0x0], $0xffff  }
0x6b8: {  	s3 =	simm.s32 $0x11840;
	v16 =	vld.idx.msk [tilespmem:v11+s5+$0x0], $0xffff  }
0x6b9: {  	v17 =	vld.idx.msk [tilespmem:v4+s5+$0x0], $0xffff;
	[tilespmem:s3+$0x30] =	vst v8  }
0x6ba: {  	v56 =	vld.idx.msk [tilespmem:v3+s5+$0x0], $0xffff;
	[tilespmem:s3+$0xFFFFFFC0] =	vst v12  }
0x6bb: {  	[tilespmem:s3+$0xFFFFFFD0] =	vst v13;
	v8 =	vld.idx.msk [tilespmem:v5+s8+$0x0], $0xffff  }
0x6bc: {  	[tilespmem:s3+$0xFFFFFFE0] =	vst v14;
	v57 =	vld.idx.msk [tilespmem:v6+s8+$0x0], $0xffff  }
0x6bd: {  	[tilespmem:s3+$0xFFFFFFF0] =	vst v15;
	v58 =	vld.idx.msk [tilespmem:v7+s8+$0x0], $0xffff  }
0x6be: {  	[tilespmem:s3+$0x0] =	vst v16;
	v59 =	vld.idx.msk [tilespmem:v9+s8+$0x0], $0xffff  }
0x6bf: {  	[tilespmem:s3+$0x10] =	vst v17;
	v60 =	vld.idx.msk [tilespmem:v10+s8+$0x0], $0xffff  }
0x6c0: {  	s7 =	simm.s32 $0x13840;
	[tilespmem:s3+$0x20] =	vst v56;
	v61 =	vld.idx.msk [tilespmem:v11+s8+$0x0], $0xffff  }
0x6c1: {  	v63 =	vld.idx.msk [tilespmem:v4+s8+$0x0], $0xffff;
	[tilespmem:s7+$0x30] =	vst v8  }
0x6c2: {  	[tilespmem:s7+$0xFFFFFFC0] =	vst v57;
	v8 =	vld.idx.msk [tilespmem:v3+s8+$0x0], $0xffff  }
0x6c3: {  	[tilespmem:s7+$0xFFFFFFD0] =	vst v58;
	v62 =	vld.idx.msk [tilespmem:v5+s11+$0x0], $0xffff  }
0x6c4: {  	[tilespmem:s7+$0xFFFFFFE0] =	vst v59;
	v6 =	vld.idx.msk [tilespmem:v6+s11+$0x0], $0xffff  }
0x6c5: {  	[tilespmem:s7+$0xFFFFFFF0] =	vst v60;
	v5 =	vld.idx.msk [tilespmem:v7+s11+$0x0], $0xffff  }
0x6c6: {  	[tilespmem:s7+$0x0] =	vst v61;
	v7 =	vld.idx.msk [tilespmem:v9+s11+$0x0], $0xffff  }
0x6c7: {  	s10 =	simm.s32 $0x15840;
	[tilespmem:s7+$0x10] =	vst v63;
	v9 =	vld.idx.msk [tilespmem:v10+s11+$0x0], $0xffff  }
0x6c8: {  	s15 =	simm.s32 $0x0;
	s22 =	simm.s32 $0x400;
	s23 =	simm.s32 $0x10;
	v10 =	vld.idx.msk [tilespmem:v11+s11+$0x0], $0xffff;
	[tilespmem:s10+$0x30] =	vst v62  }
.LBB2_28:
0x6c9: {  	s24 =	sand.u32 $0x1C00, s22;
	s25 =	sand.u32 $0x380, s23;
	s15 =	sadd.s32 $0x8, s15;
	v4 =	vld.idx.msk [tilespmem:v4+s11+$0x0], $0xffff;
	[tilespmem:s7+$0x20] =	vst v8  }
0x6ca: {  	s24 =	sor.u32 s25, s24;
	p0 =	slt.u32 s15, $0x1F8;
	[tilespmem:s10+$0xFFFFFFC0] =	vst v6;
	v3 =	vld.idx.msk [tilespmem:v3+s11+$0x0], $0xffff  }
0x6cb: {  	v6 =	vld [tilespmem:s24+$0x3870];
	[tilespmem:s10+$0xFFFFFFD0] =	vst v5  }
0x6cc: {  	v5 =	vld [tilespmem:s24+$0x3800];
	[tilespmem:s10+$0xFFFFFFE0] =	vst v7  }
0x6cd: {  	v7 =	vld [tilespmem:s24+$0x3810];
	[tilespmem:s10+$0xFFFFFFF0] =	vst v9  }
0x6ce: {  	v9 =	vld [tilespmem:s24+$0x3820];
	[tilespmem:s10+$0x0] =	vst v10  }
0x6cf: {  	v10 =	vld [tilespmem:s24+$0x3830];
	[tilespmem:s10+$0x10] =	vst v4  }
0x6d0: {  	v11 =	vld [tilespmem:s24+$0x3840];
	[tilespmem:s10+$0x20] =	vst v3  }
0x6d1: {  	v4 =	vld [tilespmem:s24+$0x3850]  }
0x6d2: {  	v3 =	vld [tilespmem:s24+$0x3860]  }
0x6d3: {  	v8 =	vld.idx.msk [tilespmem:v6+s5+$0x0], $0xffff  }
0x6d4: {  	v12 =	vld.idx.msk [tilespmem:v5+s5+$0x0], $0xffff  }
0x6d5: {  	v13 =	vld.idx.msk [tilespmem:v7+s5+$0x0], $0xffff  }
0x6d6: {  	v14 =	vld.idx.msk [tilespmem:v9+s5+$0x0], $0xffff  }
0x6d7: {  	v15 =	vld.idx.msk [tilespmem:v10+s5+$0x0], $0xffff  }
0x6d8: {  	s3 =	sadd.s32 $0x80, s3;
	v16 =	vld.idx.msk [tilespmem:v11+s5+$0x0], $0xffff  }
0x6d9: {  	v17 =	vld.idx.msk [tilespmem:v4+s5+$0x0], $0xffff;
	[tilespmem:s3+$0x30] =	vst v8  }
0x6da: {  	[tilespmem:s3+$0xFFFFFFC0] =	vst v12;
	v8 =	vld.idx.msk [tilespmem:v6+s8+$0x0], $0xffff  }
0x6db: {  	[tilespmem:s3+$0xFFFFFFD0] =	vst v13;
	v12 =	vld.idx.msk [tilespmem:v3+s5+$0x0], $0xffff  }
0x6dc: {  	v13 =	vld.idx.msk [tilespmem:v5+s8+$0x0], $0xffff;
	[tilespmem:s3+$0xFFFFFFE0] =	vst v14  }
0x6dd: {  	v14 =	vld.idx.msk [tilespmem:v7+s8+$0x0], $0xffff;
	[tilespmem:s3+$0xFFFFFFF0] =	vst v15  }
0x6de: {  	v15 =	vld.idx.msk [tilespmem:v9+s8+$0x0], $0xffff;
	[tilespmem:s3+$0x0] =	vst v16  }
0x6df: {  	s7 =	sadd.s32 $0x80, s7;
	v16 =	vld.idx.msk [tilespmem:v10+s8+$0x0], $0xffff;
	[tilespmem:s3+$0x10] =	vst v17  }
0x6e0: {  	v17 =	vld.idx.msk [tilespmem:v11+s8+$0x0], $0xffff;
	[tilespmem:s7+$0x30] =	vst v8  }
0x6e1: {  	[tilespmem:s3+$0x20] =	vst v12;
	v12 =	vld.idx.msk [tilespmem:v6+s11+$0x0], $0xffff  }
0x6e2: {  	[tilespmem:s7+$0xFFFFFFC0] =	vst v13;
	v13 =	vld.idx.msk [tilespmem:v4+s8+$0x0], $0xffff  }
0x6e3: {  	[tilespmem:s7+$0xFFFFFFD0] =	vst v14;
	v8 =	vld.idx.msk [tilespmem:v3+s8+$0x0], $0xffff  }
.Ltmp13:
0x6e4: {  	v6 =	vld.idx.msk [tilespmem:v5+s11+$0x0], $0xffff;
	[tilespmem:s7+$0xFFFFFFE0] =	vst v15;
	(pc) =	sbr.rel @p0 .LBB2_28-.Ltmp13, $4  }
0x6e5: {  	v5 =	vld.idx.msk [tilespmem:v7+s11+$0x0], $0xffff;
	[tilespmem:s7+$0xFFFFFFF0] =	vst v16  }
0x6e6: {  	s10 =	sadd.s32 $0x80, s10;
	v7 =	vld.idx.msk [tilespmem:v9+s11+$0x0], $0xffff;
	[tilespmem:s7+$0x0] =	vst v17  }
0x6e7: {  	v9 =	vld.idx.msk [tilespmem:v10+s11+$0x0], $0xffff;
	[tilespmem:s10+$0x30] =	vst v12  }
0x6e8: {  	s22 =	sadd.s32 $0x400, s22;
	s23 =	sadd.s32 $0x10, s23;
	v10 =	vld.idx.msk [tilespmem:v11+s11+$0x0], $0xffff;
	[tilespmem:s7+$0x10] =	vst v13  }
0x6e9: {  	_ =	sdelay $0x2  }
0x6ea: {  	[tilespmem:s7+$0x20] =	vst v8  }
0x6eb: {  	v4 =	vld.idx.msk [tilespmem:v4+s11+$0x0], $0xffff;
	[tilespmem:s10+$0xFFFFFFC0] =	vst v6  }
0x6ec: {  	v3 =	vld.idx.msk [tilespmem:v3+s11+$0x0], $0xffff;
	[tilespmem:s10+$0xFFFFFFD0] =	vst v5  }
0x6ed: {  	[tilespmem:s10+$0xFFFFFFE0] =	vst v7  }
0x6ee: {  	[tilespmem:s10+$0xFFFFFFF0] =	vst v9  }
0x6ef: {  	[tilespmem:s10+$0x0] =	vst v10  }
0x6f0: {  	[tilespmem:s10+$0x10] =	vst v4  }
0x6f1: {  	[tilespmem:s10+$0x20] =	vst v3  }
0x6f2: {  	s7 =	sld [smem:$0x7FC];
	_ =	sdelay $0x1  }
0x6f3: {  	s3 =	simm.s32 $0x0;
	s25 =	simm.s32 $0x11800;
	s15 =	sld [smem:$0x7FB]  }
0x6f4: {  	[hbm4b:s7+s3] =	stream.linear.scatter [tilespmem:s25], [sflag:$0x5], $0x2000, $0x38;
	[tilespmem:$0x17800] =	vst v63  }
0x6f5: {  	s22 =	simm.s32 $0x13800;
	s23 =	sld [smem:$0x7FD]  }
0x6f6: {  	[hbm4b:s15+s3] =	stream.linear.scatter [tilespmem:s22], [sflag:$0x5], $0x2000, $0x38;
	[tilespmem:$0x17800] =	vst v63  }
0x6f7: {  	s24 =	simm.s32 $0x15800  }
0x6f8: {  	[hbm4b:s23+s3] =	stream.linear.scatter [tilespmem:s24], [sflag:$0x5], $0x2000, $0x38;
	[tilespmem:$0x17800] =	vst v63  }
0x6f9: {  	_ =	swait.ge [sflag:s19], $0x200  }
0x6fa: {  	[sflag:s19] =	ssyncset.done $0x0  }
0x6fb: {  	[sflag:s19] =	ssyncadd.s32 $0xFFFFFE00  }
0x6fc: {  	_ =	swait.ge [sflag:s19], $0x200  }
0x6fd: {  	[sflag:s19] =	ssyncset.done $0x0  }
0x6fe: {  	[sflag:s19] =	ssyncadd.s32 $0xFFFFFE00  }
0x6ff: {  	_ =	swait.ge [sflag:s19], $0x200  }
0x700: {  	[sflag:s19] =	ssyncset.done $0x0  }
0x701: {  	[sflag:s19] =	ssyncadd.s32 $0xFFFFFE00  }
0x702: {  	_ =	swait.ge [sflag:s19], $0x200  }
0x703: {  	[sflag:s19] =	ssyncset.done $0x0  }
0x704: {  	[sflag:s19] =	ssyncadd.s32 $0xFFFFFE00  }
0x705: {  	_ =	swait.ge [sflag:s19], $0x200  }
0x706: {  	[sflag:s19] =	ssyncset.done $0x0  }
0x707: {  	[sflag:s19] =	ssyncadd.s32 $0xFFFFFE00  }
0x708: {  	_ =	swait.ge [sflag:s19], $0x200  }
0x709: {  	[sflag:s19] =	ssyncset.done $0x0  }
0x70a: {  	[sflag:s19] =	ssyncadd.s32 $0xFFFFFE00  }
0x70b: {  	_ =	swait.ge [sflag:s19], $0x200  }
0x70c: {  	[sflag:s19] =	ssyncset.done $0x0  }
0x70d: {  	[sflag:s19] =	ssyncadd.s32 $0xFFFFFE00  }
0x70e: {  	_ =	swait.ge [sflag:s19], $0x200  }
0x70f: {  	[sflag:s19] =	ssyncset.done $0x0  }
0x710: {  	[sflag:s19] =	ssyncadd.s32 $0xFFFFFE00  }
0x711: {  	_ =	swait.ge [sflag:s16], $0x2000  }
0x712: {  	[sflag:s16] =	ssyncset.done $0x0  }
0x713: {  	[sflag:s16] =	ssyncadd.s32 $0xFFFFE000  }
0x714: {  	_ =	swait.ge [sflag:s16], $0x2000  }
0x715: {  	[sflag:s16] =	ssyncset.done $0x0  }
0x716: {  	[sflag:s16] =	ssyncadd.s32 $0xFFFFE000  }
0x717: {  	_ =	swait.ge [sflag:s16], $0x2000  }
0x718: {  	s25 =	sand.u32 $0xE00, s3;
	s3 =	sand.u32 $0x180, s3;
	[sflag:s16] =	ssyncset.done $0x0  }
0x719: {  	s3 =	sor.u32 s3, s25;
	[sflag:s16] =	ssyncadd.s32 $0xFFFFE000  }
0x71a: {  	v5 =	vld [tilespmem:s3+$0x1870]  }
0x71b: {  	v6 =	vld [tilespmem:s3+$0x1800]  }
0x71c: {  	v7 =	vld [tilespmem:s3+$0x1810]  }
0x71d: {  	v8 =	vld [tilespmem:s3+$0x1820]  }
0x71e: {  	v10 =	vld [tilespmem:s3+$0x1830]  }
0x71f: {  	v11 =	vld [tilespmem:s3+$0x1840]  }
0x720: {  	v4 =	vld [tilespmem:s3+$0x1850]  }
0x721: {  	v3 =	vld [tilespmem:s3+$0x1860]  }
0x722: {  	v9 =	vld.idx.msk [tilespmem:v5+s5+$0x0], $0xffff  }
0x723: {  	v12 =	vld.idx.msk [tilespmem:v6+s5+$0x0], $0xffff  }
0x724: {  	v13 =	vld.idx.msk [tilespmem:v7+s5+$0x0], $0xffff  }
0x725: {  	v14 =	vld.idx.msk [tilespmem:v8+s5+$0x0], $0xffff  }
0x726: {  	v15 =	vld.idx.msk [tilespmem:v10+s5+$0x0], $0xffff  }
0x727: {  	s3 =	simm.s32 $0x0;
	v16 =	vld.idx.msk [tilespmem:v11+s5+$0x0], $0xffff  }
0x728: {  	v17 =	vld.idx.msk [tilespmem:v4+s5+$0x0], $0xffff;
	[tilespmem:s3+$0x5870] =	vst v9  }
0x729: {  	v56 =	vld.idx.msk [tilespmem:v3+s5+$0x0], $0xffff;
	[tilespmem:s3+$0x5800] =	vst v12  }
0x72a: {  	[tilespmem:s3+$0x5810] =	vst v13;
	v9 =	vld.idx.msk [tilespmem:v5+s8+$0x0], $0xffff  }
0x72b: {  	[tilespmem:s3+$0x5820] =	vst v14;
	v57 =	vld.idx.msk [tilespmem:v6+s8+$0x0], $0xffff  }
0x72c: {  	[tilespmem:s3+$0x5830] =	vst v15;
	v58 =	vld.idx.msk [tilespmem:v7+s8+$0x0], $0xffff  }
0x72d: {  	[tilespmem:s3+$0x5840] =	vst v16;
	v59 =	vld.idx.msk [tilespmem:v8+s8+$0x0], $0xffff  }
0x72e: {  	[tilespmem:s3+$0x5850] =	vst v17;
	v60 =	vld.idx.msk [tilespmem:v10+s8+$0x0], $0xffff  }
0x72f: {  	[tilespmem:s3+$0x5860] =	vst v56;
	v61 =	vld.idx.msk [tilespmem:v11+s8+$0x0], $0xffff  }
0x730: {  	v63 =	vld.idx.msk [tilespmem:v4+s8+$0x0], $0xffff;
	[tilespmem:s3+$0x7870] =	vst v9  }
0x731: {  	[tilespmem:s3+$0x7800] =	vst v57;
	v9 =	vld.idx.msk [tilespmem:v3+s8+$0x0], $0xffff  }
0x732: {  	[tilespmem:s3+$0x7810] =	vst v58;
	v62 =	vld.idx.msk [tilespmem:v5+s11+$0x0], $0xffff  }
0x733: {  	[tilespmem:s3+$0x7820] =	vst v59;
	v6 =	vld.idx.msk [tilespmem:v6+s11+$0x0], $0xffff  }
0x734: {  	[tilespmem:s3+$0x7830] =	vst v60;
	v5 =	vld.idx.msk [tilespmem:v7+s11+$0x0], $0xffff  }
0x735: {  	[tilespmem:s3+$0x7840] =	vst v61;
	v7 =	vld.idx.msk [tilespmem:v8+s11+$0x0], $0xffff  }
0x736: {  	[tilespmem:s3+$0x7850] =	vst v63;
	v8 =	vld.idx.msk [tilespmem:v10+s11+$0x0], $0xffff  }
0x737: {  	s10 =	simm.s32 $0x200;
	s7 =	simm.s32 $0x0;
	s15 =	simm.s32 $0x10;
	v10 =	vld.idx.msk [tilespmem:v11+s11+$0x0], $0xffff;
	[tilespmem:s3+$0x9870] =	vst v62  }
.LBB2_30:
0x738: {  	s22 =	sand.u32 $0xE00, s10;
	s23 =	sand.u32 $0x180, s15;
	s7 =	sadd.s32 $0x8, s7;
	v4 =	vld.idx.msk [tilespmem:v4+s11+$0x0], $0xffff;
	[tilespmem:s3+$0x7860] =	vst v9  }
0x739: {  	s22 =	sor.u32 s23, s22;
	p0 =	slt.u32 s7, $0xF8;
	[tilespmem:s3+$0x9800] =	vst v6;
	v3 =	vld.idx.msk [tilespmem:v3+s11+$0x0], $0xffff  }
0x73a: {  	v6 =	vld [tilespmem:s22+$0x1870];
	[tilespmem:s3+$0x9810] =	vst v5  }
0x73b: {  	v5 =	vld [tilespmem:s22+$0x1800];
	[tilespmem:s3+$0x9820] =	vst v7  }
0x73c: {  	v7 =	vld [tilespmem:s22+$0x1810];
	[tilespmem:s3+$0x9830] =	vst v8  }
0x73d: {  	v8 =	vld [tilespmem:s22+$0x1820];
	[tilespmem:s3+$0x9840] =	vst v10  }
0x73e: {  	v10 =	vld [tilespmem:s22+$0x1830];
	[tilespmem:s3+$0x9850] =	vst v4  }
0x73f: {  	v11 =	vld [tilespmem:s22+$0x1840];
	[tilespmem:s3+$0x9860] =	vst v3  }
0x740: {  	v4 =	vld [tilespmem:s22+$0x1850]  }
0x741: {  	v3 =	vld [tilespmem:s22+$0x1860]  }
0x742: {  	v9 =	vld.idx.msk [tilespmem:v6+s5+$0x0], $0xffff  }
0x743: {  	v12 =	vld.idx.msk [tilespmem:v5+s5+$0x0], $0xffff  }
0x744: {  	v13 =	vld.idx.msk [tilespmem:v7+s5+$0x0], $0xffff  }
0x745: {  	v14 =	vld.idx.msk [tilespmem:v8+s5+$0x0], $0xffff  }
0x746: {  	v15 =	vld.idx.msk [tilespmem:v10+s5+$0x0], $0xffff  }
0x747: {  	s3 =	sshra.s32 s10, $0x2;
	v16 =	vld.idx.msk [tilespmem:v11+s5+$0x0], $0xffff  }
0x748: {  	v17 =	vld.idx.msk [tilespmem:v4+s5+$0x0], $0xffff;
	[tilespmem:s3+$0x5870] =	vst v9  }
0x749: {  	[tilespmem:s3+$0x5800] =	vst v12;
	v9 =	vld.idx.msk [tilespmem:v6+s8+$0x0], $0xffff  }
0x74a: {  	[tilespmem:s3+$0x5810] =	vst v13;
	v12 =	vld.idx.msk [tilespmem:v3+s5+$0x0], $0xffff  }
0x74b: {  	v13 =	vld.idx.msk [tilespmem:v5+s8+$0x0], $0xffff;
	[tilespmem:s3+$0x5820] =	vst v14  }
0x74c: {  	v14 =	vld.idx.msk [tilespmem:v7+s8+$0x0], $0xffff;
	[tilespmem:s3+$0x5830] =	vst v15  }
0x74d: {  	v15 =	vld.idx.msk [tilespmem:v8+s8+$0x0], $0xffff;
	[tilespmem:s3+$0x5840] =	vst v16  }
0x74e: {  	v16 =	vld.idx.msk [tilespmem:v10+s8+$0x0], $0xffff;
	[tilespmem:s3+$0x5850] =	vst v17  }
0x74f: {  	v17 =	vld.idx.msk [tilespmem:v11+s8+$0x0], $0xffff;
	[tilespmem:s3+$0x7870] =	vst v9  }
0x750: {  	[tilespmem:s3+$0x5860] =	vst v12;
	v12 =	vld.idx.msk [tilespmem:v6+s11+$0x0], $0xffff  }
0x751: {  	[tilespmem:s3+$0x7800] =	vst v13;
	v13 =	vld.idx.msk [tilespmem:v4+s8+$0x0], $0xffff  }
0x752: {  	[tilespmem:s3+$0x7810] =	vst v14;
	v9 =	vld.idx.msk [tilespmem:v3+s8+$0x0], $0xffff  }
.Ltmp14:
0x753: {  	v6 =	vld.idx.msk [tilespmem:v5+s11+$0x0], $0xffff;
	[tilespmem:s3+$0x7820] =	vst v15;
	(pc) =	sbr.rel @p0 .LBB2_30-.Ltmp14, $4  }
0x754: {  	v5 =	vld.idx.msk [tilespmem:v7+s11+$0x0], $0xffff;
	[tilespmem:s3+$0x7830] =	vst v16  }
0x755: {  	v7 =	vld.idx.msk [tilespmem:v8+s11+$0x0], $0xffff;
	[tilespmem:s3+$0x7840] =	vst v17  }
0x756: {  	v8 =	vld.idx.msk [tilespmem:v10+s11+$0x0], $0xffff;
	[tilespmem:s3+$0x9870] =	vst v12  }
0x757: {  	s15 =	sadd.s32 $0x10, s15;
	s10 =	sadd.s32 $0x200, s10;
	v10 =	vld.idx.msk [tilespmem:v11+s11+$0x0], $0xffff;
	[tilespmem:s3+$0x7850] =	vst v13  }
0x758: {  	_ =	sdelay $0x2  }
0x759: {  	[tilespmem:s3+$0x7860] =	vst v9  }
0x75a: {  	v4 =	vld.idx.msk [tilespmem:v4+s11+$0x0], $0xffff;
	[tilespmem:s3+$0x9800] =	vst v6  }
0x75b: {  	v3 =	vld.idx.msk [tilespmem:v3+s11+$0x0], $0xffff;
	[tilespmem:s3+$0x9810] =	vst v5  }
0x75c: {  	[tilespmem:s3+$0x9820] =	vst v7  }
0x75d: {  	[tilespmem:s3+$0x9830] =	vst v8  }
0x75e: {  	[tilespmem:s3+$0x9840] =	vst v10  }
0x75f: {  	[tilespmem:s3+$0x9850] =	vst v4  }
0x760: {  	[tilespmem:s3+$0x9860] =	vst v3  }
0x761: {  	s3 =	sld [smem:$0x7DA];
	_ =	sdelay $0x1  }
0x762: {  	s7 =	simm.s32 $0x5800;
	s15 =	sld [smem:$0x7DB]  }
0x763: {  	[hbm4b:s3+s4] =	stream.linear.scatter [tilespmem:s7], [sflag:$0x6], $0x1000, $0x38;
	[tilespmem:$0x17800] =	vst v63  }
0x764: {  	s22 =	simm.s32 $0x7800;
	s23 =	sld [smem:$0x7DC]  }
0x765: {  	[hbm4b:s15+s4] =	stream.linear.scatter [tilespmem:s22], [sflag:$0x6], $0x1000, $0x38;
	[tilespmem:$0x17800] =	vst v63  }
0x766: {  	s24 =	simm.s32 $0x9800  }
0x767: {  	[hbm4b:s23+s4] =	stream.linear.scatter [tilespmem:s24], [sflag:$0x6], $0x1000, $0x38;
	[tilespmem:$0x17800] =	vst v63  }
0x768: {  	_ =	swait.ge [sflag:s17], $0x2000  }
0x769: {  	[sflag:s17] =	ssyncset.done $0x0  }
0x76a: {  	[sflag:s17] =	ssyncadd.s32 $0xFFFFE000  }
0x76b: {  	_ =	swait.ge [sflag:s17], $0x2000  }
0x76c: {  	[sflag:s17] =	ssyncset.done $0x0  }
0x76d: {  	[sflag:s17] =	ssyncadd.s32 $0xFFFFE000  }
0x76e: {  	_ =	swait.ge [sflag:s17], $0x2000  }
0x76f: {  	[sflag:s17] =	ssyncset.done $0x0  }
0x770: {  	[sflag:s17] =	ssyncadd.s32 $0xFFFFE000  }
0x771: {  	_ =	swait.ge [sflag:s18], $0x2000  }
0x772: {  	[sflag:s18] =	ssyncset.done $0x0  }
0x773: {  	[sflag:s18] =	ssyncadd.s32 $0xFFFFE000  }
0x774: {  	_ =	swait.ge [sflag:s18], $0x2000  }
0x775: {  	[sflag:s18] =	ssyncset.done $0x0  }
0x776: {  	[sflag:s18] =	ssyncadd.s32 $0xFFFFE000  }
0x777: {  	_ =	swait.ge [sflag:s18], $0x2000  }
0x778: {  	[sflag:s18] =	ssyncset.done $0x0  }
0x779: {  	[sflag:s18] =	ssyncadd.s32 $0xFFFFE000  }
0x77a: {  	_ =	swait.ge [sflag:s19], $0x1000  }
0x77b: {  	[sflag:s19] =	ssyncset.done $0x0  }
0x77c: {  	[sflag:s19] =	ssyncadd.s32 $0xFFFFF000  }
0x77d: {  	_ =	swait.ge [sflag:s19], $0x1000  }
0x77e: {  	[sflag:s19] =	ssyncset.done $0x0  }
0x77f: {  	[sflag:s19] =	ssyncadd.s32 $0xFFFFF000  }
0x780: {  	_ =	swait.ge [sflag:s19], $0x1000  }
0x781: {  	s25 =	sld [smem:$0x7DD];
	_ =	sdelay $0x1  }
0x782: {  	s20 =	sadd.s32 $0x1, s20  }
0x783: {  	p0 =	sne.s32 s20, s25  }
.Ltmp15:
0x784: {  	_ = 	snop;
	(pc) =	sbr.rel @p0 .LBB2_1-.Ltmp15, $3  }
0x785: {  	_ =	sdelay $0x1  }
0x786: {  	[sflag:s19] =	ssyncset.done $0x0  }
0x787: {  	[sflag:s19] =	ssyncadd.s32 $0xFFFFF000  }
0x788: {  	_ =	sfence.sel $0x180000  }
0x789: {  	[bflag:$0x0] =	sbarrier.arrive $0xFFFF  }
0x78a: {  	_ =	strace $0x90000047  }
0x78b: {  	s0 =	stileid.u32;
	[bflag:$0x2] =	sbarrier.arrive $0xFFFF  }
0x78c: {  	p0 =	sne.s32 s0, $0x0;
	s0 =	rddreg [dreg:$0x3]  }
0x78d: {  	s0 =	sadd.s32 @!p0 $0x100000, s0  }
0x78e: {  	[sflag:s0] =	ssyncadd.tile.s32 @!p0 $0x1;
	_ =	shalt  }
.Lfunc_end2:
_tile_overlayer_lowered:
.L_overlay_start_2:
0x78f: {  	(tag) =	ssettag $0x2  }
0x790: {  	s0 =	rddreg [dreg:$0x0];
	s2 =	stileid.u32  }
0x791: {  	s1 =	rddreg [dreg:$0x1];
	p0 =	sne.s32 s2, $0x0  }
0x792: {  	s3 =	rddreg [dreg:$0x2];
	[bflag:$0x3] =	sbarrier.arrive $0xFFFF;
	s2 =	simm.s32 @!p0 $0x1C07  }
0x793: {  	[timem:s3], [sflag:s2] =	dma.local @!p0 [hbm:s0], s1  }
0x794: {  	s0 =	simm.s32 @!p0 $0x7  }
0x795: {  	_ =	swait.ge @!p0 [sflag:s0], s1  }
0x796: {  	s1 =	ssub.s32 @!p0 $0x0, s1;
	[sflag:s0] =	ssyncset.done @!p0 $0x0  }
0x797: {  	[sflag:s0] =	ssyncadd.s32 @!p0 s1  }
0x798: {  	[bflag:$0x3] =	sbarrier.arrive $0xFFFF  }
0x799: {  	_ =	shalt  }

</sc_bundles>
